<compile_context>
chip_gen: v7x
topology: tpu7x:2x2x1
jax: 0.10.2.dev20260603
libtpu: 0.0.44.dev20260713+nightly
codegen_flags: <defaults>
</compile_context>

<pallas_src>
import functools

import jax
import jax.numpy as jnp
from jax import lax
from jax.experimental import pallas as pl
from jax.experimental.pallas import tpu as pltpu
from jax.experimental.pallas import tpu_sc as plsc

N = 10000
E = 160000
D = 256
DH = 128
NP = 10240
CH = 120
EPT = E // 16
EPD = E // 32
RPT = NP // 16
PADE = 5040

_sc_mesh = plsc.VectorSubcoreMesh(core_axis_name="c", subcore_axis_name="s")


def _chunks(total):
    out = []
    o = 0
    while o < total:
        sz = min(CH, total - o)
        out.append((o, sz))
        o += sz
    return out


def _deg_body(ei1, deg_out, idxf, ones, zbuf, deg_sh, sem):
    c = lax.axis_index("c")
    s = lax.axis_index("s")
    wid = s * 2 + c

    for k in range(8):
        ones[pl.ds(k * 16, 16)] = jnp.ones((16,), jnp.float32)

    def _z(i, _):
        zbuf[pl.ds(i * 16, 16)] = jnp.zeros((16,), jnp.float32)
        return 0

    lax.fori_loop(0, RPT // 16, _z, 0)
    pltpu.sync_copy(zbuf, deg_sh.at[pl.ds(s * RPT, RPT)])
    plsc.subcore_barrier()

    pltpu.sync_copy(ei1.at[pl.ds(E + wid * EPD, EPD)], idxf)
    descs = [
        pltpu.async_copy(ones.at[pl.ds(0, sz)],
                         deg_sh.at[idxf.at[pl.ds(o, sz)]], sem, add=True)
        for o, sz in _chunks(EPD)
    ]
    for d in descs:
        d.wait()
    plsc.subcore_barrier()
    pltpu.sync_copy(deg_sh.at[pl.ds(s * RPT, RPT)],
                    deg_out.at[c, pl.ds(s * RPT, RPT)])


_deg_kernel = functools.partial(
    pl.kernel,
    out_type=jax.ShapeDtypeStruct((2, NP), jnp.float32),
    mesh=_sc_mesh,
    scratch_types=[
        pltpu.VMEM((EPD,), jnp.int32),
        pltpu.VMEM((128,), jnp.float32),
        pltpu.VMEM((RPT,), jnp.float32),
        pltpu.VMEM_SHARED((NP,), jnp.float32),
        pltpu.SemaphoreType.DMA,
    ],
)(_deg_body)


def _agg_body(ei1, ycat, acc_out, dstf, srcf, buf0, buf1, acc_sh,
              sem0, sem1):
    c = lax.axis_index("c")
    s = lax.axis_index("s")

    off = c * NP
    gsems = (sem0, sem1)
    bufs = (buf0, buf1)
    half = EPT // 2
    nchunk = PADE // CH

    for k in range(PADE // 16 - 3, PADE // 16):
        lane = lax.broadcasted_iota(jnp.int32, (16,), 0) + k * 16
        srcf[pl.ds(k * 16, 16)] = lane - (PADE - 64)
        dstf[pl.ds(k * 16, 16)] = lane - (PADE - 64) + N

    def _load(p):
        pltpu.sync_copy(ei1.at[pl.ds(s * EPT + p * half, half)],
                        dstf.at[pl.ds(0, half)])
        pltpu.sync_copy(ei1.at[pl.ds(E + s * EPT + p * half, half)],
                        srcf.at[pl.ds(0, half)])

        def _adj(i, _):
            v = srcf[pl.ds(i * 16, 16)]
            srcf[pl.ds(i * 16, 16)] = v + off
            return 0

        lax.fori_loop(0, PADE // 16, _adj, 0)

    _load(0)
    pend = pltpu.async_copy(ycat.at[srcf.at[pl.ds(0, CH)]], buf0, gsems[0])
    pltpu.sync_copy(ycat.at[pl.ds(c * NP + s * RPT, RPT)],
                    acc_sh.at[pl.ds(s * RPT, RPT)])
    plsc.subcore_barrier()

    for p in range(2):
        if p == 1:
            _load(1)
            pend = pltpu.async_copy(ycat.at[srcf.at[pl.ds(0, CH)]], buf0,
                                    gsems[0])
        for j in range(nchunk):
            nxt = None
            if j + 1 < nchunk:
                nxt = pltpu.async_copy(
                    ycat.at[srcf.at[pl.ds((j + 1) * CH, CH)]],
                    bufs[(j + 1) % 2], gsems[(j + 1) % 2])
            pend.wait()
            pltpu.sync_copy(bufs[j % 2],
                            acc_sh.at[dstf.at[pl.ds(j * CH, CH)]], add=True)
            pend = nxt

    plsc.subcore_barrier()
    pltpu.sync_copy(acc_sh.at[pl.ds(s * RPT, RPT)],
                    acc_out.at[c, pl.ds(s * RPT, RPT), :])


_agg_kernel = functools.partial(
    pl.kernel,
    out_type=jax.ShapeDtypeStruct((2, NP, DH), jnp.float32),
    mesh=_sc_mesh,
    scratch_types=[
        pltpu.VMEM((PADE,), jnp.int32),
        pltpu.VMEM((PADE,), jnp.int32),
        pltpu.VMEM((CH, DH), jnp.float32),
        pltpu.VMEM((CH, DH), jnp.float32),
        pltpu.VMEM_SHARED((NP, DH), jnp.float32),
        pltpu.SemaphoreType.DMA,
        pltpu.SemaphoreType.DMA,
    ],
)(_agg_body)


def _lin_body(x_ref, w_ref, b_ref, deg_ref, y_ref):
    xl = lax.dot_general(x_ref[...], w_ref[...], (((1,), (1,)), ((), ())),
                         preferred_element_type=jnp.float32)
    xl = xl + b_ref[...]
    dinv = lax.rsqrt(deg_ref[0, :] + deg_ref[1, :] + 1.0)[:, None]
    y = xl * dinv
    y_ref[0] = y[:, :DH]
    y_ref[1] = y[:, DH:]


def _lin_call(x, w, b2, deg_part):
    blk = NP // 8
    return pl.pallas_call(
        _lin_body,
        grid=(8,),
        in_specs=[
            pl.BlockSpec((blk, D), lambda i: (i, 0)),
            pl.BlockSpec((D, D), lambda i: (0, 0)),
            pl.BlockSpec((1, D), lambda i: (0, 0)),
            pl.BlockSpec((2, blk), lambda i: (0, i)),
        ],
        out_specs=pl.BlockSpec((2, blk, DH), lambda i: (0, i, 0)),
        out_shape=jax.ShapeDtypeStruct((2, NP, DH), jnp.float32),
    )(x, w, b2, deg_part)


def _out_body(acc_ref, deg_ref, o_ref):
    dinv = lax.rsqrt(deg_ref[0, :] + deg_ref[1, :] + 1.0)[:, None]
    o_ref[...] = jnp.concatenate([acc_ref[0] * dinv, acc_ref[1] * dinv],
                                 axis=1)


def _out_call(acc, deg_part):
    blk = NP // 8
    return pl.pallas_call(
        _out_body,
        grid=(8,),
        in_specs=[
            pl.BlockSpec((2, blk, DH), lambda i: (0, i, 0)),
            pl.BlockSpec((2, blk), lambda i: (0, i)),
        ],
        out_specs=pl.BlockSpec((blk, D), lambda i: (i, 0)),
        out_shape=jax.ShapeDtypeStruct((N, D), jnp.float32),
    )(acc, deg_part)


def kernel(x, edge_index, W, b):
    ei1 = edge_index.reshape(2 * E)
    deg_part = _deg_kernel(ei1)
    y = _lin_call(x, W, b.reshape(1, D), deg_part)
    ycat = y.reshape(2 * NP, DH)
    acc = _agg_kernel(ei1, ycat)
    return _out_call(acc, deg_part)

# --- scband reference (transcript-rebuilt; emitter-appended) ---
"""Pipeline reference for scband-gcn-14534169330069 (READ-ONLY COPY).

The authoritative reference and input builder live on the scoring server;
editing this copy changes nothing except your own understanding.
"""

import jax, jax.numpy as jnp
import numpy as np

N = 10000
E = 160000
D_IN = 256
D_OUT = 256


def setup_inputs(seed: int = 0) -> dict:
    key = jax.random.key(seed)
    k1, k2, k3, k4 = jax.random.split(key, 4)
    x = jax.random.normal(k1, (N, D_IN), dtype=jnp.float32)
    edge_index = jax.random.randint(k2, (2, E), 0, N).astype(jnp.int32)
    W = jax.random.normal(k3, (D_OUT, D_IN), dtype=jnp.float32) * 0.05
    b = jax.random.normal(k4, (D_OUT,), dtype=jnp.float32) * 0.05
    return {"x": x, "edge_index": edge_index, "W": W, "b": b}


def reference(x, edge_index, W, b):
    n = x.shape[0]
    # add_self_loops
    loops = jnp.arange(n, dtype=edge_index.dtype)
    ei = jnp.concatenate([edge_index, jnp.stack([loops, loops], axis=0)], axis=1)
    row, col = ei[0], ei[1]
    # message: linear transform then symmetric normalization
    xl = x @ W.T + b
    deg = jnp.zeros((n,), dtype=x.dtype).at[col].add(jnp.ones_like(col, dtype=x.dtype))
    deg_inv_sqrt = deg ** (-0.5)
    norm = deg_inv_sqrt[row] * deg_inv_sqrt[col]
    x_j = xl[col] * norm[:, None]
    # aggregate: scatter-sum over destination (row)
    out = jax.ops.segment_sum(x_j, row, num_segments=n)
    return out

if __name__ == "__main__":
    import jax
    _d = setup_inputs()
    print(jax.jit(kernel)(*tuple(_d.values())))

</pallas_src>

<mosaic_0001>
#map = affine_map<(d0, d1) -> (0)>
#map1 = affine_map<(d0, d1) -> (0, 0)>
#map2 = affine_map<(d0, d1) -> (0, 0, 0)>
module attributes {stable_mosaic.version = 14 : i64} {
  func.func @_agg_body(%arg0: i32, %arg1: i32, %arg2: memref<320000xi32, #tpu.memory_space<hbm>>, %arg3: memref<20480x128xf32, #tpu.memory_space<hbm>>, %arg4: memref<2x10240x128xf32, #tpu.memory_space<hbm>>, %arg5: memref<5040xi32, #tpu.memory_space<vmem>>, %arg6: memref<5040xi32, #tpu.memory_space<vmem>>, %arg7: memref<120x128xf32, #tpu.memory_space<vmem>>, %arg8: memref<120x128xf32, #tpu.memory_space<vmem>>, %arg9: memref<10240x128xf32, #tpu.memory_space<vmem_shared>>, %arg10: memref<!tpu.dma_semaphore, #tpu.memory_space<semaphore_mem>>, %arg11: memref<!tpu.dma_semaphore, #tpu.memory_space<semaphore_mem>>) attributes {dimension_semantics = [#tpu.dimension_semantics<core_parallel>, #tpu.dimension_semantics<subcore_parallel>], iteration_bounds = array<i64: 2, 16>, scalar_prefetch = 0 : i64, scratch_operands = 7 : i64, tpu.core_type = #tpu.core_type<sc_vector_subcore>, window_params = [{transform_indices = #map}, {transform_indices = #map1}, {transform_indices = #map2}]} {
    %mul3A = arith.constant 10240 : i32
    %mul3A_0 = arith.muli %arg0, %mul3A : i32
    %iota3A = tpu.iota {dimensions = array<i32: 0>} : vector<16xi32>
    %add3A = arith.constant 4992 : i32
    %add3A_1 = vector.broadcast %add3A : i32 to vector<16xi32>
    %add3A_2 = arith.addi %iota3A, %add3A_1 : vector<16xi32>
    %sub3A = arith.constant 4976 : i32
    %sub3A_3 = vector.broadcast %sub3A : i32 to vector<16xi32>
    %sub3A_4 = arith.subi %add3A_2, %sub3A_3 : vector<16xi32>
    %swap3A = arith.constant 4992 : index
    %swap3A_5 = tpu.vector_load %arg6[%swap3A] {strides = array<i32>} : memref<5040xi32, #tpu.memory_space<vmem>>, vector<16xi32>,
    %swap3A_6 = vector.shape_cast %swap3A_5 : vector<16xi32> to vector<16xi32>
    %swap3A_7 = vector.shape_cast %sub3A_4 : vector<16xi32> to vector<16xi32>
    tpu.vector_store %arg6[%swap3A], %swap3A_7 {strides = array<i32>} : memref<5040xi32, #tpu.memory_space<vmem>>, vector<16xi32>,
    %sub3A_8 = arith.constant 4976 : i32
    %sub3A_9 = vector.broadcast %sub3A_8 : i32 to vector<16xi32>
    %sub3A_10 = arith.subi %add3A_2, %sub3A_9 : vector<16xi32>
    %add3A_11 = arith.constant 10000 : i32
    %add3A_12 = vector.broadcast %add3A_11 : i32 to vector<16xi32>
    %add3A_13 = arith.addi %sub3A_10, %add3A_12 : vector<16xi32>
    %swap3A_14 = arith.constant 4992 : index
    %swap3A_15 = tpu.vector_load %arg5[%swap3A_14] {strides = array<i32>} : memref<5040xi32, #tpu.memory_space<vmem>>, vector<16xi32>,
    %swap3A_16 = vector.shape_cast %swap3A_15 : vector<16xi32> to vector<16xi32>
    %swap3A_17 = vector.shape_cast %add3A_13 : vector<16xi32> to vector<16xi32>
    tpu.vector_store %arg5[%swap3A_14], %swap3A_17 {strides = array<i32>} : memref<5040xi32, #tpu.memory_space<vmem>>, vector<16xi32>,
    %iota3A_18 = tpu.iota {dimensions = array<i32: 0>} : vector<16xi32>
    %add3A_19 = arith.constant 5008 : i32
    %add3A_20 = vector.broadcast %add3A_19 : i32 to vector<16xi32>
    %add3A_21 = arith.addi %iota3A_18, %add3A_20 : vector<16xi32>
    %sub3A_22 = arith.constant 4976 : i32
    %sub3A_23 = vector.broadcast %sub3A_22 : i32 to vector<16xi32>
    %sub3A_24 = arith.subi %add3A_21, %sub3A_23 : vector<16xi32>
    %swap3A_25 = arith.constant 5008 : index
    %swap3A_26 = tpu.vector_load %arg6[%swap3A_25] {strides = array<i32>} : memref<5040xi32, #tpu.memory_space<vmem>>, vector<16xi32>,
    %swap3A_27 = vector.shape_cast %swap3A_26 : vector<16xi32> to vector<16xi32>
    %swap3A_28 = vector.shape_cast %sub3A_24 : vector<16xi32> to vector<16xi32>
    tpu.vector_store %arg6[%swap3A_25], %swap3A_28 {strides = array<i32>} : memref<5040xi32, #tpu.memory_space<vmem>>, vector<16xi32>,
    %sub3A_29 = arith.constant 4976 : i32
    %sub3A_30 = vector.broadcast %sub3A_29 : i32 to vector<16xi32>
    %sub3A_31 = arith.subi %add3A_21, %sub3A_30 : vector<16xi32>
    %add3A_32 = arith.constant 10000 : i32
    %add3A_33 = vector.broadcast %add3A_32 : i32 to vector<16xi32>
    %add3A_34 = arith.addi %sub3A_31, %add3A_33 : vector<16xi32>
    %swap3A_35 = arith.constant 5008 : index
    %swap3A_36 = tpu.vector_load %arg5[%swap3A_35] {strides = array<i32>} : memref<5040xi32, #tpu.memory_space<vmem>>, vector<16xi32>,
    %swap3A_37 = vector.shape_cast %swap3A_36 : vector<16xi32> to vector<16xi32>
    %swap3A_38 = vector.shape_cast %add3A_34 : vector<16xi32> to vector<16xi32>
    tpu.vector_store %arg5[%swap3A_35], %swap3A_38 {strides = array<i32>} : memref<5040xi32, #tpu.memory_space<vmem>>, vector<16xi32>,
    %iota3A_39 = tpu.iota {dimensions = array<i32: 0>} : vector<16xi32>
    %add3A_40 = arith.constant 5024 : i32
    %add3A_41 = vector.broadcast %add3A_40 : i32 to vector<16xi32>
    %add3A_42 = arith.addi %iota3A_39, %add3A_41 : vector<16xi32>
    %sub3A_43 = arith.constant 4976 : i32
    %sub3A_44 = vector.broadcast %sub3A_43 : i32 to vector<16xi32>
    %sub3A_45 = arith.subi %add3A_42, %sub3A_44 : vector<16xi32>
    %swap3A_46 = arith.constant 5024 : index
    %swap3A_47 = tpu.vector_load %arg6[%swap3A_46] {strides = array<i32>} : memref<5040xi32, #tpu.memory_space<vmem>>, vector<16xi32>,
    %swap3A_48 = vector.shape_cast %swap3A_47 : vector<16xi32> to vector<16xi32>
    %swap3A_49 = vector.shape_cast %sub3A_45 : vector<16xi32> to vector<16xi32>
    tpu.vector_store %arg6[%swap3A_46], %swap3A_49 {strides = array<i32>} : memref<5040xi32, #tpu.memory_space<vmem>>, vector<16xi32>,
    %sub3A_50 = arith.constant 4976 : i32
    %sub3A_51 = vector.broadcast %sub3A_50 : i32 to vector<16xi32>
    %sub3A_52 = arith.subi %add3A_42, %sub3A_51 : vector<16xi32>
    %add3A_53 = arith.constant 10000 : i32
    %add3A_54 = vector.broadcast %add3A_53 : i32 to vector<16xi32>
    %add3A_55 = arith.addi %sub3A_52, %add3A_54 : vector<16xi32>
    %swap3A_56 = arith.constant 5024 : index
    %swap3A_57 = tpu.vector_load %arg5[%swap3A_56] {strides = array<i32>} : memref<5040xi32, #tpu.memory_space<vmem>>, vector<16xi32>,
    %swap3A_58 = vector.shape_cast %swap3A_57 : vector<16xi32> to vector<16xi32>
    %swap3A_59 = vector.shape_cast %add3A_55 : vector<16xi32> to vector<16xi32>
    tpu.vector_store %arg5[%swap3A_56], %swap3A_59 {strides = array<i32>} : memref<5040xi32, #tpu.memory_space<vmem>>, vector<16xi32>,
    %mul3A_60 = arith.constant 10000 : i32
    %mul3A_61 = arith.muli %arg1, %mul3A_60 : i32
    %add3A_62 = arith.constant 0 : i32
    %add3A_63 = arith.addi %mul3A_61, %add3A_62 : i32
    "tpu.region"() ({
      %run_scoped3A = tpu.sem_alloc : memref<!tpu.dma_semaphore, #tpu.memory_space<semaphore_mem>>
      %dma_start3A_943 = arith.constant 0 : i32
      %dma_start3A_944 = tpu.memref_slice %arg5[%dma_start3A_943] : memref<5040xi32, #tpu.memory_space<vmem>> -> memref<5000xi32, #tpu.memory_space<vmem>>
      %dma_start3A_945 = tpu.memref_slice %arg2[%add3A_63] : memref<320000xi32, #tpu.memory_space<hbm>> -> memref<5000xi32, #tpu.memory_space<hbm>>
      %dma_start3A_946 = arith.constant 0 : i32
      %dma_start3A_947 = tpu.memref_slice %arg5[%dma_start3A_946] : memref<5040xi32, #tpu.memory_space<vmem>> -> memref<5000xi32, #tpu.memory_space<vmem>>
      %dma_start3A_948 = tpu.memref_slice %arg2[%add3A_63] : memref<320000xi32, #tpu.memory_space<hbm>> -> memref<5000xi32, #tpu.memory_space<hbm>>
      tpu.enqueue_dma source(%dma_start3A_948 : memref<5000xi32, #tpu.memory_space<hbm>>) target(%dma_start3A_947 : memref<5000xi32, #tpu.memory_space<vmem>>) target_semaphore(%run_scoped3A : memref<!tpu.dma_semaphore, #tpu.memory_space<semaphore_mem>>)
      %dma_wait3A_949 = arith.constant 0 : i32
      %dma_wait3A_950 = tpu.memref_slice %arg5[%dma_wait3A_949] : memref<5040xi32, #tpu.memory_space<vmem>> -> memref<5000xi32, #tpu.memory_space<vmem>>
      %dma_wait3A_951 = tpu.memref_slice %arg2[%add3A_63] : memref<320000xi32, #tpu.memory_space<hbm>> -> memref<5000xi32, #tpu.memory_space<hbm>>
      %dma_wait3A_952 = arith.constant 0 : i32
      %dma_wait3A_953 = tpu.memref_slice %arg5[%dma_wait3A_952] : memref<5040xi32, #tpu.memory_space<vmem>> -> memref<5000xi32, #tpu.memory_space<vmem>>
      %dma_wait3A_954 = tpu.memref_slice %arg2[%add3A_63] : memref<320000xi32, #tpu.memory_space<hbm>> -> memref<5000xi32, #tpu.memory_space<hbm>>
      tpu.wait_dma2 semaphore(%run_scoped3A : memref<!tpu.dma_semaphore, #tpu.memory_space<semaphore_mem>>) src(%dma_wait3A_954 : memref<5000xi32, #tpu.memory_space<hbm>>) dst(%dma_wait3A_953 : memref<5000xi32, #tpu.memory_space<vmem>>)
      tpu.yield
    }) : () -> ()
    %mul3A_64 = arith.constant 10000 : i32
    %mul3A_65 = arith.muli %arg1, %mul3A_64 : i32
    %add3A_66 = arith.constant 160000 : i32
    %add3A_67 = arith.addi %add3A_66, %mul3A_65 : i32
    %add3A_68 = arith.constant 0 : i32
    %add3A_69 = arith.addi %add3A_67, %add3A_68 : i32
    "tpu.region"() ({
      %run_scoped3A = tpu.sem_alloc : memref<!tpu.dma_semaphore, #tpu.memory_space<semaphore_mem>>
      %dma_start3A_943 = arith.constant 0 : i32
      %dma_start3A_944 = tpu.memref_slice %arg6[%dma_start3A_943] : memref<5040xi32, #tpu.memory_space<vmem>> -> memref<5000xi32, #tpu.memory_space<vmem>>
      %dma_start3A_945 = tpu.memref_slice %arg2[%add3A_69] : memref<320000xi32, #tpu.memory_space<hbm>> -> memref<5000xi32, #tpu.memory_space<hbm>>
      %dma_start3A_946 = arith.constant 0 : i32
      %dma_start3A_947 = tpu.memref_slice %arg6[%dma_start3A_946] : memref<5040xi32, #tpu.memory_space<vmem>> -> memref<5000xi32, #tpu.memory_space<vmem>>
      %dma_start3A_948 = tpu.memref_slice %arg2[%add3A_69] : memref<320000xi32, #tpu.memory_space<hbm>> -> memref<5000xi32, #tpu.memory_space<hbm>>
      tpu.enqueue_dma source(%dma_start3A_948 : memref<5000xi32, #tpu.memory_space<hbm>>) target(%dma_start3A_947 : memref<5000xi32, #tpu.memory_space<vmem>>) target_semaphore(%run_scoped3A : memref<!tpu.dma_semaphore, #tpu.memory_space<semaphore_mem>>)
      %dma_wait3A_949 = arith.constant 0 : i32
      %dma_wait3A_950 = tpu.memref_slice %arg6[%dma_wait3A_949] : memref<5040xi32, #tpu.memory_space<vmem>> -> memref<5000xi32, #tpu.memory_space<vmem>>
      %dma_wait3A_951 = tpu.memref_slice %arg2[%add3A_69] : memref<320000xi32, #tpu.memory_space<hbm>> -> memref<5000xi32, #tpu.memory_space<hbm>>
      %dma_wait3A_952 = arith.constant 0 : i32
      %dma_wait3A_953 = tpu.memref_slice %arg6[%dma_wait3A_952] : memref<5040xi32, #tpu.memory_space<vmem>> -> memref<5000xi32, #tpu.memory_space<vmem>>
      %dma_wait3A_954 = tpu.memref_slice %arg2[%add3A_69] : memref<320000xi32, #tpu.memory_space<hbm>> -> memref<5000xi32, #tpu.memory_space<hbm>>
      tpu.wait_dma2 semaphore(%run_scoped3A : memref<!tpu.dma_semaphore, #tpu.memory_space<semaphore_mem>>) src(%dma_wait3A_954 : memref<5000xi32, #tpu.memory_space<hbm>>) dst(%dma_wait3A_953 : memref<5000xi32, #tpu.memory_space<vmem>>)
      tpu.yield
    }) : () -> ()
    %scan3A = arith.constant 0 : i32
    %scan3A_70 = arith.constant 0 : i32
    %scan3A_71 = arith.constant 315 : i32
    %scan3A_72 = arith.addi %scan3A_70, %scan3A_71 : i32
    %scan3A_73 = arith.constant 1 : i32
    %scan3A_74 = scf.for %scan3A_943 = %scan3A_70 to %scan3A_72 step %scan3A_73 iter_args(%scan3A_944 = %scan3A) -> (i32)  : i32 {
      %mul3A_945 = arith.constant 16 : i32
      %mul3A_946 = arith.muli %scan3A_943, %mul3A_945 : i32
      %get3A = arith.index_cast %mul3A_946 : i32 to index
      %get3A_947 = tpu.vector_load %arg6[%get3A] {strides = array<i32>} : memref<5040xi32, #tpu.memory_space<vmem>>, vector<16xi32>,
      %get3A_948 = vector.shape_cast %get3A_947 : vector<16xi32> to vector<16xi32>
      %add3A_949 = vector.broadcast %mul3A_0 : i32 to vector<16xi32>
      %add3A_950 = arith.addi %get3A_948, %add3A_949 : vector<16xi32>
      %mul3A_951 = arith.constant 16 : i32
      %mul3A_952 = arith.muli %scan3A_943, %mul3A_951 : i32
      %swap3A_953 = arith.index_cast %mul3A_952 : i32 to index
      %swap3A_954 = tpu.vector_load %arg6[%swap3A_953] {strides = array<i32>} : memref<5040xi32, #tpu.memory_space<vmem>>, vector<16xi32>,
      %swap3A_955 = vector.shape_cast %swap3A_954 : vector<16xi32> to vector<16xi32>
      %swap3A_956 = vector.shape_cast %add3A_950 : vector<16xi32> to vector<16xi32>
      tpu.vector_store %arg6[%swap3A_953], %swap3A_956 {strides = array<i32>} : memref<5040xi32, #tpu.memory_space<vmem>>, vector<16xi32>,
      %scan3A_957 = arith.constant 0 : i32
      scf.yield %scan3A_957 : i32
    }
    %scan3A_75 = arith.constant 315 : i32
    %dma_start3A = arith.constant 0 : i32
    %dma_start3A_76 = tpu.memref_slice %arg6[%dma_start3A] : memref<5040xi32, #tpu.memory_space<vmem>> -> memref<120xi32, #tpu.memory_space<vmem>>
    %dma_start3A_77 = arith.constant 0 : i32
    %dma_start3A_78 = arith.constant 0 : i32
    %dma_start3A_79 = tpu.memref_slice %arg3[%dma_start3A_77, %dma_start3A_78] : memref<20480x128xf32, #tpu.memory_space<hbm>> -> memref<20480x128xf32, #tpu.memory_space<hbm>>
    tpu.enqueue_indirect_dma source(%dma_start3A_79 : memref<20480x128xf32, #tpu.memory_space<hbm>>) target(%arg7 : memref<120x128xf32, #tpu.memory_space<vmem>>) offsets(%dma_start3A_76 : memref<120xi32, #tpu.memory_space<vmem>>) semaphore(%arg10 : memref<!tpu.dma_semaphore, #tpu.memory_space<semaphore_mem>>)
    %mul3A_80 = arith.constant 10240 : i32
    %mul3A_81 = arith.muli %arg0, %mul3A_80 : i32
    %mul3A_82 = arith.constant 640 : i32
    %mul3A_83 = arith.muli %arg1, %mul3A_82 : i32
    %add3A_84 = arith.addi %mul3A_81, %mul3A_83 : i32
    %mul3A_85 = arith.constant 640 : i32
    %mul3A_86 = arith.muli %arg1, %mul3A_85 : i32
    "tpu.region"() ({
      %run_scoped3A = tpu.sem_alloc : memref<!tpu.dma_semaphore, #tpu.memory_space<semaphore_mem>>
      %dma_start3A_943 = arith.constant 0 : i32
      %dma_start3A_944 = tpu.memref_slice %arg9[%mul3A_86, %dma_start3A_943] : memref<10240x128xf32, #tpu.memory_space<vmem_shared>> -> memref<640x128xf32, #tpu.memory_space<vmem_shared>>
      %dma_start3A_945 = arith.constant 0 : i32
      %dma_start3A_946 = tpu.memref_slice %arg3[%add3A_84, %dma_start3A_945] : memref<20480x128xf32, #tpu.memory_space<hbm>> -> memref<640x128xf32, #tpu.memory_space<hbm>>
      tpu.enqueue_dma source(%dma_start3A_946 : memref<640x128xf32, #tpu.memory_space<hbm>>) target(%dma_start3A_944 : memref<640x128xf32, #tpu.memory_space<vmem_shared>>) target_semaphore(%run_scoped3A : memref<!tpu.dma_semaphore, #tpu.memory_space<semaphore_mem>>)
      %dma_wait3A_947 = arith.constant 0 : i32
      %dma_wait3A_948 = tpu.memref_slice %arg9[%mul3A_86, %dma_wait3A_947] : memref<10240x128xf32, #tpu.memory_space<vmem_shared>> -> memref<640x128xf32, #tpu.memory_space<vmem_shared>>
      %dma_wait3A_949 = arith.constant 0 : i32
      %dma_wait3A_950 = tpu.memref_slice %arg3[%add3A_84, %dma_wait3A_949] : memref<20480x128xf32, #tpu.memory_space<hbm>> -> memref<640x128xf32, #tpu.memory_space<hbm>>
      tpu.wait_dma2 semaphore(%run_scoped3A : memref<!tpu.dma_semaphore, #tpu.memory_space<semaphore_mem>>) src(%dma_wait3A_950 : memref<640x128xf32, #tpu.memory_space<hbm>>) dst(%dma_wait3A_948 : memref<640x128xf32, #tpu.memory_space<vmem_shared>>)
      tpu.yield
    }) : () -> ()
    %barrier3A = arith.constant 0 : index
    tpu.barrier barrier_id(%barrier3A)
    %dma_start3A_87 = arith.constant 120 : i32
    %dma_start3A_88 = tpu.memref_slice %arg6[%dma_start3A_87] : memref<5040xi32, #tpu.memory_space<vmem>> -> memref<120xi32, #tpu.memory_space<vmem>>
    %dma_start3A_89 = arith.constant 0 : i32
    %dma_start3A_90 = arith.constant 0 : i32
    %dma_start3A_91 = tpu.memref_slice %arg3[%dma_start3A_89, %dma_start3A_90] : memref<20480x128xf32, #tpu.memory_space<hbm>> -> memref<20480x128xf32, #tpu.memory_space<hbm>>
    tpu.enqueue_indirect_dma source(%dma_start3A_91 : memref<20480x128xf32, #tpu.memory_space<hbm>>) target(%arg8 : memref<120x128xf32, #tpu.memory_space<vmem>>) offsets(%dma_start3A_88 : memref<120xi32, #tpu.memory_space<vmem>>) semaphore(%arg11 : memref<!tpu.dma_semaphore, #tpu.memory_space<semaphore_mem>>)
    %dma_wait3A = arith.constant 0 : i32
    %dma_wait3A_92 = tpu.memref_slice %arg6[%dma_wait3A] : memref<5040xi32, #tpu.memory_space<vmem>> -> memref<120xi32, #tpu.memory_space<vmem>>
    %dma_wait3A_93 = arith.constant 0 : i32
    %dma_wait3A_94 = arith.constant 0 : i32
    %dma_wait3A_95 = tpu.memref_slice %arg3[%dma_wait3A_93, %dma_wait3A_94] : memref<20480x128xf32, #tpu.memory_space<hbm>> -> memref<20480x128xf32, #tpu.memory_space<hbm>>
    tpu.wait_indirect_dma semaphore(%arg10 : memref<!tpu.dma_semaphore, #tpu.memory_space<semaphore_mem>>) src(%dma_wait3A_95 : memref<20480x128xf32, #tpu.memory_space<hbm>>) dst(%arg7 : memref<120x128xf32, #tpu.memory_space<vmem>>)
    "tpu.region"() ({
      %run_scoped3A = tpu.sem_alloc : memref<!tpu.dma_semaphore, #tpu.memory_space<semaphore_mem>>
      %dma_start3A_943 = arith.constant 0 : i32
      %dma_start3A_944 = tpu.memref_slice %arg5[%dma_start3A_943] : memref<5040xi32, #tpu.memory_space<vmem>> -> memref<120xi32, #tpu.memory_space<vmem>>
      %dma_start3A_945 = arith.constant 0 : i32
      %dma_start3A_946 = arith.constant 0 : i32
      %dma_start3A_947 = tpu.memref_slice %arg9[%dma_start3A_945, %dma_start3A_946] : memref<10240x128xf32, #tpu.memory_space<vmem_shared>> -> memref<10240x128xf32, #tpu.memory_space<vmem_shared>>
      tpu.enqueue_indirect_dma source(%arg7 : memref<120x128xf32, #tpu.memory_space<vmem>>) target(%dma_start3A_947 : memref<10240x128xf32, #tpu.memory_space<vmem_shared>>) offsets(%dma_start3A_944 : memref<120xi32, #tpu.memory_space<vmem>>) semaphore(%run_scoped3A : memref<!tpu.dma_semaphore, #tpu.memory_space<semaphore_mem>>) {add = true}
      %dma_wait3A_948 = arith.constant 0 : i32
      %dma_wait3A_949 = tpu.memref_slice %arg5[%dma_wait3A_948] : memref<5040xi32, #tpu.memory_space<vmem>> -> memref<120xi32, #tpu.memory_space<vmem>>
      %dma_wait3A_950 = arith.constant 0 : i32
      %dma_wait3A_951 = arith.constant 0 : i32
      %dma_wait3A_952 = tpu.memref_slice %arg9[%dma_wait3A_950, %dma_wait3A_951] : memref<10240x128xf32, #tpu.memory_space<vmem_shared>> -> memref<10240x128xf32, #tpu.memory_space<vmem_shared>>
      tpu.wait_indirect_dma semaphore(%run_scoped3A : memref<!tpu.dma_semaphore, #tpu.memory_space<semaphore_mem>>) src(%arg7 : memref<120x128xf32, #tpu.memory_space<vmem>>) dst(%dma_wait3A_952 : memref<10240x128xf32, #tpu.memory_space<vmem_shared>>)
      tpu.yield
    }) : () -> ()
    %dma_start3A_96 = arith.constant 240 : i32
    %dma_start3A_97 = tpu.memref_slice %arg6[%dma_start3A_96] : memref<5040xi32, #tpu.memory_space<vmem>> -> memref<120xi32, #tpu.memory_space<vmem>>
    %dma_start3A_98 = arith.constant 0 : i32
    %dma_start3A_99 = arith.constant 0 : i32
    %dma_start3A_100 = tpu.memref_slice %arg3[%dma_start3A_98, %dma_start3A_99] : memref<20480x128xf32, #tpu.memory_space<hbm>> -> memref<20480x128xf32, #tpu.memory_space<hbm>>
    tpu.enqueue_indirect_dma source(%dma_start3A_100 : memref<20480x128xf32, #tpu.memory_space<hbm>>) target(%arg7 : memref<120x128xf32, #tpu.memory_space<vmem>>) offsets(%dma_start3A_97 : memref<120xi32, #tpu.memory_space<vmem>>) semaphore(%arg10 : memref<!tpu.dma_semaphore, #tpu.memory_space<semaphore_mem>>)
    %dma_wait3A_101 = arith.constant 120 : i32
    %dma_wait3A_102 = tpu.memref_slice %arg6[%dma_wait3A_101] : memref<5040xi32, #tpu.memory_space<vmem>> -> memref<120xi32, #tpu.memory_space<vmem>>
    %dma_wait3A_103 = arith.constant 0 : i32
    %dma_wait3A_104 = arith.constant 0 : i32
    %dma_wait3A_105 = tpu.memref_slice %arg3[%dma_wait3A_103, %dma_wait3A_104] : memref<20480x128xf32, #tpu.memory_space<hbm>> -> memref<20480x128xf32, #tpu.memory_space<hbm>>
    tpu.wait_indirect_dma semaphore(%arg11 : memref<!tpu.dma_semaphore, #tpu.memory_space<semaphore_mem>>) src(%dma_wait3A_105 : memref<20480x128xf32, #tpu.memory_space<hbm>>) dst(%arg8 : memref<120x128xf32, #tpu.memory_space<vmem>>)
    "tpu.region"() ({
      %run_scoped3A = tpu.sem_alloc : memref<!tpu.dma_semaphore, #tpu.memory_space<semaphore_mem>>
      %dma_start3A_943 = arith.constant 120 : i32
      %dma_start3A_944 = tpu.memref_slice %arg5[%dma_start3A_943] : memref<5040xi32, #tpu.memory_space<vmem>> -> memref<120xi32, #tpu.memory_space<vmem>>
      %dma_start3A_945 = arith.constant 0 : i32
      %dma_start3A_946 = arith.constant 0 : i32
      %dma_start3A_947 = tpu.memref_slice %arg9[%dma_start3A_945, %dma_start3A_946] : memref<10240x128xf32, #tpu.memory_space<vmem_shared>> -> memref<10240x128xf32, #tpu.memory_space<vmem_shared>>
      tpu.enqueue_indirect_dma source(%arg8 : memref<120x128xf32, #tpu.memory_space<vmem>>) target(%dma_start3A_947 : memref<10240x128xf32, #tpu.memory_space<vmem_shared>>) offsets(%dma_start3A_944 : memref<120xi32, #tpu.memory_space<vmem>>) semaphore(%run_scoped3A : memref<!tpu.dma_semaphore, #tpu.memory_space<semaphore_mem>>) {add = true}
      %dma_wait3A_948 = arith.constant 120 : i32
      %dma_wait3A_949 = tpu.memref_slice %arg5[%dma_wait3A_948] : memref<5040xi32, #tpu.memory_space<vmem>> -> memref<120xi32, #tpu.memory_space<vmem>>
      %dma_wait3A_950 = arith.constant 0 : i32
      %dma_wait3A_951 = arith.constant 0 : i32
      %dma_wait3A_952 = tpu.memref_slice %arg9[%dma_wait3A_950, %dma_wait3A_951] : memref<10240x128xf32, #tpu.memory_space<vmem_shared>> -> memref<10240x128xf32, #tpu.memory_space<vmem_shared>>
      tpu.wait_indirect_dma semaphore(%run_scoped3A : memref<!tpu.dma_semaphore, #tpu.memory_space<semaphore_mem>>) src(%arg8 : memref<120x128xf32, #tpu.memory_space<vmem>>) dst(%dma_wait3A_952 : memref<10240x128xf32, #tpu.memory_space<vmem_shared>>)
      tpu.yield
    }) : () -> ()
    %dma_start3A_106 = arith.constant 360 : i32
    %dma_start3A_107 = tpu.memref_slice %arg6[%dma_start3A_106] : memref<5040xi32, #tpu.memory_space<vmem>> -> memref<120xi32, #tpu.memory_space<vmem>>
    %dma_start3A_108 = arith.constant 0 : i32
    %dma_start3A_109 = arith.constant 0 : i32
    %dma_start3A_110 = tpu.memref_slice %arg3[%dma_start3A_108, %dma_start3A_109] : memref<20480x128xf32, #tpu.memory_space<hbm>> -> memref<20480x128xf32, #tpu.memory_space<hbm>>
    tpu.enqueue_indirect_dma source(%dma_start3A_110 : memref<20480x128xf32, #tpu.memory_space<hbm>>) target(%arg8 : memref<120x128xf32, #tpu.memory_space<vmem>>) offsets(%dma_start3A_107 : memref<120xi32, #tpu.memory_space<vmem>>) semaphore(%arg11 : memref<!tpu.dma_semaphore, #tpu.memory_space<semaphore_mem>>)
    %dma_wait3A_111 = arith.constant 240 : i32
    %dma_wait3A_112 = tpu.memref_slice %arg6[%dma_wait3A_111] : memref<5040xi32, #tpu.memory_space<vmem>> -> memref<120xi32, #tpu.memory_space<vmem>>
    %dma_wait3A_113 = arith.constant 0 : i32
    %dma_wait3A_114 = arith.constant 0 : i32
    %dma_wait3A_115 = tpu.memref_slice %arg3[%dma_wait3A_113, %dma_wait3A_114] : memref<20480x128xf32, #tpu.memory_space<hbm>> -> memref<20480x128xf32, #tpu.memory_space<hbm>>
    tpu.wait_indirect_dma semaphore(%arg10 : memref<!tpu.dma_semaphore, #tpu.memory_space<semaphore_mem>>) src(%dma_wait3A_115 : memref<20480x128xf32, #tpu.memory_space<hbm>>) dst(%arg7 : memref<120x128xf32, #tpu.memory_space<vmem>>)
    "tpu.region"() ({
      %run_scoped3A = tpu.sem_alloc : memref<!tpu.dma_semaphore, #tpu.memory_space<semaphore_mem>>
      %dma_start3A_943 = arith.constant 240 : i32
      %dma_start3A_944 = tpu.memref_slice %arg5[%dma_start3A_943] : memref<5040xi32, #tpu.memory_space<vmem>> -> memref<120xi32, #tpu.memory_space<vmem>>
      %dma_start3A_945 = arith.constant 0 : i32
      %dma_start3A_946 = arith.constant 0 : i32
      %dma_start3A_947 = tpu.memref_slice %arg9[%dma_start3A_945, %dma_start3A_946] : memref<10240x128xf32, #tpu.memory_space<vmem_shared>> -> memref<10240x128xf32, #tpu.memory_space<vmem_shared>>
      tpu.enqueue_indirect_dma source(%arg7 : memref<120x128xf32, #tpu.memory_space<vmem>>) target(%dma_start3A_947 : memref<10240x128xf32, #tpu.memory_space<vmem_shared>>) offsets(%dma_start3A_944 : memref<120xi32, #tpu.memory_space<vmem>>) semaphore(%run_scoped3A : memref<!tpu.dma_semaphore, #tpu.memory_space<semaphore_mem>>) {add = true}
      %dma_wait3A_948 = arith.constant 240 : i32
      %dma_wait3A_949 = tpu.memref_slice %arg5[%dma_wait3A_948] : memref<5040xi32, #tpu.memory_space<vmem>> -> memref<120xi32, #tpu.memory_space<vmem>>
      %dma_wait3A_950 = arith.constant 0 : i32
      %dma_wait3A_951 = arith.constant 0 : i32
      %dma_wait3A_952 = tpu.memref_slice %arg9[%dma_wait3A_950, %dma_wait3A_951] : memref<10240x128xf32, #tpu.memory_space<vmem_shared>> -> memref<10240x128xf32, #tpu.memory_space<vmem_shared>>
      tpu.wait_indirect_dma semaphore(%run_scoped3A : memref<!tpu.dma_semaphore, #tpu.memory_space<semaphore_mem>>) src(%arg7 : memref<120x128xf32, #tpu.memory_space<vmem>>) dst(%dma_wait3A_952 : memref<10240x128xf32, #tpu.memory_space<vmem_shared>>)
      tpu.yield
    }) : () -> ()
    %dma_start3A_116 = arith.constant 480 : i32
    %dma_start3A_117 = tpu.memref_slice %arg6[%dma_start3A_116] : memref<5040xi32, #tpu.memory_space<vmem>> -> memref<120xi32, #tpu.memory_space<vmem>>
    %dma_start3A_118 = arith.constant 0 : i32
    %dma_start3A_119 = arith.constant 0 : i32
    %dma_start3A_120 = tpu.memref_slice %arg3[%dma_start3A_118, %dma_start3A_119] : memref<20480x128xf32, #tpu.memory_space<hbm>> -> memref<20480x128xf32, #tpu.memory_space<hbm>>
    tpu.enqueue_indirect_dma source(%dma_start3A_120 : memref<20480x128xf32, #tpu.memory_space<hbm>>) target(%arg7 : memref<120x128xf32, #tpu.memory_space<vmem>>) offsets(%dma_start3A_117 : memref<120xi32, #tpu.memory_space<vmem>>) semaphore(%arg10 : memref<!tpu.dma_semaphore, #tpu.memory_space<semaphore_mem>>)
    %dma_wait3A_121 = arith.constant 360 : i32
    %dma_wait3A_122 = tpu.memref_slice %arg6[%dma_wait3A_121] : memref<5040xi32, #tpu.memory_space<vmem>> -> memref<120xi32, #tpu.memory_space<vmem>>
    %dma_wait3A_123 = arith.constant 0 : i32
    %dma_wait3A_124 = arith.constant 0 : i32
    %dma_wait3A_125 = tpu.memref_slice %arg3[%dma_wait3A_123, %dma_wait3A_124] : memref<20480x128xf32, #tpu.memory_space<hbm>> -> memref<20480x128xf32, #tpu.memory_space<hbm>>
    tpu.wait_indirect_dma semaphore(%arg11 : memref<!tpu.dma_semaphore, #tpu.memory_space<semaphore_mem>>) src(%dma_wait3A_125 : memref<20480x128xf32, #tpu.memory_space<hbm>>) dst(%arg8 : memref<120x128xf32, #tpu.memory_space<vmem>>)
    "tpu.region"() ({
      %run_scoped3A = tpu.sem_alloc : memref<!tpu.dma_semaphore, #tpu.memory_space<semaphore_mem>>
      %dma_start3A_943 = arith.constant 360 : i32
      %dma_start3A_944 = tpu.memref_slice %arg5[%dma_start3A_943] : memref<5040xi32, #tpu.memory_space<vmem>> -> memref<120xi32, #tpu.memory_space<vmem>>
      %dma_start3A_945 = arith.constant 0 : i32
      %dma_start3A_946 = arith.constant 0 : i32
      %dma_start3A_947 = tpu.memref_slice %arg9[%dma_start3A_945, %dma_start3A_946] : memref<10240x128xf32, #tpu.memory_space<vmem_shared>> -> memref<10240x128xf32, #tpu.memory_space<vmem_shared>>
      tpu.enqueue_indirect_dma source(%arg8 : memref<120x128xf32, #tpu.memory_space<vmem>>) target(%dma_start3A_947 : memref<10240x128xf32, #tpu.memory_space<vmem_shared>>) offsets(%dma_start3A_944 : memref<120xi32, #tpu.memory_space<vmem>>) semaphore(%run_scoped3A : memref<!tpu.dma_semaphore, #tpu.memory_space<semaphore_mem>>) {add = true}
      %dma_wait3A_948 = arith.constant 360 : i32
      %dma_wait3A_949 = tpu.memref_slice %arg5[%dma_wait3A_948] : memref<5040xi32, #tpu.memory_space<vmem>> -> memref<120xi32, #tpu.memory_space<vmem>>
      %dma_wait3A_950 = arith.constant 0 : i32
      %dma_wait3A_951 = arith.constant 0 : i32
      %dma_wait3A_952 = tpu.memref_slice %arg9[%dma_wait3A_950, %dma_wait3A_951] : memref<10240x128xf32, #tpu.memory_space<vmem_shared>> -> memref<10240x128xf32, #tpu.memory_space<vmem_shared>>
      tpu.wait_indirect_dma semaphore(%run_scoped3A : memref<!tpu.dma_semaphore, #tpu.memory_space<semaphore_mem>>) src(%arg8 : memref<120x128xf32, #tpu.memory_space<vmem>>) dst(%dma_wait3A_952 : memref<10240x128xf32, #tpu.memory_space<vmem_shared>>)
      tpu.yield
    }) : () -> ()
    %dma_start3A_126 = arith.constant 600 : i32
    %dma_start3A_127 = tpu.memref_slice %arg6[%dma_start3A_126] : memref<5040xi32, #tpu.memory_space<vmem>> -> memref<120xi32, #tpu.memory_space<vmem>>
    %dma_start3A_128 = arith.constant 0 : i32
    %dma_start3A_129 = arith.constant 0 : i32
    %dma_start3A_130 = tpu.memref_slice %arg3[%dma_start3A_128, %dma_start3A_129] : memref<20480x128xf32, #tpu.memory_space<hbm>> -> memref<20480x128xf32, #tpu.memory_space<hbm>>
    tpu.enqueue_indirect_dma source(%dma_start3A_130 : memref<20480x128xf32, #tpu.memory_space<hbm>>) target(%arg8 : memref<120x128xf32, #tpu.memory_space<vmem>>) offsets(%dma_start3A_127 : memref<120xi32, #tpu.memory_space<vmem>>) semaphore(%arg11 : memref<!tpu.dma_semaphore, #tpu.memory_space<semaphore_mem>>)
    %dma_wait3A_131 = arith.constant 480 : i32
    %dma_wait3A_132 = tpu.memref_slice %arg6[%dma_wait3A_131] : memref<5040xi32, #tpu.memory_space<vmem>> -> memref<120xi32, #tpu.memory_space<vmem>>
    %dma_wait3A_133 = arith.constant 0 : i32
    %dma_wait3A_134 = arith.constant 0 : i32
    %dma_wait3A_135 = tpu.memref_slice %arg3[%dma_wait3A_133, %dma_wait3A_134] : memref<20480x128xf32, #tpu.memory_space<hbm>> -> memref<20480x128xf32, #tpu.memory_space<hbm>>
    tpu.wait_indirect_dma semaphore(%arg10 : memref<!tpu.dma_semaphore, #tpu.memory_space<semaphore_mem>>) src(%dma_wait3A_135 : memref<20480x128xf32, #tpu.memory_space<hbm>>) dst(%arg7 : memref<120x128xf32, #tpu.memory_space<vmem>>)
    "tpu.region"() ({
      %run_scoped3A = tpu.sem_alloc : memref<!tpu.dma_semaphore, #tpu.memory_space<semaphore_mem>>
      %dma_start3A_943 = arith.constant 480 : i32
      %dma_start3A_944 = tpu.memref_slice %arg5[%dma_start3A_943] : memref<5040xi32, #tpu.memory_space<vmem>> -> memref<120xi32, #tpu.memory_space<vmem>>
      %dma_start3A_945 = arith.constant 0 : i32
      %dma_start3A_946 = arith.constant 0 : i32
      %dma_start3A_947 = tpu.memref_slice %arg9[%dma_start3A_945, %dma_start3A_946] : memref<10240x128xf32, #tpu.memory_space<vmem_shared>> -> memref<10240x128xf32, #tpu.memory_space<vmem_shared>>
      tpu.enqueue_indirect_dma source(%arg7 : memref<120x128xf32, #tpu.memory_space<vmem>>) target(%dma_start3A_947 : memref<10240x128xf32, #tpu.memory_space<vmem_shared>>) offsets(%dma_start3A_944 : memref<120xi32, #tpu.memory_space<vmem>>) semaphore(%run_scoped3A : memref<!tpu.dma_semaphore, #tpu.memory_space<semaphore_mem>>) {add = true}
      %dma_wait3A_948 = arith.constant 480 : i32
      %dma_wait3A_949 = tpu.memref_slice %arg5[%dma_wait3A_948] : memref<5040xi32, #tpu.memory_space<vmem>> -> memref<120xi32, #tpu.memory_space<vmem>>
      %dma_wait3A_950 = arith.constant 0 : i32
      %dma_wait3A_951 = arith.constant 0 : i32
      %dma_wait3A_952 = tpu.memref_slice %arg9[%dma_wait3A_950, %dma_wait3A_951] : memref<10240x128xf32, #tpu.memory_space<vmem_shared>> -> memref<10240x128xf32, #tpu.memory_space<vmem_shared>>
      tpu.wait_indirect_dma semaphore(%run_scoped3A : memref<!tpu.dma_semaphore, #tpu.memory_space<semaphore_mem>>) src(%arg7 : memref<120x128xf32, #tpu.memory_space<vmem>>) dst(%dma_wait3A_952 : memref<10240x128xf32, #tpu.memory_space<vmem_shared>>)
      tpu.yield
    }) : () -> ()
    %dma_start3A_136 = arith.constant 720 : i32
    %dma_start3A_137 = tpu.memref_slice %arg6[%dma_start3A_136] : memref<5040xi32, #tpu.memory_space<vmem>> -> memref<120xi32, #tpu.memory_space<vmem>>
    %dma_start3A_138 = arith.constant 0 : i32
    %dma_start3A_139 = arith.constant 0 : i32
    %dma_start3A_140 = tpu.memref_slice %arg3[%dma_start3A_138, %dma_start3A_139] : memref<20480x128xf32, #tpu.memory_space<hbm>> -> memref<20480x128xf32, #tpu.memory_space<hbm>>
    tpu.enqueue_indirect_dma source(%dma_start3A_140 : memref<20480x128xf32, #tpu.memory_space<hbm>>) target(%arg7 : memref<120x128xf32, #tpu.memory_space<vmem>>) offsets(%dma_start3A_137 : memref<120xi32, #tpu.memory_space<vmem>>) semaphore(%arg10 : memref<!tpu.dma_semaphore, #tpu.memory_space<semaphore_mem>>)
    %dma_wait3A_141 = arith.constant 600 : i32
    %dma_wait3A_142 = tpu.memref_slice %arg6[%dma_wait3A_141] : memref<5040xi32, #tpu.memory_space<vmem>> -> memref<120xi32, #tpu.memory_space<vmem>>
    %dma_wait3A_143 = arith.constant 0 : i32
    %dma_wait3A_144 = arith.constant 0 : i32
    %dma_wait3A_145 = tpu.memref_slice %arg3[%dma_wait3A_143, %dma_wait3A_144] : memref<20480x128xf32, #tpu.memory_space<hbm>> -> memref<20480x128xf32, #tpu.memory_space<hbm>>
    tpu.wait_indirect_dma semaphore(%arg11 : memref<!tpu.dma_semaphore, #tpu.memory_space<semaphore_mem>>) src(%dma_wait3A_145 : memref<20480x128xf32, #tpu.memory_space<hbm>>) dst(%arg8 : memref<120x128xf32, #tpu.memory_space<vmem>>)
    "tpu.region"() ({
      %run_scoped3A = tpu.sem_alloc : memref<!tpu.dma_semaphore, #tpu.memory_space<semaphore_mem>>
      %dma_start3A_943 = arith.constant 600 : i32
      %dma_start3A_944 = tpu.memref_slice %arg5[%dma_start3A_943] : memref<5040xi32, #tpu.memory_space<vmem>> -> memref<120xi32, #tpu.memory_space<vmem>>
      %dma_start3A_945 = arith.constant 0 : i32
      %dma_start3A_946 = arith.constant 0 : i32
      %dma_start3A_947 = tpu.memref_slice %arg9[%dma_start3A_945, %dma_start3A_946] : memref<10240x128xf32, #tpu.memory_space<vmem_shared>> -> memref<10240x128xf32, #tpu.memory_space<vmem_shared>>
      tpu.enqueue_indirect_dma source(%arg8 : memref<120x128xf32, #tpu.memory_space<vmem>>) target(%dma_start3A_947 : memref<10240x128xf32, #tpu.memory_space<vmem_shared>>) offsets(%dma_start3A_944 : memref<120xi32, #tpu.memory_space<vmem>>) semaphore(%run_scoped3A : memref<!tpu.dma_semaphore, #tpu.memory_space<semaphore_mem>>) {add = true}
      %dma_wait3A_948 = arith.constant 600 : i32
      %dma_wait3A_949 = tpu.memref_slice %arg5[%dma_wait3A_948] : memref<5040xi32, #tpu.memory_space<vmem>> -> memref<120xi32, #tpu.memory_space<vmem>>
      %dma_wait3A_950 = arith.constant 0 : i32
      %dma_wait3A_951 = arith.constant 0 : i32
      %dma_wait3A_952 = tpu.memref_slice %arg9[%dma_wait3A_950, %dma_wait3A_951] : memref<10240x128xf32, #tpu.memory_space<vmem_shared>> -> memref<10240x128xf32, #tpu.memory_space<vmem_shared>>
      tpu.wait_indirect_dma semaphore(%run_scoped3A : memref<!tpu.dma_semaphore, #tpu.memory_space<semaphore_mem>>) src(%arg8 : memref<120x128xf32, #tpu.memory_space<vmem>>) dst(%dma_wait3A_952 : memref<10240x128xf32, #tpu.memory_space<vmem_shared>>)
      tpu.yield
    }) : () -> ()
    %dma_start3A_146 = arith.constant 840 : i32
    %dma_start3A_147 = tpu.memref_slice %arg6[%dma_start3A_146] : memref<5040xi32, #tpu.memory_space<vmem>> -> memref<120xi32, #tpu.memory_space<vmem>>
    %dma_start3A_148 = arith.constant 0 : i32
    %dma_start3A_149 = arith.constant 0 : i32
    %dma_start3A_150 = tpu.memref_slice %arg3[%dma_start3A_148, %dma_start3A_149] : memref<20480x128xf32, #tpu.memory_space<hbm>> -> memref<20480x128xf32, #tpu.memory_space<hbm>>
    tpu.enqueue_indirect_dma source(%dma_start3A_150 : memref<20480x128xf32, #tpu.memory_space<hbm>>) target(%arg8 : memref<120x128xf32, #tpu.memory_space<vmem>>) offsets(%dma_start3A_147 : memref<120xi32, #tpu.memory_space<vmem>>) semaphore(%arg11 : memref<!tpu.dma_semaphore, #tpu.memory_space<semaphore_mem>>)
    %dma_wait3A_151 = arith.constant 720 : i32
    %dma_wait3A_152 = tpu.memref_slice %arg6[%dma_wait3A_151] : memref<5040xi32, #tpu.memory_space<vmem>> -> memref<120xi32, #tpu.memory_space<vmem>>
    %dma_wait3A_153 = arith.constant 0 : i32
    %dma_wait3A_154 = arith.constant 0 : i32
    %dma_wait3A_155 = tpu.memref_slice %arg3[%dma_wait3A_153, %dma_wait3A_154] : memref<20480x128xf32, #tpu.memory_space<hbm>> -> memref<20480x128xf32, #tpu.memory_space<hbm>>
    tpu.wait_indirect_dma semaphore(%arg10 : memref<!tpu.dma_semaphore, #tpu.memory_space<semaphore_mem>>) src(%dma_wait3A_155 : memref<20480x128xf32, #tpu.memory_space<hbm>>) dst(%arg7 : memref<120x128xf32, #tpu.memory_space<vmem>>)
    "tpu.region"() ({
      %run_scoped3A = tpu.sem_alloc : memref<!tpu.dma_semaphore, #tpu.memory_space<semaphore_mem>>
      %dma_start3A_943 = arith.constant 720 : i32
      %dma_start3A_944 = tpu.memref_slice %arg5[%dma_start3A_943] : memref<5040xi32, #tpu.memory_space<vmem>> -> memref<120xi32, #tpu.memory_space<vmem>>
      %dma_start3A_945 = arith.constant 0 : i32
      %dma_start3A_946 = arith.constant 0 : i32
      %dma_start3A_947 = tpu.memref_slice %arg9[%dma_start3A_945, %dma_start3A_946] : memref<10240x128xf32, #tpu.memory_space<vmem_shared>> -> memref<10240x128xf32, #tpu.memory_space<vmem_shared>>
      tpu.enqueue_indirect_dma source(%arg7 : memref<120x128xf32, #tpu.memory_space<vmem>>) target(%dma_start3A_947 : memref<10240x128xf32, #tpu.memory_space<vmem_shared>>) offsets(%dma_start3A_944 : memref<120xi32, #tpu.memory_space<vmem>>) semaphore(%run_scoped3A : memref<!tpu.dma_semaphore, #tpu.memory_space<semaphore_mem>>) {add = true}
      %dma_wait3A_948 = arith.constant 720 : i32
      %dma_wait3A_949 = tpu.memref_slice %arg5[%dma_wait3A_948] : memref<5040xi32, #tpu.memory_space<vmem>> -> memref<120xi32, #tpu.memory_space<vmem>>
      %dma_wait3A_950 = arith.constant 0 : i32
      %dma_wait3A_951 = arith.constant 0 : i32
      %dma_wait3A_952 = tpu.memref_slice %arg9[%dma_wait3A_950, %dma_wait3A_951] : memref<10240x128xf32, #tpu.memory_space<vmem_shared>> -> memref<10240x128xf32, #tpu.memory_space<vmem_shared>>
      tpu.wait_indirect_dma semaphore(%run_scoped3A : memref<!tpu.dma_semaphore, #tpu.memory_space<semaphore_mem>>) src(%arg7 : memref<120x128xf32, #tpu.memory_space<vmem>>) dst(%dma_wait3A_952 : memref<10240x128xf32, #tpu.memory_space<vmem_shared>>)
      tpu.yield
    }) : () -> ()
    %dma_start3A_156 = arith.constant 960 : i32
    %dma_start3A_157 = tpu.memref_slice %arg6[%dma_start3A_156] : memref<5040xi32, #tpu.memory_space<vmem>> -> memref<120xi32, #tpu.memory_space<vmem>>
    %dma_start3A_158 = arith.constant 0 : i32
    %dma_start3A_159 = arith.constant 0 : i32
    %dma_start3A_160 = tpu.memref_slice %arg3[%dma_start3A_158, %dma_start3A_159] : memref<20480x128xf32, #tpu.memory_space<hbm>> -> memref<20480x128xf32, #tpu.memory_space<hbm>>
    tpu.enqueue_indirect_dma source(%dma_start3A_160 : memref<20480x128xf32, #tpu.memory_space<hbm>>) target(%arg7 : memref<120x128xf32, #tpu.memory_space<vmem>>) offsets(%dma_start3A_157 : memref<120xi32, #tpu.memory_space<vmem>>) semaphore(%arg10 : memref<!tpu.dma_semaphore, #tpu.memory_space<semaphore_mem>>)
    %dma_wait3A_161 = arith.constant 840 : i32
    %dma_wait3A_162 = tpu.memref_slice %arg6[%dma_wait3A_161] : memref<5040xi32, #tpu.memory_space<vmem>> -> memref<120xi32, #tpu.memory_space<vmem>>
    %dma_wait3A_163 = arith.constant 0 : i32
    %dma_wait3A_164 = arith.constant 0 : i32
    %dma_wait3A_165 = tpu.memref_slice %arg3[%dma_wait3A_163, %dma_wait3A_164] : memref<20480x128xf32, #tpu.memory_space<hbm>> -> memref<20480x128xf32, #tpu.memory_space<hbm>>
    tpu.wait_indirect_dma semaphore(%arg11 : memref<!tpu.dma_semaphore, #tpu.memory_space<semaphore_mem>>) src(%dma_wait3A_165 : memref<20480x128xf32, #tpu.memory_space<hbm>>) dst(%arg8 : memref<120x128xf32, #tpu.memory_space<vmem>>)
    "tpu.region"() ({
      %run_scoped3A = tpu.sem_alloc : memref<!tpu.dma_semaphore, #tpu.memory_space<semaphore_mem>>
      %dma_start3A_943 = arith.constant 840 : i32
      %dma_start3A_944 = tpu.memref_slice %arg5[%dma_start3A_943] : memref<5040xi32, #tpu.memory_space<vmem>> -> memref<120xi32, #tpu.memory_space<vmem>>
      %dma_start3A_945 = arith.constant 0 : i32
      %dma_start3A_946 = arith.constant 0 : i32
      %dma_start3A_947 = tpu.memref_slice %arg9[%dma_start3A_945, %dma_start3A_946] : memref<10240x128xf32, #tpu.memory_space<vmem_shared>> -> memref<10240x128xf32, #tpu.memory_space<vmem_shared>>
      tpu.enqueue_indirect_dma source(%arg8 : memref<120x128xf32, #tpu.memory_space<vmem>>) target(%dma_start3A_947 : memref<10240x128xf32, #tpu.memory_space<vmem_shared>>) offsets(%dma_start3A_944 : memref<120xi32, #tpu.memory_space<vmem>>) semaphore(%run_scoped3A : memref<!tpu.dma_semaphore, #tpu.memory_space<semaphore_mem>>) {add = true}
      %dma_wait3A_948 = arith.constant 840 : i32
      %dma_wait3A_949 = tpu.memref_slice %arg5[%dma_wait3A_948] : memref<5040xi32, #tpu.memory_space<vmem>> -> memref<120xi32, #tpu.memory_space<vmem>>
      %dma_wait3A_950 = arith.constant 0 : i32
      %dma_wait3A_951 = arith.constant 0 : i32
      %dma_wait3A_952 = tpu.memref_slice %arg9[%dma_wait3A_950, %dma_wait3A_951] : memref<10240x128xf32, #tpu.memory_space<vmem_shared>> -> memref<10240x128xf32, #tpu.memory_space<vmem_shared>>
      tpu.wait_indirect_dma semaphore(%run_scoped3A : memref<!tpu.dma_semaphore, #tpu.memory_space<semaphore_mem>>) src(%arg8 : memref<120x128xf32, #tpu.memory_space<vmem>>) dst(%dma_wait3A_952 : memref<10240x128xf32, #tpu.memory_space<vmem_shared>>)
      tpu.yield
    }) : () -> ()
    %dma_start3A_166 = arith.constant 1080 : i32
    %dma_start3A_167 = tpu.memref_slice %arg6[%dma_start3A_166] : memref<5040xi32, #tpu.memory_space<vmem>> -> memref<120xi32, #tpu.memory_space<vmem>>
    %dma_start3A_168 = arith.constant 0 : i32
    %dma_start3A_169 = arith.constant 0 : i32
    %dma_start3A_170 = tpu.memref_slice %arg3[%dma_start3A_168, %dma_start3A_169] : memref<20480x128xf32, #tpu.memory_space<hbm>> -> memref<20480x128xf32, #tpu.memory_space<hbm>>
    tpu.enqueue_indirect_dma source(%dma_start3A_170 : memref<20480x128xf32, #tpu.memory_space<hbm>>) target(%arg8 : memref<120x128xf32, #tpu.memory_space<vmem>>) offsets(%dma_start3A_167 : memref<120xi32, #tpu.memory_space<vmem>>) semaphore(%arg11 : memref<!tpu.dma_semaphore, #tpu.memory_space<semaphore_mem>>)
    %dma_wait3A_171 = arith.constant 960 : i32
    %dma_wait3A_172 = tpu.memref_slice %arg6[%dma_wait3A_171] : memref<5040xi32, #tpu.memory_space<vmem>> -> memref<120xi32, #tpu.memory_space<vmem>>
    %dma_wait3A_173 = arith.constant 0 : i32
    %dma_wait3A_174 = arith.constant 0 : i32
    %dma_wait3A_175 = tpu.memref_slice %arg3[%dma_wait3A_173, %dma_wait3A_174] : memref<20480x128xf32, #tpu.memory_space<hbm>> -> memref<20480x128xf32, #tpu.memory_space<hbm>>
    tpu.wait_indirect_dma semaphore(%arg10 : memref<!tpu.dma_semaphore, #tpu.memory_space<semaphore_mem>>) src(%dma_wait3A_175 : memref<20480x128xf32, #tpu.memory_space<hbm>>) dst(%arg7 : memref<120x128xf32, #tpu.memory_space<vmem>>)
    "tpu.region"() ({
      %run_scoped3A = tpu.sem_alloc : memref<!tpu.dma_semaphore, #tpu.memory_space<semaphore_mem>>
      %dma_start3A_943 = arith.constant 960 : i32
      %dma_start3A_944 = tpu.memref_slice %arg5[%dma_start3A_943] : memref<5040xi32, #tpu.memory_space<vmem>> -> memref<120xi32, #tpu.memory_space<vmem>>
      %dma_start3A_945 = arith.constant 0 : i32
      %dma_start3A_946 = arith.constant 0 : i32
      %dma_start3A_947 = tpu.memref_slice %arg9[%dma_start3A_945, %dma_start3A_946] : memref<10240x128xf32, #tpu.memory_space<vmem_shared>> -> memref<10240x128xf32, #tpu.memory_space<vmem_shared>>
      tpu.enqueue_indirect_dma source(%arg7 : memref<120x128xf32, #tpu.memory_space<vmem>>) target(%dma_start3A_947 : memref<10240x128xf32, #tpu.memory_space<vmem_shared>>) offsets(%dma_start3A_944 : memref<120xi32, #tpu.memory_space<vmem>>) semaphore(%run_scoped3A : memref<!tpu.dma_semaphore, #tpu.memory_space<semaphore_mem>>) {add = true}
      %dma_wait3A_948 = arith.constant 960 : i32
      %dma_wait3A_949 = tpu.memref_slice %arg5[%dma_wait3A_948] : memref<5040xi32, #tpu.memory_space<vmem>> -> memref<120xi32, #tpu.memory_space<vmem>>
      %dma_wait3A_950 = arith.constant 0 : i32
      %dma_wait3A_951 = arith.constant 0 : i32
      %dma_wait3A_952 = tpu.memref_slice %arg9[%dma_wait3A_950, %dma_wait3A_951] : memref<10240x128xf32, #tpu.memory_space<vmem_shared>> -> memref<10240x128xf32, #tpu.memory_space<vmem_shared>>
      tpu.wait_indirect_dma semaphore(%run_scoped3A : memref<!tpu.dma_semaphore, #tpu.memory_space<semaphore_mem>>) src(%arg7 : memref<120x128xf32, #tpu.memory_space<vmem>>) dst(%dma_wait3A_952 : memref<10240x128xf32, #tpu.memory_space<vmem_shared>>)
      tpu.yield
    }) : () -> ()
    %dma_start3A_176 = arith.constant 1200 : i32
    %dma_start3A_177 = tpu.memref_slice %arg6[%dma_start3A_176] : memref<5040xi32, #tpu.memory_space<vmem>> -> memref<120xi32, #tpu.memory_space<vmem>>
    %dma_start3A_178 = arith.constant 0 : i32
    %dma_start3A_179 = arith.constant 0 : i32
    %dma_start3A_180 = tpu.memref_slice %arg3[%dma_start3A_178, %dma_start3A_179] : memref<20480x128xf32, #tpu.memory_space<hbm>> -> memref<20480x128xf32, #tpu.memory_space<hbm>>
    tpu.enqueue_indirect_dma source(%dma_start3A_180 : memref<20480x128xf32, #tpu.memory_space<hbm>>) target(%arg7 : memref<120x128xf32, #tpu.memory_space<vmem>>) offsets(%dma_start3A_177 : memref<120xi32, #tpu.memory_space<vmem>>) semaphore(%arg10 : memref<!tpu.dma_semaphore, #tpu.memory_space<semaphore_mem>>)
    %dma_wait3A_181 = arith.constant 1080 : i32
    %dma_wait3A_182 = tpu.memref_slice %arg6[%dma_wait3A_181] : memref<5040xi32, #tpu.memory_space<vmem>> -> memref<120xi32, #tpu.memory_space<vmem>>
    %dma_wait3A_183 = arith.constant 0 : i32
    %dma_wait3A_184 = arith.constant 0 : i32
    %dma_wait3A_185 = tpu.memref_slice %arg3[%dma_wait3A_183, %dma_wait3A_184] : memref<20480x128xf32, #tpu.memory_space<hbm>> -> memref<20480x128xf32, #tpu.memory_space<hbm>>
    tpu.wait_indirect_dma semaphore(%arg11 : memref<!tpu.dma_semaphore, #tpu.memory_space<semaphore_mem>>) src(%dma_wait3A_185 : memref<20480x128xf32, #tpu.memory_space<hbm>>) dst(%arg8 : memref<120x128xf32, #tpu.memory_space<vmem>>)
    "tpu.region"() ({
      %run_scoped3A = tpu.sem_alloc : memref<!tpu.dma_semaphore, #tpu.memory_space<semaphore_mem>>
      %dma_start3A_943 = arith.constant 1080 : i32
      %dma_start3A_944 = tpu.memref_slice %arg5[%dma_start3A_943] : memref<5040xi32, #tpu.memory_space<vmem>> -> memref<120xi32, #tpu.memory_space<vmem>>
      %dma_start3A_945 = arith.constant 0 : i32
      %dma_start3A_946 = arith.constant 0 : i32
      %dma_start3A_947 = tpu.memref_slice %arg9[%dma_start3A_945, %dma_start3A_946] : memref<10240x128xf32, #tpu.memory_space<vmem_shared>> -> memref<10240x128xf32, #tpu.memory_space<vmem_shared>>
      tpu.enqueue_indirect_dma source(%arg8 : memref<120x128xf32, #tpu.memory_space<vmem>>) target(%dma_start3A_947 : memref<10240x128xf32, #tpu.memory_space<vmem_shared>>) offsets(%dma_start3A_944 : memref<120xi32, #tpu.memory_space<vmem>>) semaphore(%run_scoped3A : memref<!tpu.dma_semaphore, #tpu.memory_space<semaphore_mem>>) {add = true}
      %dma_wait3A_948 = arith.constant 1080 : i32
      %dma_wait3A_949 = tpu.memref_slice %arg5[%dma_wait3A_948] : memref<5040xi32, #tpu.memory_space<vmem>> -> memref<120xi32, #tpu.memory_space<vmem>>
      %dma_wait3A_950 = arith.constant 0 : i32
      %dma_wait3A_951 = arith.constant 0 : i32
      %dma_wait3A_952 = tpu.memref_slice %arg9[%dma_wait3A_950, %dma_wait3A_951] : memref<10240x128xf32, #tpu.memory_space<vmem_shared>> -> memref<10240x128xf32, #tpu.memory_space<vmem_shared>>
      tpu.wait_indirect_dma semaphore(%run_scoped3A : memref<!tpu.dma_semaphore, #tpu.memory_space<semaphore_mem>>) src(%arg8 : memref<120x128xf32, #tpu.memory_space<vmem>>) dst(%dma_wait3A_952 : memref<10240x128xf32, #tpu.memory_space<vmem_shared>>)
      tpu.yield
    }) : () -> ()
    %dma_start3A_186 = arith.constant 1320 : i32
    %dma_start3A_187 = tpu.memref_slice %arg6[%dma_start3A_186] : memref<5040xi32, #tpu.memory_space<vmem>> -> memref<120xi32, #tpu.memory_space<vmem>>
    %dma_start3A_188 = arith.constant 0 : i32
    %dma_start3A_189 = arith.constant 0 : i32
    %dma_start3A_190 = tpu.memref_slice %arg3[%dma_start3A_188, %dma_start3A_189] : memref<20480x128xf32, #tpu.memory_space<hbm>> -> memref<20480x128xf32, #tpu.memory_space<hbm>>
    tpu.enqueue_indirect_dma source(%dma_start3A_190 : memref<20480x128xf32, #tpu.memory_space<hbm>>) target(%arg8 : memref<120x128xf32, #tpu.memory_space<vmem>>) offsets(%dma_start3A_187 : memref<120xi32, #tpu.memory_space<vmem>>) semaphore(%arg11 : memref<!tpu.dma_semaphore, #tpu.memory_space<semaphore_mem>>)
    %dma_wait3A_191 = arith.constant 1200 : i32
    %dma_wait3A_192 = tpu.memref_slice %arg6[%dma_wait3A_191] : memref<5040xi32, #tpu.memory_space<vmem>> -> memref<120xi32, #tpu.memory_space<vmem>>
    %dma_wait3A_193 = arith.constant 0 : i32
    %dma_wait3A_194 = arith.constant 0 : i32
    %dma_wait3A_195 = tpu.memref_slice %arg3[%dma_wait3A_193, %dma_wait3A_194] : memref<20480x128xf32, #tpu.memory_space<hbm>> -> memref<20480x128xf32, #tpu.memory_space<hbm>>
    tpu.wait_indirect_dma semaphore(%arg10 : memref<!tpu.dma_semaphore, #tpu.memory_space<semaphore_mem>>) src(%dma_wait3A_195 : memref<20480x128xf32, #tpu.memory_space<hbm>>) dst(%arg7 : memref<120x128xf32, #tpu.memory_space<vmem>>)
    "tpu.region"() ({
      %run_scoped3A = tpu.sem_alloc : memref<!tpu.dma_semaphore, #tpu.memory_space<semaphore_mem>>
      %dma_start3A_943 = arith.constant 1200 : i32
      %dma_start3A_944 = tpu.memref_slice %arg5[%dma_start3A_943] : memref<5040xi32, #tpu.memory_space<vmem>> -> memref<120xi32, #tpu.memory_space<vmem>>
      %dma_start3A_945 = arith.constant 0 : i32
      %dma_start3A_946 = arith.constant 0 : i32
      %dma_start3A_947 = tpu.memref_slice %arg9[%dma_start3A_945, %dma_start3A_946] : memref<10240x128xf32, #tpu.memory_space<vmem_shared>> -> memref<10240x128xf32, #tpu.memory_space<vmem_shared>>
      tpu.enqueue_indirect_dma source(%arg7 : memref<120x128xf32, #tpu.memory_space<vmem>>) target(%dma_start3A_947 : memref<10240x128xf32, #tpu.memory_space<vmem_shared>>) offsets(%dma_start3A_944 : memref<120xi32, #tpu.memory_space<vmem>>) semaphore(%run_scoped3A : memref<!tpu.dma_semaphore, #tpu.memory_space<semaphore_mem>>) {add = true}
      %dma_wait3A_948 = arith.constant 1200 : i32
      %dma_wait3A_949 = tpu.memref_slice %arg5[%dma_wait3A_948] : memref<5040xi32, #tpu.memory_space<vmem>> -> memref<120xi32, #tpu.memory_space<vmem>>
      %dma_wait3A_950 = arith.constant 0 : i32
      %dma_wait3A_951 = arith.constant 0 : i32
      %dma_wait3A_952 = tpu.memref_slice %arg9[%dma_wait3A_950, %dma_wait3A_951] : memref<10240x128xf32, #tpu.memory_space<vmem_shared>> -> memref<10240x128xf32, #tpu.memory_space<vmem_shared>>
      tpu.wait_indirect_dma semaphore(%run_scoped3A : memref<!tpu.dma_semaphore, #tpu.memory_space<semaphore_mem>>) src(%arg7 : memref<120x128xf32, #tpu.memory_space<vmem>>) dst(%dma_wait3A_952 : memref<10240x128xf32, #tpu.memory_space<vmem_shared>>)
      tpu.yield
    }) : () -> ()
    %dma_start3A_196 = arith.constant 1440 : i32
    %dma_start3A_197 = tpu.memref_slice %arg6[%dma_start3A_196] : memref<5040xi32, #tpu.memory_space<vmem>> -> memref<120xi32, #tpu.memory_space<vmem>>
    %dma_start3A_198 = arith.constant 0 : i32
    %dma_start3A_199 = arith.constant 0 : i32
    %dma_start3A_200 = tpu.memref_slice %arg3[%dma_start3A_198, %dma_start3A_199] : memref<20480x128xf32, #tpu.memory_space<hbm>> -> memref<20480x128xf32, #tpu.memory_space<hbm>>
    tpu.enqueue_indirect_dma source(%dma_start3A_200 : memref<20480x128xf32, #tpu.memory_space<hbm>>) target(%arg7 : memref<120x128xf32, #tpu.memory_space<vmem>>) offsets(%dma_start3A_197 : memref<120xi32, #tpu.memory_space<vmem>>) semaphore(%arg10 : memref<!tpu.dma_semaphore, #tpu.memory_space<semaphore_mem>>)
    %dma_wait3A_201 = arith.constant 1320 : i32
    %dma_wait3A_202 = tpu.memref_slice %arg6[%dma_wait3A_201] : memref<5040xi32, #tpu.memory_space<vmem>> -> memref<120xi32, #tpu.memory_space<vmem>>
    %dma_wait3A_203 = arith.constant 0 : i32
    %dma_wait3A_204 = arith.constant 0 : i32
    %dma_wait3A_205 = tpu.memref_slice %arg3[%dma_wait3A_203, %dma_wait3A_204] : memref<20480x128xf32, #tpu.memory_space<hbm>> -> memref<20480x128xf32, #tpu.memory_space<hbm>>
    tpu.wait_indirect_dma semaphore(%arg11 : memref<!tpu.dma_semaphore, #tpu.memory_space<semaphore_mem>>) src(%dma_wait3A_205 : memref<20480x128xf32, #tpu.memory_space<hbm>>) dst(%arg8 : memref<120x128xf32, #tpu.memory_space<vmem>>)
    "tpu.region"() ({
      %run_scoped3A = tpu.sem_alloc : memref<!tpu.dma_semaphore, #tpu.memory_space<semaphore_mem>>
      %dma_start3A_943 = arith.constant 1320 : i32
      %dma_start3A_944 = tpu.memref_slice %arg5[%dma_start3A_943] : memref<5040xi32, #tpu.memory_space<vmem>> -> memref<120xi32, #tpu.memory_space<vmem>>
      %dma_start3A_945 = arith.constant 0 : i32
      %dma_start3A_946 = arith.constant 0 : i32
      %dma_start3A_947 = tpu.memref_slice %arg9[%dma_start3A_945, %dma_start3A_946] : memref<10240x128xf32, #tpu.memory_space<vmem_shared>> -> memref<10240x128xf32, #tpu.memory_space<vmem_shared>>
      tpu.enqueue_indirect_dma source(%arg8 : memref<120x128xf32, #tpu.memory_space<vmem>>) target(%dma_start3A_947 : memref<10240x128xf32, #tpu.memory_space<vmem_shared>>) offsets(%dma_start3A_944 : memref<120xi32, #tpu.memory_space<vmem>>) semaphore(%run_scoped3A : memref<!tpu.dma_semaphore, #tpu.memory_space<semaphore_mem>>) {add = true}
      %dma_wait3A_948 = arith.constant 1320 : i32
      %dma_wait3A_949 = tpu.memref_slice %arg5[%dma_wait3A_948] : memref<5040xi32, #tpu.memory_space<vmem>> -> memref<120xi32, #tpu.memory_space<vmem>>
      %dma_wait3A_950 = arith.constant 0 : i32
      %dma_wait3A_951 = arith.constant 0 : i32
      %dma_wait3A_952 = tpu.memref_slice %arg9[%dma_wait3A_950, %dma_wait3A_951] : memref<10240x128xf32, #tpu.memory_space<vmem_shared>> -> memref<10240x128xf32, #tpu.memory_space<vmem_shared>>
      tpu.wait_indirect_dma semaphore(%run_scoped3A : memref<!tpu.dma_semaphore, #tpu.memory_space<semaphore_mem>>) src(%arg8 : memref<120x128xf32, #tpu.memory_space<vmem>>) dst(%dma_wait3A_952 : memref<10240x128xf32, #tpu.memory_space<vmem_shared>>)
      tpu.yield
    }) : () -> ()
    %dma_start3A_206 = arith.constant 1560 : i32
    %dma_start3A_207 = tpu.memref_slice %arg6[%dma_start3A_206] : memref<5040xi32, #tpu.memory_space<vmem>> -> memref<120xi32, #tpu.memory_space<vmem>>
    %dma_start3A_208 = arith.constant 0 : i32
    %dma_start3A_209 = arith.constant 0 : i32
    %dma_start3A_210 = tpu.memref_slice %arg3[%dma_start3A_208, %dma_start3A_209] : memref<20480x128xf32, #tpu.memory_space<hbm>> -> memref<20480x128xf32, #tpu.memory_space<hbm>>
    tpu.enqueue_indirect_dma source(%dma_start3A_210 : memref<20480x128xf32, #tpu.memory_space<hbm>>) target(%arg8 : memref<120x128xf32, #tpu.memory_space<vmem>>) offsets(%dma_start3A_207 : memref<120xi32, #tpu.memory_space<vmem>>) semaphore(%arg11 : memref<!tpu.dma_semaphore, #tpu.memory_space<semaphore_mem>>)
    %dma_wait3A_211 = arith.constant 1440 : i32
    %dma_wait3A_212 = tpu.memref_slice %arg6[%dma_wait3A_211] : memref<5040xi32, #tpu.memory_space<vmem>> -> memref<120xi32, #tpu.memory_space<vmem>>
    %dma_wait3A_213 = arith.constant 0 : i32
    %dma_wait3A_214 = arith.constant 0 : i32
    %dma_wait3A_215 = tpu.memref_slice %arg3[%dma_wait3A_213, %dma_wait3A_214] : memref<20480x128xf32, #tpu.memory_space<hbm>> -> memref<20480x128xf32, #tpu.memory_space<hbm>>
    tpu.wait_indirect_dma semaphore(%arg10 : memref<!tpu.dma_semaphore, #tpu.memory_space<semaphore_mem>>) src(%dma_wait3A_215 : memref<20480x128xf32, #tpu.memory_space<hbm>>) dst(%arg7 : memref<120x128xf32, #tpu.memory_space<vmem>>)
    "tpu.region"() ({
      %run_scoped3A = tpu.sem_alloc : memref<!tpu.dma_semaphore, #tpu.memory_space<semaphore_mem>>
      %dma_start3A_943 = arith.constant 1440 : i32
      %dma_start3A_944 = tpu.memref_slice %arg5[%dma_start3A_943] : memref<5040xi32, #tpu.memory_space<vmem>> -> memref<120xi32, #tpu.memory_space<vmem>>
      %dma_start3A_945 = arith.constant 0 : i32
      %dma_start3A_946 = arith.constant 0 : i32
      %dma_start3A_947 = tpu.memref_slice %arg9[%dma_start3A_945, %dma_start3A_946] : memref<10240x128xf32, #tpu.memory_space<vmem_shared>> -> memref<10240x128xf32, #tpu.memory_space<vmem_shared>>
      tpu.enqueue_indirect_dma source(%arg7 : memref<120x128xf32, #tpu.memory_space<vmem>>) target(%dma_start3A_947 : memref<10240x128xf32, #tpu.memory_space<vmem_shared>>) offsets(%dma_start3A_944 : memref<120xi32, #tpu.memory_space<vmem>>) semaphore(%run_scoped3A : memref<!tpu.dma_semaphore, #tpu.memory_space<semaphore_mem>>) {add = true}
      %dma_wait3A_948 = arith.constant 1440 : i32
      %dma_wait3A_949 = tpu.memref_slice %arg5[%dma_wait3A_948] : memref<5040xi32, #tpu.memory_space<vmem>> -> memref<120xi32, #tpu.memory_space<vmem>>
      %dma_wait3A_950 = arith.constant 0 : i32
      %dma_wait3A_951 = arith.constant 0 : i32
      %dma_wait3A_952 = tpu.memref_slice %arg9[%dma_wait3A_950, %dma_wait3A_951] : memref<10240x128xf32, #tpu.memory_space<vmem_shared>> -> memref<10240x128xf32, #tpu.memory_space<vmem_shared>>
      tpu.wait_indirect_dma semaphore(%run_scoped3A : memref<!tpu.dma_semaphore, #tpu.memory_space<semaphore_mem>>) src(%arg7 : memref<120x128xf32, #tpu.memory_space<vmem>>) dst(%dma_wait3A_952 : memref<10240x128xf32, #tpu.memory_space<vmem_shared>>)
      tpu.yield
    }) : () -> ()
    %dma_start3A_216 = arith.constant 1680 : i32
    %dma_start3A_217 = tpu.memref_slice %arg6[%dma_start3A_216] : memref<5040xi32, #tpu.memory_space<vmem>> -> memref<120xi32, #tpu.memory_space<vmem>>
    %dma_start3A_218 = arith.constant 0 : i32
    %dma_start3A_219 = arith.constant 0 : i32
    %dma_start3A_220 = tpu.memref_slice %arg3[%dma_start3A_218, %dma_start3A_219] : memref<20480x128xf32, #tpu.memory_space<hbm>> -> memref<20480x128xf32, #tpu.memory_space<hbm>>
    tpu.enqueue_indirect_dma source(%dma_start3A_220 : memref<20480x128xf32, #tpu.memory_space<hbm>>) target(%arg7 : memref<120x128xf32, #tpu.memory_space<vmem>>) offsets(%dma_start3A_217 : memref<120xi32, #tpu.memory_space<vmem>>) semaphore(%arg10 : memref<!tpu.dma_semaphore, #tpu.memory_space<semaphore_mem>>)
    %dma_wait3A_221 = arith.constant 1560 : i32
    %dma_wait3A_222 = tpu.memref_slice %arg6[%dma_wait3A_221] : memref<5040xi32, #tpu.memory_space<vmem>> -> memref<120xi32, #tpu.memory_space<vmem>>
    %dma_wait3A_223 = arith.constant 0 : i32
    %dma_wait3A_224 = arith.constant 0 : i32
    %dma_wait3A_225 = tpu.memref_slice %arg3[%dma_wait3A_223, %dma_wait3A_224] : memref<20480x128xf32, #tpu.memory_space<hbm>> -> memref<20480x128xf32, #tpu.memory_space<hbm>>
    tpu.wait_indirect_dma semaphore(%arg11 : memref<!tpu.dma_semaphore, #tpu.memory_space<semaphore_mem>>) src(%dma_wait3A_225 : memref<20480x128xf32, #tpu.memory_space<hbm>>) dst(%arg8 : memref<120x128xf32, #tpu.memory_space<vmem>>)
    "tpu.region"() ({
      %run_scoped3A = tpu.sem_alloc : memref<!tpu.dma_semaphore, #tpu.memory_space<semaphore_mem>>
      %dma_start3A_943 = arith.constant 1560 : i32
      %dma_start3A_944 = tpu.memref_slice %arg5[%dma_start3A_943] : memref<5040xi32, #tpu.memory_space<vmem>> -> memref<120xi32, #tpu.memory_space<vmem>>
      %dma_start3A_945 = arith.constant 0 : i32
      %dma_start3A_946 = arith.constant 0 : i32
      %dma_start3A_947 = tpu.memref_slice %arg9[%dma_start3A_945, %dma_start3A_946] : memref<10240x128xf32, #tpu.memory_space<vmem_shared>> -> memref<10240x128xf32, #tpu.memory_space<vmem_shared>>
      tpu.enqueue_indirect_dma source(%arg8 : memref<120x128xf32, #tpu.memory_space<vmem>>) target(%dma_start3A_947 : memref<10240x128xf32, #tpu.memory_space<vmem_shared>>) offsets(%dma_start3A_944 : memref<120xi32, #tpu.memory_space<vmem>>) semaphore(%run_scoped3A : memref<!tpu.dma_semaphore, #tpu.memory_space<semaphore_mem>>) {add = true}
      %dma_wait3A_948 = arith.constant 1560 : i32
      %dma_wait3A_949 = tpu.memref_slice %arg5[%dma_wait3A_948] : memref<5040xi32, #tpu.memory_space<vmem>> -> memref<120xi32, #tpu.memory_space<vmem>>
      %dma_wait3A_950 = arith.constant 0 : i32
      %dma_wait3A_951 = arith.constant 0 : i32
      %dma_wait3A_952 = tpu.memref_slice %arg9[%dma_wait3A_950, %dma_wait3A_951] : memref<10240x128xf32, #tpu.memory_space<vmem_shared>> -> memref<10240x128xf32, #tpu.memory_space<vmem_shared>>
      tpu.wait_indirect_dma semaphore(%run_scoped3A : memref<!tpu.dma_semaphore, #tpu.memory_space<semaphore_mem>>) src(%arg8 : memref<120x128xf32, #tpu.memory_space<vmem>>) dst(%dma_wait3A_952 : memref<10240x128xf32, #tpu.memory_space<vmem_shared>>)
      tpu.yield
    }) : () -> ()
    %dma_start3A_226 = arith.constant 1800 : i32
    %dma_start3A_227 = tpu.memref_slice %arg6[%dma_start3A_226] : memref<5040xi32, #tpu.memory_space<vmem>> -> memref<120xi32, #tpu.memory_space<vmem>>
    %dma_start3A_228 = arith.constant 0 : i32
    %dma_start3A_229 = arith.constant 0 : i32
    %dma_start3A_230 = tpu.memref_slice %arg3[%dma_start3A_228, %dma_start3A_229] : memref<20480x128xf32, #tpu.memory_space<hbm>> -> memref<20480x128xf32, #tpu.memory_space<hbm>>
    tpu.enqueue_indirect_dma source(%dma_start3A_230 : memref<20480x128xf32, #tpu.memory_space<hbm>>) target(%arg8 : memref<120x128xf32, #tpu.memory_space<vmem>>) offsets(%dma_start3A_227 : memref<120xi32, #tpu.memory_space<vmem>>) semaphore(%arg11 : memref<!tpu.dma_semaphore, #tpu.memory_space<semaphore_mem>>)
    %dma_wait3A_231 = arith.constant 1680 : i32
    %dma_wait3A_232 = tpu.memref_slice %arg6[%dma_wait3A_231] : memref<5040xi32, #tpu.memory_space<vmem>> -> memref<120xi32, #tpu.memory_space<vmem>>
    %dma_wait3A_233 = arith.constant 0 : i32
    %dma_wait3A_234 = arith.constant 0 : i32
    %dma_wait3A_235 = tpu.memref_slice %arg3[%dma_wait3A_233, %dma_wait3A_234] : memref<20480x128xf32, #tpu.memory_space<hbm>> -> memref<20480x128xf32, #tpu.memory_space<hbm>>
    tpu.wait_indirect_dma semaphore(%arg10 : memref<!tpu.dma_semaphore, #tpu.memory_space<semaphore_mem>>) src(%dma_wait3A_235 : memref<20480x128xf32, #tpu.memory_space<hbm>>) dst(%arg7 : memref<120x128xf32, #tpu.memory_space<vmem>>)
    "tpu.region"() ({
      %run_scoped3A = tpu.sem_alloc : memref<!tpu.dma_semaphore, #tpu.memory_space<semaphore_mem>>
      %dma_start3A_943 = arith.constant 1680 : i32
      %dma_start3A_944 = tpu.memref_slice %arg5[%dma_start3A_943] : memref<5040xi32, #tpu.memory_space<vmem>> -> memref<120xi32, #tpu.memory_space<vmem>>
      %dma_start3A_945 = arith.constant 0 : i32
      %dma_start3A_946 = arith.constant 0 : i32
      %dma_start3A_947 = tpu.memref_slice %arg9[%dma_start3A_945, %dma_start3A_946] : memref<10240x128xf32, #tpu.memory_space<vmem_shared>> -> memref<10240x128xf32, #tpu.memory_space<vmem_shared>>
      tpu.enqueue_indirect_dma source(%arg7 : memref<120x128xf32, #tpu.memory_space<vmem>>) target(%dma_start3A_947 : memref<10240x128xf32, #tpu.memory_space<vmem_shared>>) offsets(%dma_start3A_944 : memref<120xi32, #tpu.memory_space<vmem>>) semaphore(%run_scoped3A : memref<!tpu.dma_semaphore, #tpu.memory_space<semaphore_mem>>) {add = true}
      %dma_wait3A_948 = arith.constant 1680 : i32
      %dma_wait3A_949 = tpu.memref_slice %arg5[%dma_wait3A_948] : memref<5040xi32, #tpu.memory_space<vmem>> -> memref<120xi32, #tpu.memory_space<vmem>>
      %dma_wait3A_950 = arith.constant 0 : i32
      %dma_wait3A_951 = arith.constant 0 : i32
      %dma_wait3A_952 = tpu.memref_slice %arg9[%dma_wait3A_950, %dma_wait3A_951] : memref<10240x128xf32, #tpu.memory_space<vmem_shared>> -> memref<10240x128xf32, #tpu.memory_space<vmem_shared>>
      tpu.wait_indirect_dma semaphore(%run_scoped3A : memref<!tpu.dma_semaphore, #tpu.memory_space<semaphore_mem>>) src(%arg7 : memref<120x128xf32, #tpu.memory_space<vmem>>) dst(%dma_wait3A_952 : memref<10240x128xf32, #tpu.memory_space<vmem_shared>>)
      tpu.yield
    }) : () -> ()
    %dma_start3A_236 = arith.constant 1920 : i32
    %dma_start3A_237 = tpu.memref_slice %arg6[%dma_start3A_236] : memref<5040xi32, #tpu.memory_space<vmem>> -> memref<120xi32, #tpu.memory_space<vmem>>
    %dma_start3A_238 = arith.constant 0 : i32
    %dma_start3A_239 = arith.constant 0 : i32
    %dma_start3A_240 = tpu.memref_slice %arg3[%dma_start3A_238, %dma_start3A_239] : memref<20480x128xf32, #tpu.memory_space<hbm>> -> memref<20480x128xf32, #tpu.memory_space<hbm>>
    tpu.enqueue_indirect_dma source(%dma_start3A_240 : memref<20480x128xf32, #tpu.memory_space<hbm>>) target(%arg7 : memref<120x128xf32, #tpu.memory_space<vmem>>) offsets(%dma_start3A_237 : memref<120xi32, #tpu.memory_space<vmem>>) semaphore(%arg10 : memref<!tpu.dma_semaphore, #tpu.memory_space<semaphore_mem>>)
    %dma_wait3A_241 = arith.constant 1800 : i32
    %dma_wait3A_242 = tpu.memref_slice %arg6[%dma_wait3A_241] : memref<5040xi32, #tpu.memory_space<vmem>> -> memref<120xi32, #tpu.memory_space<vmem>>
    %dma_wait3A_243 = arith.constant 0 : i32
    %dma_wait3A_244 = arith.constant 0 : i32
    %dma_wait3A_245 = tpu.memref_slice %arg3[%dma_wait3A_243, %dma_wait3A_244] : memref<20480x128xf32, #tpu.memory_space<hbm>> -> memref<20480x128xf32, #tpu.memory_space<hbm>>
    tpu.wait_indirect_dma semaphore(%arg11 : memref<!tpu.dma_semaphore, #tpu.memory_space<semaphore_mem>>) src(%dma_wait3A_245 : memref<20480x128xf32, #tpu.memory_space<hbm>>) dst(%arg8 : memref<120x128xf32, #tpu.memory_space<vmem>>)
    "tpu.region"() ({
      %run_scoped3A = tpu.sem_alloc : memref<!tpu.dma_semaphore, #tpu.memory_space<semaphore_mem>>
      %dma_start3A_943 = arith.constant 1800 : i32
      %dma_start3A_944 = tpu.memref_slice %arg5[%dma_start3A_943] : memref<5040xi32, #tpu.memory_space<vmem>> -> memref<120xi32, #tpu.memory_space<vmem>>
      %dma_start3A_945 = arith.constant 0 : i32
      %dma_start3A_946 = arith.constant 0 : i32
      %dma_start3A_947 = tpu.memref_slice %arg9[%dma_start3A_945, %dma_start3A_946] : memref<10240x128xf32, #tpu.memory_space<vmem_shared>> -> memref<10240x128xf32, #tpu.memory_space<vmem_shared>>
      tpu.enqueue_indirect_dma source(%arg8 : memref<120x128xf32, #tpu.memory_space<vmem>>) target(%dma_start3A_947 : memref<10240x128xf32, #tpu.memory_space<vmem_shared>>) offsets(%dma_start3A_944 : memref<120xi32, #tpu.memory_space<vmem>>) semaphore(%run_scoped3A : memref<!tpu.dma_semaphore, #tpu.memory_space<semaphore_mem>>) {add = true}
      %dma_wait3A_948 = arith.constant 1800 : i32
      %dma_wait3A_949 = tpu.memref_slice %arg5[%dma_wait3A_948] : memref<5040xi32, #tpu.memory_space<vmem>> -> memref<120xi32, #tpu.memory_space<vmem>>
      %dma_wait3A_950 = arith.constant 0 : i32
      %dma_wait3A_951 = arith.constant 0 : i32
      %dma_wait3A_952 = tpu.memref_slice %arg9[%dma_wait3A_950, %dma_wait3A_951] : memref<10240x128xf32, #tpu.memory_space<vmem_shared>> -> memref<10240x128xf32, #tpu.memory_space<vmem_shared>>
      tpu.wait_indirect_dma semaphore(%run_scoped3A : memref<!tpu.dma_semaphore, #tpu.memory_space<semaphore_mem>>) src(%arg8 : memref<120x128xf32, #tpu.memory_space<vmem>>) dst(%dma_wait3A_952 : memref<10240x128xf32, #tpu.memory_space<vmem_shared>>)
      tpu.yield
    }) : () -> ()
    %dma_start3A_246 = arith.constant 2040 : i32
    %dma_start3A_247 = tpu.memref_slice %arg6[%dma_start3A_246] : memref<5040xi32, #tpu.memory_space<vmem>> -> memref<120xi32, #tpu.memory_space<vmem>>
    %dma_start3A_248 = arith.constant 0 : i32
    %dma_start3A_249 = arith.constant 0 : i32
    %dma_start3A_250 = tpu.memref_slice %arg3[%dma_start3A_248, %dma_start3A_249] : memref<20480x128xf32, #tpu.memory_space<hbm>> -> memref<20480x128xf32, #tpu.memory_space<hbm>>
    tpu.enqueue_indirect_dma source(%dma_start3A_250 : memref<20480x128xf32, #tpu.memory_space<hbm>>) target(%arg8 : memref<120x128xf32, #tpu.memory_space<vmem>>) offsets(%dma_start3A_247 : memref<120xi32, #tpu.memory_space<vmem>>) semaphore(%arg11 : memref<!tpu.dma_semaphore, #tpu.memory_space<semaphore_mem>>)
    %dma_wait3A_251 = arith.constant 1920 : i32
    %dma_wait3A_252 = tpu.memref_slice %arg6[%dma_wait3A_251] : memref<5040xi32, #tpu.memory_space<vmem>> -> memref<120xi32, #tpu.memory_space<vmem>>
    %dma_wait3A_253 = arith.constant 0 : i32
    %dma_wait3A_254 = arith.constant 0 : i32
    %dma_wait3A_255 = tpu.memref_slice %arg3[%dma_wait3A_253, %dma_wait3A_254] : memref<20480x128xf32, #tpu.memory_space<hbm>> -> memref<20480x128xf32, #tpu.memory_space<hbm>>
    tpu.wait_indirect_dma semaphore(%arg10 : memref<!tpu.dma_semaphore, #tpu.memory_space<semaphore_mem>>) src(%dma_wait3A_255 : memref<20480x128xf32, #tpu.memory_space<hbm>>) dst(%arg7 : memref<120x128xf32, #tpu.memory_space<vmem>>)
    "tpu.region"() ({
      %run_scoped3A = tpu.sem_alloc : memref<!tpu.dma_semaphore, #tpu.memory_space<semaphore_mem>>
      %dma_start3A_943 = arith.constant 1920 : i32
      %dma_start3A_944 = tpu.memref_slice %arg5[%dma_start3A_943] : memref<5040xi32, #tpu.memory_space<vmem>> -> memref<120xi32, #tpu.memory_space<vmem>>
      %dma_start3A_945 = arith.constant 0 : i32
      %dma_start3A_946 = arith.constant 0 : i32
      %dma_start3A_947 = tpu.memref_slice %arg9[%dma_start3A_945, %dma_start3A_946] : memref<10240x128xf32, #tpu.memory_space<vmem_shared>> -> memref<10240x128xf32, #tpu.memory_space<vmem_shared>>
      tpu.enqueue_indirect_dma source(%arg7 : memref<120x128xf32, #tpu.memory_space<vmem>>) target(%dma_start3A_947 : memref<10240x128xf32, #tpu.memory_space<vmem_shared>>) offsets(%dma_start3A_944 : memref<120xi32, #tpu.memory_space<vmem>>) semaphore(%run_scoped3A : memref<!tpu.dma_semaphore, #tpu.memory_space<semaphore_mem>>) {add = true}
      %dma_wait3A_948 = arith.constant 1920 : i32
      %dma_wait3A_949 = tpu.memref_slice %arg5[%dma_wait3A_948] : memref<5040xi32, #tpu.memory_space<vmem>> -> memref<120xi32, #tpu.memory_space<vmem>>
      %dma_wait3A_950 = arith.constant 0 : i32
      %dma_wait3A_951 = arith.constant 0 : i32
      %dma_wait3A_952 = tpu.memref_slice %arg9[%dma_wait3A_950, %dma_wait3A_951] : memref<10240x128xf32, #tpu.memory_space<vmem_shared>> -> memref<10240x128xf32, #tpu.memory_space<vmem_shared>>
      tpu.wait_indirect_dma semaphore(%run_scoped3A : memref<!tpu.dma_semaphore, #tpu.memory_space<semaphore_mem>>) src(%arg7 : memref<120x128xf32, #tpu.memory_space<vmem>>) dst(%dma_wait3A_952 : memref<10240x128xf32, #tpu.memory_space<vmem_shared>>)
      tpu.yield
    }) : () -> ()
    %dma_start3A_256 = arith.constant 2160 : i32
    %dma_start3A_257 = tpu.memref_slice %arg6[%dma_start3A_256] : memref<5040xi32, #tpu.memory_space<vmem>> -> memref<120xi32, #tpu.memory_space<vmem>>
    %dma_start3A_258 = arith.constant 0 : i32
    %dma_start3A_259 = arith.constant 0 : i32
    %dma_start3A_260 = tpu.memref_slice %arg3[%dma_start3A_258, %dma_start3A_259] : memref<20480x128xf32, #tpu.memory_space<hbm>> -> memref<20480x128xf32, #tpu.memory_space<hbm>>
    tpu.enqueue_indirect_dma source(%dma_start3A_260 : memref<20480x128xf32, #tpu.memory_space<hbm>>) target(%arg7 : memref<120x128xf32, #tpu.memory_space<vmem>>) offsets(%dma_start3A_257 : memref<120xi32, #tpu.memory_space<vmem>>) semaphore(%arg10 : memref<!tpu.dma_semaphore, #tpu.memory_space<semaphore_mem>>)
    %dma_wait3A_261 = arith.constant 2040 : i32
    %dma_wait3A_262 = tpu.memref_slice %arg6[%dma_wait3A_261] : memref<5040xi32, #tpu.memory_space<vmem>> -> memref<120xi32, #tpu.memory_space<vmem>>
    %dma_wait3A_263 = arith.constant 0 : i32
    %dma_wait3A_264 = arith.constant 0 : i32
    %dma_wait3A_265 = tpu.memref_slice %arg3[%dma_wait3A_263, %dma_wait3A_264] : memref<20480x128xf32, #tpu.memory_space<hbm>> -> memref<20480x128xf32, #tpu.memory_space<hbm>>
    tpu.wait_indirect_dma semaphore(%arg11 : memref<!tpu.dma_semaphore, #tpu.memory_space<semaphore_mem>>) src(%dma_wait3A_265 : memref<20480x128xf32, #tpu.memory_space<hbm>>) dst(%arg8 : memref<120x128xf32, #tpu.memory_space<vmem>>)
    "tpu.region"() ({
      %run_scoped3A = tpu.sem_alloc : memref<!tpu.dma_semaphore, #tpu.memory_space<semaphore_mem>>
      %dma_start3A_943 = arith.constant 2040 : i32
      %dma_start3A_944 = tpu.memref_slice %arg5[%dma_start3A_943] : memref<5040xi32, #tpu.memory_space<vmem>> -> memref<120xi32, #tpu.memory_space<vmem>>
      %dma_start3A_945 = arith.constant 0 : i32
      %dma_start3A_946 = arith.constant 0 : i32
      %dma_start3A_947 = tpu.memref_slice %arg9[%dma_start3A_945, %dma_start3A_946] : memref<10240x128xf32, #tpu.memory_space<vmem_shared>> -> memref<10240x128xf32, #tpu.memory_space<vmem_shared>>
      tpu.enqueue_indirect_dma source(%arg8 : memref<120x128xf32, #tpu.memory_space<vmem>>) target(%dma_start3A_947 : memref<10240x128xf32, #tpu.memory_space<vmem_shared>>) offsets(%dma_start3A_944 : memref<120xi32, #tpu.memory_space<vmem>>) semaphore(%run_scoped3A : memref<!tpu.dma_semaphore, #tpu.memory_space<semaphore_mem>>) {add = true}
      %dma_wait3A_948 = arith.constant 2040 : i32
      %dma_wait3A_949 = tpu.memref_slice %arg5[%dma_wait3A_948] : memref<5040xi32, #tpu.memory_space<vmem>> -> memref<120xi32, #tpu.memory_space<vmem>>
      %dma_wait3A_950 = arith.constant 0 : i32
      %dma_wait3A_951 = arith.constant 0 : i32
      %dma_wait3A_952 = tpu.memref_slice %arg9[%dma_wait3A_950, %dma_wait3A_951] : memref<10240x128xf32, #tpu.memory_space<vmem_shared>> -> memref<10240x128xf32, #tpu.memory_space<vmem_shared>>
      tpu.wait_indirect_dma semaphore(%run_scoped3A : memref<!tpu.dma_semaphore, #tpu.memory_space<semaphore_mem>>) src(%arg8 : memref<120x128xf32, #tpu.memory_space<vmem>>) dst(%dma_wait3A_952 : memref<10240x128xf32, #tpu.memory_space<vmem_shared>>)
      tpu.yield
    }) : () -> ()
    %dma_start3A_266 = arith.constant 2280 : i32
    %dma_start3A_267 = tpu.memref_slice %arg6[%dma_start3A_266] : memref<5040xi32, #tpu.memory_space<vmem>> -> memref<120xi32, #tpu.memory_space<vmem>>
    %dma_start3A_268 = arith.constant 0 : i32
    %dma_start3A_269 = arith.constant 0 : i32
    %dma_start3A_270 = tpu.memref_slice %arg3[%dma_start3A_268, %dma_start3A_269] : memref<20480x128xf32, #tpu.memory_space<hbm>> -> memref<20480x128xf32, #tpu.memory_space<hbm>>
    tpu.enqueue_indirect_dma source(%dma_start3A_270 : memref<20480x128xf32, #tpu.memory_space<hbm>>) target(%arg8 : memref<120x128xf32, #tpu.memory_space<vmem>>) offsets(%dma_start3A_267 : memref<120xi32, #tpu.memory_space<vmem>>) semaphore(%arg11 : memref<!tpu.dma_semaphore, #tpu.memory_space<semaphore_mem>>)
    %dma_wait3A_271 = arith.constant 2160 : i32
    %dma_wait3A_272 = tpu.memref_slice %arg6[%dma_wait3A_271] : memref<5040xi32, #tpu.memory_space<vmem>> -> memref<120xi32, #tpu.memory_space<vmem>>
    %dma_wait3A_273 = arith.constant 0 : i32
    %dma_wait3A_274 = arith.constant 0 : i32
    %dma_wait3A_275 = tpu.memref_slice %arg3[%dma_wait3A_273, %dma_wait3A_274] : memref<20480x128xf32, #tpu.memory_space<hbm>> -> memref<20480x128xf32, #tpu.memory_space<hbm>>
    tpu.wait_indirect_dma semaphore(%arg10 : memref<!tpu.dma_semaphore, #tpu.memory_space<semaphore_mem>>) src(%dma_wait3A_275 : memref<20480x128xf32, #tpu.memory_space<hbm>>) dst(%arg7 : memref<120x128xf32, #tpu.memory_space<vmem>>)
    "tpu.region"() ({
      %run_scoped3A = tpu.sem_alloc : memref<!tpu.dma_semaphore, #tpu.memory_space<semaphore_mem>>
      %dma_start3A_943 = arith.constant 2160 : i32
      %dma_start3A_944 = tpu.memref_slice %arg5[%dma_start3A_943] : memref<5040xi32, #tpu.memory_space<vmem>> -> memref<120xi32, #tpu.memory_space<vmem>>
      %dma_start3A_945 = arith.constant 0 : i32
      %dma_start3A_946 = arith.constant 0 : i32
      %dma_start3A_947 = tpu.memref_slice %arg9[%dma_start3A_945, %dma_start3A_946] : memref<10240x128xf32, #tpu.memory_space<vmem_shared>> -> memref<10240x128xf32, #tpu.memory_space<vmem_shared>>
      tpu.enqueue_indirect_dma source(%arg7 : memref<120x128xf32, #tpu.memory_space<vmem>>) target(%dma_start3A_947 : memref<10240x128xf32, #tpu.memory_space<vmem_shared>>) offsets(%dma_start3A_944 : memref<120xi32, #tpu.memory_space<vmem>>) semaphore(%run_scoped3A : memref<!tpu.dma_semaphore, #tpu.memory_space<semaphore_mem>>) {add = true}
      %dma_wait3A_948 = arith.constant 2160 : i32
      %dma_wait3A_949 = tpu.memref_slice %arg5[%dma_wait3A_948] : memref<5040xi32, #tpu.memory_space<vmem>> -> memref<120xi32, #tpu.memory_space<vmem>>
      %dma_wait3A_950 = arith.constant 0 : i32
      %dma_wait3A_951 = arith.constant 0 : i32
      %dma_wait3A_952 = tpu.memref_slice %arg9[%dma_wait3A_950, %dma_wait3A_951] : memref<10240x128xf32, #tpu.memory_space<vmem_shared>> -> memref<10240x128xf32, #tpu.memory_space<vmem_shared>>
      tpu.wait_indirect_dma semaphore(%run_scoped3A : memref<!tpu.dma_semaphore, #tpu.memory_space<semaphore_mem>>) src(%arg7 : memref<120x128xf32, #tpu.memory_space<vmem>>) dst(%dma_wait3A_952 : memref<10240x128xf32, #tpu.memory_space<vmem_shared>>)
      tpu.yield
    }) : () -> ()
    %dma_start3A_276 = arith.constant 2400 : i32
    %dma_start3A_277 = tpu.memref_slice %arg6[%dma_start3A_276] : memref<5040xi32, #tpu.memory_space<vmem>> -> memref<120xi32, #tpu.memory_space<vmem>>
    %dma_start3A_278 = arith.constant 0 : i32
    %dma_start3A_279 = arith.constant 0 : i32
    %dma_start3A_280 = tpu.memref_slice %arg3[%dma_start3A_278, %dma_start3A_279] : memref<20480x128xf32, #tpu.memory_space<hbm>> -> memref<20480x128xf32, #tpu.memory_space<hbm>>
    tpu.enqueue_indirect_dma source(%dma_start3A_280 : memref<20480x128xf32, #tpu.memory_space<hbm>>) target(%arg7 : memref<120x128xf32, #tpu.memory_space<vmem>>) offsets(%dma_start3A_277 : memref<120xi32, #tpu.memory_space<vmem>>) semaphore(%arg10 : memref<!tpu.dma_semaphore, #tpu.memory_space<semaphore_mem>>)
    %dma_wait3A_281 = arith.constant 2280 : i32
    %dma_wait3A_282 = tpu.memref_slice %arg6[%dma_wait3A_281] : memref<5040xi32, #tpu.memory_space<vmem>> -> memref<120xi32, #tpu.memory_space<vmem>>
    %dma_wait3A_283 = arith.constant 0 : i32
    %dma_wait3A_284 = arith.constant 0 : i32
    %dma_wait3A_285 = tpu.memref_slice %arg3[%dma_wait3A_283, %dma_wait3A_284] : memref<20480x128xf32, #tpu.memory_space<hbm>> -> memref<20480x128xf32, #tpu.memory_space<hbm>>
    tpu.wait_indirect_dma semaphore(%arg11 : memref<!tpu.dma_semaphore, #tpu.memory_space<semaphore_mem>>) src(%dma_wait3A_285 : memref<20480x128xf32, #tpu.memory_space<hbm>>) dst(%arg8 : memref<120x128xf32, #tpu.memory_space<vmem>>)
    "tpu.region"() ({
      %run_scoped3A = tpu.sem_alloc : memref<!tpu.dma_semaphore, #tpu.memory_space<semaphore_mem>>
      %dma_start3A_943 = arith.constant 2280 : i32
      %dma_start3A_944 = tpu.memref_slice %arg5[%dma_start3A_943] : memref<5040xi32, #tpu.memory_space<vmem>> -> memref<120xi32, #tpu.memory_space<vmem>>
      %dma_start3A_945 = arith.constant 0 : i32
      %dma_start3A_946 = arith.constant 0 : i32
      %dma_start3A_947 = tpu.memref_slice %arg9[%dma_start3A_945, %dma_start3A_946] : memref<10240x128xf32, #tpu.memory_space<vmem_shared>> -> memref<10240x128xf32, #tpu.memory_space<vmem_shared>>
      tpu.enqueue_indirect_dma source(%arg8 : memref<120x128xf32, #tpu.memory_space<vmem>>) target(%dma_start3A_947 : memref<10240x128xf32, #tpu.memory_space<vmem_shared>>) offsets(%dma_start3A_944 : memref<120xi32, #tpu.memory_space<vmem>>) semaphore(%run_scoped3A : memref<!tpu.dma_semaphore, #tpu.memory_space<semaphore_mem>>) {add = true}
      %dma_wait3A_948 = arith.constant 2280 : i32
      %dma_wait3A_949 = tpu.memref_slice %arg5[%dma_wait3A_948] : memref<5040xi32, #tpu.memory_space<vmem>> -> memref<120xi32, #tpu.memory_space<vmem>>
      %dma_wait3A_950 = arith.constant 0 : i32
      %dma_wait3A_951 = arith.constant 0 : i32
      %dma_wait3A_952 = tpu.memref_slice %arg9[%dma_wait3A_950, %dma_wait3A_951] : memref<10240x128xf32, #tpu.memory_space<vmem_shared>> -> memref<10240x128xf32, #tpu.memory_space<vmem_shared>>
      tpu.wait_indirect_dma semaphore(%run_scoped3A : memref<!tpu.dma_semaphore, #tpu.memory_space<semaphore_mem>>) src(%arg8 : memref<120x128xf32, #tpu.memory_space<vmem>>) dst(%dma_wait3A_952 : memref<10240x128xf32, #tpu.memory_space<vmem_shared>>)
      tpu.yield
    }) : () -> ()
    %dma_start3A_286 = arith.constant 2520 : i32
    %dma_start3A_287 = tpu.memref_slice %arg6[%dma_start3A_286] : memref<5040xi32, #tpu.memory_space<vmem>> -> memref<120xi32, #tpu.memory_space<vmem>>
    %dma_start3A_288 = arith.constant 0 : i32
    %dma_start3A_289 = arith.constant 0 : i32
    %dma_start3A_290 = tpu.memref_slice %arg3[%dma_start3A_288, %dma_start3A_289] : memref<20480x128xf32, #tpu.memory_space<hbm>> -> memref<20480x128xf32, #tpu.memory_space<hbm>>
    tpu.enqueue_indirect_dma source(%dma_start3A_290 : memref<20480x128xf32, #tpu.memory_space<hbm>>) target(%arg8 : memref<120x128xf32, #tpu.memory_space<vmem>>) offsets(%dma_start3A_287 : memref<120xi32, #tpu.memory_space<vmem>>) semaphore(%arg11 : memref<!tpu.dma_semaphore, #tpu.memory_space<semaphore_mem>>)
    %dma_wait3A_291 = arith.constant 2400 : i32
    %dma_wait3A_292 = tpu.memref_slice %arg6[%dma_wait3A_291] : memref<5040xi32, #tpu.memory_space<vmem>> -> memref<120xi32, #tpu.memory_space<vmem>>
    %dma_wait3A_293 = arith.constant 0 : i32
    %dma_wait3A_294 = arith.constant 0 : i32
    %dma_wait3A_295 = tpu.memref_slice %arg3[%dma_wait3A_293, %dma_wait3A_294] : memref<20480x128xf32, #tpu.memory_space<hbm>> -> memref<20480x128xf32, #tpu.memory_space<hbm>>
    tpu.wait_indirect_dma semaphore(%arg10 : memref<!tpu.dma_semaphore, #tpu.memory_space<semaphore_mem>>) src(%dma_wait3A_295 : memref<20480x128xf32, #tpu.memory_space<hbm>>) dst(%arg7 : memref<120x128xf32, #tpu.memory_space<vmem>>)
    "tpu.region"() ({
      %run_scoped3A = tpu.sem_alloc : memref<!tpu.dma_semaphore, #tpu.memory_space<semaphore_mem>>
      %dma_start3A_943 = arith.constant 2400 : i32
      %dma_start3A_944 = tpu.memref_slice %arg5[%dma_start3A_943] : memref<5040xi32, #tpu.memory_space<vmem>> -> memref<120xi32, #tpu.memory_space<vmem>>
      %dma_start3A_945 = arith.constant 0 : i32
      %dma_start3A_946 = arith.constant 0 : i32
      %dma_start3A_947 = tpu.memref_slice %arg9[%dma_start3A_945, %dma_start3A_946] : memref<10240x128xf32, #tpu.memory_space<vmem_shared>> -> memref<10240x128xf32, #tpu.memory_space<vmem_shared>>
      tpu.enqueue_indirect_dma source(%arg7 : memref<120x128xf32, #tpu.memory_space<vmem>>) target(%dma_start3A_947 : memref<10240x128xf32, #tpu.memory_space<vmem_shared>>) offsets(%dma_start3A_944 : memref<120xi32, #tpu.memory_space<vmem>>) semaphore(%run_scoped3A : memref<!tpu.dma_semaphore, #tpu.memory_space<semaphore_mem>>) {add = true}
      %dma_wait3A_948 = arith.constant 2400 : i32
      %dma_wait3A_949 = tpu.memref_slice %arg5[%dma_wait3A_948] : memref<5040xi32, #tpu.memory_space<vmem>> -> memref<120xi32, #tpu.memory_space<vmem>>
      %dma_wait3A_950 = arith.constant 0 : i32
      %dma_wait3A_951 = arith.constant 0 : i32
      %dma_wait3A_952 = tpu.memref_slice %arg9[%dma_wait3A_950, %dma_wait3A_951] : memref<10240x128xf32, #tpu.memory_space<vmem_shared>> -> memref<10240x128xf32, #tpu.memory_space<vmem_shared>>
      tpu.wait_indirect_dma semaphore(%run_scoped3A : memref<!tpu.dma_semaphore, #tpu.memory_space<semaphore_mem>>) src(%arg7 : memref<120x128xf32, #tpu.memory_space<vmem>>) dst(%dma_wait3A_952 : memref<10240x128xf32, #tpu.memory_space<vmem_shared>>)
      tpu.yield
    }) : () -> ()
    %dma_start3A_296 = arith.constant 2640 : i32
    %dma_start3A_297 = tpu.memref_slice %arg6[%dma_start3A_296] : memref<5040xi32, #tpu.memory_space<vmem>> -> memref<120xi32, #tpu.memory_space<vmem>>
    %dma_start3A_298 = arith.constant 0 : i32
    %dma_start3A_299 = arith.constant 0 : i32
    %dma_start3A_300 = tpu.memref_slice %arg3[%dma_start3A_298, %dma_start3A_299] : memref<20480x128xf32, #tpu.memory_space<hbm>> -> memref<20480x128xf32, #tpu.memory_space<hbm>>
    tpu.enqueue_indirect_dma source(%dma_start3A_300 : memref<20480x128xf32, #tpu.memory_space<hbm>>) target(%arg7 : memref<120x128xf32, #tpu.memory_space<vmem>>) offsets(%dma_start3A_297 : memref<120xi32, #tpu.memory_space<vmem>>) semaphore(%arg10 : memref<!tpu.dma_semaphore, #tpu.memory_space<semaphore_mem>>)
    %dma_wait3A_301 = arith.constant 2520 : i32
    %dma_wait3A_302 = tpu.memref_slice %arg6[%dma_wait3A_301] : memref<5040xi32, #tpu.memory_space<vmem>> -> memref<120xi32, #tpu.memory_space<vmem>>
    %dma_wait3A_303 = arith.constant 0 : i32
    %dma_wait3A_304 = arith.constant 0 : i32
    %dma_wait3A_305 = tpu.memref_slice %arg3[%dma_wait3A_303, %dma_wait3A_304] : memref<20480x128xf32, #tpu.memory_space<hbm>> -> memref<20480x128xf32, #tpu.memory_space<hbm>>
    tpu.wait_indirect_dma semaphore(%arg11 : memref<!tpu.dma_semaphore, #tpu.memory_space<semaphore_mem>>) src(%dma_wait3A_305 : memref<20480x128xf32, #tpu.memory_space<hbm>>) dst(%arg8 : memref<120x128xf32, #tpu.memory_space<vmem>>)
    "tpu.region"() ({
      %run_scoped3A = tpu.sem_alloc : memref<!tpu.dma_semaphore, #tpu.memory_space<semaphore_mem>>
      %dma_start3A_943 = arith.constant 2520 : i32
      %dma_start3A_944 = tpu.memref_slice %arg5[%dma_start3A_943] : memref<5040xi32, #tpu.memory_space<vmem>> -> memref<120xi32, #tpu.memory_space<vmem>>
      %dma_start3A_945 = arith.constant 0 : i32
      %dma_start3A_946 = arith.constant 0 : i32
      %dma_start3A_947 = tpu.memref_slice %arg9[%dma_start3A_945, %dma_start3A_946] : memref<10240x128xf32, #tpu.memory_space<vmem_shared>> -> memref<10240x128xf32, #tpu.memory_space<vmem_shared>>
      tpu.enqueue_indirect_dma source(%arg8 : memref<120x128xf32, #tpu.memory_space<vmem>>) target(%dma_start3A_947 : memref<10240x128xf32, #tpu.memory_space<vmem_shared>>) offsets(%dma_start3A_944 : memref<120xi32, #tpu.memory_space<vmem>>) semaphore(%run_scoped3A : memref<!tpu.dma_semaphore, #tpu.memory_space<semaphore_mem>>) {add = true}
      %dma_wait3A_948 = arith.constant 2520 : i32
      %dma_wait3A_949 = tpu.memref_slice %arg5[%dma_wait3A_948] : memref<5040xi32, #tpu.memory_space<vmem>> -> memref<120xi32, #tpu.memory_space<vmem>>
      %dma_wait3A_950 = arith.constant 0 : i32
      %dma_wait3A_951 = arith.constant 0 : i32
      %dma_wait3A_952 = tpu.memref_slice %arg9[%dma_wait3A_950, %dma_wait3A_951] : memref<10240x128xf32, #tpu.memory_space<vmem_shared>> -> memref<10240x128xf32, #tpu.memory_space<vmem_shared>>
      tpu.wait_indirect_dma semaphore(%run_scoped3A : memref<!tpu.dma_semaphore, #tpu.memory_space<semaphore_mem>>) src(%arg8 : memref<120x128xf32, #tpu.memory_space<vmem>>) dst(%dma_wait3A_952 : memref<10240x128xf32, #tpu.memory_space<vmem_shared>>)
      tpu.yield
    }) : () -> ()
    %dma_start3A_306 = arith.constant 2760 : i32
    %dma_start3A_307 = tpu.memref_slice %arg6[%dma_start3A_306] : memref<5040xi32, #tpu.memory_space<vmem>> -> memref<120xi32, #tpu.memory_space<vmem>>
    %dma_start3A_308 = arith.constant 0 : i32
    %dma_start3A_309 = arith.constant 0 : i32
    %dma_start3A_310 = tpu.memref_slice %arg3[%dma_start3A_308, %dma_start3A_309] : memref<20480x128xf32, #tpu.memory_space<hbm>> -> memref<20480x128xf32, #tpu.memory_space<hbm>>
    tpu.enqueue_indirect_dma source(%dma_start3A_310 : memref<20480x128xf32, #tpu.memory_space<hbm>>) target(%arg8 : memref<120x128xf32, #tpu.memory_space<vmem>>) offsets(%dma_start3A_307 : memref<120xi32, #tpu.memory_space<vmem>>) semaphore(%arg11 : memref<!tpu.dma_semaphore, #tpu.memory_space<semaphore_mem>>)
    %dma_wait3A_311 = arith.constant 2640 : i32
    %dma_wait3A_312 = tpu.memref_slice %arg6[%dma_wait3A_311] : memref<5040xi32, #tpu.memory_space<vmem>> -> memref<120xi32, #tpu.memory_space<vmem>>
    %dma_wait3A_313 = arith.constant 0 : i32
    %dma_wait3A_314 = arith.constant 0 : i32
    %dma_wait3A_315 = tpu.memref_slice %arg3[%dma_wait3A_313, %dma_wait3A_314] : memref<20480x128xf32, #tpu.memory_space<hbm>> -> memref<20480x128xf32, #tpu.memory_space<hbm>>
    tpu.wait_indirect_dma semaphore(%arg10 : memref<!tpu.dma_semaphore, #tpu.memory_space<semaphore_mem>>) src(%dma_wait3A_315 : memref<20480x128xf32, #tpu.memory_space<hbm>>) dst(%arg7 : memref<120x128xf32, #tpu.memory_space<vmem>>)
    "tpu.region"() ({
      %run_scoped3A = tpu.sem_alloc : memref<!tpu.dma_semaphore, #tpu.memory_space<semaphore_mem>>
      %dma_start3A_943 = arith.constant 2640 : i32
      %dma_start3A_944 = tpu.memref_slice %arg5[%dma_start3A_943] : memref<5040xi32, #tpu.memory_space<vmem>> -> memref<120xi32, #tpu.memory_space<vmem>>
      %dma_start3A_945 = arith.constant 0 : i32
      %dma_start3A_946 = arith.constant 0 : i32
      %dma_start3A_947 = tpu.memref_slice %arg9[%dma_start3A_945, %dma_start3A_946] : memref<10240x128xf32, #tpu.memory_space<vmem_shared>> -> memref<10240x128xf32, #tpu.memory_space<vmem_shared>>
      tpu.enqueue_indirect_dma source(%arg7 : memref<120x128xf32, #tpu.memory_space<vmem>>) target(%dma_start3A_947 : memref<10240x128xf32, #tpu.memory_space<vmem_shared>>) offsets(%dma_start3A_944 : memref<120xi32, #tpu.memory_space<vmem>>) semaphore(%run_scoped3A : memref<!tpu.dma_semaphore, #tpu.memory_space<semaphore_mem>>) {add = true}
      %dma_wait3A_948 = arith.constant 2640 : i32
      %dma_wait3A_949 = tpu.memref_slice %arg5[%dma_wait3A_948] : memref<5040xi32, #tpu.memory_space<vmem>> -> memref<120xi32, #tpu.memory_space<vmem>>
      %dma_wait3A_950 = arith.constant 0 : i32
      %dma_wait3A_951 = arith.constant 0 : i32
      %dma_wait3A_952 = tpu.memref_slice %arg9[%dma_wait3A_950, %dma_wait3A_951] : memref<10240x128xf32, #tpu.memory_space<vmem_shared>> -> memref<10240x128xf32, #tpu.memory_space<vmem_shared>>
      tpu.wait_indirect_dma semaphore(%run_scoped3A : memref<!tpu.dma_semaphore, #tpu.memory_space<semaphore_mem>>) src(%arg7 : memref<120x128xf32, #tpu.memory_space<vmem>>) dst(%dma_wait3A_952 : memref<10240x128xf32, #tpu.memory_space<vmem_shared>>)
      tpu.yield
    }) : () -> ()
    %dma_start3A_316 = arith.constant 2880 : i32
    %dma_start3A_317 = tpu.memref_slice %arg6[%dma_start3A_316] : memref<5040xi32, #tpu.memory_space<vmem>> -> memref<120xi32, #tpu.memory_space<vmem>>
    %dma_start3A_318 = arith.constant 0 : i32
    %dma_start3A_319 = arith.constant 0 : i32
    %dma_start3A_320 = tpu.memref_slice %arg3[%dma_start3A_318, %dma_start3A_319] : memref<20480x128xf32, #tpu.memory_space<hbm>> -> memref<20480x128xf32, #tpu.memory_space<hbm>>
    tpu.enqueue_indirect_dma source(%dma_start3A_320 : memref<20480x128xf32, #tpu.memory_space<hbm>>) target(%arg7 : memref<120x128xf32, #tpu.memory_space<vmem>>) offsets(%dma_start3A_317 : memref<120xi32, #tpu.memory_space<vmem>>) semaphore(%arg10 : memref<!tpu.dma_semaphore, #tpu.memory_space<semaphore_mem>>)
    %dma_wait3A_321 = arith.constant 2760 : i32
    %dma_wait3A_322 = tpu.memref_slice %arg6[%dma_wait3A_321] : memref<5040xi32, #tpu.memory_space<vmem>> -> memref<120xi32, #tpu.memory_space<vmem>>
    %dma_wait3A_323 = arith.constant 0 : i32
    %dma_wait3A_324 = arith.constant 0 : i32
    %dma_wait3A_325 = tpu.memref_slice %arg3[%dma_wait3A_323, %dma_wait3A_324] : memref<20480x128xf32, #tpu.memory_space<hbm>> -> memref<20480x128xf32, #tpu.memory_space<hbm>>
    tpu.wait_indirect_dma semaphore(%arg11 : memref<!tpu.dma_semaphore, #tpu.memory_space<semaphore_mem>>) src(%dma_wait3A_325 : memref<20480x128xf32, #tpu.memory_space<hbm>>) dst(%arg8 : memref<120x128xf32, #tpu.memory_space<vmem>>)
    "tpu.region"() ({
      %run_scoped3A = tpu.sem_alloc : memref<!tpu.dma_semaphore, #tpu.memory_space<semaphore_mem>>
      %dma_start3A_943 = arith.constant 2760 : i32
      %dma_start3A_944 = tpu.memref_slice %arg5[%dma_start3A_943] : memref<5040xi32, #tpu.memory_space<vmem>> -> memref<120xi32, #tpu.memory_space<vmem>>
      %dma_start3A_945 = arith.constant 0 : i32
      %dma_start3A_946 = arith.constant 0 : i32
      %dma_start3A_947 = tpu.memref_slice %arg9[%dma_start3A_945, %dma_start3A_946] : memref<10240x128xf32, #tpu.memory_space<vmem_shared>> -> memref<10240x128xf32, #tpu.memory_space<vmem_shared>>
      tpu.enqueue_indirect_dma source(%arg8 : memref<120x128xf32, #tpu.memory_space<vmem>>) target(%dma_start3A_947 : memref<10240x128xf32, #tpu.memory_space<vmem_shared>>) offsets(%dma_start3A_944 : memref<120xi32, #tpu.memory_space<vmem>>) semaphore(%run_scoped3A : memref<!tpu.dma_semaphore, #tpu.memory_space<semaphore_mem>>) {add = true}
      %dma_wait3A_948 = arith.constant 2760 : i32
      %dma_wait3A_949 = tpu.memref_slice %arg5[%dma_wait3A_948] : memref<5040xi32, #tpu.memory_space<vmem>> -> memref<120xi32, #tpu.memory_space<vmem>>
      %dma_wait3A_950 = arith.constant 0 : i32
      %dma_wait3A_951 = arith.constant 0 : i32
      %dma_wait3A_952 = tpu.memref_slice %arg9[%dma_wait3A_950, %dma_wait3A_951] : memref<10240x128xf32, #tpu.memory_space<vmem_shared>> -> memref<10240x128xf32, #tpu.memory_space<vmem_shared>>
      tpu.wait_indirect_dma semaphore(%run_scoped3A : memref<!tpu.dma_semaphore, #tpu.memory_space<semaphore_mem>>) src(%arg8 : memref<120x128xf32, #tpu.memory_space<vmem>>) dst(%dma_wait3A_952 : memref<10240x128xf32, #tpu.memory_space<vmem_shared>>)
      tpu.yield
    }) : () -> ()
    %dma_start3A_326 = arith.constant 3000 : i32
    %dma_start3A_327 = tpu.memref_slice %arg6[%dma_start3A_326] : memref<5040xi32, #tpu.memory_space<vmem>> -> memref<120xi32, #tpu.memory_space<vmem>>
    %dma_start3A_328 = arith.constant 0 : i32
    %dma_start3A_329 = arith.constant 0 : i32
    %dma_start3A_330 = tpu.memref_slice %arg3[%dma_start3A_328, %dma_start3A_329] : memref<20480x128xf32, #tpu.memory_space<hbm>> -> memref<20480x128xf32, #tpu.memory_space<hbm>>
    tpu.enqueue_indirect_dma source(%dma_start3A_330 : memref<20480x128xf32, #tpu.memory_space<hbm>>) target(%arg8 : memref<120x128xf32, #tpu.memory_space<vmem>>) offsets(%dma_start3A_327 : memref<120xi32, #tpu.memory_space<vmem>>) semaphore(%arg11 : memref<!tpu.dma_semaphore, #tpu.memory_space<semaphore_mem>>)
    %dma_wait3A_331 = arith.constant 2880 : i32
    %dma_wait3A_332 = tpu.memref_slice %arg6[%dma_wait3A_331] : memref<5040xi32, #tpu.memory_space<vmem>> -> memref<120xi32, #tpu.memory_space<vmem>>
    %dma_wait3A_333 = arith.constant 0 : i32
    %dma_wait3A_334 = arith.constant 0 : i32
    %dma_wait3A_335 = tpu.memref_slice %arg3[%dma_wait3A_333, %dma_wait3A_334] : memref<20480x128xf32, #tpu.memory_space<hbm>> -> memref<20480x128xf32, #tpu.memory_space<hbm>>
    tpu.wait_indirect_dma semaphore(%arg10 : memref<!tpu.dma_semaphore, #tpu.memory_space<semaphore_mem>>) src(%dma_wait3A_335 : memref<20480x128xf32, #tpu.memory_space<hbm>>) dst(%arg7 : memref<120x128xf32, #tpu.memory_space<vmem>>)
    "tpu.region"() ({
      %run_scoped3A = tpu.sem_alloc : memref<!tpu.dma_semaphore, #tpu.memory_space<semaphore_mem>>
      %dma_start3A_943 = arith.constant 2880 : i32
      %dma_start3A_944 = tpu.memref_slice %arg5[%dma_start3A_943] : memref<5040xi32, #tpu.memory_space<vmem>> -> memref<120xi32, #tpu.memory_space<vmem>>
      %dma_start3A_945 = arith.constant 0 : i32
      %dma_start3A_946 = arith.constant 0 : i32
      %dma_start3A_947 = tpu.memref_slice %arg9[%dma_start3A_945, %dma_start3A_946] : memref<10240x128xf32, #tpu.memory_space<vmem_shared>> -> memref<10240x128xf32, #tpu.memory_space<vmem_shared>>
      tpu.enqueue_indirect_dma source(%arg7 : memref<120x128xf32, #tpu.memory_space<vmem>>) target(%dma_start3A_947 : memref<10240x128xf32, #tpu.memory_space<vmem_shared>>) offsets(%dma_start3A_944 : memref<120xi32, #tpu.memory_space<vmem>>) semaphore(%run_scoped3A : memref<!tpu.dma_semaphore, #tpu.memory_space<semaphore_mem>>) {add = true}
      %dma_wait3A_948 = arith.constant 2880 : i32
      %dma_wait3A_949 = tpu.memref_slice %arg5[%dma_wait3A_948] : memref<5040xi32, #tpu.memory_space<vmem>> -> memref<120xi32, #tpu.memory_space<vmem>>
      %dma_wait3A_950 = arith.constant 0 : i32
      %dma_wait3A_951 = arith.constant 0 : i32
      %dma_wait3A_952 = tpu.memref_slice %arg9[%dma_wait3A_950, %dma_wait3A_951] : memref<10240x128xf32, #tpu.memory_space<vmem_shared>> -> memref<10240x128xf32, #tpu.memory_space<vmem_shared>>
      tpu.wait_indirect_dma semaphore(%run_scoped3A : memref<!tpu.dma_semaphore, #tpu.memory_space<semaphore_mem>>) src(%arg7 : memref<120x128xf32, #tpu.memory_space<vmem>>) dst(%dma_wait3A_952 : memref<10240x128xf32, #tpu.memory_space<vmem_shared>>)
      tpu.yield
    }) : () -> ()
    %dma_start3A_336 = arith.constant 3120 : i32
    %dma_start3A_337 = tpu.memref_slice %arg6[%dma_start3A_336] : memref<5040xi32, #tpu.memory_space<vmem>> -> memref<120xi32, #tpu.memory_space<vmem>>
    %dma_start3A_338 = arith.constant 0 : i32
    %dma_start3A_339 = arith.constant 0 : i32
    %dma_start3A_340 = tpu.memref_slice %arg3[%dma_start3A_338, %dma_start3A_339] : memref<20480x128xf32, #tpu.memory_space<hbm>> -> memref<20480x128xf32, #tpu.memory_space<hbm>>
    tpu.enqueue_indirect_dma source(%dma_start3A_340 : memref<20480x128xf32, #tpu.memory_space<hbm>>) target(%arg7 : memref<120x128xf32, #tpu.memory_space<vmem>>) offsets(%dma_start3A_337 : memref<120xi32, #tpu.memory_space<vmem>>) semaphore(%arg10 : memref<!tpu.dma_semaphore, #tpu.memory_space<semaphore_mem>>)
    %dma_wait3A_341 = arith.constant 3000 : i32
    %dma_wait3A_342 = tpu.memref_slice %arg6[%dma_wait3A_341] : memref<5040xi32, #tpu.memory_space<vmem>> -> memref<120xi32, #tpu.memory_space<vmem>>
    %dma_wait3A_343 = arith.constant 0 : i32
    %dma_wait3A_344 = arith.constant 0 : i32
    %dma_wait3A_345 = tpu.memref_slice %arg3[%dma_wait3A_343, %dma_wait3A_344] : memref<20480x128xf32, #tpu.memory_space<hbm>> -> memref<20480x128xf32, #tpu.memory_space<hbm>>
    tpu.wait_indirect_dma semaphore(%arg11 : memref<!tpu.dma_semaphore, #tpu.memory_space<semaphore_mem>>) src(%dma_wait3A_345 : memref<20480x128xf32, #tpu.memory_space<hbm>>) dst(%arg8 : memref<120x128xf32, #tpu.memory_space<vmem>>)
    "tpu.region"() ({
      %run_scoped3A = tpu.sem_alloc : memref<!tpu.dma_semaphore, #tpu.memory_space<semaphore_mem>>
      %dma_start3A_943 = arith.constant 3000 : i32
      %dma_start3A_944 = tpu.memref_slice %arg5[%dma_start3A_943] : memref<5040xi32, #tpu.memory_space<vmem>> -> memref<120xi32, #tpu.memory_space<vmem>>
      %dma_start3A_945 = arith.constant 0 : i32
      %dma_start3A_946 = arith.constant 0 : i32
      %dma_start3A_947 = tpu.memref_slice %arg9[%dma_start3A_945, %dma_start3A_946] : memref<10240x128xf32, #tpu.memory_space<vmem_shared>> -> memref<10240x128xf32, #tpu.memory_space<vmem_shared>>
      tpu.enqueue_indirect_dma source(%arg8 : memref<120x128xf32, #tpu.memory_space<vmem>>) target(%dma_start3A_947 : memref<10240x128xf32, #tpu.memory_space<vmem_shared>>) offsets(%dma_start3A_944 : memref<120xi32, #tpu.memory_space<vmem>>) semaphore(%run_scoped3A : memref<!tpu.dma_semaphore, #tpu.memory_space<semaphore_mem>>) {add = true}
      %dma_wait3A_948 = arith.constant 3000 : i32
      %dma_wait3A_949 = tpu.memref_slice %arg5[%dma_wait3A_948] : memref<5040xi32, #tpu.memory_space<vmem>> -> memref<120xi32, #tpu.memory_space<vmem>>
      %dma_wait3A_950 = arith.constant 0 : i32
      %dma_wait3A_951 = arith.constant 0 : i32
      %dma_wait3A_952 = tpu.memref_slice %arg9[%dma_wait3A_950, %dma_wait3A_951] : memref<10240x128xf32, #tpu.memory_space<vmem_shared>> -> memref<10240x128xf32, #tpu.memory_space<vmem_shared>>
      tpu.wait_indirect_dma semaphore(%run_scoped3A : memref<!tpu.dma_semaphore, #tpu.memory_space<semaphore_mem>>) src(%arg8 : memref<120x128xf32, #tpu.memory_space<vmem>>) dst(%dma_wait3A_952 : memref<10240x128xf32, #tpu.memory_space<vmem_shared>>)
      tpu.yield
    }) : () -> ()
    %dma_start3A_346 = arith.constant 3240 : i32
    %dma_start3A_347 = tpu.memref_slice %arg6[%dma_start3A_346] : memref<5040xi32, #tpu.memory_space<vmem>> -> memref<120xi32, #tpu.memory_space<vmem>>
    %dma_start3A_348 = arith.constant 0 : i32
    %dma_start3A_349 = arith.constant 0 : i32
    %dma_start3A_350 = tpu.memref_slice %arg3[%dma_start3A_348, %dma_start3A_349] : memref<20480x128xf32, #tpu.memory_space<hbm>> -> memref<20480x128xf32, #tpu.memory_space<hbm>>
    tpu.enqueue_indirect_dma source(%dma_start3A_350 : memref<20480x128xf32, #tpu.memory_space<hbm>>) target(%arg8 : memref<120x128xf32, #tpu.memory_space<vmem>>) offsets(%dma_start3A_347 : memref<120xi32, #tpu.memory_space<vmem>>) semaphore(%arg11 : memref<!tpu.dma_semaphore, #tpu.memory_space<semaphore_mem>>)
    %dma_wait3A_351 = arith.constant 3120 : i32
    %dma_wait3A_352 = tpu.memref_slice %arg6[%dma_wait3A_351] : memref<5040xi32, #tpu.memory_space<vmem>> -> memref<120xi32, #tpu.memory_space<vmem>>
    %dma_wait3A_353 = arith.constant 0 : i32
    %dma_wait3A_354 = arith.constant 0 : i32
    %dma_wait3A_355 = tpu.memref_slice %arg3[%dma_wait3A_353, %dma_wait3A_354] : memref<20480x128xf32, #tpu.memory_space<hbm>> -> memref<20480x128xf32, #tpu.memory_space<hbm>>
    tpu.wait_indirect_dma semaphore(%arg10 : memref<!tpu.dma_semaphore, #tpu.memory_space<semaphore_mem>>) src(%dma_wait3A_355 : memref<20480x128xf32, #tpu.memory_space<hbm>>) dst(%arg7 : memref<120x128xf32, #tpu.memory_space<vmem>>)
    "tpu.region"() ({
      %run_scoped3A = tpu.sem_alloc : memref<!tpu.dma_semaphore, #tpu.memory_space<semaphore_mem>>
      %dma_start3A_943 = arith.constant 3120 : i32
      %dma_start3A_944 = tpu.memref_slice %arg5[%dma_start3A_943] : memref<5040xi32, #tpu.memory_space<vmem>> -> memref<120xi32, #tpu.memory_space<vmem>>
      %dma_start3A_945 = arith.constant 0 : i32
      %dma_start3A_946 = arith.constant 0 : i32
      %dma_start3A_947 = tpu.memref_slice %arg9[%dma_start3A_945, %dma_start3A_946] : memref<10240x128xf32, #tpu.memory_space<vmem_shared>> -> memref<10240x128xf32, #tpu.memory_space<vmem_shared>>
      tpu.enqueue_indirect_dma source(%arg7 : memref<120x128xf32, #tpu.memory_space<vmem>>) target(%dma_start3A_947 : memref<10240x128xf32, #tpu.memory_space<vmem_shared>>) offsets(%dma_start3A_944 : memref<120xi32, #tpu.memory_space<vmem>>) semaphore(%run_scoped3A : memref<!tpu.dma_semaphore, #tpu.memory_space<semaphore_mem>>) {add = true}
      %dma_wait3A_948 = arith.constant 3120 : i32
      %dma_wait3A_949 = tpu.memref_slice %arg5[%dma_wait3A_948] : memref<5040xi32, #tpu.memory_space<vmem>> -> memref<120xi32, #tpu.memory_space<vmem>>
      %dma_wait3A_950 = arith.constant 0 : i32
      %dma_wait3A_951 = arith.constant 0 : i32
      %dma_wait3A_952 = tpu.memref_slice %arg9[%dma_wait3A_950, %dma_wait3A_951] : memref<10240x128xf32, #tpu.memory_space<vmem_shared>> -> memref<10240x128xf32, #tpu.memory_space<vmem_shared>>
      tpu.wait_indirect_dma semaphore(%run_scoped3A : memref<!tpu.dma_semaphore, #tpu.memory_space<semaphore_mem>>) src(%arg7 : memref<120x128xf32, #tpu.memory_space<vmem>>) dst(%dma_wait3A_952 : memref<10240x128xf32, #tpu.memory_space<vmem_shared>>)
      tpu.yield
    }) : () -> ()
    %dma_start3A_356 = arith.constant 3360 : i32
    %dma_start3A_357 = tpu.memref_slice %arg6[%dma_start3A_356] : memref<5040xi32, #tpu.memory_space<vmem>> -> memref<120xi32, #tpu.memory_space<vmem>>
    %dma_start3A_358 = arith.constant 0 : i32
    %dma_start3A_359 = arith.constant 0 : i32
    %dma_start3A_360 = tpu.memref_slice %arg3[%dma_start3A_358, %dma_start3A_359] : memref<20480x128xf32, #tpu.memory_space<hbm>> -> memref<20480x128xf32, #tpu.memory_space<hbm>>
    tpu.enqueue_indirect_dma source(%dma_start3A_360 : memref<20480x128xf32, #tpu.memory_space<hbm>>) target(%arg7 : memref<120x128xf32, #tpu.memory_space<vmem>>) offsets(%dma_start3A_357 : memref<120xi32, #tpu.memory_space<vmem>>) semaphore(%arg10 : memref<!tpu.dma_semaphore, #tpu.memory_space<semaphore_mem>>)
    %dma_wait3A_361 = arith.constant 3240 : i32
    %dma_wait3A_362 = tpu.memref_slice %arg6[%dma_wait3A_361] : memref<5040xi32, #tpu.memory_space<vmem>> -> memref<120xi32, #tpu.memory_space<vmem>>
    %dma_wait3A_363 = arith.constant 0 : i32
    %dma_wait3A_364 = arith.constant 0 : i32
    %dma_wait3A_365 = tpu.memref_slice %arg3[%dma_wait3A_363, %dma_wait3A_364] : memref<20480x128xf32, #tpu.memory_space<hbm>> -> memref<20480x128xf32, #tpu.memory_space<hbm>>
    tpu.wait_indirect_dma semaphore(%arg11 : memref<!tpu.dma_semaphore, #tpu.memory_space<semaphore_mem>>) src(%dma_wait3A_365 : memref<20480x128xf32, #tpu.memory_space<hbm>>) dst(%arg8 : memref<120x128xf32, #tpu.memory_space<vmem>>)
    "tpu.region"() ({
      %run_scoped3A = tpu.sem_alloc : memref<!tpu.dma_semaphore, #tpu.memory_space<semaphore_mem>>
      %dma_start3A_943 = arith.constant 3240 : i32
      %dma_start3A_944 = tpu.memref_slice %arg5[%dma_start3A_943] : memref<5040xi32, #tpu.memory_space<vmem>> -> memref<120xi32, #tpu.memory_space<vmem>>
      %dma_start3A_945 = arith.constant 0 : i32
      %dma_start3A_946 = arith.constant 0 : i32
      %dma_start3A_947 = tpu.memref_slice %arg9[%dma_start3A_945, %dma_start3A_946] : memref<10240x128xf32, #tpu.memory_space<vmem_shared>> -> memref<10240x128xf32, #tpu.memory_space<vmem_shared>>
      tpu.enqueue_indirect_dma source(%arg8 : memref<120x128xf32, #tpu.memory_space<vmem>>) target(%dma_start3A_947 : memref<10240x128xf32, #tpu.memory_space<vmem_shared>>) offsets(%dma_start3A_944 : memref<120xi32, #tpu.memory_space<vmem>>) semaphore(%run_scoped3A : memref<!tpu.dma_semaphore, #tpu.memory_space<semaphore_mem>>) {add = true}
      %dma_wait3A_948 = arith.constant 3240 : i32
      %dma_wait3A_949 = tpu.memref_slice %arg5[%dma_wait3A_948] : memref<5040xi32, #tpu.memory_space<vmem>> -> memref<120xi32, #tpu.memory_space<vmem>>
      %dma_wait3A_950 = arith.constant 0 : i32
      %dma_wait3A_951 = arith.constant 0 : i32
      %dma_wait3A_952 = tpu.memref_slice %arg9[%dma_wait3A_950, %dma_wait3A_951] : memref<10240x128xf32, #tpu.memory_space<vmem_shared>> -> memref<10240x128xf32, #tpu.memory_space<vmem_shared>>
      tpu.wait_indirect_dma semaphore(%run_scoped3A : memref<!tpu.dma_semaphore, #tpu.memory_space<semaphore_mem>>) src(%arg8 : memref<120x128xf32, #tpu.memory_space<vmem>>) dst(%dma_wait3A_952 : memref<10240x128xf32, #tpu.memory_space<vmem_shared>>)
      tpu.yield
    }) : () -> ()
    %dma_start3A_366 = arith.constant 3480 : i32
    %dma_start3A_367 = tpu.memref_slice %arg6[%dma_start3A_366] : memref<5040xi32, #tpu.memory_space<vmem>> -> memref<120xi32, #tpu.memory_space<vmem>>
    %dma_start3A_368 = arith.constant 0 : i32
    %dma_start3A_369 = arith.constant 0 : i32
    %dma_start3A_370 = tpu.memref_slice %arg3[%dma_start3A_368, %dma_start3A_369] : memref<20480x128xf32, #tpu.memory_space<hbm>> -> memref<20480x128xf32, #tpu.memory_space<hbm>>
    tpu.enqueue_indirect_dma source(%dma_start3A_370 : memref<20480x128xf32, #tpu.memory_space<hbm>>) target(%arg8 : memref<120x128xf32, #tpu.memory_space<vmem>>) offsets(%dma_start3A_367 : memref<120xi32, #tpu.memory_space<vmem>>) semaphore(%arg11 : memref<!tpu.dma_semaphore, #tpu.memory_space<semaphore_mem>>)
    %dma_wait3A_371 = arith.constant 3360 : i32
    %dma_wait3A_372 = tpu.memref_slice %arg6[%dma_wait3A_371] : memref<5040xi32, #tpu.memory_space<vmem>> -> memref<120xi32, #tpu.memory_space<vmem>>
    %dma_wait3A_373 = arith.constant 0 : i32
    %dma_wait3A_374 = arith.constant 0 : i32
    %dma_wait3A_375 = tpu.memref_slice %arg3[%dma_wait3A_373, %dma_wait3A_374] : memref<20480x128xf32, #tpu.memory_space<hbm>> -> memref<20480x128xf32, #tpu.memory_space<hbm>>
    tpu.wait_indirect_dma semaphore(%arg10 : memref<!tpu.dma_semaphore, #tpu.memory_space<semaphore_mem>>) src(%dma_wait3A_375 : memref<20480x128xf32, #tpu.memory_space<hbm>>) dst(%arg7 : memref<120x128xf32, #tpu.memory_space<vmem>>)
    "tpu.region"() ({
      %run_scoped3A = tpu.sem_alloc : memref<!tpu.dma_semaphore, #tpu.memory_space<semaphore_mem>>
      %dma_start3A_943 = arith.constant 3360 : i32
      %dma_start3A_944 = tpu.memref_slice %arg5[%dma_start3A_943] : memref<5040xi32, #tpu.memory_space<vmem>> -> memref<120xi32, #tpu.memory_space<vmem>>
      %dma_start3A_945 = arith.constant 0 : i32
      %dma_start3A_946 = arith.constant 0 : i32
      %dma_start3A_947 = tpu.memref_slice %arg9[%dma_start3A_945, %dma_start3A_946] : memref<10240x128xf32, #tpu.memory_space<vmem_shared>> -> memref<10240x128xf32, #tpu.memory_space<vmem_shared>>
      tpu.enqueue_indirect_dma source(%arg7 : memref<120x128xf32, #tpu.memory_space<vmem>>) target(%dma_start3A_947 : memref<10240x128xf32, #tpu.memory_space<vmem_shared>>) offsets(%dma_start3A_944 : memref<120xi32, #tpu.memory_space<vmem>>) semaphore(%run_scoped3A : memref<!tpu.dma_semaphore, #tpu.memory_space<semaphore_mem>>) {add = true}
      %dma_wait3A_948 = arith.constant 3360 : i32
      %dma_wait3A_949 = tpu.memref_slice %arg5[%dma_wait3A_948] : memref<5040xi32, #tpu.memory_space<vmem>> -> memref<120xi32, #tpu.memory_space<vmem>>
      %dma_wait3A_950 = arith.constant 0 : i32
      %dma_wait3A_951 = arith.constant 0 : i32
      %dma_wait3A_952 = tpu.memref_slice %arg9[%dma_wait3A_950, %dma_wait3A_951] : memref<10240x128xf32, #tpu.memory_space<vmem_shared>> -> memref<10240x128xf32, #tpu.memory_space<vmem_shared>>
      tpu.wait_indirect_dma semaphore(%run_scoped3A : memref<!tpu.dma_semaphore, #tpu.memory_space<semaphore_mem>>) src(%arg7 : memref<120x128xf32, #tpu.memory_space<vmem>>) dst(%dma_wait3A_952 : memref<10240x128xf32, #tpu.memory_space<vmem_shared>>)
      tpu.yield
    }) : () -> ()
    %dma_start3A_376 = arith.constant 3600 : i32
    %dma_start3A_377 = tpu.memref_slice %arg6[%dma_start3A_376] : memref<5040xi32, #tpu.memory_space<vmem>> -> memref<120xi32, #tpu.memory_space<vmem>>
    %dma_start3A_378 = arith.constant 0 : i32
    %dma_start3A_379 = arith.constant 0 : i32
    %dma_start3A_380 = tpu.memref_slice %arg3[%dma_start3A_378, %dma_start3A_379] : memref<20480x128xf32, #tpu.memory_space<hbm>> -> memref<20480x128xf32, #tpu.memory_space<hbm>>
    tpu.enqueue_indirect_dma source(%dma_start3A_380 : memref<20480x128xf32, #tpu.memory_space<hbm>>) target(%arg7 : memref<120x128xf32, #tpu.memory_space<vmem>>) offsets(%dma_start3A_377 : memref<120xi32, #tpu.memory_space<vmem>>) semaphore(%arg10 : memref<!tpu.dma_semaphore, #tpu.memory_space<semaphore_mem>>)
    %dma_wait3A_381 = arith.constant 3480 : i32
    %dma_wait3A_382 = tpu.memref_slice %arg6[%dma_wait3A_381] : memref<5040xi32, #tpu.memory_space<vmem>> -> memref<120xi32, #tpu.memory_space<vmem>>
    %dma_wait3A_383 = arith.constant 0 : i32
    %dma_wait3A_384 = arith.constant 0 : i32
    %dma_wait3A_385 = tpu.memref_slice %arg3[%dma_wait3A_383, %dma_wait3A_384] : memref<20480x128xf32, #tpu.memory_space<hbm>> -> memref<20480x128xf32, #tpu.memory_space<hbm>>
    tpu.wait_indirect_dma semaphore(%arg11 : memref<!tpu.dma_semaphore, #tpu.memory_space<semaphore_mem>>) src(%dma_wait3A_385 : memref<20480x128xf32, #tpu.memory_space<hbm>>) dst(%arg8 : memref<120x128xf32, #tpu.memory_space<vmem>>)
    "tpu.region"() ({
      %run_scoped3A = tpu.sem_alloc : memref<!tpu.dma_semaphore, #tpu.memory_space<semaphore_mem>>
      %dma_start3A_943 = arith.constant 3480 : i32
      %dma_start3A_944 = tpu.memref_slice %arg5[%dma_start3A_943] : memref<5040xi32, #tpu.memory_space<vmem>> -> memref<120xi32, #tpu.memory_space<vmem>>
      %dma_start3A_945 = arith.constant 0 : i32
      %dma_start3A_946 = arith.constant 0 : i32
      %dma_start3A_947 = tpu.memref_slice %arg9[%dma_start3A_945, %dma_start3A_946] : memref<10240x128xf32, #tpu.memory_space<vmem_shared>> -> memref<10240x128xf32, #tpu.memory_space<vmem_shared>>
      tpu.enqueue_indirect_dma source(%arg8 : memref<120x128xf32, #tpu.memory_space<vmem>>) target(%dma_start3A_947 : memref<10240x128xf32, #tpu.memory_space<vmem_shared>>) offsets(%dma_start3A_944 : memref<120xi32, #tpu.memory_space<vmem>>) semaphore(%run_scoped3A : memref<!tpu.dma_semaphore, #tpu.memory_space<semaphore_mem>>) {add = true}
      %dma_wait3A_948 = arith.constant 3480 : i32
      %dma_wait3A_949 = tpu.memref_slice %arg5[%dma_wait3A_948] : memref<5040xi32, #tpu.memory_space<vmem>> -> memref<120xi32, #tpu.memory_space<vmem>>
      %dma_wait3A_950 = arith.constant 0 : i32
      %dma_wait3A_951 = arith.constant 0 : i32
      %dma_wait3A_952 = tpu.memref_slice %arg9[%dma_wait3A_950, %dma_wait3A_951] : memref<10240x128xf32, #tpu.memory_space<vmem_shared>> -> memref<10240x128xf32, #tpu.memory_space<vmem_shared>>
      tpu.wait_indirect_dma semaphore(%run_scoped3A : memref<!tpu.dma_semaphore, #tpu.memory_space<semaphore_mem>>) src(%arg8 : memref<120x128xf32, #tpu.memory_space<vmem>>) dst(%dma_wait3A_952 : memref<10240x128xf32, #tpu.memory_space<vmem_shared>>)
      tpu.yield
    }) : () -> ()
    %dma_start3A_386 = arith.constant 3720 : i32
    %dma_start3A_387 = tpu.memref_slice %arg6[%dma_start3A_386] : memref<5040xi32, #tpu.memory_space<vmem>> -> memref<120xi32, #tpu.memory_space<vmem>>
    %dma_start3A_388 = arith.constant 0 : i32
    %dma_start3A_389 = arith.constant 0 : i32
    %dma_start3A_390 = tpu.memref_slice %arg3[%dma_start3A_388, %dma_start3A_389] : memref<20480x128xf32, #tpu.memory_space<hbm>> -> memref<20480x128xf32, #tpu.memory_space<hbm>>
    tpu.enqueue_indirect_dma source(%dma_start3A_390 : memref<20480x128xf32, #tpu.memory_space<hbm>>) target(%arg8 : memref<120x128xf32, #tpu.memory_space<vmem>>) offsets(%dma_start3A_387 : memref<120xi32, #tpu.memory_space<vmem>>) semaphore(%arg11 : memref<!tpu.dma_semaphore, #tpu.memory_space<semaphore_mem>>)
    %dma_wait3A_391 = arith.constant 3600 : i32
    %dma_wait3A_392 = tpu.memref_slice %arg6[%dma_wait3A_391] : memref<5040xi32, #tpu.memory_space<vmem>> -> memref<120xi32, #tpu.memory_space<vmem>>
    %dma_wait3A_393 = arith.constant 0 : i32
    %dma_wait3A_394 = arith.constant 0 : i32
    %dma_wait3A_395 = tpu.memref_slice %arg3[%dma_wait3A_393, %dma_wait3A_394] : memref<20480x128xf32, #tpu.memory_space<hbm>> -> memref<20480x128xf32, #tpu.memory_space<hbm>>
    tpu.wait_indirect_dma semaphore(%arg10 : memref<!tpu.dma_semaphore, #tpu.memory_space<semaphore_mem>>) src(%dma_wait3A_395 : memref<20480x128xf32, #tpu.memory_space<hbm>>) dst(%arg7 : memref<120x128xf32, #tpu.memory_space<vmem>>)
    "tpu.region"() ({
      %run_scoped3A = tpu.sem_alloc : memref<!tpu.dma_semaphore, #tpu.memory_space<semaphore_mem>>
      %dma_start3A_943 = arith.constant 3600 : i32
      %dma_start3A_944 = tpu.memref_slice %arg5[%dma_start3A_943] : memref<5040xi32, #tpu.memory_space<vmem>> -> memref<120xi32, #tpu.memory_space<vmem>>
      %dma_start3A_945 = arith.constant 0 : i32
      %dma_start3A_946 = arith.constant 0 : i32
      %dma_start3A_947 = tpu.memref_slice %arg9[%dma_start3A_945, %dma_start3A_946] : memref<10240x128xf32, #tpu.memory_space<vmem_shared>> -> memref<10240x128xf32, #tpu.memory_space<vmem_shared>>
      tpu.enqueue_indirect_dma source(%arg7 : memref<120x128xf32, #tpu.memory_space<vmem>>) target(%dma_start3A_947 : memref<10240x128xf32, #tpu.memory_space<vmem_shared>>) offsets(%dma_start3A_944 : memref<120xi32, #tpu.memory_space<vmem>>) semaphore(%run_scoped3A : memref<!tpu.dma_semaphore, #tpu.memory_space<semaphore_mem>>) {add = true}
      %dma_wait3A_948 = arith.constant 3600 : i32
      %dma_wait3A_949 = tpu.memref_slice %arg5[%dma_wait3A_948] : memref<5040xi32, #tpu.memory_space<vmem>> -> memref<120xi32, #tpu.memory_space<vmem>>
      %dma_wait3A_950 = arith.constant 0 : i32
      %dma_wait3A_951 = arith.constant 0 : i32
      %dma_wait3A_952 = tpu.memref_slice %arg9[%dma_wait3A_950, %dma_wait3A_951] : memref<10240x128xf32, #tpu.memory_space<vmem_shared>> -> memref<10240x128xf32, #tpu.memory_space<vmem_shared>>
      tpu.wait_indirect_dma semaphore(%run_scoped3A : memref<!tpu.dma_semaphore, #tpu.memory_space<semaphore_mem>>) src(%arg7 : memref<120x128xf32, #tpu.memory_space<vmem>>) dst(%dma_wait3A_952 : memref<10240x128xf32, #tpu.memory_space<vmem_shared>>)
      tpu.yield
    }) : () -> ()
    %dma_start3A_396 = arith.constant 3840 : i32
    %dma_start3A_397 = tpu.memref_slice %arg6[%dma_start3A_396] : memref<5040xi32, #tpu.memory_space<vmem>> -> memref<120xi32, #tpu.memory_space<vmem>>
    %dma_start3A_398 = arith.constant 0 : i32
    %dma_start3A_399 = arith.constant 0 : i32
    %dma_start3A_400 = tpu.memref_slice %arg3[%dma_start3A_398, %dma_start3A_399] : memref<20480x128xf32, #tpu.memory_space<hbm>> -> memref<20480x128xf32, #tpu.memory_space<hbm>>
    tpu.enqueue_indirect_dma source(%dma_start3A_400 : memref<20480x128xf32, #tpu.memory_space<hbm>>) target(%arg7 : memref<120x128xf32, #tpu.memory_space<vmem>>) offsets(%dma_start3A_397 : memref<120xi32, #tpu.memory_space<vmem>>) semaphore(%arg10 : memref<!tpu.dma_semaphore, #tpu.memory_space<semaphore_mem>>)
    %dma_wait3A_401 = arith.constant 3720 : i32
    %dma_wait3A_402 = tpu.memref_slice %arg6[%dma_wait3A_401] : memref<5040xi32, #tpu.memory_space<vmem>> -> memref<120xi32, #tpu.memory_space<vmem>>
    %dma_wait3A_403 = arith.constant 0 : i32
    %dma_wait3A_404 = arith.constant 0 : i32
    %dma_wait3A_405 = tpu.memref_slice %arg3[%dma_wait3A_403, %dma_wait3A_404] : memref<20480x128xf32, #tpu.memory_space<hbm>> -> memref<20480x128xf32, #tpu.memory_space<hbm>>
    tpu.wait_indirect_dma semaphore(%arg11 : memref<!tpu.dma_semaphore, #tpu.memory_space<semaphore_mem>>) src(%dma_wait3A_405 : memref<20480x128xf32, #tpu.memory_space<hbm>>) dst(%arg8 : memref<120x128xf32, #tpu.memory_space<vmem>>)
    "tpu.region"() ({
      %run_scoped3A = tpu.sem_alloc : memref<!tpu.dma_semaphore, #tpu.memory_space<semaphore_mem>>
      %dma_start3A_943 = arith.constant 3720 : i32
      %dma_start3A_944 = tpu.memref_slice %arg5[%dma_start3A_943] : memref<5040xi32, #tpu.memory_space<vmem>> -> memref<120xi32, #tpu.memory_space<vmem>>
      %dma_start3A_945 = arith.constant 0 : i32
      %dma_start3A_946 = arith.constant 0 : i32
      %dma_start3A_947 = tpu.memref_slice %arg9[%dma_start3A_945, %dma_start3A_946] : memref<10240x128xf32, #tpu.memory_space<vmem_shared>> -> memref<10240x128xf32, #tpu.memory_space<vmem_shared>>
      tpu.enqueue_indirect_dma source(%arg8 : memref<120x128xf32, #tpu.memory_space<vmem>>) target(%dma_start3A_947 : memref<10240x128xf32, #tpu.memory_space<vmem_shared>>) offsets(%dma_start3A_944 : memref<120xi32, #tpu.memory_space<vmem>>) semaphore(%run_scoped3A : memref<!tpu.dma_semaphore, #tpu.memory_space<semaphore_mem>>) {add = true}
      %dma_wait3A_948 = arith.constant 3720 : i32
      %dma_wait3A_949 = tpu.memref_slice %arg5[%dma_wait3A_948] : memref<5040xi32, #tpu.memory_space<vmem>> -> memref<120xi32, #tpu.memory_space<vmem>>
      %dma_wait3A_950 = arith.constant 0 : i32
      %dma_wait3A_951 = arith.constant 0 : i32
      %dma_wait3A_952 = tpu.memref_slice %arg9[%dma_wait3A_950, %dma_wait3A_951] : memref<10240x128xf32, #tpu.memory_space<vmem_shared>> -> memref<10240x128xf32, #tpu.memory_space<vmem_shared>>
      tpu.wait_indirect_dma semaphore(%run_scoped3A : memref<!tpu.dma_semaphore, #tpu.memory_space<semaphore_mem>>) src(%arg8 : memref<120x128xf32, #tpu.memory_space<vmem>>) dst(%dma_wait3A_952 : memref<10240x128xf32, #tpu.memory_space<vmem_shared>>)
      tpu.yield
    }) : () -> ()
    %dma_start3A_406 = arith.constant 3960 : i32
    %dma_start3A_407 = tpu.memref_slice %arg6[%dma_start3A_406] : memref<5040xi32, #tpu.memory_space<vmem>> -> memref<120xi32, #tpu.memory_space<vmem>>
    %dma_start3A_408 = arith.constant 0 : i32
    %dma_start3A_409 = arith.constant 0 : i32
    %dma_start3A_410 = tpu.memref_slice %arg3[%dma_start3A_408, %dma_start3A_409] : memref<20480x128xf32, #tpu.memory_space<hbm>> -> memref<20480x128xf32, #tpu.memory_space<hbm>>
    tpu.enqueue_indirect_dma source(%dma_start3A_410 : memref<20480x128xf32, #tpu.memory_space<hbm>>) target(%arg8 : memref<120x128xf32, #tpu.memory_space<vmem>>) offsets(%dma_start3A_407 : memref<120xi32, #tpu.memory_space<vmem>>) semaphore(%arg11 : memref<!tpu.dma_semaphore, #tpu.memory_space<semaphore_mem>>)
    %dma_wait3A_411 = arith.constant 3840 : i32
    %dma_wait3A_412 = tpu.memref_slice %arg6[%dma_wait3A_411] : memref<5040xi32, #tpu.memory_space<vmem>> -> memref<120xi32, #tpu.memory_space<vmem>>
    %dma_wait3A_413 = arith.constant 0 : i32
    %dma_wait3A_414 = arith.constant 0 : i32
    %dma_wait3A_415 = tpu.memref_slice %arg3[%dma_wait3A_413, %dma_wait3A_414] : memref<20480x128xf32, #tpu.memory_space<hbm>> -> memref<20480x128xf32, #tpu.memory_space<hbm>>
    tpu.wait_indirect_dma semaphore(%arg10 : memref<!tpu.dma_semaphore, #tpu.memory_space<semaphore_mem>>) src(%dma_wait3A_415 : memref<20480x128xf32, #tpu.memory_space<hbm>>) dst(%arg7 : memref<120x128xf32, #tpu.memory_space<vmem>>)
    "tpu.region"() ({
      %run_scoped3A = tpu.sem_alloc : memref<!tpu.dma_semaphore, #tpu.memory_space<semaphore_mem>>
      %dma_start3A_943 = arith.constant 3840 : i32
      %dma_start3A_944 = tpu.memref_slice %arg5[%dma_start3A_943] : memref<5040xi32, #tpu.memory_space<vmem>> -> memref<120xi32, #tpu.memory_space<vmem>>
      %dma_start3A_945 = arith.constant 0 : i32
      %dma_start3A_946 = arith.constant 0 : i32
      %dma_start3A_947 = tpu.memref_slice %arg9[%dma_start3A_945, %dma_start3A_946] : memref<10240x128xf32, #tpu.memory_space<vmem_shared>> -> memref<10240x128xf32, #tpu.memory_space<vmem_shared>>
      tpu.enqueue_indirect_dma source(%arg7 : memref<120x128xf32, #tpu.memory_space<vmem>>) target(%dma_start3A_947 : memref<10240x128xf32, #tpu.memory_space<vmem_shared>>) offsets(%dma_start3A_944 : memref<120xi32, #tpu.memory_space<vmem>>) semaphore(%run_scoped3A : memref<!tpu.dma_semaphore, #tpu.memory_space<semaphore_mem>>) {add = true}
      %dma_wait3A_948 = arith.constant 3840 : i32
      %dma_wait3A_949 = tpu.memref_slice %arg5[%dma_wait3A_948] : memref<5040xi32, #tpu.memory_space<vmem>> -> memref<120xi32, #tpu.memory_space<vmem>>
      %dma_wait3A_950 = arith.constant 0 : i32
      %dma_wait3A_951 = arith.constant 0 : i32
      %dma_wait3A_952 = tpu.memref_slice %arg9[%dma_wait3A_950, %dma_wait3A_951] : memref<10240x128xf32, #tpu.memory_space<vmem_shared>> -> memref<10240x128xf32, #tpu.memory_space<vmem_shared>>
      tpu.wait_indirect_dma semaphore(%run_scoped3A : memref<!tpu.dma_semaphore, #tpu.memory_space<semaphore_mem>>) src(%arg7 : memref<120x128xf32, #tpu.memory_space<vmem>>) dst(%dma_wait3A_952 : memref<10240x128xf32, #tpu.memory_space<vmem_shared>>)
      tpu.yield
    }) : () -> ()
    %dma_start3A_416 = arith.constant 4080 : i32
    %dma_start3A_417 = tpu.memref_slice %arg6[%dma_start3A_416] : memref<5040xi32, #tpu.memory_space<vmem>> -> memref<120xi32, #tpu.memory_space<vmem>>
    %dma_start3A_418 = arith.constant 0 : i32
    %dma_start3A_419 = arith.constant 0 : i32
    %dma_start3A_420 = tpu.memref_slice %arg3[%dma_start3A_418, %dma_start3A_419] : memref<20480x128xf32, #tpu.memory_space<hbm>> -> memref<20480x128xf32, #tpu.memory_space<hbm>>
    tpu.enqueue_indirect_dma source(%dma_start3A_420 : memref<20480x128xf32, #tpu.memory_space<hbm>>) target(%arg7 : memref<120x128xf32, #tpu.memory_space<vmem>>) offsets(%dma_start3A_417 : memref<120xi32, #tpu.memory_space<vmem>>) semaphore(%arg10 : memref<!tpu.dma_semaphore, #tpu.memory_space<semaphore_mem>>)
    %dma_wait3A_421 = arith.constant 3960 : i32
    %dma_wait3A_422 = tpu.memref_slice %arg6[%dma_wait3A_421] : memref<5040xi32, #tpu.memory_space<vmem>> -> memref<120xi32, #tpu.memory_space<vmem>>
    %dma_wait3A_423 = arith.constant 0 : i32
    %dma_wait3A_424 = arith.constant 0 : i32
    %dma_wait3A_425 = tpu.memref_slice %arg3[%dma_wait3A_423, %dma_wait3A_424] : memref<20480x128xf32, #tpu.memory_space<hbm>> -> memref<20480x128xf32, #tpu.memory_space<hbm>>
    tpu.wait_indirect_dma semaphore(%arg11 : memref<!tpu.dma_semaphore, #tpu.memory_space<semaphore_mem>>) src(%dma_wait3A_425 : memref<20480x128xf32, #tpu.memory_space<hbm>>) dst(%arg8 : memref<120x128xf32, #tpu.memory_space<vmem>>)
    "tpu.region"() ({
      %run_scoped3A = tpu.sem_alloc : memref<!tpu.dma_semaphore, #tpu.memory_space<semaphore_mem>>
      %dma_start3A_943 = arith.constant 3960 : i32
      %dma_start3A_944 = tpu.memref_slice %arg5[%dma_start3A_943] : memref<5040xi32, #tpu.memory_space<vmem>> -> memref<120xi32, #tpu.memory_space<vmem>>
      %dma_start3A_945 = arith.constant 0 : i32
      %dma_start3A_946 = arith.constant 0 : i32
      %dma_start3A_947 = tpu.memref_slice %arg9[%dma_start3A_945, %dma_start3A_946] : memref<10240x128xf32, #tpu.memory_space<vmem_shared>> -> memref<10240x128xf32, #tpu.memory_space<vmem_shared>>
      tpu.enqueue_indirect_dma source(%arg8 : memref<120x128xf32, #tpu.memory_space<vmem>>) target(%dma_start3A_947 : memref<10240x128xf32, #tpu.memory_space<vmem_shared>>) offsets(%dma_start3A_944 : memref<120xi32, #tpu.memory_space<vmem>>) semaphore(%run_scoped3A : memref<!tpu.dma_semaphore, #tpu.memory_space<semaphore_mem>>) {add = true}
      %dma_wait3A_948 = arith.constant 3960 : i32
      %dma_wait3A_949 = tpu.memref_slice %arg5[%dma_wait3A_948] : memref<5040xi32, #tpu.memory_space<vmem>> -> memref<120xi32, #tpu.memory_space<vmem>>
      %dma_wait3A_950 = arith.constant 0 : i32
      %dma_wait3A_951 = arith.constant 0 : i32
      %dma_wait3A_952 = tpu.memref_slice %arg9[%dma_wait3A_950, %dma_wait3A_951] : memref<10240x128xf32, #tpu.memory_space<vmem_shared>> -> memref<10240x128xf32, #tpu.memory_space<vmem_shared>>
      tpu.wait_indirect_dma semaphore(%run_scoped3A : memref<!tpu.dma_semaphore, #tpu.memory_space<semaphore_mem>>) src(%arg8 : memref<120x128xf32, #tpu.memory_space<vmem>>) dst(%dma_wait3A_952 : memref<10240x128xf32, #tpu.memory_space<vmem_shared>>)
      tpu.yield
    }) : () -> ()
    %dma_start3A_426 = arith.constant 4200 : i32
    %dma_start3A_427 = tpu.memref_slice %arg6[%dma_start3A_426] : memref<5040xi32, #tpu.memory_space<vmem>> -> memref<120xi32, #tpu.memory_space<vmem>>
    %dma_start3A_428 = arith.constant 0 : i32
    %dma_start3A_429 = arith.constant 0 : i32
    %dma_start3A_430 = tpu.memref_slice %arg3[%dma_start3A_428, %dma_start3A_429] : memref<20480x128xf32, #tpu.memory_space<hbm>> -> memref<20480x128xf32, #tpu.memory_space<hbm>>
    tpu.enqueue_indirect_dma source(%dma_start3A_430 : memref<20480x128xf32, #tpu.memory_space<hbm>>) target(%arg8 : memref<120x128xf32, #tpu.memory_space<vmem>>) offsets(%dma_start3A_427 : memref<120xi32, #tpu.memory_space<vmem>>) semaphore(%arg11 : memref<!tpu.dma_semaphore, #tpu.memory_space<semaphore_mem>>)
    %dma_wait3A_431 = arith.constant 4080 : i32
    %dma_wait3A_432 = tpu.memref_slice %arg6[%dma_wait3A_431] : memref<5040xi32, #tpu.memory_space<vmem>> -> memref<120xi32, #tpu.memory_space<vmem>>
    %dma_wait3A_433 = arith.constant 0 : i32
    %dma_wait3A_434 = arith.constant 0 : i32
    %dma_wait3A_435 = tpu.memref_slice %arg3[%dma_wait3A_433, %dma_wait3A_434] : memref<20480x128xf32, #tpu.memory_space<hbm>> -> memref<20480x128xf32, #tpu.memory_space<hbm>>
    tpu.wait_indirect_dma semaphore(%arg10 : memref<!tpu.dma_semaphore, #tpu.memory_space<semaphore_mem>>) src(%dma_wait3A_435 : memref<20480x128xf32, #tpu.memory_space<hbm>>) dst(%arg7 : memref<120x128xf32, #tpu.memory_space<vmem>>)
    "tpu.region"() ({
      %run_scoped3A = tpu.sem_alloc : memref<!tpu.dma_semaphore, #tpu.memory_space<semaphore_mem>>
      %dma_start3A_943 = arith.constant 4080 : i32
      %dma_start3A_944 = tpu.memref_slice %arg5[%dma_start3A_943] : memref<5040xi32, #tpu.memory_space<vmem>> -> memref<120xi32, #tpu.memory_space<vmem>>
      %dma_start3A_945 = arith.constant 0 : i32
      %dma_start3A_946 = arith.constant 0 : i32
      %dma_start3A_947 = tpu.memref_slice %arg9[%dma_start3A_945, %dma_start3A_946] : memref<10240x128xf32, #tpu.memory_space<vmem_shared>> -> memref<10240x128xf32, #tpu.memory_space<vmem_shared>>
      tpu.enqueue_indirect_dma source(%arg7 : memref<120x128xf32, #tpu.memory_space<vmem>>) target(%dma_start3A_947 : memref<10240x128xf32, #tpu.memory_space<vmem_shared>>) offsets(%dma_start3A_944 : memref<120xi32, #tpu.memory_space<vmem>>) semaphore(%run_scoped3A : memref<!tpu.dma_semaphore, #tpu.memory_space<semaphore_mem>>) {add = true}
      %dma_wait3A_948 = arith.constant 4080 : i32
      %dma_wait3A_949 = tpu.memref_slice %arg5[%dma_wait3A_948] : memref<5040xi32, #tpu.memory_space<vmem>> -> memref<120xi32, #tpu.memory_space<vmem>>
      %dma_wait3A_950 = arith.constant 0 : i32
      %dma_wait3A_951 = arith.constant 0 : i32
      %dma_wait3A_952 = tpu.memref_slice %arg9[%dma_wait3A_950, %dma_wait3A_951] : memref<10240x128xf32, #tpu.memory_space<vmem_shared>> -> memref<10240x128xf32, #tpu.memory_space<vmem_shared>>
      tpu.wait_indirect_dma semaphore(%run_scoped3A : memref<!tpu.dma_semaphore, #tpu.memory_space<semaphore_mem>>) src(%arg7 : memref<120x128xf32, #tpu.memory_space<vmem>>) dst(%dma_wait3A_952 : memref<10240x128xf32, #tpu.memory_space<vmem_shared>>)
      tpu.yield
    }) : () -> ()
    %dma_start3A_436 = arith.constant 4320 : i32
    %dma_start3A_437 = tpu.memref_slice %arg6[%dma_start3A_436] : memref<5040xi32, #tpu.memory_space<vmem>> -> memref<120xi32, #tpu.memory_space<vmem>>
    %dma_start3A_438 = arith.constant 0 : i32
    %dma_start3A_439 = arith.constant 0 : i32
    %dma_start3A_440 = tpu.memref_slice %arg3[%dma_start3A_438, %dma_start3A_439] : memref<20480x128xf32, #tpu.memory_space<hbm>> -> memref<20480x128xf32, #tpu.memory_space<hbm>>
    tpu.enqueue_indirect_dma source(%dma_start3A_440 : memref<20480x128xf32, #tpu.memory_space<hbm>>) target(%arg7 : memref<120x128xf32, #tpu.memory_space<vmem>>) offsets(%dma_start3A_437 : memref<120xi32, #tpu.memory_space<vmem>>) semaphore(%arg10 : memref<!tpu.dma_semaphore, #tpu.memory_space<semaphore_mem>>)
    %dma_wait3A_441 = arith.constant 4200 : i32
    %dma_wait3A_442 = tpu.memref_slice %arg6[%dma_wait3A_441] : memref<5040xi32, #tpu.memory_space<vmem>> -> memref<120xi32, #tpu.memory_space<vmem>>
    %dma_wait3A_443 = arith.constant 0 : i32
    %dma_wait3A_444 = arith.constant 0 : i32
    %dma_wait3A_445 = tpu.memref_slice %arg3[%dma_wait3A_443, %dma_wait3A_444] : memref<20480x128xf32, #tpu.memory_space<hbm>> -> memref<20480x128xf32, #tpu.memory_space<hbm>>
    tpu.wait_indirect_dma semaphore(%arg11 : memref<!tpu.dma_semaphore, #tpu.memory_space<semaphore_mem>>) src(%dma_wait3A_445 : memref<20480x128xf32, #tpu.memory_space<hbm>>) dst(%arg8 : memref<120x128xf32, #tpu.memory_space<vmem>>)
    "tpu.region"() ({
      %run_scoped3A = tpu.sem_alloc : memref<!tpu.dma_semaphore, #tpu.memory_space<semaphore_mem>>
      %dma_start3A_943 = arith.constant 4200 : i32
      %dma_start3A_944 = tpu.memref_slice %arg5[%dma_start3A_943] : memref<5040xi32, #tpu.memory_space<vmem>> -> memref<120xi32, #tpu.memory_space<vmem>>
      %dma_start3A_945 = arith.constant 0 : i32
      %dma_start3A_946 = arith.constant 0 : i32
      %dma_start3A_947 = tpu.memref_slice %arg9[%dma_start3A_945, %dma_start3A_946] : memref<10240x128xf32, #tpu.memory_space<vmem_shared>> -> memref<10240x128xf32, #tpu.memory_space<vmem_shared>>
      tpu.enqueue_indirect_dma source(%arg8 : memref<120x128xf32, #tpu.memory_space<vmem>>) target(%dma_start3A_947 : memref<10240x128xf32, #tpu.memory_space<vmem_shared>>) offsets(%dma_start3A_944 : memref<120xi32, #tpu.memory_space<vmem>>) semaphore(%run_scoped3A : memref<!tpu.dma_semaphore, #tpu.memory_space<semaphore_mem>>) {add = true}
      %dma_wait3A_948 = arith.constant 4200 : i32
      %dma_wait3A_949 = tpu.memref_slice %arg5[%dma_wait3A_948] : memref<5040xi32, #tpu.memory_space<vmem>> -> memref<120xi32, #tpu.memory_space<vmem>>
      %dma_wait3A_950 = arith.constant 0 : i32
      %dma_wait3A_951 = arith.constant 0 : i32
      %dma_wait3A_952 = tpu.memref_slice %arg9[%dma_wait3A_950, %dma_wait3A_951] : memref<10240x128xf32, #tpu.memory_space<vmem_shared>> -> memref<10240x128xf32, #tpu.memory_space<vmem_shared>>
      tpu.wait_indirect_dma semaphore(%run_scoped3A : memref<!tpu.dma_semaphore, #tpu.memory_space<semaphore_mem>>) src(%arg8 : memref<120x128xf32, #tpu.memory_space<vmem>>) dst(%dma_wait3A_952 : memref<10240x128xf32, #tpu.memory_space<vmem_shared>>)
      tpu.yield
    }) : () -> ()
    %dma_start3A_446 = arith.constant 4440 : i32
    %dma_start3A_447 = tpu.memref_slice %arg6[%dma_start3A_446] : memref<5040xi32, #tpu.memory_space<vmem>> -> memref<120xi32, #tpu.memory_space<vmem>>
    %dma_start3A_448 = arith.constant 0 : i32
    %dma_start3A_449 = arith.constant 0 : i32
    %dma_start3A_450 = tpu.memref_slice %arg3[%dma_start3A_448, %dma_start3A_449] : memref<20480x128xf32, #tpu.memory_space<hbm>> -> memref<20480x128xf32, #tpu.memory_space<hbm>>
    tpu.enqueue_indirect_dma source(%dma_start3A_450 : memref<20480x128xf32, #tpu.memory_space<hbm>>) target(%arg8 : memref<120x128xf32, #tpu.memory_space<vmem>>) offsets(%dma_start3A_447 : memref<120xi32, #tpu.memory_space<vmem>>) semaphore(%arg11 : memref<!tpu.dma_semaphore, #tpu.memory_space<semaphore_mem>>)
    %dma_wait3A_451 = arith.constant 4320 : i32
    %dma_wait3A_452 = tpu.memref_slice %arg6[%dma_wait3A_451] : memref<5040xi32, #tpu.memory_space<vmem>> -> memref<120xi32, #tpu.memory_space<vmem>>
    %dma_wait3A_453 = arith.constant 0 : i32
    %dma_wait3A_454 = arith.constant 0 : i32
    %dma_wait3A_455 = tpu.memref_slice %arg3[%dma_wait3A_453, %dma_wait3A_454] : memref<20480x128xf32, #tpu.memory_space<hbm>> -> memref<20480x128xf32, #tpu.memory_space<hbm>>
    tpu.wait_indirect_dma semaphore(%arg10 : memref<!tpu.dma_semaphore, #tpu.memory_space<semaphore_mem>>) src(%dma_wait3A_455 : memref<20480x128xf32, #tpu.memory_space<hbm>>) dst(%arg7 : memref<120x128xf32, #tpu.memory_space<vmem>>)
    "tpu.region"() ({
      %run_scoped3A = tpu.sem_alloc : memref<!tpu.dma_semaphore, #tpu.memory_space<semaphore_mem>>
      %dma_start3A_943 = arith.constant 4320 : i32
      %dma_start3A_944 = tpu.memref_slice %arg5[%dma_start3A_943] : memref<5040xi32, #tpu.memory_space<vmem>> -> memref<120xi32, #tpu.memory_space<vmem>>
      %dma_start3A_945 = arith.constant 0 : i32
      %dma_start3A_946 = arith.constant 0 : i32
      %dma_start3A_947 = tpu.memref_slice %arg9[%dma_start3A_945, %dma_start3A_946] : memref<10240x128xf32, #tpu.memory_space<vmem_shared>> -> memref<10240x128xf32, #tpu.memory_space<vmem_shared>>
      tpu.enqueue_indirect_dma source(%arg7 : memref<120x128xf32, #tpu.memory_space<vmem>>) target(%dma_start3A_947 : memref<10240x128xf32, #tpu.memory_space<vmem_shared>>) offsets(%dma_start3A_944 : memref<120xi32, #tpu.memory_space<vmem>>) semaphore(%run_scoped3A : memref<!tpu.dma_semaphore, #tpu.memory_space<semaphore_mem>>) {add = true}
      %dma_wait3A_948 = arith.constant 4320 : i32
      %dma_wait3A_949 = tpu.memref_slice %arg5[%dma_wait3A_948] : memref<5040xi32, #tpu.memory_space<vmem>> -> memref<120xi32, #tpu.memory_space<vmem>>
      %dma_wait3A_950 = arith.constant 0 : i32
      %dma_wait3A_951 = arith.constant 0 : i32
      %dma_wait3A_952 = tpu.memref_slice %arg9[%dma_wait3A_950, %dma_wait3A_951] : memref<10240x128xf32, #tpu.memory_space<vmem_shared>> -> memref<10240x128xf32, #tpu.memory_space<vmem_shared>>
      tpu.wait_indirect_dma semaphore(%run_scoped3A : memref<!tpu.dma_semaphore, #tpu.memory_space<semaphore_mem>>) src(%arg7 : memref<120x128xf32, #tpu.memory_space<vmem>>) dst(%dma_wait3A_952 : memref<10240x128xf32, #tpu.memory_space<vmem_shared>>)
      tpu.yield
    }) : () -> ()
    %dma_start3A_456 = arith.constant 4560 : i32
    %dma_start3A_457 = tpu.memref_slice %arg6[%dma_start3A_456] : memref<5040xi32, #tpu.memory_space<vmem>> -> memref<120xi32, #tpu.memory_space<vmem>>
    %dma_start3A_458 = arith.constant 0 : i32
    %dma_start3A_459 = arith.constant 0 : i32
    %dma_start3A_460 = tpu.memref_slice %arg3[%dma_start3A_458, %dma_start3A_459] : memref<20480x128xf32, #tpu.memory_space<hbm>> -> memref<20480x128xf32, #tpu.memory_space<hbm>>
    tpu.enqueue_indirect_dma source(%dma_start3A_460 : memref<20480x128xf32, #tpu.memory_space<hbm>>) target(%arg7 : memref<120x128xf32, #tpu.memory_space<vmem>>) offsets(%dma_start3A_457 : memref<120xi32, #tpu.memory_space<vmem>>) semaphore(%arg10 : memref<!tpu.dma_semaphore, #tpu.memory_space<semaphore_mem>>)
    %dma_wait3A_461 = arith.constant 4440 : i32
    %dma_wait3A_462 = tpu.memref_slice %arg6[%dma_wait3A_461] : memref<5040xi32, #tpu.memory_space<vmem>> -> memref<120xi32, #tpu.memory_space<vmem>>
    %dma_wait3A_463 = arith.constant 0 : i32
    %dma_wait3A_464 = arith.constant 0 : i32
    %dma_wait3A_465 = tpu.memref_slice %arg3[%dma_wait3A_463, %dma_wait3A_464] : memref<20480x128xf32, #tpu.memory_space<hbm>> -> memref<20480x128xf32, #tpu.memory_space<hbm>>
    tpu.wait_indirect_dma semaphore(%arg11 : memref<!tpu.dma_semaphore, #tpu.memory_space<semaphore_mem>>) src(%dma_wait3A_465 : memref<20480x128xf32, #tpu.memory_space<hbm>>) dst(%arg8 : memref<120x128xf32, #tpu.memory_space<vmem>>)
    "tpu.region"() ({
      %run_scoped3A = tpu.sem_alloc : memref<!tpu.dma_semaphore, #tpu.memory_space<semaphore_mem>>
      %dma_start3A_943 = arith.constant 4440 : i32
      %dma_start3A_944 = tpu.memref_slice %arg5[%dma_start3A_943] : memref<5040xi32, #tpu.memory_space<vmem>> -> memref<120xi32, #tpu.memory_space<vmem>>
      %dma_start3A_945 = arith.constant 0 : i32
      %dma_start3A_946 = arith.constant 0 : i32
      %dma_start3A_947 = tpu.memref_slice %arg9[%dma_start3A_945, %dma_start3A_946] : memref<10240x128xf32, #tpu.memory_space<vmem_shared>> -> memref<10240x128xf32, #tpu.memory_space<vmem_shared>>
      tpu.enqueue_indirect_dma source(%arg8 : memref<120x128xf32, #tpu.memory_space<vmem>>) target(%dma_start3A_947 : memref<10240x128xf32, #tpu.memory_space<vmem_shared>>) offsets(%dma_start3A_944 : memref<120xi32, #tpu.memory_space<vmem>>) semaphore(%run_scoped3A : memref<!tpu.dma_semaphore, #tpu.memory_space<semaphore_mem>>) {add = true}
      %dma_wait3A_948 = arith.constant 4440 : i32
      %dma_wait3A_949 = tpu.memref_slice %arg5[%dma_wait3A_948] : memref<5040xi32, #tpu.memory_space<vmem>> -> memref<120xi32, #tpu.memory_space<vmem>>
      %dma_wait3A_950 = arith.constant 0 : i32
      %dma_wait3A_951 = arith.constant 0 : i32
      %dma_wait3A_952 = tpu.memref_slice %arg9[%dma_wait3A_950, %dma_wait3A_951] : memref<10240x128xf32, #tpu.memory_space<vmem_shared>> -> memref<10240x128xf32, #tpu.memory_space<vmem_shared>>
      tpu.wait_indirect_dma semaphore(%run_scoped3A : memref<!tpu.dma_semaphore, #tpu.memory_space<semaphore_mem>>) src(%arg8 : memref<120x128xf32, #tpu.memory_space<vmem>>) dst(%dma_wait3A_952 : memref<10240x128xf32, #tpu.memory_space<vmem_shared>>)
      tpu.yield
    }) : () -> ()
    %dma_start3A_466 = arith.constant 4680 : i32
    %dma_start3A_467 = tpu.memref_slice %arg6[%dma_start3A_466] : memref<5040xi32, #tpu.memory_space<vmem>> -> memref<120xi32, #tpu.memory_space<vmem>>
    %dma_start3A_468 = arith.constant 0 : i32
    %dma_start3A_469 = arith.constant 0 : i32
    %dma_start3A_470 = tpu.memref_slice %arg3[%dma_start3A_468, %dma_start3A_469] : memref<20480x128xf32, #tpu.memory_space<hbm>> -> memref<20480x128xf32, #tpu.memory_space<hbm>>
    tpu.enqueue_indirect_dma source(%dma_start3A_470 : memref<20480x128xf32, #tpu.memory_space<hbm>>) target(%arg8 : memref<120x128xf32, #tpu.memory_space<vmem>>) offsets(%dma_start3A_467 : memref<120xi32, #tpu.memory_space<vmem>>) semaphore(%arg11 : memref<!tpu.dma_semaphore, #tpu.memory_space<semaphore_mem>>)
    %dma_wait3A_471 = arith.constant 4560 : i32
    %dma_wait3A_472 = tpu.memref_slice %arg6[%dma_wait3A_471] : memref<5040xi32, #tpu.memory_space<vmem>> -> memref<120xi32, #tpu.memory_space<vmem>>
    %dma_wait3A_473 = arith.constant 0 : i32
    %dma_wait3A_474 = arith.constant 0 : i32
    %dma_wait3A_475 = tpu.memref_slice %arg3[%dma_wait3A_473, %dma_wait3A_474] : memref<20480x128xf32, #tpu.memory_space<hbm>> -> memref<20480x128xf32, #tpu.memory_space<hbm>>
    tpu.wait_indirect_dma semaphore(%arg10 : memref<!tpu.dma_semaphore, #tpu.memory_space<semaphore_mem>>) src(%dma_wait3A_475 : memref<20480x128xf32, #tpu.memory_space<hbm>>) dst(%arg7 : memref<120x128xf32, #tpu.memory_space<vmem>>)
    "tpu.region"() ({
      %run_scoped3A = tpu.sem_alloc : memref<!tpu.dma_semaphore, #tpu.memory_space<semaphore_mem>>
      %dma_start3A_943 = arith.constant 4560 : i32
      %dma_start3A_944 = tpu.memref_slice %arg5[%dma_start3A_943] : memref<5040xi32, #tpu.memory_space<vmem>> -> memref<120xi32, #tpu.memory_space<vmem>>
      %dma_start3A_945 = arith.constant 0 : i32
      %dma_start3A_946 = arith.constant 0 : i32
      %dma_start3A_947 = tpu.memref_slice %arg9[%dma_start3A_945, %dma_start3A_946] : memref<10240x128xf32, #tpu.memory_space<vmem_shared>> -> memref<10240x128xf32, #tpu.memory_space<vmem_shared>>
      tpu.enqueue_indirect_dma source(%arg7 : memref<120x128xf32, #tpu.memory_space<vmem>>) target(%dma_start3A_947 : memref<10240x128xf32, #tpu.memory_space<vmem_shared>>) offsets(%dma_start3A_944 : memref<120xi32, #tpu.memory_space<vmem>>) semaphore(%run_scoped3A : memref<!tpu.dma_semaphore, #tpu.memory_space<semaphore_mem>>) {add = true}
      %dma_wait3A_948 = arith.constant 4560 : i32
      %dma_wait3A_949 = tpu.memref_slice %arg5[%dma_wait3A_948] : memref<5040xi32, #tpu.memory_space<vmem>> -> memref<120xi32, #tpu.memory_space<vmem>>
      %dma_wait3A_950 = arith.constant 0 : i32
      %dma_wait3A_951 = arith.constant 0 : i32
      %dma_wait3A_952 = tpu.memref_slice %arg9[%dma_wait3A_950, %dma_wait3A_951] : memref<10240x128xf32, #tpu.memory_space<vmem_shared>> -> memref<10240x128xf32, #tpu.memory_space<vmem_shared>>
      tpu.wait_indirect_dma semaphore(%run_scoped3A : memref<!tpu.dma_semaphore, #tpu.memory_space<semaphore_mem>>) src(%arg7 : memref<120x128xf32, #tpu.memory_space<vmem>>) dst(%dma_wait3A_952 : memref<10240x128xf32, #tpu.memory_space<vmem_shared>>)
      tpu.yield
    }) : () -> ()
    %dma_start3A_476 = arith.constant 4800 : i32
    %dma_start3A_477 = tpu.memref_slice %arg6[%dma_start3A_476] : memref<5040xi32, #tpu.memory_space<vmem>> -> memref<120xi32, #tpu.memory_space<vmem>>
    %dma_start3A_478 = arith.constant 0 : i32
    %dma_start3A_479 = arith.constant 0 : i32
    %dma_start3A_480 = tpu.memref_slice %arg3[%dma_start3A_478, %dma_start3A_479] : memref<20480x128xf32, #tpu.memory_space<hbm>> -> memref<20480x128xf32, #tpu.memory_space<hbm>>
    tpu.enqueue_indirect_dma source(%dma_start3A_480 : memref<20480x128xf32, #tpu.memory_space<hbm>>) target(%arg7 : memref<120x128xf32, #tpu.memory_space<vmem>>) offsets(%dma_start3A_477 : memref<120xi32, #tpu.memory_space<vmem>>) semaphore(%arg10 : memref<!tpu.dma_semaphore, #tpu.memory_space<semaphore_mem>>)
    %dma_wait3A_481 = arith.constant 4680 : i32
    %dma_wait3A_482 = tpu.memref_slice %arg6[%dma_wait3A_481] : memref<5040xi32, #tpu.memory_space<vmem>> -> memref<120xi32, #tpu.memory_space<vmem>>
    %dma_wait3A_483 = arith.constant 0 : i32
    %dma_wait3A_484 = arith.constant 0 : i32
    %dma_wait3A_485 = tpu.memref_slice %arg3[%dma_wait3A_483, %dma_wait3A_484] : memref<20480x128xf32, #tpu.memory_space<hbm>> -> memref<20480x128xf32, #tpu.memory_space<hbm>>
    tpu.wait_indirect_dma semaphore(%arg11 : memref<!tpu.dma_semaphore, #tpu.memory_space<semaphore_mem>>) src(%dma_wait3A_485 : memref<20480x128xf32, #tpu.memory_space<hbm>>) dst(%arg8 : memref<120x128xf32, #tpu.memory_space<vmem>>)
    "tpu.region"() ({
      %run_scoped3A = tpu.sem_alloc : memref<!tpu.dma_semaphore, #tpu.memory_space<semaphore_mem>>
      %dma_start3A_943 = arith.constant 4680 : i32
      %dma_start3A_944 = tpu.memref_slice %arg5[%dma_start3A_943] : memref<5040xi32, #tpu.memory_space<vmem>> -> memref<120xi32, #tpu.memory_space<vmem>>
      %dma_start3A_945 = arith.constant 0 : i32
      %dma_start3A_946 = arith.constant 0 : i32
      %dma_start3A_947 = tpu.memref_slice %arg9[%dma_start3A_945, %dma_start3A_946] : memref<10240x128xf32, #tpu.memory_space<vmem_shared>> -> memref<10240x128xf32, #tpu.memory_space<vmem_shared>>
      tpu.enqueue_indirect_dma source(%arg8 : memref<120x128xf32, #tpu.memory_space<vmem>>) target(%dma_start3A_947 : memref<10240x128xf32, #tpu.memory_space<vmem_shared>>) offsets(%dma_start3A_944 : memref<120xi32, #tpu.memory_space<vmem>>) semaphore(%run_scoped3A : memref<!tpu.dma_semaphore, #tpu.memory_space<semaphore_mem>>) {add = true}
      %dma_wait3A_948 = arith.constant 4680 : i32
      %dma_wait3A_949 = tpu.memref_slice %arg5[%dma_wait3A_948] : memref<5040xi32, #tpu.memory_space<vmem>> -> memref<120xi32, #tpu.memory_space<vmem>>
      %dma_wait3A_950 = arith.constant 0 : i32
      %dma_wait3A_951 = arith.constant 0 : i32
      %dma_wait3A_952 = tpu.memref_slice %arg9[%dma_wait3A_950, %dma_wait3A_951] : memref<10240x128xf32, #tpu.memory_space<vmem_shared>> -> memref<10240x128xf32, #tpu.memory_space<vmem_shared>>
      tpu.wait_indirect_dma semaphore(%run_scoped3A : memref<!tpu.dma_semaphore, #tpu.memory_space<semaphore_mem>>) src(%arg8 : memref<120x128xf32, #tpu.memory_space<vmem>>) dst(%dma_wait3A_952 : memref<10240x128xf32, #tpu.memory_space<vmem_shared>>)
      tpu.yield
    }) : () -> ()
    %dma_start3A_486 = arith.constant 4920 : i32
    %dma_start3A_487 = tpu.memref_slice %arg6[%dma_start3A_486] : memref<5040xi32, #tpu.memory_space<vmem>> -> memref<120xi32, #tpu.memory_space<vmem>>
    %dma_start3A_488 = arith.constant 0 : i32
    %dma_start3A_489 = arith.constant 0 : i32
    %dma_start3A_490 = tpu.memref_slice %arg3[%dma_start3A_488, %dma_start3A_489] : memref<20480x128xf32, #tpu.memory_space<hbm>> -> memref<20480x128xf32, #tpu.memory_space<hbm>>
    tpu.enqueue_indirect_dma source(%dma_start3A_490 : memref<20480x128xf32, #tpu.memory_space<hbm>>) target(%arg8 : memref<120x128xf32, #tpu.memory_space<vmem>>) offsets(%dma_start3A_487 : memref<120xi32, #tpu.memory_space<vmem>>) semaphore(%arg11 : memref<!tpu.dma_semaphore, #tpu.memory_space<semaphore_mem>>)
    %dma_wait3A_491 = arith.constant 4800 : i32
    %dma_wait3A_492 = tpu.memref_slice %arg6[%dma_wait3A_491] : memref<5040xi32, #tpu.memory_space<vmem>> -> memref<120xi32, #tpu.memory_space<vmem>>
    %dma_wait3A_493 = arith.constant 0 : i32
    %dma_wait3A_494 = arith.constant 0 : i32
    %dma_wait3A_495 = tpu.memref_slice %arg3[%dma_wait3A_493, %dma_wait3A_494] : memref<20480x128xf32, #tpu.memory_space<hbm>> -> memref<20480x128xf32, #tpu.memory_space<hbm>>
    tpu.wait_indirect_dma semaphore(%arg10 : memref<!tpu.dma_semaphore, #tpu.memory_space<semaphore_mem>>) src(%dma_wait3A_495 : memref<20480x128xf32, #tpu.memory_space<hbm>>) dst(%arg7 : memref<120x128xf32, #tpu.memory_space<vmem>>)
    "tpu.region"() ({
      %run_scoped3A = tpu.sem_alloc : memref<!tpu.dma_semaphore, #tpu.memory_space<semaphore_mem>>
      %dma_start3A_943 = arith.constant 4800 : i32
      %dma_start3A_944 = tpu.memref_slice %arg5[%dma_start3A_943] : memref<5040xi32, #tpu.memory_space<vmem>> -> memref<120xi32, #tpu.memory_space<vmem>>
      %dma_start3A_945 = arith.constant 0 : i32
      %dma_start3A_946 = arith.constant 0 : i32
      %dma_start3A_947 = tpu.memref_slice %arg9[%dma_start3A_945, %dma_start3A_946] : memref<10240x128xf32, #tpu.memory_space<vmem_shared>> -> memref<10240x128xf32, #tpu.memory_space<vmem_shared>>
      tpu.enqueue_indirect_dma source(%arg7 : memref<120x128xf32, #tpu.memory_space<vmem>>) target(%dma_start3A_947 : memref<10240x128xf32, #tpu.memory_space<vmem_shared>>) offsets(%dma_start3A_944 : memref<120xi32, #tpu.memory_space<vmem>>) semaphore(%run_scoped3A : memref<!tpu.dma_semaphore, #tpu.memory_space<semaphore_mem>>) {add = true}
      %dma_wait3A_948 = arith.constant 4800 : i32
      %dma_wait3A_949 = tpu.memref_slice %arg5[%dma_wait3A_948] : memref<5040xi32, #tpu.memory_space<vmem>> -> memref<120xi32, #tpu.memory_space<vmem>>
      %dma_wait3A_950 = arith.constant 0 : i32
      %dma_wait3A_951 = arith.constant 0 : i32
      %dma_wait3A_952 = tpu.memref_slice %arg9[%dma_wait3A_950, %dma_wait3A_951] : memref<10240x128xf32, #tpu.memory_space<vmem_shared>> -> memref<10240x128xf32, #tpu.memory_space<vmem_shared>>
      tpu.wait_indirect_dma semaphore(%run_scoped3A : memref<!tpu.dma_semaphore, #tpu.memory_space<semaphore_mem>>) src(%arg7 : memref<120x128xf32, #tpu.memory_space<vmem>>) dst(%dma_wait3A_952 : memref<10240x128xf32, #tpu.memory_space<vmem_shared>>)
      tpu.yield
    }) : () -> ()
    %dma_wait3A_496 = arith.constant 4920 : i32
    %dma_wait3A_497 = tpu.memref_slice %arg6[%dma_wait3A_496] : memref<5040xi32, #tpu.memory_space<vmem>> -> memref<120xi32, #tpu.memory_space<vmem>>
    %dma_wait3A_498 = arith.constant 0 : i32
    %dma_wait3A_499 = arith.constant 0 : i32
    %dma_wait3A_500 = tpu.memref_slice %arg3[%dma_wait3A_498, %dma_wait3A_499] : memref<20480x128xf32, #tpu.memory_space<hbm>> -> memref<20480x128xf32, #tpu.memory_space<hbm>>
    tpu.wait_indirect_dma semaphore(%arg11 : memref<!tpu.dma_semaphore, #tpu.memory_space<semaphore_mem>>) src(%dma_wait3A_500 : memref<20480x128xf32, #tpu.memory_space<hbm>>) dst(%arg8 : memref<120x128xf32, #tpu.memory_space<vmem>>)
    "tpu.region"() ({
      %run_scoped3A = tpu.sem_alloc : memref<!tpu.dma_semaphore, #tpu.memory_space<semaphore_mem>>
      %dma_start3A_943 = arith.constant 4920 : i32
      %dma_start3A_944 = tpu.memref_slice %arg5[%dma_start3A_943] : memref<5040xi32, #tpu.memory_space<vmem>> -> memref<120xi32, #tpu.memory_space<vmem>>
      %dma_start3A_945 = arith.constant 0 : i32
      %dma_start3A_946 = arith.constant 0 : i32
      %dma_start3A_947 = tpu.memref_slice %arg9[%dma_start3A_945, %dma_start3A_946] : memref<10240x128xf32, #tpu.memory_space<vmem_shared>> -> memref<10240x128xf32, #tpu.memory_space<vmem_shared>>
      tpu.enqueue_indirect_dma source(%arg8 : memref<120x128xf32, #tpu.memory_space<vmem>>) target(%dma_start3A_947 : memref<10240x128xf32, #tpu.memory_space<vmem_shared>>) offsets(%dma_start3A_944 : memref<120xi32, #tpu.memory_space<vmem>>) semaphore(%run_scoped3A : memref<!tpu.dma_semaphore, #tpu.memory_space<semaphore_mem>>) {add = true}
      %dma_wait3A_948 = arith.constant 4920 : i32
      %dma_wait3A_949 = tpu.memref_slice %arg5[%dma_wait3A_948] : memref<5040xi32, #tpu.memory_space<vmem>> -> memref<120xi32, #tpu.memory_space<vmem>>
      %dma_wait3A_950 = arith.constant 0 : i32
      %dma_wait3A_951 = arith.constant 0 : i32
      %dma_wait3A_952 = tpu.memref_slice %arg9[%dma_wait3A_950, %dma_wait3A_951] : memref<10240x128xf32, #tpu.memory_space<vmem_shared>> -> memref<10240x128xf32, #tpu.memory_space<vmem_shared>>
      tpu.wait_indirect_dma semaphore(%run_scoped3A : memref<!tpu.dma_semaphore, #tpu.memory_space<semaphore_mem>>) src(%arg8 : memref<120x128xf32, #tpu.memory_space<vmem>>) dst(%dma_wait3A_952 : memref<10240x128xf32, #tpu.memory_space<vmem_shared>>)
      tpu.yield
    }) : () -> ()
    %mul3A_501 = arith.constant 10000 : i32
    %mul3A_502 = arith.muli %arg1, %mul3A_501 : i32
    %add3A_503 = arith.constant 5000 : i32
    %add3A_504 = arith.addi %mul3A_502, %add3A_503 : i32
    "tpu.region"() ({
      %run_scoped3A = tpu.sem_alloc : memref<!tpu.dma_semaphore, #tpu.memory_space<semaphore_mem>>
      %dma_start3A_943 = arith.constant 0 : i32
      %dma_start3A_944 = tpu.memref_slice %arg5[%dma_start3A_943] : memref<5040xi32, #tpu.memory_space<vmem>> -> memref<5000xi32, #tpu.memory_space<vmem>>
      %dma_start3A_945 = tpu.memref_slice %arg2[%add3A_504] : memref<320000xi32, #tpu.memory_space<hbm>> -> memref<5000xi32, #tpu.memory_space<hbm>>
      %dma_start3A_946 = arith.constant 0 : i32
      %dma_start3A_947 = tpu.memref_slice %arg5[%dma_start3A_946] : memref<5040xi32, #tpu.memory_space<vmem>> -> memref<5000xi32, #tpu.memory_space<vmem>>
      %dma_start3A_948 = tpu.memref_slice %arg2[%add3A_504] : memref<320000xi32, #tpu.memory_space<hbm>> -> memref<5000xi32, #tpu.memory_space<hbm>>
      tpu.enqueue_dma source(%dma_start3A_948 : memref<5000xi32, #tpu.memory_space<hbm>>) target(%dma_start3A_947 : memref<5000xi32, #tpu.memory_space<vmem>>) target_semaphore(%run_scoped3A : memref<!tpu.dma_semaphore, #tpu.memory_space<semaphore_mem>>)
      %dma_wait3A_949 = arith.constant 0 : i32
      %dma_wait3A_950 = tpu.memref_slice %arg5[%dma_wait3A_949] : memref<5040xi32, #tpu.memory_space<vmem>> -> memref<5000xi32, #tpu.memory_space<vmem>>
      %dma_wait3A_951 = tpu.memref_slice %arg2[%add3A_504] : memref<320000xi32, #tpu.memory_space<hbm>> -> memref<5000xi32, #tpu.memory_space<hbm>>
      %dma_wait3A_952 = arith.constant 0 : i32
      %dma_wait3A_953 = tpu.memref_slice %arg5[%dma_wait3A_952] : memref<5040xi32, #tpu.memory_space<vmem>> -> memref<5000xi32, #tpu.memory_space<vmem>>
      %dma_wait3A_954 = tpu.memref_slice %arg2[%add3A_504] : memref<320000xi32, #tpu.memory_space<hbm>> -> memref<5000xi32, #tpu.memory_space<hbm>>
      tpu.wait_dma2 semaphore(%run_scoped3A : memref<!tpu.dma_semaphore, #tpu.memory_space<semaphore_mem>>) src(%dma_wait3A_954 : memref<5000xi32, #tpu.memory_space<hbm>>) dst(%dma_wait3A_953 : memref<5000xi32, #tpu.memory_space<vmem>>)
      tpu.yield
    }) : () -> ()
    %mul3A_505 = arith.constant 10000 : i32
    %mul3A_506 = arith.muli %arg1, %mul3A_505 : i32
    %add3A_507 = arith.constant 160000 : i32
    %add3A_508 = arith.addi %add3A_507, %mul3A_506 : i32
    %add3A_509 = arith.constant 5000 : i32
    %add3A_510 = arith.addi %add3A_508, %add3A_509 : i32
    "tpu.region"() ({
      %run_scoped3A = tpu.sem_alloc : memref<!tpu.dma_semaphore, #tpu.memory_space<semaphore_mem>>
      %dma_start3A_943 = arith.constant 0 : i32
      %dma_start3A_944 = tpu.memref_slice %arg6[%dma_start3A_943] : memref<5040xi32, #tpu.memory_space<vmem>> -> memref<5000xi32, #tpu.memory_space<vmem>>
      %dma_start3A_945 = tpu.memref_slice %arg2[%add3A_510] : memref<320000xi32, #tpu.memory_space<hbm>> -> memref<5000xi32, #tpu.memory_space<hbm>>
      %dma_start3A_946 = arith.constant 0 : i32
      %dma_start3A_947 = tpu.memref_slice %arg6[%dma_start3A_946] : memref<5040xi32, #tpu.memory_space<vmem>> -> memref<5000xi32, #tpu.memory_space<vmem>>
      %dma_start3A_948 = tpu.memref_slice %arg2[%add3A_510] : memref<320000xi32, #tpu.memory_space<hbm>> -> memref<5000xi32, #tpu.memory_space<hbm>>
      tpu.enqueue_dma source(%dma_start3A_948 : memref<5000xi32, #tpu.memory_space<hbm>>) target(%dma_start3A_947 : memref<5000xi32, #tpu.memory_space<vmem>>) target_semaphore(%run_scoped3A : memref<!tpu.dma_semaphore, #tpu.memory_space<semaphore_mem>>)
      %dma_wait3A_949 = arith.constant 0 : i32
      %dma_wait3A_950 = tpu.memref_slice %arg6[%dma_wait3A_949] : memref<5040xi32, #tpu.memory_space<vmem>> -> memref<5000xi32, #tpu.memory_space<vmem>>
      %dma_wait3A_951 = tpu.memref_slice %arg2[%add3A_510] : memref<320000xi32, #tpu.memory_space<hbm>> -> memref<5000xi32, #tpu.memory_space<hbm>>
      %dma_wait3A_952 = arith.constant 0 : i32
      %dma_wait3A_953 = tpu.memref_slice %arg6[%dma_wait3A_952] : memref<5040xi32, #tpu.memory_space<vmem>> -> memref<5000xi32, #tpu.memory_space<vmem>>
      %dma_wait3A_954 = tpu.memref_slice %arg2[%add3A_510] : memref<320000xi32, #tpu.memory_space<hbm>> -> memref<5000xi32, #tpu.memory_space<hbm>>
      tpu.wait_dma2 semaphore(%run_scoped3A : memref<!tpu.dma_semaphore, #tpu.memory_space<semaphore_mem>>) src(%dma_wait3A_954 : memref<5000xi32, #tpu.memory_space<hbm>>) dst(%dma_wait3A_953 : memref<5000xi32, #tpu.memory_space<vmem>>)
      tpu.yield
    }) : () -> ()
    %scan3A_511 = arith.constant 0 : i32
    %scan3A_512 = arith.constant 0 : i32
    %scan3A_513 = arith.constant 315 : i32
    %scan3A_514 = arith.addi %scan3A_512, %scan3A_513 : i32
    %scan3A_515 = arith.constant 1 : i32
    %scan3A_516 = scf.for %scan3A_943 = %scan3A_512 to %scan3A_514 step %scan3A_515 iter_args(%scan3A_944 = %scan3A_511) -> (i32)  : i32 {
      %mul3A_945 = arith.constant 16 : i32
      %mul3A_946 = arith.muli %scan3A_943, %mul3A_945 : i32
      %get3A = arith.index_cast %mul3A_946 : i32 to index
      %get3A_947 = tpu.vector_load %arg6[%get3A] {strides = array<i32>} : memref<5040xi32, #tpu.memory_space<vmem>>, vector<16xi32>,
      %get3A_948 = vector.shape_cast %get3A_947 : vector<16xi32> to vector<16xi32>
      %add3A_949 = vector.broadcast %mul3A_0 : i32 to vector<16xi32>
      %add3A_950 = arith.addi %get3A_948, %add3A_949 : vector<16xi32>
      %mul3A_951 = arith.constant 16 : i32
      %mul3A_952 = arith.muli %scan3A_943, %mul3A_951 : i32
      %swap3A_953 = arith.index_cast %mul3A_952 : i32 to index
      %swap3A_954 = tpu.vector_load %arg6[%swap3A_953] {strides = array<i32>} : memref<5040xi32, #tpu.memory_space<vmem>>, vector<16xi32>,
      %swap3A_955 = vector.shape_cast %swap3A_954 : vector<16xi32> to vector<16xi32>
      %swap3A_956 = vector.shape_cast %add3A_950 : vector<16xi32> to vector<16xi32>
      tpu.vector_store %arg6[%swap3A_953], %swap3A_956 {strides = array<i32>} : memref<5040xi32, #tpu.memory_space<vmem>>, vector<16xi32>,
      %scan3A_957 = arith.constant 0 : i32
      scf.yield %scan3A_957 : i32
    }
    %scan3A_517 = arith.constant 315 : i32
    %dma_start3A_518 = arith.constant 0 : i32
    %dma_start3A_519 = tpu.memref_slice %arg6[%dma_start3A_518] : memref<5040xi32, #tpu.memory_space<vmem>> -> memref<120xi32, #tpu.memory_space<vmem>>
    %dma_start3A_520 = arith.constant 0 : i32
    %dma_start3A_521 = arith.constant 0 : i32
    %dma_start3A_522 = tpu.memref_slice %arg3[%dma_start3A_520, %dma_start3A_521] : memref<20480x128xf32, #tpu.memory_space<hbm>> -> memref<20480x128xf32, #tpu.memory_space<hbm>>
    tpu.enqueue_indirect_dma source(%dma_start3A_522 : memref<20480x128xf32, #tpu.memory_space<hbm>>) target(%arg7 : memref<120x128xf32, #tpu.memory_space<vmem>>) offsets(%dma_start3A_519 : memref<120xi32, #tpu.memory_space<vmem>>) semaphore(%arg10 : memref<!tpu.dma_semaphore, #tpu.memory_space<semaphore_mem>>)
    %dma_start3A_523 = arith.constant 120 : i32
    %dma_start3A_524 = tpu.memref_slice %arg6[%dma_start3A_523] : memref<5040xi32, #tpu.memory_space<vmem>> -> memref<120xi32, #tpu.memory_space<vmem>>
    %dma_start3A_525 = arith.constant 0 : i32
    %dma_start3A_526 = arith.constant 0 : i32
    %dma_start3A_527 = tpu.memref_slice %arg3[%dma_start3A_525, %dma_start3A_526] : memref<20480x128xf32, #tpu.memory_space<hbm>> -> memref<20480x128xf32, #tpu.memory_space<hbm>>
    tpu.enqueue_indirect_dma source(%dma_start3A_527 : memref<20480x128xf32, #tpu.memory_space<hbm>>) target(%arg8 : memref<120x128xf32, #tpu.memory_space<vmem>>) offsets(%dma_start3A_524 : memref<120xi32, #tpu.memory_space<vmem>>) semaphore(%arg11 : memref<!tpu.dma_semaphore, #tpu.memory_space<semaphore_mem>>)
    %dma_wait3A_528 = arith.constant 0 : i32
    %dma_wait3A_529 = tpu.memref_slice %arg6[%dma_wait3A_528] : memref<5040xi32, #tpu.memory_space<vmem>> -> memref<120xi32, #tpu.memory_space<vmem>>
    %dma_wait3A_530 = arith.constant 0 : i32
    %dma_wait3A_531 = arith.constant 0 : i32
    %dma_wait3A_532 = tpu.memref_slice %arg3[%dma_wait3A_530, %dma_wait3A_531] : memref<20480x128xf32, #tpu.memory_space<hbm>> -> memref<20480x128xf32, #tpu.memory_space<hbm>>
    tpu.wait_indirect_dma semaphore(%arg10 : memref<!tpu.dma_semaphore, #tpu.memory_space<semaphore_mem>>) src(%dma_wait3A_532 : memref<20480x128xf32, #tpu.memory_space<hbm>>) dst(%arg7 : memref<120x128xf32, #tpu.memory_space<vmem>>)
    "tpu.region"() ({
      %run_scoped3A = tpu.sem_alloc : memref<!tpu.dma_semaphore, #tpu.memory_space<semaphore_mem>>
      %dma_start3A_943 = arith.constant 0 : i32
      %dma_start3A_944 = tpu.memref_slice %arg5[%dma_start3A_943] : memref<5040xi32, #tpu.memory_space<vmem>> -> memref<120xi32, #tpu.memory_space<vmem>>
      %dma_start3A_945 = arith.constant 0 : i32
      %dma_start3A_946 = arith.constant 0 : i32
      %dma_start3A_947 = tpu.memref_slice %arg9[%dma_start3A_945, %dma_start3A_946] : memref<10240x128xf32, #tpu.memory_space<vmem_shared>> -> memref<10240x128xf32, #tpu.memory_space<vmem_shared>>
      tpu.enqueue_indirect_dma source(%arg7 : memref<120x128xf32, #tpu.memory_space<vmem>>) target(%dma_start3A_947 : memref<10240x128xf32, #tpu.memory_space<vmem_shared>>) offsets(%dma_start3A_944 : memref<120xi32, #tpu.memory_space<vmem>>) semaphore(%run_scoped3A : memref<!tpu.dma_semaphore, #tpu.memory_space<semaphore_mem>>) {add = true}
      %dma_wait3A_948 = arith.constant 0 : i32
      %dma_wait3A_949 = tpu.memref_slice %arg5[%dma_wait3A_948] : memref<5040xi32, #tpu.memory_space<vmem>> -> memref<120xi32, #tpu.memory_space<vmem>>
      %dma_wait3A_950 = arith.constant 0 : i32
      %dma_wait3A_951 = arith.constant 0 : i32
      %dma_wait3A_952 = tpu.memref_slice %arg9[%dma_wait3A_950, %dma_wait3A_951] : memref<10240x128xf32, #tpu.memory_space<vmem_shared>> -> memref<10240x128xf32, #tpu.memory_space<vmem_shared>>
      tpu.wait_indirect_dma semaphore(%run_scoped3A : memref<!tpu.dma_semaphore, #tpu.memory_space<semaphore_mem>>) src(%arg7 : memref<120x128xf32, #tpu.memory_space<vmem>>) dst(%dma_wait3A_952 : memref<10240x128xf32, #tpu.memory_space<vmem_shared>>)
      tpu.yield
    }) : () -> ()
    %dma_start3A_533 = arith.constant 240 : i32
    %dma_start3A_534 = tpu.memref_slice %arg6[%dma_start3A_533] : memref<5040xi32, #tpu.memory_space<vmem>> -> memref<120xi32, #tpu.memory_space<vmem>>
    %dma_start3A_535 = arith.constant 0 : i32
    %dma_start3A_536 = arith.constant 0 : i32
    %dma_start3A_537 = tpu.memref_slice %arg3[%dma_start3A_535, %dma_start3A_536] : memref<20480x128xf32, #tpu.memory_space<hbm>> -> memref<20480x128xf32, #tpu.memory_space<hbm>>
    tpu.enqueue_indirect_dma source(%dma_start3A_537 : memref<20480x128xf32, #tpu.memory_space<hbm>>) target(%arg7 : memref<120x128xf32, #tpu.memory_space<vmem>>) offsets(%dma_start3A_534 : memref<120xi32, #tpu.memory_space<vmem>>) semaphore(%arg10 : memref<!tpu.dma_semaphore, #tpu.memory_space<semaphore_mem>>)
    %dma_wait3A_538 = arith.constant 120 : i32
    %dma_wait3A_539 = tpu.memref_slice %arg6[%dma_wait3A_538] : memref<5040xi32, #tpu.memory_space<vmem>> -> memref<120xi32, #tpu.memory_space<vmem>>
    %dma_wait3A_540 = arith.constant 0 : i32
    %dma_wait3A_541 = arith.constant 0 : i32
    %dma_wait3A_542 = tpu.memref_slice %arg3[%dma_wait3A_540, %dma_wait3A_541] : memref<20480x128xf32, #tpu.memory_space<hbm>> -> memref<20480x128xf32, #tpu.memory_space<hbm>>
    tpu.wait_indirect_dma semaphore(%arg11 : memref<!tpu.dma_semaphore, #tpu.memory_space<semaphore_mem>>) src(%dma_wait3A_542 : memref<20480x128xf32, #tpu.memory_space<hbm>>) dst(%arg8 : memref<120x128xf32, #tpu.memory_space<vmem>>)
    "tpu.region"() ({
      %run_scoped3A = tpu.sem_alloc : memref<!tpu.dma_semaphore, #tpu.memory_space<semaphore_mem>>
      %dma_start3A_943 = arith.constant 120 : i32
      %dma_start3A_944 = tpu.memref_slice %arg5[%dma_start3A_943] : memref<5040xi32, #tpu.memory_space<vmem>> -> memref<120xi32, #tpu.memory_space<vmem>>
      %dma_start3A_945 = arith.constant 0 : i32
      %dma_start3A_946 = arith.constant 0 : i32
      %dma_start3A_947 = tpu.memref_slice %arg9[%dma_start3A_945, %dma_start3A_946] : memref<10240x128xf32, #tpu.memory_space<vmem_shared>> -> memref<10240x128xf32, #tpu.memory_space<vmem_shared>>
      tpu.enqueue_indirect_dma source(%arg8 : memref<120x128xf32, #tpu.memory_space<vmem>>) target(%dma_start3A_947 : memref<10240x128xf32, #tpu.memory_space<vmem_shared>>) offsets(%dma_start3A_944 : memref<120xi32, #tpu.memory_space<vmem>>) semaphore(%run_scoped3A : memref<!tpu.dma_semaphore, #tpu.memory_space<semaphore_mem>>) {add = true}
      %dma_wait3A_948 = arith.constant 120 : i32
      %dma_wait3A_949 = tpu.memref_slice %arg5[%dma_wait3A_948] : memref<5040xi32, #tpu.memory_space<vmem>> -> memref<120xi32, #tpu.memory_space<vmem>>
      %dma_wait3A_950 = arith.constant 0 : i32
      %dma_wait3A_951 = arith.constant 0 : i32
      %dma_wait3A_952 = tpu.memref_slice %arg9[%dma_wait3A_950, %dma_wait3A_951] : memref<10240x128xf32, #tpu.memory_space<vmem_shared>> -> memref<10240x128xf32, #tpu.memory_space<vmem_shared>>
      tpu.wait_indirect_dma semaphore(%run_scoped3A : memref<!tpu.dma_semaphore, #tpu.memory_space<semaphore_mem>>) src(%arg8 : memref<120x128xf32, #tpu.memory_space<vmem>>) dst(%dma_wait3A_952 : memref<10240x128xf32, #tpu.memory_space<vmem_shared>>)
      tpu.yield
    }) : () -> ()
    %dma_start3A_543 = arith.constant 360 : i32
    %dma_start3A_544 = tpu.memref_slice %arg6[%dma_start3A_543] : memref<5040xi32, #tpu.memory_space<vmem>> -> memref<120xi32, #tpu.memory_space<vmem>>
    %dma_start3A_545 = arith.constant 0 : i32
    %dma_start3A_546 = arith.constant 0 : i32
    %dma_start3A_547 = tpu.memref_slice %arg3[%dma_start3A_545, %dma_start3A_546] : memref<20480x128xf32, #tpu.memory_space<hbm>> -> memref<20480x128xf32, #tpu.memory_space<hbm>>
    tpu.enqueue_indirect_dma source(%dma_start3A_547 : memref<20480x128xf32, #tpu.memory_space<hbm>>) target(%arg8 : memref<120x128xf32, #tpu.memory_space<vmem>>) offsets(%dma_start3A_544 : memref<120xi32, #tpu.memory_space<vmem>>) semaphore(%arg11 : memref<!tpu.dma_semaphore, #tpu.memory_space<semaphore_mem>>)
    %dma_wait3A_548 = arith.constant 240 : i32
    %dma_wait3A_549 = tpu.memref_slice %arg6[%dma_wait3A_548] : memref<5040xi32, #tpu.memory_space<vmem>> -> memref<120xi32, #tpu.memory_space<vmem>>
    %dma_wait3A_550 = arith.constant 0 : i32
    %dma_wait3A_551 = arith.constant 0 : i32
    %dma_wait3A_552 = tpu.memref_slice %arg3[%dma_wait3A_550, %dma_wait3A_551] : memref<20480x128xf32, #tpu.memory_space<hbm>> -> memref<20480x128xf32, #tpu.memory_space<hbm>>
    tpu.wait_indirect_dma semaphore(%arg10 : memref<!tpu.dma_semaphore, #tpu.memory_space<semaphore_mem>>) src(%dma_wait3A_552 : memref<20480x128xf32, #tpu.memory_space<hbm>>) dst(%arg7 : memref<120x128xf32, #tpu.memory_space<vmem>>)
    "tpu.region"() ({
      %run_scoped3A = tpu.sem_alloc : memref<!tpu.dma_semaphore, #tpu.memory_space<semaphore_mem>>
      %dma_start3A_943 = arith.constant 240 : i32
      %dma_start3A_944 = tpu.memref_slice %arg5[%dma_start3A_943] : memref<5040xi32, #tpu.memory_space<vmem>> -> memref<120xi32, #tpu.memory_space<vmem>>
      %dma_start3A_945 = arith.constant 0 : i32
      %dma_start3A_946 = arith.constant 0 : i32
      %dma_start3A_947 = tpu.memref_slice %arg9[%dma_start3A_945, %dma_start3A_946] : memref<10240x128xf32, #tpu.memory_space<vmem_shared>> -> memref<10240x128xf32, #tpu.memory_space<vmem_shared>>
      tpu.enqueue_indirect_dma source(%arg7 : memref<120x128xf32, #tpu.memory_space<vmem>>) target(%dma_start3A_947 : memref<10240x128xf32, #tpu.memory_space<vmem_shared>>) offsets(%dma_start3A_944 : memref<120xi32, #tpu.memory_space<vmem>>) semaphore(%run_scoped3A : memref<!tpu.dma_semaphore, #tpu.memory_space<semaphore_mem>>) {add = true}
      %dma_wait3A_948 = arith.constant 240 : i32
      %dma_wait3A_949 = tpu.memref_slice %arg5[%dma_wait3A_948] : memref<5040xi32, #tpu.memory_space<vmem>> -> memref<120xi32, #tpu.memory_space<vmem>>
      %dma_wait3A_950 = arith.constant 0 : i32
      %dma_wait3A_951 = arith.constant 0 : i32
      %dma_wait3A_952 = tpu.memref_slice %arg9[%dma_wait3A_950, %dma_wait3A_951] : memref<10240x128xf32, #tpu.memory_space<vmem_shared>> -> memref<10240x128xf32, #tpu.memory_space<vmem_shared>>
      tpu.wait_indirect_dma semaphore(%run_scoped3A : memref<!tpu.dma_semaphore, #tpu.memory_space<semaphore_mem>>) src(%arg7 : memref<120x128xf32, #tpu.memory_space<vmem>>) dst(%dma_wait3A_952 : memref<10240x128xf32, #tpu.memory_space<vmem_shared>>)
      tpu.yield
    }) : () -> ()
    %dma_start3A_553 = arith.constant 480 : i32
    %dma_start3A_554 = tpu.memref_slice %arg6[%dma_start3A_553] : memref<5040xi32, #tpu.memory_space<vmem>> -> memref<120xi32, #tpu.memory_space<vmem>>
    %dma_start3A_555 = arith.constant 0 : i32
    %dma_start3A_556 = arith.constant 0 : i32
    %dma_start3A_557 = tpu.memref_slice %arg3[%dma_start3A_555, %dma_start3A_556] : memref<20480x128xf32, #tpu.memory_space<hbm>> -> memref<20480x128xf32, #tpu.memory_space<hbm>>
    tpu.enqueue_indirect_dma source(%dma_start3A_557 : memref<20480x128xf32, #tpu.memory_space<hbm>>) target(%arg7 : memref<120x128xf32, #tpu.memory_space<vmem>>) offsets(%dma_start3A_554 : memref<120xi32, #tpu.memory_space<vmem>>) semaphore(%arg10 : memref<!tpu.dma_semaphore, #tpu.memory_space<semaphore_mem>>)
    %dma_wait3A_558 = arith.constant 360 : i32
    %dma_wait3A_559 = tpu.memref_slice %arg6[%dma_wait3A_558] : memref<5040xi32, #tpu.memory_space<vmem>> -> memref<120xi32, #tpu.memory_space<vmem>>
    %dma_wait3A_560 = arith.constant 0 : i32
    %dma_wait3A_561 = arith.constant 0 : i32
    %dma_wait3A_562 = tpu.memref_slice %arg3[%dma_wait3A_560, %dma_wait3A_561] : memref<20480x128xf32, #tpu.memory_space<hbm>> -> memref<20480x128xf32, #tpu.memory_space<hbm>>
    tpu.wait_indirect_dma semaphore(%arg11 : memref<!tpu.dma_semaphore, #tpu.memory_space<semaphore_mem>>) src(%dma_wait3A_562 : memref<20480x128xf32, #tpu.memory_space<hbm>>) dst(%arg8 : memref<120x128xf32, #tpu.memory_space<vmem>>)
    "tpu.region"() ({
      %run_scoped3A = tpu.sem_alloc : memref<!tpu.dma_semaphore, #tpu.memory_space<semaphore_mem>>
      %dma_start3A_943 = arith.constant 360 : i32
      %dma_start3A_944 = tpu.memref_slice %arg5[%dma_start3A_943] : memref<5040xi32, #tpu.memory_space<vmem>> -> memref<120xi32, #tpu.memory_space<vmem>>
      %dma_start3A_945 = arith.constant 0 : i32
      %dma_start3A_946 = arith.constant 0 : i32
      %dma_start3A_947 = tpu.memref_slice %arg9[%dma_start3A_945, %dma_start3A_946] : memref<10240x128xf32, #tpu.memory_space<vmem_shared>> -> memref<10240x128xf32, #tpu.memory_space<vmem_shared>>
      tpu.enqueue_indirect_dma source(%arg8 : memref<120x128xf32, #tpu.memory_space<vmem>>) target(%dma_start3A_947 : memref<10240x128xf32, #tpu.memory_space<vmem_shared>>) offsets(%dma_start3A_944 : memref<120xi32, #tpu.memory_space<vmem>>) semaphore(%run_scoped3A : memref<!tpu.dma_semaphore, #tpu.memory_space<semaphore_mem>>) {add = true}
      %dma_wait3A_948 = arith.constant 360 : i32
      %dma_wait3A_949 = tpu.memref_slice %arg5[%dma_wait3A_948] : memref<5040xi32, #tpu.memory_space<vmem>> -> memref<120xi32, #tpu.memory_space<vmem>>
      %dma_wait3A_950 = arith.constant 0 : i32
      %dma_wait3A_951 = arith.constant 0 : i32
      %dma_wait3A_952 = tpu.memref_slice %arg9[%dma_wait3A_950, %dma_wait3A_951] : memref<10240x128xf32, #tpu.memory_space<vmem_shared>> -> memref<10240x128xf32, #tpu.memory_space<vmem_shared>>
      tpu.wait_indirect_dma semaphore(%run_scoped3A : memref<!tpu.dma_semaphore, #tpu.memory_space<semaphore_mem>>) src(%arg8 : memref<120x128xf32, #tpu.memory_space<vmem>>) dst(%dma_wait3A_952 : memref<10240x128xf32, #tpu.memory_space<vmem_shared>>)
      tpu.yield
    }) : () -> ()
    %dma_start3A_563 = arith.constant 600 : i32
    %dma_start3A_564 = tpu.memref_slice %arg6[%dma_start3A_563] : memref<5040xi32, #tpu.memory_space<vmem>> -> memref<120xi32, #tpu.memory_space<vmem>>
    %dma_start3A_565 = arith.constant 0 : i32
    %dma_start3A_566 = arith.constant 0 : i32
    %dma_start3A_567 = tpu.memref_slice %arg3[%dma_start3A_565, %dma_start3A_566] : memref<20480x128xf32, #tpu.memory_space<hbm>> -> memref<20480x128xf32, #tpu.memory_space<hbm>>
    tpu.enqueue_indirect_dma source(%dma_start3A_567 : memref<20480x128xf32, #tpu.memory_space<hbm>>) target(%arg8 : memref<120x128xf32, #tpu.memory_space<vmem>>) offsets(%dma_start3A_564 : memref<120xi32, #tpu.memory_space<vmem>>) semaphore(%arg11 : memref<!tpu.dma_semaphore, #tpu.memory_space<semaphore_mem>>)
    %dma_wait3A_568 = arith.constant 480 : i32
    %dma_wait3A_569 = tpu.memref_slice %arg6[%dma_wait3A_568] : memref<5040xi32, #tpu.memory_space<vmem>> -> memref<120xi32, #tpu.memory_space<vmem>>
    %dma_wait3A_570 = arith.constant 0 : i32
    %dma_wait3A_571 = arith.constant 0 : i32
    %dma_wait3A_572 = tpu.memref_slice %arg3[%dma_wait3A_570, %dma_wait3A_571] : memref<20480x128xf32, #tpu.memory_space<hbm>> -> memref<20480x128xf32, #tpu.memory_space<hbm>>
    tpu.wait_indirect_dma semaphore(%arg10 : memref<!tpu.dma_semaphore, #tpu.memory_space<semaphore_mem>>) src(%dma_wait3A_572 : memref<20480x128xf32, #tpu.memory_space<hbm>>) dst(%arg7 : memref<120x128xf32, #tpu.memory_space<vmem>>)
    "tpu.region"() ({
      %run_scoped3A = tpu.sem_alloc : memref<!tpu.dma_semaphore, #tpu.memory_space<semaphore_mem>>
      %dma_start3A_943 = arith.constant 480 : i32
      %dma_start3A_944 = tpu.memref_slice %arg5[%dma_start3A_943] : memref<5040xi32, #tpu.memory_space<vmem>> -> memref<120xi32, #tpu.memory_space<vmem>>
      %dma_start3A_945 = arith.constant 0 : i32
      %dma_start3A_946 = arith.constant 0 : i32
      %dma_start3A_947 = tpu.memref_slice %arg9[%dma_start3A_945, %dma_start3A_946] : memref<10240x128xf32, #tpu.memory_space<vmem_shared>> -> memref<10240x128xf32, #tpu.memory_space<vmem_shared>>
      tpu.enqueue_indirect_dma source(%arg7 : memref<120x128xf32, #tpu.memory_space<vmem>>) target(%dma_start3A_947 : memref<10240x128xf32, #tpu.memory_space<vmem_shared>>) offsets(%dma_start3A_944 : memref<120xi32, #tpu.memory_space<vmem>>) semaphore(%run_scoped3A : memref<!tpu.dma_semaphore, #tpu.memory_space<semaphore_mem>>) {add = true}
      %dma_wait3A_948 = arith.constant 480 : i32
      %dma_wait3A_949 = tpu.memref_slice %arg5[%dma_wait3A_948] : memref<5040xi32, #tpu.memory_space<vmem>> -> memref<120xi32, #tpu.memory_space<vmem>>
      %dma_wait3A_950 = arith.constant 0 : i32
      %dma_wait3A_951 = arith.constant 0 : i32
      %dma_wait3A_952 = tpu.memref_slice %arg9[%dma_wait3A_950, %dma_wait3A_951] : memref<10240x128xf32, #tpu.memory_space<vmem_shared>> -> memref<10240x128xf32, #tpu.memory_space<vmem_shared>>
      tpu.wait_indirect_dma semaphore(%run_scoped3A : memref<!tpu.dma_semaphore, #tpu.memory_space<semaphore_mem>>) src(%arg7 : memref<120x128xf32, #tpu.memory_space<vmem>>) dst(%dma_wait3A_952 : memref<10240x128xf32, #tpu.memory_space<vmem_shared>>)
      tpu.yield
    }) : () -> ()
    %dma_start3A_573 = arith.constant 720 : i32
    %dma_start3A_574 = tpu.memref_slice %arg6[%dma_start3A_573] : memref<5040xi32, #tpu.memory_space<vmem>> -> memref<120xi32, #tpu.memory_space<vmem>>
    %dma_start3A_575 = arith.constant 0 : i32
    %dma_start3A_576 = arith.constant 0 : i32
    %dma_start3A_577 = tpu.memref_slice %arg3[%dma_start3A_575, %dma_start3A_576] : memref<20480x128xf32, #tpu.memory_space<hbm>> -> memref<20480x128xf32, #tpu.memory_space<hbm>>
    tpu.enqueue_indirect_dma source(%dma_start3A_577 : memref<20480x128xf32, #tpu.memory_space<hbm>>) target(%arg7 : memref<120x128xf32, #tpu.memory_space<vmem>>) offsets(%dma_start3A_574 : memref<120xi32, #tpu.memory_space<vmem>>) semaphore(%arg10 : memref<!tpu.dma_semaphore, #tpu.memory_space<semaphore_mem>>)
    %dma_wait3A_578 = arith.constant 600 : i32
    %dma_wait3A_579 = tpu.memref_slice %arg6[%dma_wait3A_578] : memref<5040xi32, #tpu.memory_space<vmem>> -> memref<120xi32, #tpu.memory_space<vmem>>
    %dma_wait3A_580 = arith.constant 0 : i32
    %dma_wait3A_581 = arith.constant 0 : i32
    %dma_wait3A_582 = tpu.memref_slice %arg3[%dma_wait3A_580, %dma_wait3A_581] : memref<20480x128xf32, #tpu.memory_space<hbm>> -> memref<20480x128xf32, #tpu.memory_space<hbm>>
    tpu.wait_indirect_dma semaphore(%arg11 : memref<!tpu.dma_semaphore, #tpu.memory_space<semaphore_mem>>) src(%dma_wait3A_582 : memref<20480x128xf32, #tpu.memory_space<hbm>>) dst(%arg8 : memref<120x128xf32, #tpu.memory_space<vmem>>)
    "tpu.region"() ({
      %run_scoped3A = tpu.sem_alloc : memref<!tpu.dma_semaphore, #tpu.memory_space<semaphore_mem>>
      %dma_start3A_943 = arith.constant 600 : i32
      %dma_start3A_944 = tpu.memref_slice %arg5[%dma_start3A_943] : memref<5040xi32, #tpu.memory_space<vmem>> -> memref<120xi32, #tpu.memory_space<vmem>>
      %dma_start3A_945 = arith.constant 0 : i32
      %dma_start3A_946 = arith.constant 0 : i32
      %dma_start3A_947 = tpu.memref_slice %arg9[%dma_start3A_945, %dma_start3A_946] : memref<10240x128xf32, #tpu.memory_space<vmem_shared>> -> memref<10240x128xf32, #tpu.memory_space<vmem_shared>>
      tpu.enqueue_indirect_dma source(%arg8 : memref<120x128xf32, #tpu.memory_space<vmem>>) target(%dma_start3A_947 : memref<10240x128xf32, #tpu.memory_space<vmem_shared>>) offsets(%dma_start3A_944 : memref<120xi32, #tpu.memory_space<vmem>>) semaphore(%run_scoped3A : memref<!tpu.dma_semaphore, #tpu.memory_space<semaphore_mem>>) {add = true}
      %dma_wait3A_948 = arith.constant 600 : i32
      %dma_wait3A_949 = tpu.memref_slice %arg5[%dma_wait3A_948] : memref<5040xi32, #tpu.memory_space<vmem>> -> memref<120xi32, #tpu.memory_space<vmem>>
      %dma_wait3A_950 = arith.constant 0 : i32
      %dma_wait3A_951 = arith.constant 0 : i32
      %dma_wait3A_952 = tpu.memref_slice %arg9[%dma_wait3A_950, %dma_wait3A_951] : memref<10240x128xf32, #tpu.memory_space<vmem_shared>> -> memref<10240x128xf32, #tpu.memory_space<vmem_shared>>
      tpu.wait_indirect_dma semaphore(%run_scoped3A : memref<!tpu.dma_semaphore, #tpu.memory_space<semaphore_mem>>) src(%arg8 : memref<120x128xf32, #tpu.memory_space<vmem>>) dst(%dma_wait3A_952 : memref<10240x128xf32, #tpu.memory_space<vmem_shared>>)
      tpu.yield
    }) : () -> ()
    %dma_start3A_583 = arith.constant 840 : i32
    %dma_start3A_584 = tpu.memref_slice %arg6[%dma_start3A_583] : memref<5040xi32, #tpu.memory_space<vmem>> -> memref<120xi32, #tpu.memory_space<vmem>>
    %dma_start3A_585 = arith.constant 0 : i32
    %dma_start3A_586 = arith.constant 0 : i32
    %dma_start3A_587 = tpu.memref_slice %arg3[%dma_start3A_585, %dma_start3A_586] : memref<20480x128xf32, #tpu.memory_space<hbm>> -> memref<20480x128xf32, #tpu.memory_space<hbm>>
    tpu.enqueue_indirect_dma source(%dma_start3A_587 : memref<20480x128xf32, #tpu.memory_space<hbm>>) target(%arg8 : memref<120x128xf32, #tpu.memory_space<vmem>>) offsets(%dma_start3A_584 : memref<120xi32, #tpu.memory_space<vmem>>) semaphore(%arg11 : memref<!tpu.dma_semaphore, #tpu.memory_space<semaphore_mem>>)
    %dma_wait3A_588 = arith.constant 720 : i32
    %dma_wait3A_589 = tpu.memref_slice %arg6[%dma_wait3A_588] : memref<5040xi32, #tpu.memory_space<vmem>> -> memref<120xi32, #tpu.memory_space<vmem>>
    %dma_wait3A_590 = arith.constant 0 : i32
    %dma_wait3A_591 = arith.constant 0 : i32
    %dma_wait3A_592 = tpu.memref_slice %arg3[%dma_wait3A_590, %dma_wait3A_591] : memref<20480x128xf32, #tpu.memory_space<hbm>> -> memref<20480x128xf32, #tpu.memory_space<hbm>>
    tpu.wait_indirect_dma semaphore(%arg10 : memref<!tpu.dma_semaphore, #tpu.memory_space<semaphore_mem>>) src(%dma_wait3A_592 : memref<20480x128xf32, #tpu.memory_space<hbm>>) dst(%arg7 : memref<120x128xf32, #tpu.memory_space<vmem>>)
    "tpu.region"() ({
      %run_scoped3A = tpu.sem_alloc : memref<!tpu.dma_semaphore, #tpu.memory_space<semaphore_mem>>
      %dma_start3A_943 = arith.constant 720 : i32
      %dma_start3A_944 = tpu.memref_slice %arg5[%dma_start3A_943] : memref<5040xi32, #tpu.memory_space<vmem>> -> memref<120xi32, #tpu.memory_space<vmem>>
      %dma_start3A_945 = arith.constant 0 : i32
      %dma_start3A_946 = arith.constant 0 : i32
      %dma_start3A_947 = tpu.memref_slice %arg9[%dma_start3A_945, %dma_start3A_946] : memref<10240x128xf32, #tpu.memory_space<vmem_shared>> -> memref<10240x128xf32, #tpu.memory_space<vmem_shared>>
      tpu.enqueue_indirect_dma source(%arg7 : memref<120x128xf32, #tpu.memory_space<vmem>>) target(%dma_start3A_947 : memref<10240x128xf32, #tpu.memory_space<vmem_shared>>) offsets(%dma_start3A_944 : memref<120xi32, #tpu.memory_space<vmem>>) semaphore(%run_scoped3A : memref<!tpu.dma_semaphore, #tpu.memory_space<semaphore_mem>>) {add = true}
      %dma_wait3A_948 = arith.constant 720 : i32
      %dma_wait3A_949 = tpu.memref_slice %arg5[%dma_wait3A_948] : memref<5040xi32, #tpu.memory_space<vmem>> -> memref<120xi32, #tpu.memory_space<vmem>>
      %dma_wait3A_950 = arith.constant 0 : i32
      %dma_wait3A_951 = arith.constant 0 : i32
      %dma_wait3A_952 = tpu.memref_slice %arg9[%dma_wait3A_950, %dma_wait3A_951] : memref<10240x128xf32, #tpu.memory_space<vmem_shared>> -> memref<10240x128xf32, #tpu.memory_space<vmem_shared>>
      tpu.wait_indirect_dma semaphore(%run_scoped3A : memref<!tpu.dma_semaphore, #tpu.memory_space<semaphore_mem>>) src(%arg7 : memref<120x128xf32, #tpu.memory_space<vmem>>) dst(%dma_wait3A_952 : memref<10240x128xf32, #tpu.memory_space<vmem_shared>>)
      tpu.yield
    }) : () -> ()
    %dma_start3A_593 = arith.constant 960 : i32
    %dma_start3A_594 = tpu.memref_slice %arg6[%dma_start3A_593] : memref<5040xi32, #tpu.memory_space<vmem>> -> memref<120xi32, #tpu.memory_space<vmem>>
    %dma_start3A_595 = arith.constant 0 : i32
    %dma_start3A_596 = arith.constant 0 : i32
    %dma_start3A_597 = tpu.memref_slice %arg3[%dma_start3A_595, %dma_start3A_596] : memref<20480x128xf32, #tpu.memory_space<hbm>> -> memref<20480x128xf32, #tpu.memory_space<hbm>>
    tpu.enqueue_indirect_dma source(%dma_start3A_597 : memref<20480x128xf32, #tpu.memory_space<hbm>>) target(%arg7 : memref<120x128xf32, #tpu.memory_space<vmem>>) offsets(%dma_start3A_594 : memref<120xi32, #tpu.memory_space<vmem>>) semaphore(%arg10 : memref<!tpu.dma_semaphore, #tpu.memory_space<semaphore_mem>>)
    %dma_wait3A_598 = arith.constant 840 : i32
    %dma_wait3A_599 = tpu.memref_slice %arg6[%dma_wait3A_598] : memref<5040xi32, #tpu.memory_space<vmem>> -> memref<120xi32, #tpu.memory_space<vmem>>
    %dma_wait3A_600 = arith.constant 0 : i32
    %dma_wait3A_601 = arith.constant 0 : i32
    %dma_wait3A_602 = tpu.memref_slice %arg3[%dma_wait3A_600, %dma_wait3A_601] : memref<20480x128xf32, #tpu.memory_space<hbm>> -> memref<20480x128xf32, #tpu.memory_space<hbm>>
    tpu.wait_indirect_dma semaphore(%arg11 : memref<!tpu.dma_semaphore, #tpu.memory_space<semaphore_mem>>) src(%dma_wait3A_602 : memref<20480x128xf32, #tpu.memory_space<hbm>>) dst(%arg8 : memref<120x128xf32, #tpu.memory_space<vmem>>)
    "tpu.region"() ({
      %run_scoped3A = tpu.sem_alloc : memref<!tpu.dma_semaphore, #tpu.memory_space<semaphore_mem>>
      %dma_start3A_943 = arith.constant 840 : i32
      %dma_start3A_944 = tpu.memref_slice %arg5[%dma_start3A_943] : memref<5040xi32, #tpu.memory_space<vmem>> -> memref<120xi32, #tpu.memory_space<vmem>>
      %dma_start3A_945 = arith.constant 0 : i32
      %dma_start3A_946 = arith.constant 0 : i32
      %dma_start3A_947 = tpu.memref_slice %arg9[%dma_start3A_945, %dma_start3A_946] : memref<10240x128xf32, #tpu.memory_space<vmem_shared>> -> memref<10240x128xf32, #tpu.memory_space<vmem_shared>>
      tpu.enqueue_indirect_dma source(%arg8 : memref<120x128xf32, #tpu.memory_space<vmem>>) target(%dma_start3A_947 : memref<10240x128xf32, #tpu.memory_space<vmem_shared>>) offsets(%dma_start3A_944 : memref<120xi32, #tpu.memory_space<vmem>>) semaphore(%run_scoped3A : memref<!tpu.dma_semaphore, #tpu.memory_space<semaphore_mem>>) {add = true}
      %dma_wait3A_948 = arith.constant 840 : i32
      %dma_wait3A_949 = tpu.memref_slice %arg5[%dma_wait3A_948] : memref<5040xi32, #tpu.memory_space<vmem>> -> memref<120xi32, #tpu.memory_space<vmem>>
      %dma_wait3A_950 = arith.constant 0 : i32
      %dma_wait3A_951 = arith.constant 0 : i32
      %dma_wait3A_952 = tpu.memref_slice %arg9[%dma_wait3A_950, %dma_wait3A_951] : memref<10240x128xf32, #tpu.memory_space<vmem_shared>> -> memref<10240x128xf32, #tpu.memory_space<vmem_shared>>
      tpu.wait_indirect_dma semaphore(%run_scoped3A : memref<!tpu.dma_semaphore, #tpu.memory_space<semaphore_mem>>) src(%arg8 : memref<120x128xf32, #tpu.memory_space<vmem>>) dst(%dma_wait3A_952 : memref<10240x128xf32, #tpu.memory_space<vmem_shared>>)
      tpu.yield
    }) : () -> ()
    %dma_start3A_603 = arith.constant 1080 : i32
    %dma_start3A_604 = tpu.memref_slice %arg6[%dma_start3A_603] : memref<5040xi32, #tpu.memory_space<vmem>> -> memref<120xi32, #tpu.memory_space<vmem>>
    %dma_start3A_605 = arith.constant 0 : i32
    %dma_start3A_606 = arith.constant 0 : i32
    %dma_start3A_607 = tpu.memref_slice %arg3[%dma_start3A_605, %dma_start3A_606] : memref<20480x128xf32, #tpu.memory_space<hbm>> -> memref<20480x128xf32, #tpu.memory_space<hbm>>
    tpu.enqueue_indirect_dma source(%dma_start3A_607 : memref<20480x128xf32, #tpu.memory_space<hbm>>) target(%arg8 : memref<120x128xf32, #tpu.memory_space<vmem>>) offsets(%dma_start3A_604 : memref<120xi32, #tpu.memory_space<vmem>>) semaphore(%arg11 : memref<!tpu.dma_semaphore, #tpu.memory_space<semaphore_mem>>)
    %dma_wait3A_608 = arith.constant 960 : i32
    %dma_wait3A_609 = tpu.memref_slice %arg6[%dma_wait3A_608] : memref<5040xi32, #tpu.memory_space<vmem>> -> memref<120xi32, #tpu.memory_space<vmem>>
    %dma_wait3A_610 = arith.constant 0 : i32
    %dma_wait3A_611 = arith.constant 0 : i32
    %dma_wait3A_612 = tpu.memref_slice %arg3[%dma_wait3A_610, %dma_wait3A_611] : memref<20480x128xf32, #tpu.memory_space<hbm>> -> memref<20480x128xf32, #tpu.memory_space<hbm>>
    tpu.wait_indirect_dma semaphore(%arg10 : memref<!tpu.dma_semaphore, #tpu.memory_space<semaphore_mem>>) src(%dma_wait3A_612 : memref<20480x128xf32, #tpu.memory_space<hbm>>) dst(%arg7 : memref<120x128xf32, #tpu.memory_space<vmem>>)
    "tpu.region"() ({
      %run_scoped3A = tpu.sem_alloc : memref<!tpu.dma_semaphore, #tpu.memory_space<semaphore_mem>>
      %dma_start3A_943 = arith.constant 960 : i32
      %dma_start3A_944 = tpu.memref_slice %arg5[%dma_start3A_943] : memref<5040xi32, #tpu.memory_space<vmem>> -> memref<120xi32, #tpu.memory_space<vmem>>
      %dma_start3A_945 = arith.constant 0 : i32
      %dma_start3A_946 = arith.constant 0 : i32
      %dma_start3A_947 = tpu.memref_slice %arg9[%dma_start3A_945, %dma_start3A_946] : memref<10240x128xf32, #tpu.memory_space<vmem_shared>> -> memref<10240x128xf32, #tpu.memory_space<vmem_shared>>
      tpu.enqueue_indirect_dma source(%arg7 : memref<120x128xf32, #tpu.memory_space<vmem>>) target(%dma_start3A_947 : memref<10240x128xf32, #tpu.memory_space<vmem_shared>>) offsets(%dma_start3A_944 : memref<120xi32, #tpu.memory_space<vmem>>) semaphore(%run_scoped3A : memref<!tpu.dma_semaphore, #tpu.memory_space<semaphore_mem>>) {add = true}
      %dma_wait3A_948 = arith.constant 960 : i32
      %dma_wait3A_949 = tpu.memref_slice %arg5[%dma_wait3A_948] : memref<5040xi32, #tpu.memory_space<vmem>> -> memref<120xi32, #tpu.memory_space<vmem>>
      %dma_wait3A_950 = arith.constant 0 : i32
      %dma_wait3A_951 = arith.constant 0 : i32
      %dma_wait3A_952 = tpu.memref_slice %arg9[%dma_wait3A_950, %dma_wait3A_951] : memref<10240x128xf32, #tpu.memory_space<vmem_shared>> -> memref<10240x128xf32, #tpu.memory_space<vmem_shared>>
      tpu.wait_indirect_dma semaphore(%run_scoped3A : memref<!tpu.dma_semaphore, #tpu.memory_space<semaphore_mem>>) src(%arg7 : memref<120x128xf32, #tpu.memory_space<vmem>>) dst(%dma_wait3A_952 : memref<10240x128xf32, #tpu.memory_space<vmem_shared>>)
      tpu.yield
    }) : () -> ()
    %dma_start3A_613 = arith.constant 1200 : i32
    %dma_start3A_614 = tpu.memref_slice %arg6[%dma_start3A_613] : memref<5040xi32, #tpu.memory_space<vmem>> -> memref<120xi32, #tpu.memory_space<vmem>>
    %dma_start3A_615 = arith.constant 0 : i32
    %dma_start3A_616 = arith.constant 0 : i32
    %dma_start3A_617 = tpu.memref_slice %arg3[%dma_start3A_615, %dma_start3A_616] : memref<20480x128xf32, #tpu.memory_space<hbm>> -> memref<20480x128xf32, #tpu.memory_space<hbm>>
    tpu.enqueue_indirect_dma source(%dma_start3A_617 : memref<20480x128xf32, #tpu.memory_space<hbm>>) target(%arg7 : memref<120x128xf32, #tpu.memory_space<vmem>>) offsets(%dma_start3A_614 : memref<120xi32, #tpu.memory_space<vmem>>) semaphore(%arg10 : memref<!tpu.dma_semaphore, #tpu.memory_space<semaphore_mem>>)
    %dma_wait3A_618 = arith.constant 1080 : i32
    %dma_wait3A_619 = tpu.memref_slice %arg6[%dma_wait3A_618] : memref<5040xi32, #tpu.memory_space<vmem>> -> memref<120xi32, #tpu.memory_space<vmem>>
    %dma_wait3A_620 = arith.constant 0 : i32
    %dma_wait3A_621 = arith.constant 0 : i32
    %dma_wait3A_622 = tpu.memref_slice %arg3[%dma_wait3A_620, %dma_wait3A_621] : memref<20480x128xf32, #tpu.memory_space<hbm>> -> memref<20480x128xf32, #tpu.memory_space<hbm>>
    tpu.wait_indirect_dma semaphore(%arg11 : memref<!tpu.dma_semaphore, #tpu.memory_space<semaphore_mem>>) src(%dma_wait3A_622 : memref<20480x128xf32, #tpu.memory_space<hbm>>) dst(%arg8 : memref<120x128xf32, #tpu.memory_space<vmem>>)
    "tpu.region"() ({
      %run_scoped3A = tpu.sem_alloc : memref<!tpu.dma_semaphore, #tpu.memory_space<semaphore_mem>>
      %dma_start3A_943 = arith.constant 1080 : i32
      %dma_start3A_944 = tpu.memref_slice %arg5[%dma_start3A_943] : memref<5040xi32, #tpu.memory_space<vmem>> -> memref<120xi32, #tpu.memory_space<vmem>>
      %dma_start3A_945 = arith.constant 0 : i32
      %dma_start3A_946 = arith.constant 0 : i32
      %dma_start3A_947 = tpu.memref_slice %arg9[%dma_start3A_945, %dma_start3A_946] : memref<10240x128xf32, #tpu.memory_space<vmem_shared>> -> memref<10240x128xf32, #tpu.memory_space<vmem_shared>>
      tpu.enqueue_indirect_dma source(%arg8 : memref<120x128xf32, #tpu.memory_space<vmem>>) target(%dma_start3A_947 : memref<10240x128xf32, #tpu.memory_space<vmem_shared>>) offsets(%dma_start3A_944 : memref<120xi32, #tpu.memory_space<vmem>>) semaphore(%run_scoped3A : memref<!tpu.dma_semaphore, #tpu.memory_space<semaphore_mem>>) {add = true}
      %dma_wait3A_948 = arith.constant 1080 : i32
      %dma_wait3A_949 = tpu.memref_slice %arg5[%dma_wait3A_948] : memref<5040xi32, #tpu.memory_space<vmem>> -> memref<120xi32, #tpu.memory_space<vmem>>
      %dma_wait3A_950 = arith.constant 0 : i32
      %dma_wait3A_951 = arith.constant 0 : i32
      %dma_wait3A_952 = tpu.memref_slice %arg9[%dma_wait3A_950, %dma_wait3A_951] : memref<10240x128xf32, #tpu.memory_space<vmem_shared>> -> memref<10240x128xf32, #tpu.memory_space<vmem_shared>>
      tpu.wait_indirect_dma semaphore(%run_scoped3A : memref<!tpu.dma_semaphore, #tpu.memory_space<semaphore_mem>>) src(%arg8 : memref<120x128xf32, #tpu.memory_space<vmem>>) dst(%dma_wait3A_952 : memref<10240x128xf32, #tpu.memory_space<vmem_shared>>)
      tpu.yield
    }) : () -> ()
    %dma_start3A_623 = arith.constant 1320 : i32
    %dma_start3A_624 = tpu.memref_slice %arg6[%dma_start3A_623] : memref<5040xi32, #tpu.memory_space<vmem>> -> memref<120xi32, #tpu.memory_space<vmem>>
    %dma_start3A_625 = arith.constant 0 : i32
    %dma_start3A_626 = arith.constant 0 : i32
    %dma_start3A_627 = tpu.memref_slice %arg3[%dma_start3A_625, %dma_start3A_626] : memref<20480x128xf32, #tpu.memory_space<hbm>> -> memref<20480x128xf32, #tpu.memory_space<hbm>>
    tpu.enqueue_indirect_dma source(%dma_start3A_627 : memref<20480x128xf32, #tpu.memory_space<hbm>>) target(%arg8 : memref<120x128xf32, #tpu.memory_space<vmem>>) offsets(%dma_start3A_624 : memref<120xi32, #tpu.memory_space<vmem>>) semaphore(%arg11 : memref<!tpu.dma_semaphore, #tpu.memory_space<semaphore_mem>>)
    %dma_wait3A_628 = arith.constant 1200 : i32
    %dma_wait3A_629 = tpu.memref_slice %arg6[%dma_wait3A_628] : memref<5040xi32, #tpu.memory_space<vmem>> -> memref<120xi32, #tpu.memory_space<vmem>>
    %dma_wait3A_630 = arith.constant 0 : i32
    %dma_wait3A_631 = arith.constant 0 : i32
    %dma_wait3A_632 = tpu.memref_slice %arg3[%dma_wait3A_630, %dma_wait3A_631] : memref<20480x128xf32, #tpu.memory_space<hbm>> -> memref<20480x128xf32, #tpu.memory_space<hbm>>
    tpu.wait_indirect_dma semaphore(%arg10 : memref<!tpu.dma_semaphore, #tpu.memory_space<semaphore_mem>>) src(%dma_wait3A_632 : memref<20480x128xf32, #tpu.memory_space<hbm>>) dst(%arg7 : memref<120x128xf32, #tpu.memory_space<vmem>>)
    "tpu.region"() ({
      %run_scoped3A = tpu.sem_alloc : memref<!tpu.dma_semaphore, #tpu.memory_space<semaphore_mem>>
      %dma_start3A_943 = arith.constant 1200 : i32
      %dma_start3A_944 = tpu.memref_slice %arg5[%dma_start3A_943] : memref<5040xi32, #tpu.memory_space<vmem>> -> memref<120xi32, #tpu.memory_space<vmem>>
      %dma_start3A_945 = arith.constant 0 : i32
      %dma_start3A_946 = arith.constant 0 : i32
      %dma_start3A_947 = tpu.memref_slice %arg9[%dma_start3A_945, %dma_start3A_946] : memref<10240x128xf32, #tpu.memory_space<vmem_shared>> -> memref<10240x128xf32, #tpu.memory_space<vmem_shared>>
      tpu.enqueue_indirect_dma source(%arg7 : memref<120x128xf32, #tpu.memory_space<vmem>>) target(%dma_start3A_947 : memref<10240x128xf32, #tpu.memory_space<vmem_shared>>) offsets(%dma_start3A_944 : memref<120xi32, #tpu.memory_space<vmem>>) semaphore(%run_scoped3A : memref<!tpu.dma_semaphore, #tpu.memory_space<semaphore_mem>>) {add = true}
      %dma_wait3A_948 = arith.constant 1200 : i32
      %dma_wait3A_949 = tpu.memref_slice %arg5[%dma_wait3A_948] : memref<5040xi32, #tpu.memory_space<vmem>> -> memref<120xi32, #tpu.memory_space<vmem>>
      %dma_wait3A_950 = arith.constant 0 : i32
      %dma_wait3A_951 = arith.constant 0 : i32
      %dma_wait3A_952 = tpu.memref_slice %arg9[%dma_wait3A_950, %dma_wait3A_951] : memref<10240x128xf32, #tpu.memory_space<vmem_shared>> -> memref<10240x128xf32, #tpu.memory_space<vmem_shared>>
      tpu.wait_indirect_dma semaphore(%run_scoped3A : memref<!tpu.dma_semaphore, #tpu.memory_space<semaphore_mem>>) src(%arg7 : memref<120x128xf32, #tpu.memory_space<vmem>>) dst(%dma_wait3A_952 : memref<10240x128xf32, #tpu.memory_space<vmem_shared>>)
      tpu.yield
    }) : () -> ()
    %dma_start3A_633 = arith.constant 1440 : i32
    %dma_start3A_634 = tpu.memref_slice %arg6[%dma_start3A_633] : memref<5040xi32, #tpu.memory_space<vmem>> -> memref<120xi32, #tpu.memory_space<vmem>>
    %dma_start3A_635 = arith.constant 0 : i32
    %dma_start3A_636 = arith.constant 0 : i32
    %dma_start3A_637 = tpu.memref_slice %arg3[%dma_start3A_635, %dma_start3A_636] : memref<20480x128xf32, #tpu.memory_space<hbm>> -> memref<20480x128xf32, #tpu.memory_space<hbm>>
    tpu.enqueue_indirect_dma source(%dma_start3A_637 : memref<20480x128xf32, #tpu.memory_space<hbm>>) target(%arg7 : memref<120x128xf32, #tpu.memory_space<vmem>>) offsets(%dma_start3A_634 : memref<120xi32, #tpu.memory_space<vmem>>) semaphore(%arg10 : memref<!tpu.dma_semaphore, #tpu.memory_space<semaphore_mem>>)
    %dma_wait3A_638 = arith.constant 1320 : i32
    %dma_wait3A_639 = tpu.memref_slice %arg6[%dma_wait3A_638] : memref<5040xi32, #tpu.memory_space<vmem>> -> memref<120xi32, #tpu.memory_space<vmem>>
    %dma_wait3A_640 = arith.constant 0 : i32
    %dma_wait3A_641 = arith.constant 0 : i32
    %dma_wait3A_642 = tpu.memref_slice %arg3[%dma_wait3A_640, %dma_wait3A_641] : memref<20480x128xf32, #tpu.memory_space<hbm>> -> memref<20480x128xf32, #tpu.memory_space<hbm>>
    tpu.wait_indirect_dma semaphore(%arg11 : memref<!tpu.dma_semaphore, #tpu.memory_space<semaphore_mem>>) src(%dma_wait3A_642 : memref<20480x128xf32, #tpu.memory_space<hbm>>) dst(%arg8 : memref<120x128xf32, #tpu.memory_space<vmem>>)
    "tpu.region"() ({
      %run_scoped3A = tpu.sem_alloc : memref<!tpu.dma_semaphore, #tpu.memory_space<semaphore_mem>>
      %dma_start3A_943 = arith.constant 1320 : i32
      %dma_start3A_944 = tpu.memref_slice %arg5[%dma_start3A_943] : memref<5040xi32, #tpu.memory_space<vmem>> -> memref<120xi32, #tpu.memory_space<vmem>>
      %dma_start3A_945 = arith.constant 0 : i32
      %dma_start3A_946 = arith.constant 0 : i32
      %dma_start3A_947 = tpu.memref_slice %arg9[%dma_start3A_945, %dma_start3A_946] : memref<10240x128xf32, #tpu.memory_space<vmem_shared>> -> memref<10240x128xf32, #tpu.memory_space<vmem_shared>>
      tpu.enqueue_indirect_dma source(%arg8 : memref<120x128xf32, #tpu.memory_space<vmem>>) target(%dma_start3A_947 : memref<10240x128xf32, #tpu.memory_space<vmem_shared>>) offsets(%dma_start3A_944 : memref<120xi32, #tpu.memory_space<vmem>>) semaphore(%run_scoped3A : memref<!tpu.dma_semaphore, #tpu.memory_space<semaphore_mem>>) {add = true}
      %dma_wait3A_948 = arith.constant 1320 : i32
      %dma_wait3A_949 = tpu.memref_slice %arg5[%dma_wait3A_948] : memref<5040xi32, #tpu.memory_space<vmem>> -> memref<120xi32, #tpu.memory_space<vmem>>
      %dma_wait3A_950 = arith.constant 0 : i32
      %dma_wait3A_951 = arith.constant 0 : i32
      %dma_wait3A_952 = tpu.memref_slice %arg9[%dma_wait3A_950, %dma_wait3A_951] : memref<10240x128xf32, #tpu.memory_space<vmem_shared>> -> memref<10240x128xf32, #tpu.memory_space<vmem_shared>>
      tpu.wait_indirect_dma semaphore(%run_scoped3A : memref<!tpu.dma_semaphore, #tpu.memory_space<semaphore_mem>>) src(%arg8 : memref<120x128xf32, #tpu.memory_space<vmem>>) dst(%dma_wait3A_952 : memref<10240x128xf32, #tpu.memory_space<vmem_shared>>)
      tpu.yield
    }) : () -> ()
    %dma_start3A_643 = arith.constant 1560 : i32
    %dma_start3A_644 = tpu.memref_slice %arg6[%dma_start3A_643] : memref<5040xi32, #tpu.memory_space<vmem>> -> memref<120xi32, #tpu.memory_space<vmem>>
    %dma_start3A_645 = arith.constant 0 : i32
    %dma_start3A_646 = arith.constant 0 : i32
    %dma_start3A_647 = tpu.memref_slice %arg3[%dma_start3A_645, %dma_start3A_646] : memref<20480x128xf32, #tpu.memory_space<hbm>> -> memref<20480x128xf32, #tpu.memory_space<hbm>>
    tpu.enqueue_indirect_dma source(%dma_start3A_647 : memref<20480x128xf32, #tpu.memory_space<hbm>>) target(%arg8 : memref<120x128xf32, #tpu.memory_space<vmem>>) offsets(%dma_start3A_644 : memref<120xi32, #tpu.memory_space<vmem>>) semaphore(%arg11 : memref<!tpu.dma_semaphore, #tpu.memory_space<semaphore_mem>>)
    %dma_wait3A_648 = arith.constant 1440 : i32
    %dma_wait3A_649 = tpu.memref_slice %arg6[%dma_wait3A_648] : memref<5040xi32, #tpu.memory_space<vmem>> -> memref<120xi32, #tpu.memory_space<vmem>>
    %dma_wait3A_650 = arith.constant 0 : i32
    %dma_wait3A_651 = arith.constant 0 : i32
    %dma_wait3A_652 = tpu.memref_slice %arg3[%dma_wait3A_650, %dma_wait3A_651] : memref<20480x128xf32, #tpu.memory_space<hbm>> -> memref<20480x128xf32, #tpu.memory_space<hbm>>
    tpu.wait_indirect_dma semaphore(%arg10 : memref<!tpu.dma_semaphore, #tpu.memory_space<semaphore_mem>>) src(%dma_wait3A_652 : memref<20480x128xf32, #tpu.memory_space<hbm>>) dst(%arg7 : memref<120x128xf32, #tpu.memory_space<vmem>>)
    "tpu.region"() ({
      %run_scoped3A = tpu.sem_alloc : memref<!tpu.dma_semaphore, #tpu.memory_space<semaphore_mem>>
      %dma_start3A_943 = arith.constant 1440 : i32
      %dma_start3A_944 = tpu.memref_slice %arg5[%dma_start3A_943] : memref<5040xi32, #tpu.memory_space<vmem>> -> memref<120xi32, #tpu.memory_space<vmem>>
      %dma_start3A_945 = arith.constant 0 : i32
      %dma_start3A_946 = arith.constant 0 : i32
      %dma_start3A_947 = tpu.memref_slice %arg9[%dma_start3A_945, %dma_start3A_946] : memref<10240x128xf32, #tpu.memory_space<vmem_shared>> -> memref<10240x128xf32, #tpu.memory_space<vmem_shared>>
      tpu.enqueue_indirect_dma source(%arg7 : memref<120x128xf32, #tpu.memory_space<vmem>>) target(%dma_start3A_947 : memref<10240x128xf32, #tpu.memory_space<vmem_shared>>) offsets(%dma_start3A_944 : memref<120xi32, #tpu.memory_space<vmem>>) semaphore(%run_scoped3A : memref<!tpu.dma_semaphore, #tpu.memory_space<semaphore_mem>>) {add = true}
      %dma_wait3A_948 = arith.constant 1440 : i32
      %dma_wait3A_949 = tpu.memref_slice %arg5[%dma_wait3A_948] : memref<5040xi32, #tpu.memory_space<vmem>> -> memref<120xi32, #tpu.memory_space<vmem>>
      %dma_wait3A_950 = arith.constant 0 : i32
      %dma_wait3A_951 = arith.constant 0 : i32
      %dma_wait3A_952 = tpu.memref_slice %arg9[%dma_wait3A_950, %dma_wait3A_951] : memref<10240x128xf32, #tpu.memory_space<vmem_shared>> -> memref<10240x128xf32, #tpu.memory_space<vmem_shared>>
      tpu.wait_indirect_dma semaphore(%run_scoped3A : memref<!tpu.dma_semaphore, #tpu.memory_space<semaphore_mem>>) src(%arg7 : memref<120x128xf32, #tpu.memory_space<vmem>>) dst(%dma_wait3A_952 : memref<10240x128xf32, #tpu.memory_space<vmem_shared>>)
      tpu.yield
    }) : () -> ()
    %dma_start3A_653 = arith.constant 1680 : i32
    %dma_start3A_654 = tpu.memref_slice %arg6[%dma_start3A_653] : memref<5040xi32, #tpu.memory_space<vmem>> -> memref<120xi32, #tpu.memory_space<vmem>>
    %dma_start3A_655 = arith.constant 0 : i32
    %dma_start3A_656 = arith.constant 0 : i32
    %dma_start3A_657 = tpu.memref_slice %arg3[%dma_start3A_655, %dma_start3A_656] : memref<20480x128xf32, #tpu.memory_space<hbm>> -> memref<20480x128xf32, #tpu.memory_space<hbm>>
    tpu.enqueue_indirect_dma source(%dma_start3A_657 : memref<20480x128xf32, #tpu.memory_space<hbm>>) target(%arg7 : memref<120x128xf32, #tpu.memory_space<vmem>>) offsets(%dma_start3A_654 : memref<120xi32, #tpu.memory_space<vmem>>) semaphore(%arg10 : memref<!tpu.dma_semaphore, #tpu.memory_space<semaphore_mem>>)
    %dma_wait3A_658 = arith.constant 1560 : i32
    %dma_wait3A_659 = tpu.memref_slice %arg6[%dma_wait3A_658] : memref<5040xi32, #tpu.memory_space<vmem>> -> memref<120xi32, #tpu.memory_space<vmem>>
    %dma_wait3A_660 = arith.constant 0 : i32
    %dma_wait3A_661 = arith.constant 0 : i32
    %dma_wait3A_662 = tpu.memref_slice %arg3[%dma_wait3A_660, %dma_wait3A_661] : memref<20480x128xf32, #tpu.memory_space<hbm>> -> memref<20480x128xf32, #tpu.memory_space<hbm>>
    tpu.wait_indirect_dma semaphore(%arg11 : memref<!tpu.dma_semaphore, #tpu.memory_space<semaphore_mem>>) src(%dma_wait3A_662 : memref<20480x128xf32, #tpu.memory_space<hbm>>) dst(%arg8 : memref<120x128xf32, #tpu.memory_space<vmem>>)
    "tpu.region"() ({
      %run_scoped3A = tpu.sem_alloc : memref<!tpu.dma_semaphore, #tpu.memory_space<semaphore_mem>>
      %dma_start3A_943 = arith.constant 1560 : i32
      %dma_start3A_944 = tpu.memref_slice %arg5[%dma_start3A_943] : memref<5040xi32, #tpu.memory_space<vmem>> -> memref<120xi32, #tpu.memory_space<vmem>>
      %dma_start3A_945 = arith.constant 0 : i32
      %dma_start3A_946 = arith.constant 0 : i32
      %dma_start3A_947 = tpu.memref_slice %arg9[%dma_start3A_945, %dma_start3A_946] : memref<10240x128xf32, #tpu.memory_space<vmem_shared>> -> memref<10240x128xf32, #tpu.memory_space<vmem_shared>>
      tpu.enqueue_indirect_dma source(%arg8 : memref<120x128xf32, #tpu.memory_space<vmem>>) target(%dma_start3A_947 : memref<10240x128xf32, #tpu.memory_space<vmem_shared>>) offsets(%dma_start3A_944 : memref<120xi32, #tpu.memory_space<vmem>>) semaphore(%run_scoped3A : memref<!tpu.dma_semaphore, #tpu.memory_space<semaphore_mem>>) {add = true}
      %dma_wait3A_948 = arith.constant 1560 : i32
      %dma_wait3A_949 = tpu.memref_slice %arg5[%dma_wait3A_948] : memref<5040xi32, #tpu.memory_space<vmem>> -> memref<120xi32, #tpu.memory_space<vmem>>
      %dma_wait3A_950 = arith.constant 0 : i32
      %dma_wait3A_951 = arith.constant 0 : i32
      %dma_wait3A_952 = tpu.memref_slice %arg9[%dma_wait3A_950, %dma_wait3A_951] : memref<10240x128xf32, #tpu.memory_space<vmem_shared>> -> memref<10240x128xf32, #tpu.memory_space<vmem_shared>>
      tpu.wait_indirect_dma semaphore(%run_scoped3A : memref<!tpu.dma_semaphore, #tpu.memory_space<semaphore_mem>>) src(%arg8 : memref<120x128xf32, #tpu.memory_space<vmem>>) dst(%dma_wait3A_952 : memref<10240x128xf32, #tpu.memory_space<vmem_shared>>)
      tpu.yield
    }) : () -> ()
    %dma_start3A_663 = arith.constant 1800 : i32
    %dma_start3A_664 = tpu.memref_slice %arg6[%dma_start3A_663] : memref<5040xi32, #tpu.memory_space<vmem>> -> memref<120xi32, #tpu.memory_space<vmem>>
    %dma_start3A_665 = arith.constant 0 : i32
    %dma_start3A_666 = arith.constant 0 : i32
    %dma_start3A_667 = tpu.memref_slice %arg3[%dma_start3A_665, %dma_start3A_666] : memref<20480x128xf32, #tpu.memory_space<hbm>> -> memref<20480x128xf32, #tpu.memory_space<hbm>>
    tpu.enqueue_indirect_dma source(%dma_start3A_667 : memref<20480x128xf32, #tpu.memory_space<hbm>>) target(%arg8 : memref<120x128xf32, #tpu.memory_space<vmem>>) offsets(%dma_start3A_664 : memref<120xi32, #tpu.memory_space<vmem>>) semaphore(%arg11 : memref<!tpu.dma_semaphore, #tpu.memory_space<semaphore_mem>>)
    %dma_wait3A_668 = arith.constant 1680 : i32
    %dma_wait3A_669 = tpu.memref_slice %arg6[%dma_wait3A_668] : memref<5040xi32, #tpu.memory_space<vmem>> -> memref<120xi32, #tpu.memory_space<vmem>>
    %dma_wait3A_670 = arith.constant 0 : i32
    %dma_wait3A_671 = arith.constant 0 : i32
    %dma_wait3A_672 = tpu.memref_slice %arg3[%dma_wait3A_670, %dma_wait3A_671] : memref<20480x128xf32, #tpu.memory_space<hbm>> -> memref<20480x128xf32, #tpu.memory_space<hbm>>
    tpu.wait_indirect_dma semaphore(%arg10 : memref<!tpu.dma_semaphore, #tpu.memory_space<semaphore_mem>>) src(%dma_wait3A_672 : memref<20480x128xf32, #tpu.memory_space<hbm>>) dst(%arg7 : memref<120x128xf32, #tpu.memory_space<vmem>>)
    "tpu.region"() ({
      %run_scoped3A = tpu.sem_alloc : memref<!tpu.dma_semaphore, #tpu.memory_space<semaphore_mem>>
      %dma_start3A_943 = arith.constant 1680 : i32
      %dma_start3A_944 = tpu.memref_slice %arg5[%dma_start3A_943] : memref<5040xi32, #tpu.memory_space<vmem>> -> memref<120xi32, #tpu.memory_space<vmem>>
      %dma_start3A_945 = arith.constant 0 : i32
      %dma_start3A_946 = arith.constant 0 : i32
      %dma_start3A_947 = tpu.memref_slice %arg9[%dma_start3A_945, %dma_start3A_946] : memref<10240x128xf32, #tpu.memory_space<vmem_shared>> -> memref<10240x128xf32, #tpu.memory_space<vmem_shared>>
      tpu.enqueue_indirect_dma source(%arg7 : memref<120x128xf32, #tpu.memory_space<vmem>>) target(%dma_start3A_947 : memref<10240x128xf32, #tpu.memory_space<vmem_shared>>) offsets(%dma_start3A_944 : memref<120xi32, #tpu.memory_space<vmem>>) semaphore(%run_scoped3A : memref<!tpu.dma_semaphore, #tpu.memory_space<semaphore_mem>>) {add = true}
      %dma_wait3A_948 = arith.constant 1680 : i32
      %dma_wait3A_949 = tpu.memref_slice %arg5[%dma_wait3A_948] : memref<5040xi32, #tpu.memory_space<vmem>> -> memref<120xi32, #tpu.memory_space<vmem>>
      %dma_wait3A_950 = arith.constant 0 : i32
      %dma_wait3A_951 = arith.constant 0 : i32
      %dma_wait3A_952 = tpu.memref_slice %arg9[%dma_wait3A_950, %dma_wait3A_951] : memref<10240x128xf32, #tpu.memory_space<vmem_shared>> -> memref<10240x128xf32, #tpu.memory_space<vmem_shared>>
      tpu.wait_indirect_dma semaphore(%run_scoped3A : memref<!tpu.dma_semaphore, #tpu.memory_space<semaphore_mem>>) src(%arg7 : memref<120x128xf32, #tpu.memory_space<vmem>>) dst(%dma_wait3A_952 : memref<10240x128xf32, #tpu.memory_space<vmem_shared>>)
      tpu.yield
    }) : () -> ()
    %dma_start3A_673 = arith.constant 1920 : i32
    %dma_start3A_674 = tpu.memref_slice %arg6[%dma_start3A_673] : memref<5040xi32, #tpu.memory_space<vmem>> -> memref<120xi32, #tpu.memory_space<vmem>>
    %dma_start3A_675 = arith.constant 0 : i32
    %dma_start3A_676 = arith.constant 0 : i32
    %dma_start3A_677 = tpu.memref_slice %arg3[%dma_start3A_675, %dma_start3A_676] : memref<20480x128xf32, #tpu.memory_space<hbm>> -> memref<20480x128xf32, #tpu.memory_space<hbm>>
    tpu.enqueue_indirect_dma source(%dma_start3A_677 : memref<20480x128xf32, #tpu.memory_space<hbm>>) target(%arg7 : memref<120x128xf32, #tpu.memory_space<vmem>>) offsets(%dma_start3A_674 : memref<120xi32, #tpu.memory_space<vmem>>) semaphore(%arg10 : memref<!tpu.dma_semaphore, #tpu.memory_space<semaphore_mem>>)
    %dma_wait3A_678 = arith.constant 1800 : i32
    %dma_wait3A_679 = tpu.memref_slice %arg6[%dma_wait3A_678] : memref<5040xi32, #tpu.memory_space<vmem>> -> memref<120xi32, #tpu.memory_space<vmem>>
    %dma_wait3A_680 = arith.constant 0 : i32
    %dma_wait3A_681 = arith.constant 0 : i32
    %dma_wait3A_682 = tpu.memref_slice %arg3[%dma_wait3A_680, %dma_wait3A_681] : memref<20480x128xf32, #tpu.memory_space<hbm>> -> memref<20480x128xf32, #tpu.memory_space<hbm>>
    tpu.wait_indirect_dma semaphore(%arg11 : memref<!tpu.dma_semaphore, #tpu.memory_space<semaphore_mem>>) src(%dma_wait3A_682 : memref<20480x128xf32, #tpu.memory_space<hbm>>) dst(%arg8 : memref<120x128xf32, #tpu.memory_space<vmem>>)
    "tpu.region"() ({
      %run_scoped3A = tpu.sem_alloc : memref<!tpu.dma_semaphore, #tpu.memory_space<semaphore_mem>>
      %dma_start3A_943 = arith.constant 1800 : i32
      %dma_start3A_944 = tpu.memref_slice %arg5[%dma_start3A_943] : memref<5040xi32, #tpu.memory_space<vmem>> -> memref<120xi32, #tpu.memory_space<vmem>>
      %dma_start3A_945 = arith.constant 0 : i32
      %dma_start3A_946 = arith.constant 0 : i32
      %dma_start3A_947 = tpu.memref_slice %arg9[%dma_start3A_945, %dma_start3A_946] : memref<10240x128xf32, #tpu.memory_space<vmem_shared>> -> memref<10240x128xf32, #tpu.memory_space<vmem_shared>>
      tpu.enqueue_indirect_dma source(%arg8 : memref<120x128xf32, #tpu.memory_space<vmem>>) target(%dma_start3A_947 : memref<10240x128xf32, #tpu.memory_space<vmem_shared>>) offsets(%dma_start3A_944 : memref<120xi32, #tpu.memory_space<vmem>>) semaphore(%run_scoped3A : memref<!tpu.dma_semaphore, #tpu.memory_space<semaphore_mem>>) {add = true}
      %dma_wait3A_948 = arith.constant 1800 : i32
      %dma_wait3A_949 = tpu.memref_slice %arg5[%dma_wait3A_948] : memref<5040xi32, #tpu.memory_space<vmem>> -> memref<120xi32, #tpu.memory_space<vmem>>
      %dma_wait3A_950 = arith.constant 0 : i32
      %dma_wait3A_951 = arith.constant 0 : i32
      %dma_wait3A_952 = tpu.memref_slice %arg9[%dma_wait3A_950, %dma_wait3A_951] : memref<10240x128xf32, #tpu.memory_space<vmem_shared>> -> memref<10240x128xf32, #tpu.memory_space<vmem_shared>>
      tpu.wait_indirect_dma semaphore(%run_scoped3A : memref<!tpu.dma_semaphore, #tpu.memory_space<semaphore_mem>>) src(%arg8 : memref<120x128xf32, #tpu.memory_space<vmem>>) dst(%dma_wait3A_952 : memref<10240x128xf32, #tpu.memory_space<vmem_shared>>)
      tpu.yield
    }) : () -> ()
    %dma_start3A_683 = arith.constant 2040 : i32
    %dma_start3A_684 = tpu.memref_slice %arg6[%dma_start3A_683] : memref<5040xi32, #tpu.memory_space<vmem>> -> memref<120xi32, #tpu.memory_space<vmem>>
    %dma_start3A_685 = arith.constant 0 : i32
    %dma_start3A_686 = arith.constant 0 : i32
    %dma_start3A_687 = tpu.memref_slice %arg3[%dma_start3A_685, %dma_start3A_686] : memref<20480x128xf32, #tpu.memory_space<hbm>> -> memref<20480x128xf32, #tpu.memory_space<hbm>>
    tpu.enqueue_indirect_dma source(%dma_start3A_687 : memref<20480x128xf32, #tpu.memory_space<hbm>>) target(%arg8 : memref<120x128xf32, #tpu.memory_space<vmem>>) offsets(%dma_start3A_684 : memref<120xi32, #tpu.memory_space<vmem>>) semaphore(%arg11 : memref<!tpu.dma_semaphore, #tpu.memory_space<semaphore_mem>>)
    %dma_wait3A_688 = arith.constant 1920 : i32
    %dma_wait3A_689 = tpu.memref_slice %arg6[%dma_wait3A_688] : memref<5040xi32, #tpu.memory_space<vmem>> -> memref<120xi32, #tpu.memory_space<vmem>>
    %dma_wait3A_690 = arith.constant 0 : i32
    %dma_wait3A_691 = arith.constant 0 : i32
    %dma_wait3A_692 = tpu.memref_slice %arg3[%dma_wait3A_690, %dma_wait3A_691] : memref<20480x128xf32, #tpu.memory_space<hbm>> -> memref<20480x128xf32, #tpu.memory_space<hbm>>
    tpu.wait_indirect_dma semaphore(%arg10 : memref<!tpu.dma_semaphore, #tpu.memory_space<semaphore_mem>>) src(%dma_wait3A_692 : memref<20480x128xf32, #tpu.memory_space<hbm>>) dst(%arg7 : memref<120x128xf32, #tpu.memory_space<vmem>>)
    "tpu.region"() ({
      %run_scoped3A = tpu.sem_alloc : memref<!tpu.dma_semaphore, #tpu.memory_space<semaphore_mem>>
      %dma_start3A_943 = arith.constant 1920 : i32
      %dma_start3A_944 = tpu.memref_slice %arg5[%dma_start3A_943] : memref<5040xi32, #tpu.memory_space<vmem>> -> memref<120xi32, #tpu.memory_space<vmem>>
      %dma_start3A_945 = arith.constant 0 : i32
      %dma_start3A_946 = arith.constant 0 : i32
      %dma_start3A_947 = tpu.memref_slice %arg9[%dma_start3A_945, %dma_start3A_946] : memref<10240x128xf32, #tpu.memory_space<vmem_shared>> -> memref<10240x128xf32, #tpu.memory_space<vmem_shared>>
      tpu.enqueue_indirect_dma source(%arg7 : memref<120x128xf32, #tpu.memory_space<vmem>>) target(%dma_start3A_947 : memref<10240x128xf32, #tpu.memory_space<vmem_shared>>) offsets(%dma_start3A_944 : memref<120xi32, #tpu.memory_space<vmem>>) semaphore(%run_scoped3A : memref<!tpu.dma_semaphore, #tpu.memory_space<semaphore_mem>>) {add = true}
      %dma_wait3A_948 = arith.constant 1920 : i32
      %dma_wait3A_949 = tpu.memref_slice %arg5[%dma_wait3A_948] : memref<5040xi32, #tpu.memory_space<vmem>> -> memref<120xi32, #tpu.memory_space<vmem>>
      %dma_wait3A_950 = arith.constant 0 : i32
      %dma_wait3A_951 = arith.constant 0 : i32
      %dma_wait3A_952 = tpu.memref_slice %arg9[%dma_wait3A_950, %dma_wait3A_951] : memref<10240x128xf32, #tpu.memory_space<vmem_shared>> -> memref<10240x128xf32, #tpu.memory_space<vmem_shared>>
      tpu.wait_indirect_dma semaphore(%run_scoped3A : memref<!tpu.dma_semaphore, #tpu.memory_space<semaphore_mem>>) src(%arg7 : memref<120x128xf32, #tpu.memory_space<vmem>>) dst(%dma_wait3A_952 : memref<10240x128xf32, #tpu.memory_space<vmem_shared>>)
      tpu.yield
    }) : () -> ()
    %dma_start3A_693 = arith.constant 2160 : i32
    %dma_start3A_694 = tpu.memref_slice %arg6[%dma_start3A_693] : memref<5040xi32, #tpu.memory_space<vmem>> -> memref<120xi32, #tpu.memory_space<vmem>>
    %dma_start3A_695 = arith.constant 0 : i32
    %dma_start3A_696 = arith.constant 0 : i32
    %dma_start3A_697 = tpu.memref_slice %arg3[%dma_start3A_695, %dma_start3A_696] : memref<20480x128xf32, #tpu.memory_space<hbm>> -> memref<20480x128xf32, #tpu.memory_space<hbm>>
    tpu.enqueue_indirect_dma source(%dma_start3A_697 : memref<20480x128xf32, #tpu.memory_space<hbm>>) target(%arg7 : memref<120x128xf32, #tpu.memory_space<vmem>>) offsets(%dma_start3A_694 : memref<120xi32, #tpu.memory_space<vmem>>) semaphore(%arg10 : memref<!tpu.dma_semaphore, #tpu.memory_space<semaphore_mem>>)
    %dma_wait3A_698 = arith.constant 2040 : i32
    %dma_wait3A_699 = tpu.memref_slice %arg6[%dma_wait3A_698] : memref<5040xi32, #tpu.memory_space<vmem>> -> memref<120xi32, #tpu.memory_space<vmem>>
    %dma_wait3A_700 = arith.constant 0 : i32
    %dma_wait3A_701 = arith.constant 0 : i32
    %dma_wait3A_702 = tpu.memref_slice %arg3[%dma_wait3A_700, %dma_wait3A_701] : memref<20480x128xf32, #tpu.memory_space<hbm>> -> memref<20480x128xf32, #tpu.memory_space<hbm>>
    tpu.wait_indirect_dma semaphore(%arg11 : memref<!tpu.dma_semaphore, #tpu.memory_space<semaphore_mem>>) src(%dma_wait3A_702 : memref<20480x128xf32, #tpu.memory_space<hbm>>) dst(%arg8 : memref<120x128xf32, #tpu.memory_space<vmem>>)
    "tpu.region"() ({
      %run_scoped3A = tpu.sem_alloc : memref<!tpu.dma_semaphore, #tpu.memory_space<semaphore_mem>>
      %dma_start3A_943 = arith.constant 2040 : i32
      %dma_start3A_944 = tpu.memref_slice %arg5[%dma_start3A_943] : memref<5040xi32, #tpu.memory_space<vmem>> -> memref<120xi32, #tpu.memory_space<vmem>>
      %dma_start3A_945 = arith.constant 0 : i32
      %dma_start3A_946 = arith.constant 0 : i32
      %dma_start3A_947 = tpu.memref_slice %arg9[%dma_start3A_945, %dma_start3A_946] : memref<10240x128xf32, #tpu.memory_space<vmem_shared>> -> memref<10240x128xf32, #tpu.memory_space<vmem_shared>>
      tpu.enqueue_indirect_dma source(%arg8 : memref<120x128xf32, #tpu.memory_space<vmem>>) target(%dma_start3A_947 : memref<10240x128xf32, #tpu.memory_space<vmem_shared>>) offsets(%dma_start3A_944 : memref<120xi32, #tpu.memory_space<vmem>>) semaphore(%run_scoped3A : memref<!tpu.dma_semaphore, #tpu.memory_space<semaphore_mem>>) {add = true}
      %dma_wait3A_948 = arith.constant 2040 : i32
      %dma_wait3A_949 = tpu.memref_slice %arg5[%dma_wait3A_948] : memref<5040xi32, #tpu.memory_space<vmem>> -> memref<120xi32, #tpu.memory_space<vmem>>
      %dma_wait3A_950 = arith.constant 0 : i32
      %dma_wait3A_951 = arith.constant 0 : i32
      %dma_wait3A_952 = tpu.memref_slice %arg9[%dma_wait3A_950, %dma_wait3A_951] : memref<10240x128xf32, #tpu.memory_space<vmem_shared>> -> memref<10240x128xf32, #tpu.memory_space<vmem_shared>>
      tpu.wait_indirect_dma semaphore(%run_scoped3A : memref<!tpu.dma_semaphore, #tpu.memory_space<semaphore_mem>>) src(%arg8 : memref<120x128xf32, #tpu.memory_space<vmem>>) dst(%dma_wait3A_952 : memref<10240x128xf32, #tpu.memory_space<vmem_shared>>)
      tpu.yield
    }) : () -> ()
    %dma_start3A_703 = arith.constant 2280 : i32
    %dma_start3A_704 = tpu.memref_slice %arg6[%dma_start3A_703] : memref<5040xi32, #tpu.memory_space<vmem>> -> memref<120xi32, #tpu.memory_space<vmem>>
    %dma_start3A_705 = arith.constant 0 : i32
    %dma_start3A_706 = arith.constant 0 : i32
    %dma_start3A_707 = tpu.memref_slice %arg3[%dma_start3A_705, %dma_start3A_706] : memref<20480x128xf32, #tpu.memory_space<hbm>> -> memref<20480x128xf32, #tpu.memory_space<hbm>>
    tpu.enqueue_indirect_dma source(%dma_start3A_707 : memref<20480x128xf32, #tpu.memory_space<hbm>>) target(%arg8 : memref<120x128xf32, #tpu.memory_space<vmem>>) offsets(%dma_start3A_704 : memref<120xi32, #tpu.memory_space<vmem>>) semaphore(%arg11 : memref<!tpu.dma_semaphore, #tpu.memory_space<semaphore_mem>>)
    %dma_wait3A_708 = arith.constant 2160 : i32
    %dma_wait3A_709 = tpu.memref_slice %arg6[%dma_wait3A_708] : memref<5040xi32, #tpu.memory_space<vmem>> -> memref<120xi32, #tpu.memory_space<vmem>>
    %dma_wait3A_710 = arith.constant 0 : i32
    %dma_wait3A_711 = arith.constant 0 : i32
    %dma_wait3A_712 = tpu.memref_slice %arg3[%dma_wait3A_710, %dma_wait3A_711] : memref<20480x128xf32, #tpu.memory_space<hbm>> -> memref<20480x128xf32, #tpu.memory_space<hbm>>
    tpu.wait_indirect_dma semaphore(%arg10 : memref<!tpu.dma_semaphore, #tpu.memory_space<semaphore_mem>>) src(%dma_wait3A_712 : memref<20480x128xf32, #tpu.memory_space<hbm>>) dst(%arg7 : memref<120x128xf32, #tpu.memory_space<vmem>>)
    "tpu.region"() ({
      %run_scoped3A = tpu.sem_alloc : memref<!tpu.dma_semaphore, #tpu.memory_space<semaphore_mem>>
      %dma_start3A_943 = arith.constant 2160 : i32
      %dma_start3A_944 = tpu.memref_slice %arg5[%dma_start3A_943] : memref<5040xi32, #tpu.memory_space<vmem>> -> memref<120xi32, #tpu.memory_space<vmem>>
      %dma_start3A_945 = arith.constant 0 : i32
      %dma_start3A_946 = arith.constant 0 : i32
      %dma_start3A_947 = tpu.memref_slice %arg9[%dma_start3A_945, %dma_start3A_946] : memref<10240x128xf32, #tpu.memory_space<vmem_shared>> -> memref<10240x128xf32, #tpu.memory_space<vmem_shared>>
      tpu.enqueue_indirect_dma source(%arg7 : memref<120x128xf32, #tpu.memory_space<vmem>>) target(%dma_start3A_947 : memref<10240x128xf32, #tpu.memory_space<vmem_shared>>) offsets(%dma_start3A_944 : memref<120xi32, #tpu.memory_space<vmem>>) semaphore(%run_scoped3A : memref<!tpu.dma_semaphore, #tpu.memory_space<semaphore_mem>>) {add = true}
      %dma_wait3A_948 = arith.constant 2160 : i32
      %dma_wait3A_949 = tpu.memref_slice %arg5[%dma_wait3A_948] : memref<5040xi32, #tpu.memory_space<vmem>> -> memref<120xi32, #tpu.memory_space<vmem>>
      %dma_wait3A_950 = arith.constant 0 : i32
      %dma_wait3A_951 = arith.constant 0 : i32
      %dma_wait3A_952 = tpu.memref_slice %arg9[%dma_wait3A_950, %dma_wait3A_951] : memref<10240x128xf32, #tpu.memory_space<vmem_shared>> -> memref<10240x128xf32, #tpu.memory_space<vmem_shared>>
      tpu.wait_indirect_dma semaphore(%run_scoped3A : memref<!tpu.dma_semaphore, #tpu.memory_space<semaphore_mem>>) src(%arg7 : memref<120x128xf32, #tpu.memory_space<vmem>>) dst(%dma_wait3A_952 : memref<10240x128xf32, #tpu.memory_space<vmem_shared>>)
      tpu.yield
    }) : () -> ()
    %dma_start3A_713 = arith.constant 2400 : i32
    %dma_start3A_714 = tpu.memref_slice %arg6[%dma_start3A_713] : memref<5040xi32, #tpu.memory_space<vmem>> -> memref<120xi32, #tpu.memory_space<vmem>>
    %dma_start3A_715 = arith.constant 0 : i32
    %dma_start3A_716 = arith.constant 0 : i32
    %dma_start3A_717 = tpu.memref_slice %arg3[%dma_start3A_715, %dma_start3A_716] : memref<20480x128xf32, #tpu.memory_space<hbm>> -> memref<20480x128xf32, #tpu.memory_space<hbm>>
    tpu.enqueue_indirect_dma source(%dma_start3A_717 : memref<20480x128xf32, #tpu.memory_space<hbm>>) target(%arg7 : memref<120x128xf32, #tpu.memory_space<vmem>>) offsets(%dma_start3A_714 : memref<120xi32, #tpu.memory_space<vmem>>) semaphore(%arg10 : memref<!tpu.dma_semaphore, #tpu.memory_space<semaphore_mem>>)
    %dma_wait3A_718 = arith.constant 2280 : i32
    %dma_wait3A_719 = tpu.memref_slice %arg6[%dma_wait3A_718] : memref<5040xi32, #tpu.memory_space<vmem>> -> memref<120xi32, #tpu.memory_space<vmem>>
    %dma_wait3A_720 = arith.constant 0 : i32
    %dma_wait3A_721 = arith.constant 0 : i32
    %dma_wait3A_722 = tpu.memref_slice %arg3[%dma_wait3A_720, %dma_wait3A_721] : memref<20480x128xf32, #tpu.memory_space<hbm>> -> memref<20480x128xf32, #tpu.memory_space<hbm>>
    tpu.wait_indirect_dma semaphore(%arg11 : memref<!tpu.dma_semaphore, #tpu.memory_space<semaphore_mem>>) src(%dma_wait3A_722 : memref<20480x128xf32, #tpu.memory_space<hbm>>) dst(%arg8 : memref<120x128xf32, #tpu.memory_space<vmem>>)
    "tpu.region"() ({
      %run_scoped3A = tpu.sem_alloc : memref<!tpu.dma_semaphore, #tpu.memory_space<semaphore_mem>>
      %dma_start3A_943 = arith.constant 2280 : i32
      %dma_start3A_944 = tpu.memref_slice %arg5[%dma_start3A_943] : memref<5040xi32, #tpu.memory_space<vmem>> -> memref<120xi32, #tpu.memory_space<vmem>>
      %dma_start3A_945 = arith.constant 0 : i32
      %dma_start3A_946 = arith.constant 0 : i32
      %dma_start3A_947 = tpu.memref_slice %arg9[%dma_start3A_945, %dma_start3A_946] : memref<10240x128xf32, #tpu.memory_space<vmem_shared>> -> memref<10240x128xf32, #tpu.memory_space<vmem_shared>>
      tpu.enqueue_indirect_dma source(%arg8 : memref<120x128xf32, #tpu.memory_space<vmem>>) target(%dma_start3A_947 : memref<10240x128xf32, #tpu.memory_space<vmem_shared>>) offsets(%dma_start3A_944 : memref<120xi32, #tpu.memory_space<vmem>>) semaphore(%run_scoped3A : memref<!tpu.dma_semaphore, #tpu.memory_space<semaphore_mem>>) {add = true}
      %dma_wait3A_948 = arith.constant 2280 : i32
      %dma_wait3A_949 = tpu.memref_slice %arg5[%dma_wait3A_948] : memref<5040xi32, #tpu.memory_space<vmem>> -> memref<120xi32, #tpu.memory_space<vmem>>
      %dma_wait3A_950 = arith.constant 0 : i32
      %dma_wait3A_951 = arith.constant 0 : i32
      %dma_wait3A_952 = tpu.memref_slice %arg9[%dma_wait3A_950, %dma_wait3A_951] : memref<10240x128xf32, #tpu.memory_space<vmem_shared>> -> memref<10240x128xf32, #tpu.memory_space<vmem_shared>>
      tpu.wait_indirect_dma semaphore(%run_scoped3A : memref<!tpu.dma_semaphore, #tpu.memory_space<semaphore_mem>>) src(%arg8 : memref<120x128xf32, #tpu.memory_space<vmem>>) dst(%dma_wait3A_952 : memref<10240x128xf32, #tpu.memory_space<vmem_shared>>)
      tpu.yield
    }) : () -> ()
    %dma_start3A_723 = arith.constant 2520 : i32
    %dma_start3A_724 = tpu.memref_slice %arg6[%dma_start3A_723] : memref<5040xi32, #tpu.memory_space<vmem>> -> memref<120xi32, #tpu.memory_space<vmem>>
    %dma_start3A_725 = arith.constant 0 : i32
    %dma_start3A_726 = arith.constant 0 : i32
    %dma_start3A_727 = tpu.memref_slice %arg3[%dma_start3A_725, %dma_start3A_726] : memref<20480x128xf32, #tpu.memory_space<hbm>> -> memref<20480x128xf32, #tpu.memory_space<hbm>>
    tpu.enqueue_indirect_dma source(%dma_start3A_727 : memref<20480x128xf32, #tpu.memory_space<hbm>>) target(%arg8 : memref<120x128xf32, #tpu.memory_space<vmem>>) offsets(%dma_start3A_724 : memref<120xi32, #tpu.memory_space<vmem>>) semaphore(%arg11 : memref<!tpu.dma_semaphore, #tpu.memory_space<semaphore_mem>>)
    %dma_wait3A_728 = arith.constant 2400 : i32
    %dma_wait3A_729 = tpu.memref_slice %arg6[%dma_wait3A_728] : memref<5040xi32, #tpu.memory_space<vmem>> -> memref<120xi32, #tpu.memory_space<vmem>>
    %dma_wait3A_730 = arith.constant 0 : i32
    %dma_wait3A_731 = arith.constant 0 : i32
    %dma_wait3A_732 = tpu.memref_slice %arg3[%dma_wait3A_730, %dma_wait3A_731] : memref<20480x128xf32, #tpu.memory_space<hbm>> -> memref<20480x128xf32, #tpu.memory_space<hbm>>
    tpu.wait_indirect_dma semaphore(%arg10 : memref<!tpu.dma_semaphore, #tpu.memory_space<semaphore_mem>>) src(%dma_wait3A_732 : memref<20480x128xf32, #tpu.memory_space<hbm>>) dst(%arg7 : memref<120x128xf32, #tpu.memory_space<vmem>>)
    "tpu.region"() ({
      %run_scoped3A = tpu.sem_alloc : memref<!tpu.dma_semaphore, #tpu.memory_space<semaphore_mem>>
      %dma_start3A_943 = arith.constant 2400 : i32
      %dma_start3A_944 = tpu.memref_slice %arg5[%dma_start3A_943] : memref<5040xi32, #tpu.memory_space<vmem>> -> memref<120xi32, #tpu.memory_space<vmem>>
      %dma_start3A_945 = arith.constant 0 : i32
      %dma_start3A_946 = arith.constant 0 : i32
      %dma_start3A_947 = tpu.memref_slice %arg9[%dma_start3A_945, %dma_start3A_946] : memref<10240x128xf32, #tpu.memory_space<vmem_shared>> -> memref<10240x128xf32, #tpu.memory_space<vmem_shared>>
      tpu.enqueue_indirect_dma source(%arg7 : memref<120x128xf32, #tpu.memory_space<vmem>>) target(%dma_start3A_947 : memref<10240x128xf32, #tpu.memory_space<vmem_shared>>) offsets(%dma_start3A_944 : memref<120xi32, #tpu.memory_space<vmem>>) semaphore(%run_scoped3A : memref<!tpu.dma_semaphore, #tpu.memory_space<semaphore_mem>>) {add = true}
      %dma_wait3A_948 = arith.constant 2400 : i32
      %dma_wait3A_949 = tpu.memref_slice %arg5[%dma_wait3A_948] : memref<5040xi32, #tpu.memory_space<vmem>> -> memref<120xi32, #tpu.memory_space<vmem>>
      %dma_wait3A_950 = arith.constant 0 : i32
      %dma_wait3A_951 = arith.constant 0 : i32
      %dma_wait3A_952 = tpu.memref_slice %arg9[%dma_wait3A_950, %dma_wait3A_951] : memref<10240x128xf32, #tpu.memory_space<vmem_shared>> -> memref<10240x128xf32, #tpu.memory_space<vmem_shared>>
      tpu.wait_indirect_dma semaphore(%run_scoped3A : memref<!tpu.dma_semaphore, #tpu.memory_space<semaphore_mem>>) src(%arg7 : memref<120x128xf32, #tpu.memory_space<vmem>>) dst(%dma_wait3A_952 : memref<10240x128xf32, #tpu.memory_space<vmem_shared>>)
      tpu.yield
    }) : () -> ()
    %dma_start3A_733 = arith.constant 2640 : i32
    %dma_start3A_734 = tpu.memref_slice %arg6[%dma_start3A_733] : memref<5040xi32, #tpu.memory_space<vmem>> -> memref<120xi32, #tpu.memory_space<vmem>>
    %dma_start3A_735 = arith.constant 0 : i32
    %dma_start3A_736 = arith.constant 0 : i32
    %dma_start3A_737 = tpu.memref_slice %arg3[%dma_start3A_735, %dma_start3A_736] : memref<20480x128xf32, #tpu.memory_space<hbm>> -> memref<20480x128xf32, #tpu.memory_space<hbm>>
    tpu.enqueue_indirect_dma source(%dma_start3A_737 : memref<20480x128xf32, #tpu.memory_space<hbm>>) target(%arg7 : memref<120x128xf32, #tpu.memory_space<vmem>>) offsets(%dma_start3A_734 : memref<120xi32, #tpu.memory_space<vmem>>) semaphore(%arg10 : memref<!tpu.dma_semaphore, #tpu.memory_space<semaphore_mem>>)
    %dma_wait3A_738 = arith.constant 2520 : i32
    %dma_wait3A_739 = tpu.memref_slice %arg6[%dma_wait3A_738] : memref<5040xi32, #tpu.memory_space<vmem>> -> memref<120xi32, #tpu.memory_space<vmem>>
    %dma_wait3A_740 = arith.constant 0 : i32
    %dma_wait3A_741 = arith.constant 0 : i32
    %dma_wait3A_742 = tpu.memref_slice %arg3[%dma_wait3A_740, %dma_wait3A_741] : memref<20480x128xf32, #tpu.memory_space<hbm>> -> memref<20480x128xf32, #tpu.memory_space<hbm>>
    tpu.wait_indirect_dma semaphore(%arg11 : memref<!tpu.dma_semaphore, #tpu.memory_space<semaphore_mem>>) src(%dma_wait3A_742 : memref<20480x128xf32, #tpu.memory_space<hbm>>) dst(%arg8 : memref<120x128xf32, #tpu.memory_space<vmem>>)
    "tpu.region"() ({
      %run_scoped3A = tpu.sem_alloc : memref<!tpu.dma_semaphore, #tpu.memory_space<semaphore_mem>>
      %dma_start3A_943 = arith.constant 2520 : i32
      %dma_start3A_944 = tpu.memref_slice %arg5[%dma_start3A_943] : memref<5040xi32, #tpu.memory_space<vmem>> -> memref<120xi32, #tpu.memory_space<vmem>>
      %dma_start3A_945 = arith.constant 0 : i32
      %dma_start3A_946 = arith.constant 0 : i32
      %dma_start3A_947 = tpu.memref_slice %arg9[%dma_start3A_945, %dma_start3A_946] : memref<10240x128xf32, #tpu.memory_space<vmem_shared>> -> memref<10240x128xf32, #tpu.memory_space<vmem_shared>>
      tpu.enqueue_indirect_dma source(%arg8 : memref<120x128xf32, #tpu.memory_space<vmem>>) target(%dma_start3A_947 : memref<10240x128xf32, #tpu.memory_space<vmem_shared>>) offsets(%dma_start3A_944 : memref<120xi32, #tpu.memory_space<vmem>>) semaphore(%run_scoped3A : memref<!tpu.dma_semaphore, #tpu.memory_space<semaphore_mem>>) {add = true}
      %dma_wait3A_948 = arith.constant 2520 : i32
      %dma_wait3A_949 = tpu.memref_slice %arg5[%dma_wait3A_948] : memref<5040xi32, #tpu.memory_space<vmem>> -> memref<120xi32, #tpu.memory_space<vmem>>
      %dma_wait3A_950 = arith.constant 0 : i32
      %dma_wait3A_951 = arith.constant 0 : i32
      %dma_wait3A_952 = tpu.memref_slice %arg9[%dma_wait3A_950, %dma_wait3A_951] : memref<10240x128xf32, #tpu.memory_space<vmem_shared>> -> memref<10240x128xf32, #tpu.memory_space<vmem_shared>>
      tpu.wait_indirect_dma semaphore(%run_scoped3A : memref<!tpu.dma_semaphore, #tpu.memory_space<semaphore_mem>>) src(%arg8 : memref<120x128xf32, #tpu.memory_space<vmem>>) dst(%dma_wait3A_952 : memref<10240x128xf32, #tpu.memory_space<vmem_shared>>)
      tpu.yield
    }) : () -> ()
    %dma_start3A_743 = arith.constant 2760 : i32
    %dma_start3A_744 = tpu.memref_slice %arg6[%dma_start3A_743] : memref<5040xi32, #tpu.memory_space<vmem>> -> memref<120xi32, #tpu.memory_space<vmem>>
    %dma_start3A_745 = arith.constant 0 : i32
    %dma_start3A_746 = arith.constant 0 : i32
    %dma_start3A_747 = tpu.memref_slice %arg3[%dma_start3A_745, %dma_start3A_746] : memref<20480x128xf32, #tpu.memory_space<hbm>> -> memref<20480x128xf32, #tpu.memory_space<hbm>>
    tpu.enqueue_indirect_dma source(%dma_start3A_747 : memref<20480x128xf32, #tpu.memory_space<hbm>>) target(%arg8 : memref<120x128xf32, #tpu.memory_space<vmem>>) offsets(%dma_start3A_744 : memref<120xi32, #tpu.memory_space<vmem>>) semaphore(%arg11 : memref<!tpu.dma_semaphore, #tpu.memory_space<semaphore_mem>>)
    %dma_wait3A_748 = arith.constant 2640 : i32
    %dma_wait3A_749 = tpu.memref_slice %arg6[%dma_wait3A_748] : memref<5040xi32, #tpu.memory_space<vmem>> -> memref<120xi32, #tpu.memory_space<vmem>>
    %dma_wait3A_750 = arith.constant 0 : i32
    %dma_wait3A_751 = arith.constant 0 : i32
    %dma_wait3A_752 = tpu.memref_slice %arg3[%dma_wait3A_750, %dma_wait3A_751] : memref<20480x128xf32, #tpu.memory_space<hbm>> -> memref<20480x128xf32, #tpu.memory_space<hbm>>
    tpu.wait_indirect_dma semaphore(%arg10 : memref<!tpu.dma_semaphore, #tpu.memory_space<semaphore_mem>>) src(%dma_wait3A_752 : memref<20480x128xf32, #tpu.memory_space<hbm>>) dst(%arg7 : memref<120x128xf32, #tpu.memory_space<vmem>>)
    "tpu.region"() ({
      %run_scoped3A = tpu.sem_alloc : memref<!tpu.dma_semaphore, #tpu.memory_space<semaphore_mem>>
      %dma_start3A_943 = arith.constant 2640 : i32
      %dma_start3A_944 = tpu.memref_slice %arg5[%dma_start3A_943] : memref<5040xi32, #tpu.memory_space<vmem>> -> memref<120xi32, #tpu.memory_space<vmem>>
      %dma_start3A_945 = arith.constant 0 : i32
      %dma_start3A_946 = arith.constant 0 : i32
      %dma_start3A_947 = tpu.memref_slice %arg9[%dma_start3A_945, %dma_start3A_946] : memref<10240x128xf32, #tpu.memory_space<vmem_shared>> -> memref<10240x128xf32, #tpu.memory_space<vmem_shared>>
      tpu.enqueue_indirect_dma source(%arg7 : memref<120x128xf32, #tpu.memory_space<vmem>>) target(%dma_start3A_947 : memref<10240x128xf32, #tpu.memory_space<vmem_shared>>) offsets(%dma_start3A_944 : memref<120xi32, #tpu.memory_space<vmem>>) semaphore(%run_scoped3A : memref<!tpu.dma_semaphore, #tpu.memory_space<semaphore_mem>>) {add = true}
      %dma_wait3A_948 = arith.constant 2640 : i32
      %dma_wait3A_949 = tpu.memref_slice %arg5[%dma_wait3A_948] : memref<5040xi32, #tpu.memory_space<vmem>> -> memref<120xi32, #tpu.memory_space<vmem>>
      %dma_wait3A_950 = arith.constant 0 : i32
      %dma_wait3A_951 = arith.constant 0 : i32
      %dma_wait3A_952 = tpu.memref_slice %arg9[%dma_wait3A_950, %dma_wait3A_951] : memref<10240x128xf32, #tpu.memory_space<vmem_shared>> -> memref<10240x128xf32, #tpu.memory_space<vmem_shared>>
      tpu.wait_indirect_dma semaphore(%run_scoped3A : memref<!tpu.dma_semaphore, #tpu.memory_space<semaphore_mem>>) src(%arg7 : memref<120x128xf32, #tpu.memory_space<vmem>>) dst(%dma_wait3A_952 : memref<10240x128xf32, #tpu.memory_space<vmem_shared>>)
      tpu.yield
    }) : () -> ()
    %dma_start3A_753 = arith.constant 2880 : i32
    %dma_start3A_754 = tpu.memref_slice %arg6[%dma_start3A_753] : memref<5040xi32, #tpu.memory_space<vmem>> -> memref<120xi32, #tpu.memory_space<vmem>>
    %dma_start3A_755 = arith.constant 0 : i32
    %dma_start3A_756 = arith.constant 0 : i32
    %dma_start3A_757 = tpu.memref_slice %arg3[%dma_start3A_755, %dma_start3A_756] : memref<20480x128xf32, #tpu.memory_space<hbm>> -> memref<20480x128xf32, #tpu.memory_space<hbm>>
    tpu.enqueue_indirect_dma source(%dma_start3A_757 : memref<20480x128xf32, #tpu.memory_space<hbm>>) target(%arg7 : memref<120x128xf32, #tpu.memory_space<vmem>>) offsets(%dma_start3A_754 : memref<120xi32, #tpu.memory_space<vmem>>) semaphore(%arg10 : memref<!tpu.dma_semaphore, #tpu.memory_space<semaphore_mem>>)
    %dma_wait3A_758 = arith.constant 2760 : i32
    %dma_wait3A_759 = tpu.memref_slice %arg6[%dma_wait3A_758] : memref<5040xi32, #tpu.memory_space<vmem>> -> memref<120xi32, #tpu.memory_space<vmem>>
    %dma_wait3A_760 = arith.constant 0 : i32
    %dma_wait3A_761 = arith.constant 0 : i32
    %dma_wait3A_762 = tpu.memref_slice %arg3[%dma_wait3A_760, %dma_wait3A_761] : memref<20480x128xf32, #tpu.memory_space<hbm>> -> memref<20480x128xf32, #tpu.memory_space<hbm>>
    tpu.wait_indirect_dma semaphore(%arg11 : memref<!tpu.dma_semaphore, #tpu.memory_space<semaphore_mem>>) src(%dma_wait3A_762 : memref<20480x128xf32, #tpu.memory_space<hbm>>) dst(%arg8 : memref<120x128xf32, #tpu.memory_space<vmem>>)
    "tpu.region"() ({
      %run_scoped3A = tpu.sem_alloc : memref<!tpu.dma_semaphore, #tpu.memory_space<semaphore_mem>>
      %dma_start3A_943 = arith.constant 2760 : i32
      %dma_start3A_944 = tpu.memref_slice %arg5[%dma_start3A_943] : memref<5040xi32, #tpu.memory_space<vmem>> -> memref<120xi32, #tpu.memory_space<vmem>>
      %dma_start3A_945 = arith.constant 0 : i32
      %dma_start3A_946 = arith.constant 0 : i32
      %dma_start3A_947 = tpu.memref_slice %arg9[%dma_start3A_945, %dma_start3A_946] : memref<10240x128xf32, #tpu.memory_space<vmem_shared>> -> memref<10240x128xf32, #tpu.memory_space<vmem_shared>>
      tpu.enqueue_indirect_dma source(%arg8 : memref<120x128xf32, #tpu.memory_space<vmem>>) target(%dma_start3A_947 : memref<10240x128xf32, #tpu.memory_space<vmem_shared>>) offsets(%dma_start3A_944 : memref<120xi32, #tpu.memory_space<vmem>>) semaphore(%run_scoped3A : memref<!tpu.dma_semaphore, #tpu.memory_space<semaphore_mem>>) {add = true}
      %dma_wait3A_948 = arith.constant 2760 : i32
      %dma_wait3A_949 = tpu.memref_slice %arg5[%dma_wait3A_948] : memref<5040xi32, #tpu.memory_space<vmem>> -> memref<120xi32, #tpu.memory_space<vmem>>
      %dma_wait3A_950 = arith.constant 0 : i32
      %dma_wait3A_951 = arith.constant 0 : i32
      %dma_wait3A_952 = tpu.memref_slice %arg9[%dma_wait3A_950, %dma_wait3A_951] : memref<10240x128xf32, #tpu.memory_space<vmem_shared>> -> memref<10240x128xf32, #tpu.memory_space<vmem_shared>>
      tpu.wait_indirect_dma semaphore(%run_scoped3A : memref<!tpu.dma_semaphore, #tpu.memory_space<semaphore_mem>>) src(%arg8 : memref<120x128xf32, #tpu.memory_space<vmem>>) dst(%dma_wait3A_952 : memref<10240x128xf32, #tpu.memory_space<vmem_shared>>)
      tpu.yield
    }) : () -> ()
    %dma_start3A_763 = arith.constant 3000 : i32
    %dma_start3A_764 = tpu.memref_slice %arg6[%dma_start3A_763] : memref<5040xi32, #tpu.memory_space<vmem>> -> memref<120xi32, #tpu.memory_space<vmem>>
    %dma_start3A_765 = arith.constant 0 : i32
    %dma_start3A_766 = arith.constant 0 : i32
    %dma_start3A_767 = tpu.memref_slice %arg3[%dma_start3A_765, %dma_start3A_766] : memref<20480x128xf32, #tpu.memory_space<hbm>> -> memref<20480x128xf32, #tpu.memory_space<hbm>>
    tpu.enqueue_indirect_dma source(%dma_start3A_767 : memref<20480x128xf32, #tpu.memory_space<hbm>>) target(%arg8 : memref<120x128xf32, #tpu.memory_space<vmem>>) offsets(%dma_start3A_764 : memref<120xi32, #tpu.memory_space<vmem>>) semaphore(%arg11 : memref<!tpu.dma_semaphore, #tpu.memory_space<semaphore_mem>>)
    %dma_wait3A_768 = arith.constant 2880 : i32
    %dma_wait3A_769 = tpu.memref_slice %arg6[%dma_wait3A_768] : memref<5040xi32, #tpu.memory_space<vmem>> -> memref<120xi32, #tpu.memory_space<vmem>>
    %dma_wait3A_770 = arith.constant 0 : i32
    %dma_wait3A_771 = arith.constant 0 : i32
    %dma_wait3A_772 = tpu.memref_slice %arg3[%dma_wait3A_770, %dma_wait3A_771] : memref<20480x128xf32, #tpu.memory_space<hbm>> -> memref<20480x128xf32, #tpu.memory_space<hbm>>
    tpu.wait_indirect_dma semaphore(%arg10 : memref<!tpu.dma_semaphore, #tpu.memory_space<semaphore_mem>>) src(%dma_wait3A_772 : memref<20480x128xf32, #tpu.memory_space<hbm>>) dst(%arg7 : memref<120x128xf32, #tpu.memory_space<vmem>>)
    "tpu.region"() ({
      %run_scoped3A = tpu.sem_alloc : memref<!tpu.dma_semaphore, #tpu.memory_space<semaphore_mem>>
      %dma_start3A_943 = arith.constant 2880 : i32
      %dma_start3A_944 = tpu.memref_slice %arg5[%dma_start3A_943] : memref<5040xi32, #tpu.memory_space<vmem>> -> memref<120xi32, #tpu.memory_space<vmem>>
      %dma_start3A_945 = arith.constant 0 : i32
      %dma_start3A_946 = arith.constant 0 : i32
      %dma_start3A_947 = tpu.memref_slice %arg9[%dma_start3A_945, %dma_start3A_946] : memref<10240x128xf32, #tpu.memory_space<vmem_shared>> -> memref<10240x128xf32, #tpu.memory_space<vmem_shared>>
      tpu.enqueue_indirect_dma source(%arg7 : memref<120x128xf32, #tpu.memory_space<vmem>>) target(%dma_start3A_947 : memref<10240x128xf32, #tpu.memory_space<vmem_shared>>) offsets(%dma_start3A_944 : memref<120xi32, #tpu.memory_space<vmem>>) semaphore(%run_scoped3A : memref<!tpu.dma_semaphore, #tpu.memory_space<semaphore_mem>>) {add = true}
      %dma_wait3A_948 = arith.constant 2880 : i32
      %dma_wait3A_949 = tpu.memref_slice %arg5[%dma_wait3A_948] : memref<5040xi32, #tpu.memory_space<vmem>> -> memref<120xi32, #tpu.memory_space<vmem>>
      %dma_wait3A_950 = arith.constant 0 : i32
      %dma_wait3A_951 = arith.constant 0 : i32
      %dma_wait3A_952 = tpu.memref_slice %arg9[%dma_wait3A_950, %dma_wait3A_951] : memref<10240x128xf32, #tpu.memory_space<vmem_shared>> -> memref<10240x128xf32, #tpu.memory_space<vmem_shared>>
      tpu.wait_indirect_dma semaphore(%run_scoped3A : memref<!tpu.dma_semaphore, #tpu.memory_space<semaphore_mem>>) src(%arg7 : memref<120x128xf32, #tpu.memory_space<vmem>>) dst(%dma_wait3A_952 : memref<10240x128xf32, #tpu.memory_space<vmem_shared>>)
      tpu.yield
    }) : () -> ()
    %dma_start3A_773 = arith.constant 3120 : i32
    %dma_start3A_774 = tpu.memref_slice %arg6[%dma_start3A_773] : memref<5040xi32, #tpu.memory_space<vmem>> -> memref<120xi32, #tpu.memory_space<vmem>>
    %dma_start3A_775 = arith.constant 0 : i32
    %dma_start3A_776 = arith.constant 0 : i32
    %dma_start3A_777 = tpu.memref_slice %arg3[%dma_start3A_775, %dma_start3A_776] : memref<20480x128xf32, #tpu.memory_space<hbm>> -> memref<20480x128xf32, #tpu.memory_space<hbm>>
    tpu.enqueue_indirect_dma source(%dma_start3A_777 : memref<20480x128xf32, #tpu.memory_space<hbm>>) target(%arg7 : memref<120x128xf32, #tpu.memory_space<vmem>>) offsets(%dma_start3A_774 : memref<120xi32, #tpu.memory_space<vmem>>) semaphore(%arg10 : memref<!tpu.dma_semaphore, #tpu.memory_space<semaphore_mem>>)
    %dma_wait3A_778 = arith.constant 3000 : i32
    %dma_wait3A_779 = tpu.memref_slice %arg6[%dma_wait3A_778] : memref<5040xi32, #tpu.memory_space<vmem>> -> memref<120xi32, #tpu.memory_space<vmem>>
    %dma_wait3A_780 = arith.constant 0 : i32
    %dma_wait3A_781 = arith.constant 0 : i32
    %dma_wait3A_782 = tpu.memref_slice %arg3[%dma_wait3A_780, %dma_wait3A_781] : memref<20480x128xf32, #tpu.memory_space<hbm>> -> memref<20480x128xf32, #tpu.memory_space<hbm>>
    tpu.wait_indirect_dma semaphore(%arg11 : memref<!tpu.dma_semaphore, #tpu.memory_space<semaphore_mem>>) src(%dma_wait3A_782 : memref<20480x128xf32, #tpu.memory_space<hbm>>) dst(%arg8 : memref<120x128xf32, #tpu.memory_space<vmem>>)
    "tpu.region"() ({
      %run_scoped3A = tpu.sem_alloc : memref<!tpu.dma_semaphore, #tpu.memory_space<semaphore_mem>>
      %dma_start3A_943 = arith.constant 3000 : i32
      %dma_start3A_944 = tpu.memref_slice %arg5[%dma_start3A_943] : memref<5040xi32, #tpu.memory_space<vmem>> -> memref<120xi32, #tpu.memory_space<vmem>>
      %dma_start3A_945 = arith.constant 0 : i32
      %dma_start3A_946 = arith.constant 0 : i32
      %dma_start3A_947 = tpu.memref_slice %arg9[%dma_start3A_945, %dma_start3A_946] : memref<10240x128xf32, #tpu.memory_space<vmem_shared>> -> memref<10240x128xf32, #tpu.memory_space<vmem_shared>>
      tpu.enqueue_indirect_dma source(%arg8 : memref<120x128xf32, #tpu.memory_space<vmem>>) target(%dma_start3A_947 : memref<10240x128xf32, #tpu.memory_space<vmem_shared>>) offsets(%dma_start3A_944 : memref<120xi32, #tpu.memory_space<vmem>>) semaphore(%run_scoped3A : memref<!tpu.dma_semaphore, #tpu.memory_space<semaphore_mem>>) {add = true}
      %dma_wait3A_948 = arith.constant 3000 : i32
      %dma_wait3A_949 = tpu.memref_slice %arg5[%dma_wait3A_948] : memref<5040xi32, #tpu.memory_space<vmem>> -> memref<120xi32, #tpu.memory_space<vmem>>
      %dma_wait3A_950 = arith.constant 0 : i32
      %dma_wait3A_951 = arith.constant 0 : i32
      %dma_wait3A_952 = tpu.memref_slice %arg9[%dma_wait3A_950, %dma_wait3A_951] : memref<10240x128xf32, #tpu.memory_space<vmem_shared>> -> memref<10240x128xf32, #tpu.memory_space<vmem_shared>>
      tpu.wait_indirect_dma semaphore(%run_scoped3A : memref<!tpu.dma_semaphore, #tpu.memory_space<semaphore_mem>>) src(%arg8 : memref<120x128xf32, #tpu.memory_space<vmem>>) dst(%dma_wait3A_952 : memref<10240x128xf32, #tpu.memory_space<vmem_shared>>)
      tpu.yield
    }) : () -> ()
    %dma_start3A_783 = arith.constant 3240 : i32
    %dma_start3A_784 = tpu.memref_slice %arg6[%dma_start3A_783] : memref<5040xi32, #tpu.memory_space<vmem>> -> memref<120xi32, #tpu.memory_space<vmem>>
    %dma_start3A_785 = arith.constant 0 : i32
    %dma_start3A_786 = arith.constant 0 : i32
    %dma_start3A_787 = tpu.memref_slice %arg3[%dma_start3A_785, %dma_start3A_786] : memref<20480x128xf32, #tpu.memory_space<hbm>> -> memref<20480x128xf32, #tpu.memory_space<hbm>>
    tpu.enqueue_indirect_dma source(%dma_start3A_787 : memref<20480x128xf32, #tpu.memory_space<hbm>>) target(%arg8 : memref<120x128xf32, #tpu.memory_space<vmem>>) offsets(%dma_start3A_784 : memref<120xi32, #tpu.memory_space<vmem>>) semaphore(%arg11 : memref<!tpu.dma_semaphore, #tpu.memory_space<semaphore_mem>>)
    %dma_wait3A_788 = arith.constant 3120 : i32
    %dma_wait3A_789 = tpu.memref_slice %arg6[%dma_wait3A_788] : memref<5040xi32, #tpu.memory_space<vmem>> -> memref<120xi32, #tpu.memory_space<vmem>>
    %dma_wait3A_790 = arith.constant 0 : i32
    %dma_wait3A_791 = arith.constant 0 : i32
    %dma_wait3A_792 = tpu.memref_slice %arg3[%dma_wait3A_790, %dma_wait3A_791] : memref<20480x128xf32, #tpu.memory_space<hbm>> -> memref<20480x128xf32, #tpu.memory_space<hbm>>
    tpu.wait_indirect_dma semaphore(%arg10 : memref<!tpu.dma_semaphore, #tpu.memory_space<semaphore_mem>>) src(%dma_wait3A_792 : memref<20480x128xf32, #tpu.memory_space<hbm>>) dst(%arg7 : memref<120x128xf32, #tpu.memory_space<vmem>>)
    "tpu.region"() ({
      %run_scoped3A = tpu.sem_alloc : memref<!tpu.dma_semaphore, #tpu.memory_space<semaphore_mem>>
      %dma_start3A_943 = arith.constant 3120 : i32
      %dma_start3A_944 = tpu.memref_slice %arg5[%dma_start3A_943] : memref<5040xi32, #tpu.memory_space<vmem>> -> memref<120xi32, #tpu.memory_space<vmem>>
      %dma_start3A_945 = arith.constant 0 : i32
      %dma_start3A_946 = arith.constant 0 : i32
      %dma_start3A_947 = tpu.memref_slice %arg9[%dma_start3A_945, %dma_start3A_946] : memref<10240x128xf32, #tpu.memory_space<vmem_shared>> -> memref<10240x128xf32, #tpu.memory_space<vmem_shared>>
      tpu.enqueue_indirect_dma source(%arg7 : memref<120x128xf32, #tpu.memory_space<vmem>>) target(%dma_start3A_947 : memref<10240x128xf32, #tpu.memory_space<vmem_shared>>) offsets(%dma_start3A_944 : memref<120xi32, #tpu.memory_space<vmem>>) semaphore(%run_scoped3A : memref<!tpu.dma_semaphore, #tpu.memory_space<semaphore_mem>>) {add = true}
      %dma_wait3A_948 = arith.constant 3120 : i32
      %dma_wait3A_949 = tpu.memref_slice %arg5[%dma_wait3A_948] : memref<5040xi32, #tpu.memory_space<vmem>> -> memref<120xi32, #tpu.memory_space<vmem>>
      %dma_wait3A_950 = arith.constant 0 : i32
      %dma_wait3A_951 = arith.constant 0 : i32
      %dma_wait3A_952 = tpu.memref_slice %arg9[%dma_wait3A_950, %dma_wait3A_951] : memref<10240x128xf32, #tpu.memory_space<vmem_shared>> -> memref<10240x128xf32, #tpu.memory_space<vmem_shared>>
      tpu.wait_indirect_dma semaphore(%run_scoped3A : memref<!tpu.dma_semaphore, #tpu.memory_space<semaphore_mem>>) src(%arg7 : memref<120x128xf32, #tpu.memory_space<vmem>>) dst(%dma_wait3A_952 : memref<10240x128xf32, #tpu.memory_space<vmem_shared>>)
      tpu.yield
    }) : () -> ()
    %dma_start3A_793 = arith.constant 3360 : i32
    %dma_start3A_794 = tpu.memref_slice %arg6[%dma_start3A_793] : memref<5040xi32, #tpu.memory_space<vmem>> -> memref<120xi32, #tpu.memory_space<vmem>>
    %dma_start3A_795 = arith.constant 0 : i32
    %dma_start3A_796 = arith.constant 0 : i32
    %dma_start3A_797 = tpu.memref_slice %arg3[%dma_start3A_795, %dma_start3A_796] : memref<20480x128xf32, #tpu.memory_space<hbm>> -> memref<20480x128xf32, #tpu.memory_space<hbm>>
    tpu.enqueue_indirect_dma source(%dma_start3A_797 : memref<20480x128xf32, #tpu.memory_space<hbm>>) target(%arg7 : memref<120x128xf32, #tpu.memory_space<vmem>>) offsets(%dma_start3A_794 : memref<120xi32, #tpu.memory_space<vmem>>) semaphore(%arg10 : memref<!tpu.dma_semaphore, #tpu.memory_space<semaphore_mem>>)
    %dma_wait3A_798 = arith.constant 3240 : i32
    %dma_wait3A_799 = tpu.memref_slice %arg6[%dma_wait3A_798] : memref<5040xi32, #tpu.memory_space<vmem>> -> memref<120xi32, #tpu.memory_space<vmem>>
    %dma_wait3A_800 = arith.constant 0 : i32
    %dma_wait3A_801 = arith.constant 0 : i32
    %dma_wait3A_802 = tpu.memref_slice %arg3[%dma_wait3A_800, %dma_wait3A_801] : memref<20480x128xf32, #tpu.memory_space<hbm>> -> memref<20480x128xf32, #tpu.memory_space<hbm>>
    tpu.wait_indirect_dma semaphore(%arg11 : memref<!tpu.dma_semaphore, #tpu.memory_space<semaphore_mem>>) src(%dma_wait3A_802 : memref<20480x128xf32, #tpu.memory_space<hbm>>) dst(%arg8 : memref<120x128xf32, #tpu.memory_space<vmem>>)
    "tpu.region"() ({
      %run_scoped3A = tpu.sem_alloc : memref<!tpu.dma_semaphore, #tpu.memory_space<semaphore_mem>>
      %dma_start3A_943 = arith.constant 3240 : i32
      %dma_start3A_944 = tpu.memref_slice %arg5[%dma_start3A_943] : memref<5040xi32, #tpu.memory_space<vmem>> -> memref<120xi32, #tpu.memory_space<vmem>>
      %dma_start3A_945 = arith.constant 0 : i32
      %dma_start3A_946 = arith.constant 0 : i32
      %dma_start3A_947 = tpu.memref_slice %arg9[%dma_start3A_945, %dma_start3A_946] : memref<10240x128xf32, #tpu.memory_space<vmem_shared>> -> memref<10240x128xf32, #tpu.memory_space<vmem_shared>>
      tpu.enqueue_indirect_dma source(%arg8 : memref<120x128xf32, #tpu.memory_space<vmem>>) target(%dma_start3A_947 : memref<10240x128xf32, #tpu.memory_space<vmem_shared>>) offsets(%dma_start3A_944 : memref<120xi32, #tpu.memory_space<vmem>>) semaphore(%run_scoped3A : memref<!tpu.dma_semaphore, #tpu.memory_space<semaphore_mem>>) {add = true}
      %dma_wait3A_948 = arith.constant 3240 : i32
      %dma_wait3A_949 = tpu.memref_slice %arg5[%dma_wait3A_948] : memref<5040xi32, #tpu.memory_space<vmem>> -> memref<120xi32, #tpu.memory_space<vmem>>
      %dma_wait3A_950 = arith.constant 0 : i32
      %dma_wait3A_951 = arith.constant 0 : i32
      %dma_wait3A_952 = tpu.memref_slice %arg9[%dma_wait3A_950, %dma_wait3A_951] : memref<10240x128xf32, #tpu.memory_space<vmem_shared>> -> memref<10240x128xf32, #tpu.memory_space<vmem_shared>>
      tpu.wait_indirect_dma semaphore(%run_scoped3A : memref<!tpu.dma_semaphore, #tpu.memory_space<semaphore_mem>>) src(%arg8 : memref<120x128xf32, #tpu.memory_space<vmem>>) dst(%dma_wait3A_952 : memref<10240x128xf32, #tpu.memory_space<vmem_shared>>)
      tpu.yield
    }) : () -> ()
    %dma_start3A_803 = arith.constant 3480 : i32
    %dma_start3A_804 = tpu.memref_slice %arg6[%dma_start3A_803] : memref<5040xi32, #tpu.memory_space<vmem>> -> memref<120xi32, #tpu.memory_space<vmem>>
    %dma_start3A_805 = arith.constant 0 : i32
    %dma_start3A_806 = arith.constant 0 : i32
    %dma_start3A_807 = tpu.memref_slice %arg3[%dma_start3A_805, %dma_start3A_806] : memref<20480x128xf32, #tpu.memory_space<hbm>> -> memref<20480x128xf32, #tpu.memory_space<hbm>>
    tpu.enqueue_indirect_dma source(%dma_start3A_807 : memref<20480x128xf32, #tpu.memory_space<hbm>>) target(%arg8 : memref<120x128xf32, #tpu.memory_space<vmem>>) offsets(%dma_start3A_804 : memref<120xi32, #tpu.memory_space<vmem>>) semaphore(%arg11 : memref<!tpu.dma_semaphore, #tpu.memory_space<semaphore_mem>>)
    %dma_wait3A_808 = arith.constant 3360 : i32
    %dma_wait3A_809 = tpu.memref_slice %arg6[%dma_wait3A_808] : memref<5040xi32, #tpu.memory_space<vmem>> -> memref<120xi32, #tpu.memory_space<vmem>>
    %dma_wait3A_810 = arith.constant 0 : i32
    %dma_wait3A_811 = arith.constant 0 : i32
    %dma_wait3A_812 = tpu.memref_slice %arg3[%dma_wait3A_810, %dma_wait3A_811] : memref<20480x128xf32, #tpu.memory_space<hbm>> -> memref<20480x128xf32, #tpu.memory_space<hbm>>
    tpu.wait_indirect_dma semaphore(%arg10 : memref<!tpu.dma_semaphore, #tpu.memory_space<semaphore_mem>>) src(%dma_wait3A_812 : memref<20480x128xf32, #tpu.memory_space<hbm>>) dst(%arg7 : memref<120x128xf32, #tpu.memory_space<vmem>>)
    "tpu.region"() ({
      %run_scoped3A = tpu.sem_alloc : memref<!tpu.dma_semaphore, #tpu.memory_space<semaphore_mem>>
      %dma_start3A_943 = arith.constant 3360 : i32
      %dma_start3A_944 = tpu.memref_slice %arg5[%dma_start3A_943] : memref<5040xi32, #tpu.memory_space<vmem>> -> memref<120xi32, #tpu.memory_space<vmem>>
      %dma_start3A_945 = arith.constant 0 : i32
      %dma_start3A_946 = arith.constant 0 : i32
      %dma_start3A_947 = tpu.memref_slice %arg9[%dma_start3A_945, %dma_start3A_946] : memref<10240x128xf32, #tpu.memory_space<vmem_shared>> -> memref<10240x128xf32, #tpu.memory_space<vmem_shared>>
      tpu.enqueue_indirect_dma source(%arg7 : memref<120x128xf32, #tpu.memory_space<vmem>>) target(%dma_start3A_947 : memref<10240x128xf32, #tpu.memory_space<vmem_shared>>) offsets(%dma_start3A_944 : memref<120xi32, #tpu.memory_space<vmem>>) semaphore(%run_scoped3A : memref<!tpu.dma_semaphore, #tpu.memory_space<semaphore_mem>>) {add = true}
      %dma_wait3A_948 = arith.constant 3360 : i32
      %dma_wait3A_949 = tpu.memref_slice %arg5[%dma_wait3A_948] : memref<5040xi32, #tpu.memory_space<vmem>> -> memref<120xi32, #tpu.memory_space<vmem>>
      %dma_wait3A_950 = arith.constant 0 : i32
      %dma_wait3A_951 = arith.constant 0 : i32
      %dma_wait3A_952 = tpu.memref_slice %arg9[%dma_wait3A_950, %dma_wait3A_951] : memref<10240x128xf32, #tpu.memory_space<vmem_shared>> -> memref<10240x128xf32, #tpu.memory_space<vmem_shared>>
      tpu.wait_indirect_dma semaphore(%run_scoped3A : memref<!tpu.dma_semaphore, #tpu.memory_space<semaphore_mem>>) src(%arg7 : memref<120x128xf32, #tpu.memory_space<vmem>>) dst(%dma_wait3A_952 : memref<10240x128xf32, #tpu.memory_space<vmem_shared>>)
      tpu.yield
    }) : () -> ()
    %dma_start3A_813 = arith.constant 3600 : i32
    %dma_start3A_814 = tpu.memref_slice %arg6[%dma_start3A_813] : memref<5040xi32, #tpu.memory_space<vmem>> -> memref<120xi32, #tpu.memory_space<vmem>>
    %dma_start3A_815 = arith.constant 0 : i32
    %dma_start3A_816 = arith.constant 0 : i32
    %dma_start3A_817 = tpu.memref_slice %arg3[%dma_start3A_815, %dma_start3A_816] : memref<20480x128xf32, #tpu.memory_space<hbm>> -> memref<20480x128xf32, #tpu.memory_space<hbm>>
    tpu.enqueue_indirect_dma source(%dma_start3A_817 : memref<20480x128xf32, #tpu.memory_space<hbm>>) target(%arg7 : memref<120x128xf32, #tpu.memory_space<vmem>>) offsets(%dma_start3A_814 : memref<120xi32, #tpu.memory_space<vmem>>) semaphore(%arg10 : memref<!tpu.dma_semaphore, #tpu.memory_space<semaphore_mem>>)
    %dma_wait3A_818 = arith.constant 3480 : i32
    %dma_wait3A_819 = tpu.memref_slice %arg6[%dma_wait3A_818] : memref<5040xi32, #tpu.memory_space<vmem>> -> memref<120xi32, #tpu.memory_space<vmem>>
    %dma_wait3A_820 = arith.constant 0 : i32
    %dma_wait3A_821 = arith.constant 0 : i32
    %dma_wait3A_822 = tpu.memref_slice %arg3[%dma_wait3A_820, %dma_wait3A_821] : memref<20480x128xf32, #tpu.memory_space<hbm>> -> memref<20480x128xf32, #tpu.memory_space<hbm>>
    tpu.wait_indirect_dma semaphore(%arg11 : memref<!tpu.dma_semaphore, #tpu.memory_space<semaphore_mem>>) src(%dma_wait3A_822 : memref<20480x128xf32, #tpu.memory_space<hbm>>) dst(%arg8 : memref<120x128xf32, #tpu.memory_space<vmem>>)
    "tpu.region"() ({
      %run_scoped3A = tpu.sem_alloc : memref<!tpu.dma_semaphore, #tpu.memory_space<semaphore_mem>>
      %dma_start3A_943 = arith.constant 3480 : i32
      %dma_start3A_944 = tpu.memref_slice %arg5[%dma_start3A_943] : memref<5040xi32, #tpu.memory_space<vmem>> -> memref<120xi32, #tpu.memory_space<vmem>>
      %dma_start3A_945 = arith.constant 0 : i32
      %dma_start3A_946 = arith.constant 0 : i32
      %dma_start3A_947 = tpu.memref_slice %arg9[%dma_start3A_945, %dma_start3A_946] : memref<10240x128xf32, #tpu.memory_space<vmem_shared>> -> memref<10240x128xf32, #tpu.memory_space<vmem_shared>>
      tpu.enqueue_indirect_dma source(%arg8 : memref<120x128xf32, #tpu.memory_space<vmem>>) target(%dma_start3A_947 : memref<10240x128xf32, #tpu.memory_space<vmem_shared>>) offsets(%dma_start3A_944 : memref<120xi32, #tpu.memory_space<vmem>>) semaphore(%run_scoped3A : memref<!tpu.dma_semaphore, #tpu.memory_space<semaphore_mem>>) {add = true}
      %dma_wait3A_948 = arith.constant 3480 : i32
      %dma_wait3A_949 = tpu.memref_slice %arg5[%dma_wait3A_948] : memref<5040xi32, #tpu.memory_space<vmem>> -> memref<120xi32, #tpu.memory_space<vmem>>
      %dma_wait3A_950 = arith.constant 0 : i32
      %dma_wait3A_951 = arith.constant 0 : i32
      %dma_wait3A_952 = tpu.memref_slice %arg9[%dma_wait3A_950, %dma_wait3A_951] : memref<10240x128xf32, #tpu.memory_space<vmem_shared>> -> memref<10240x128xf32, #tpu.memory_space<vmem_shared>>
      tpu.wait_indirect_dma semaphore(%run_scoped3A : memref<!tpu.dma_semaphore, #tpu.memory_space<semaphore_mem>>) src(%arg8 : memref<120x128xf32, #tpu.memory_space<vmem>>) dst(%dma_wait3A_952 : memref<10240x128xf32, #tpu.memory_space<vmem_shared>>)
      tpu.yield
    }) : () -> ()
    %dma_start3A_823 = arith.constant 3720 : i32
    %dma_start3A_824 = tpu.memref_slice %arg6[%dma_start3A_823] : memref<5040xi32, #tpu.memory_space<vmem>> -> memref<120xi32, #tpu.memory_space<vmem>>
    %dma_start3A_825 = arith.constant 0 : i32
    %dma_start3A_826 = arith.constant 0 : i32
    %dma_start3A_827 = tpu.memref_slice %arg3[%dma_start3A_825, %dma_start3A_826] : memref<20480x128xf32, #tpu.memory_space<hbm>> -> memref<20480x128xf32, #tpu.memory_space<hbm>>
    tpu.enqueue_indirect_dma source(%dma_start3A_827 : memref<20480x128xf32, #tpu.memory_space<hbm>>) target(%arg8 : memref<120x128xf32, #tpu.memory_space<vmem>>) offsets(%dma_start3A_824 : memref<120xi32, #tpu.memory_space<vmem>>) semaphore(%arg11 : memref<!tpu.dma_semaphore, #tpu.memory_space<semaphore_mem>>)
    %dma_wait3A_828 = arith.constant 3600 : i32
    %dma_wait3A_829 = tpu.memref_slice %arg6[%dma_wait3A_828] : memref<5040xi32, #tpu.memory_space<vmem>> -> memref<120xi32, #tpu.memory_space<vmem>>
    %dma_wait3A_830 = arith.constant 0 : i32
    %dma_wait3A_831 = arith.constant 0 : i32
    %dma_wait3A_832 = tpu.memref_slice %arg3[%dma_wait3A_830, %dma_wait3A_831] : memref<20480x128xf32, #tpu.memory_space<hbm>> -> memref<20480x128xf32, #tpu.memory_space<hbm>>
    tpu.wait_indirect_dma semaphore(%arg10 : memref<!tpu.dma_semaphore, #tpu.memory_space<semaphore_mem>>) src(%dma_wait3A_832 : memref<20480x128xf32, #tpu.memory_space<hbm>>) dst(%arg7 : memref<120x128xf32, #tpu.memory_space<vmem>>)
    "tpu.region"() ({
      %run_scoped3A = tpu.sem_alloc : memref<!tpu.dma_semaphore, #tpu.memory_space<semaphore_mem>>
      %dma_start3A_943 = arith.constant 3600 : i32
      %dma_start3A_944 = tpu.memref_slice %arg5[%dma_start3A_943] : memref<5040xi32, #tpu.memory_space<vmem>> -> memref<120xi32, #tpu.memory_space<vmem>>
      %dma_start3A_945 = arith.constant 0 : i32
      %dma_start3A_946 = arith.constant 0 : i32
      %dma_start3A_947 = tpu.memref_slice %arg9[%dma_start3A_945, %dma_start3A_946] : memref<10240x128xf32, #tpu.memory_space<vmem_shared>> -> memref<10240x128xf32, #tpu.memory_space<vmem_shared>>
      tpu.enqueue_indirect_dma source(%arg7 : memref<120x128xf32, #tpu.memory_space<vmem>>) target(%dma_start3A_947 : memref<10240x128xf32, #tpu.memory_space<vmem_shared>>) offsets(%dma_start3A_944 : memref<120xi32, #tpu.memory_space<vmem>>) semaphore(%run_scoped3A : memref<!tpu.dma_semaphore, #tpu.memory_space<semaphore_mem>>) {add = true}
      %dma_wait3A_948 = arith.constant 3600 : i32
      %dma_wait3A_949 = tpu.memref_slice %arg5[%dma_wait3A_948] : memref<5040xi32, #tpu.memory_space<vmem>> -> memref<120xi32, #tpu.memory_space<vmem>>
      %dma_wait3A_950 = arith.constant 0 : i32
      %dma_wait3A_951 = arith.constant 0 : i32
      %dma_wait3A_952 = tpu.memref_slice %arg9[%dma_wait3A_950, %dma_wait3A_951] : memref<10240x128xf32, #tpu.memory_space<vmem_shared>> -> memref<10240x128xf32, #tpu.memory_space<vmem_shared>>
      tpu.wait_indirect_dma semaphore(%run_scoped3A : memref<!tpu.dma_semaphore, #tpu.memory_space<semaphore_mem>>) src(%arg7 : memref<120x128xf32, #tpu.memory_space<vmem>>) dst(%dma_wait3A_952 : memref<10240x128xf32, #tpu.memory_space<vmem_shared>>)
      tpu.yield
    }) : () -> ()
    %dma_start3A_833 = arith.constant 3840 : i32
    %dma_start3A_834 = tpu.memref_slice %arg6[%dma_start3A_833] : memref<5040xi32, #tpu.memory_space<vmem>> -> memref<120xi32, #tpu.memory_space<vmem>>
    %dma_start3A_835 = arith.constant 0 : i32
    %dma_start3A_836 = arith.constant 0 : i32
    %dma_start3A_837 = tpu.memref_slice %arg3[%dma_start3A_835, %dma_start3A_836] : memref<20480x128xf32, #tpu.memory_space<hbm>> -> memref<20480x128xf32, #tpu.memory_space<hbm>>
    tpu.enqueue_indirect_dma source(%dma_start3A_837 : memref<20480x128xf32, #tpu.memory_space<hbm>>) target(%arg7 : memref<120x128xf32, #tpu.memory_space<vmem>>) offsets(%dma_start3A_834 : memref<120xi32, #tpu.memory_space<vmem>>) semaphore(%arg10 : memref<!tpu.dma_semaphore, #tpu.memory_space<semaphore_mem>>)
    %dma_wait3A_838 = arith.constant 3720 : i32
    %dma_wait3A_839 = tpu.memref_slice %arg6[%dma_wait3A_838] : memref<5040xi32, #tpu.memory_space<vmem>> -> memref<120xi32, #tpu.memory_space<vmem>>
    %dma_wait3A_840 = arith.constant 0 : i32
    %dma_wait3A_841 = arith.constant 0 : i32
    %dma_wait3A_842 = tpu.memref_slice %arg3[%dma_wait3A_840, %dma_wait3A_841] : memref<20480x128xf32, #tpu.memory_space<hbm>> -> memref<20480x128xf32, #tpu.memory_space<hbm>>
    tpu.wait_indirect_dma semaphore(%arg11 : memref<!tpu.dma_semaphore, #tpu.memory_space<semaphore_mem>>) src(%dma_wait3A_842 : memref<20480x128xf32, #tpu.memory_space<hbm>>) dst(%arg8 : memref<120x128xf32, #tpu.memory_space<vmem>>)
    "tpu.region"() ({
      %run_scoped3A = tpu.sem_alloc : memref<!tpu.dma_semaphore, #tpu.memory_space<semaphore_mem>>
      %dma_start3A_943 = arith.constant 3720 : i32
      %dma_start3A_944 = tpu.memref_slice %arg5[%dma_start3A_943] : memref<5040xi32, #tpu.memory_space<vmem>> -> memref<120xi32, #tpu.memory_space<vmem>>
      %dma_start3A_945 = arith.constant 0 : i32
      %dma_start3A_946 = arith.constant 0 : i32
      %dma_start3A_947 = tpu.memref_slice %arg9[%dma_start3A_945, %dma_start3A_946] : memref<10240x128xf32, #tpu.memory_space<vmem_shared>> -> memref<10240x128xf32, #tpu.memory_space<vmem_shared>>
      tpu.enqueue_indirect_dma source(%arg8 : memref<120x128xf32, #tpu.memory_space<vmem>>) target(%dma_start3A_947 : memref<10240x128xf32, #tpu.memory_space<vmem_shared>>) offsets(%dma_start3A_944 : memref<120xi32, #tpu.memory_space<vmem>>) semaphore(%run_scoped3A : memref<!tpu.dma_semaphore, #tpu.memory_space<semaphore_mem>>) {add = true}
      %dma_wait3A_948 = arith.constant 3720 : i32
      %dma_wait3A_949 = tpu.memref_slice %arg5[%dma_wait3A_948] : memref<5040xi32, #tpu.memory_space<vmem>> -> memref<120xi32, #tpu.memory_space<vmem>>
      %dma_wait3A_950 = arith.constant 0 : i32
      %dma_wait3A_951 = arith.constant 0 : i32
      %dma_wait3A_952 = tpu.memref_slice %arg9[%dma_wait3A_950, %dma_wait3A_951] : memref<10240x128xf32, #tpu.memory_space<vmem_shared>> -> memref<10240x128xf32, #tpu.memory_space<vmem_shared>>
      tpu.wait_indirect_dma semaphore(%run_scoped3A : memref<!tpu.dma_semaphore, #tpu.memory_space<semaphore_mem>>) src(%arg8 : memref<120x128xf32, #tpu.memory_space<vmem>>) dst(%dma_wait3A_952 : memref<10240x128xf32, #tpu.memory_space<vmem_shared>>)
      tpu.yield
    }) : () -> ()
    %dma_start3A_843 = arith.constant 3960 : i32
    %dma_start3A_844 = tpu.memref_slice %arg6[%dma_start3A_843] : memref<5040xi32, #tpu.memory_space<vmem>> -> memref<120xi32, #tpu.memory_space<vmem>>
    %dma_start3A_845 = arith.constant 0 : i32
    %dma_start3A_846 = arith.constant 0 : i32
    %dma_start3A_847 = tpu.memref_slice %arg3[%dma_start3A_845, %dma_start3A_846] : memref<20480x128xf32, #tpu.memory_space<hbm>> -> memref<20480x128xf32, #tpu.memory_space<hbm>>
    tpu.enqueue_indirect_dma source(%dma_start3A_847 : memref<20480x128xf32, #tpu.memory_space<hbm>>) target(%arg8 : memref<120x128xf32, #tpu.memory_space<vmem>>) offsets(%dma_start3A_844 : memref<120xi32, #tpu.memory_space<vmem>>) semaphore(%arg11 : memref<!tpu.dma_semaphore, #tpu.memory_space<semaphore_mem>>)
    %dma_wait3A_848 = arith.constant 3840 : i32
    %dma_wait3A_849 = tpu.memref_slice %arg6[%dma_wait3A_848] : memref<5040xi32, #tpu.memory_space<vmem>> -> memref<120xi32, #tpu.memory_space<vmem>>
    %dma_wait3A_850 = arith.constant 0 : i32
    %dma_wait3A_851 = arith.constant 0 : i32
    %dma_wait3A_852 = tpu.memref_slice %arg3[%dma_wait3A_850, %dma_wait3A_851] : memref<20480x128xf32, #tpu.memory_space<hbm>> -> memref<20480x128xf32, #tpu.memory_space<hbm>>
    tpu.wait_indirect_dma semaphore(%arg10 : memref<!tpu.dma_semaphore, #tpu.memory_space<semaphore_mem>>) src(%dma_wait3A_852 : memref<20480x128xf32, #tpu.memory_space<hbm>>) dst(%arg7 : memref<120x128xf32, #tpu.memory_space<vmem>>)
    "tpu.region"() ({
      %run_scoped3A = tpu.sem_alloc : memref<!tpu.dma_semaphore, #tpu.memory_space<semaphore_mem>>
      %dma_start3A_943 = arith.constant 3840 : i32
      %dma_start3A_944 = tpu.memref_slice %arg5[%dma_start3A_943] : memref<5040xi32, #tpu.memory_space<vmem>> -> memref<120xi32, #tpu.memory_space<vmem>>
      %dma_start3A_945 = arith.constant 0 : i32
      %dma_start3A_946 = arith.constant 0 : i32
      %dma_start3A_947 = tpu.memref_slice %arg9[%dma_start3A_945, %dma_start3A_946] : memref<10240x128xf32, #tpu.memory_space<vmem_shared>> -> memref<10240x128xf32, #tpu.memory_space<vmem_shared>>
      tpu.enqueue_indirect_dma source(%arg7 : memref<120x128xf32, #tpu.memory_space<vmem>>) target(%dma_start3A_947 : memref<10240x128xf32, #tpu.memory_space<vmem_shared>>) offsets(%dma_start3A_944 : memref<120xi32, #tpu.memory_space<vmem>>) semaphore(%run_scoped3A : memref<!tpu.dma_semaphore, #tpu.memory_space<semaphore_mem>>) {add = true}
      %dma_wait3A_948 = arith.constant 3840 : i32
      %dma_wait3A_949 = tpu.memref_slice %arg5[%dma_wait3A_948] : memref<5040xi32, #tpu.memory_space<vmem>> -> memref<120xi32, #tpu.memory_space<vmem>>
      %dma_wait3A_950 = arith.constant 0 : i32
      %dma_wait3A_951 = arith.constant 0 : i32
      %dma_wait3A_952 = tpu.memref_slice %arg9[%dma_wait3A_950, %dma_wait3A_951] : memref<10240x128xf32, #tpu.memory_space<vmem_shared>> -> memref<10240x128xf32, #tpu.memory_space<vmem_shared>>
      tpu.wait_indirect_dma semaphore(%run_scoped3A : memref<!tpu.dma_semaphore, #tpu.memory_space<semaphore_mem>>) src(%arg7 : memref<120x128xf32, #tpu.memory_space<vmem>>) dst(%dma_wait3A_952 : memref<10240x128xf32, #tpu.memory_space<vmem_shared>>)
      tpu.yield
    }) : () -> ()
    %dma_start3A_853 = arith.constant 4080 : i32
    %dma_start3A_854 = tpu.memref_slice %arg6[%dma_start3A_853] : memref<5040xi32, #tpu.memory_space<vmem>> -> memref<120xi32, #tpu.memory_space<vmem>>
    %dma_start3A_855 = arith.constant 0 : i32
    %dma_start3A_856 = arith.constant 0 : i32
    %dma_start3A_857 = tpu.memref_slice %arg3[%dma_start3A_855, %dma_start3A_856] : memref<20480x128xf32, #tpu.memory_space<hbm>> -> memref<20480x128xf32, #tpu.memory_space<hbm>>
    tpu.enqueue_indirect_dma source(%dma_start3A_857 : memref<20480x128xf32, #tpu.memory_space<hbm>>) target(%arg7 : memref<120x128xf32, #tpu.memory_space<vmem>>) offsets(%dma_start3A_854 : memref<120xi32, #tpu.memory_space<vmem>>) semaphore(%arg10 : memref<!tpu.dma_semaphore, #tpu.memory_space<semaphore_mem>>)
    %dma_wait3A_858 = arith.constant 3960 : i32
    %dma_wait3A_859 = tpu.memref_slice %arg6[%dma_wait3A_858] : memref<5040xi32, #tpu.memory_space<vmem>> -> memref<120xi32, #tpu.memory_space<vmem>>
    %dma_wait3A_860 = arith.constant 0 : i32
    %dma_wait3A_861 = arith.constant 0 : i32
    %dma_wait3A_862 = tpu.memref_slice %arg3[%dma_wait3A_860, %dma_wait3A_861] : memref<20480x128xf32, #tpu.memory_space<hbm>> -> memref<20480x128xf32, #tpu.memory_space<hbm>>
    tpu.wait_indirect_dma semaphore(%arg11 : memref<!tpu.dma_semaphore, #tpu.memory_space<semaphore_mem>>) src(%dma_wait3A_862 : memref<20480x128xf32, #tpu.memory_space<hbm>>) dst(%arg8 : memref<120x128xf32, #tpu.memory_space<vmem>>)
    "tpu.region"() ({
      %run_scoped3A = tpu.sem_alloc : memref<!tpu.dma_semaphore, #tpu.memory_space<semaphore_mem>>
      %dma_start3A_943 = arith.constant 3960 : i32
      %dma_start3A_944 = tpu.memref_slice %arg5[%dma_start3A_943] : memref<5040xi32, #tpu.memory_space<vmem>> -> memref<120xi32, #tpu.memory_space<vmem>>
      %dma_start3A_945 = arith.constant 0 : i32
      %dma_start3A_946 = arith.constant 0 : i32
      %dma_start3A_947 = tpu.memref_slice %arg9[%dma_start3A_945, %dma_start3A_946] : memref<10240x128xf32, #tpu.memory_space<vmem_shared>> -> memref<10240x128xf32, #tpu.memory_space<vmem_shared>>
      tpu.enqueue_indirect_dma source(%arg8 : memref<120x128xf32, #tpu.memory_space<vmem>>) target(%dma_start3A_947 : memref<10240x128xf32, #tpu.memory_space<vmem_shared>>) offsets(%dma_start3A_944 : memref<120xi32, #tpu.memory_space<vmem>>) semaphore(%run_scoped3A : memref<!tpu.dma_semaphore, #tpu.memory_space<semaphore_mem>>) {add = true}
      %dma_wait3A_948 = arith.constant 3960 : i32
      %dma_wait3A_949 = tpu.memref_slice %arg5[%dma_wait3A_948] : memref<5040xi32, #tpu.memory_space<vmem>> -> memref<120xi32, #tpu.memory_space<vmem>>
      %dma_wait3A_950 = arith.constant 0 : i32
      %dma_wait3A_951 = arith.constant 0 : i32
      %dma_wait3A_952 = tpu.memref_slice %arg9[%dma_wait3A_950, %dma_wait3A_951] : memref<10240x128xf32, #tpu.memory_space<vmem_shared>> -> memref<10240x128xf32, #tpu.memory_space<vmem_shared>>
      tpu.wait_indirect_dma semaphore(%run_scoped3A : memref<!tpu.dma_semaphore, #tpu.memory_space<semaphore_mem>>) src(%arg8 : memref<120x128xf32, #tpu.memory_space<vmem>>) dst(%dma_wait3A_952 : memref<10240x128xf32, #tpu.memory_space<vmem_shared>>)
      tpu.yield
    }) : () -> ()
    %dma_start3A_863 = arith.constant 4200 : i32
    %dma_start3A_864 = tpu.memref_slice %arg6[%dma_start3A_863] : memref<5040xi32, #tpu.memory_space<vmem>> -> memref<120xi32, #tpu.memory_space<vmem>>
    %dma_start3A_865 = arith.constant 0 : i32
    %dma_start3A_866 = arith.constant 0 : i32
    %dma_start3A_867 = tpu.memref_slice %arg3[%dma_start3A_865, %dma_start3A_866] : memref<20480x128xf32, #tpu.memory_space<hbm>> -> memref<20480x128xf32, #tpu.memory_space<hbm>>
    tpu.enqueue_indirect_dma source(%dma_start3A_867 : memref<20480x128xf32, #tpu.memory_space<hbm>>) target(%arg8 : memref<120x128xf32, #tpu.memory_space<vmem>>) offsets(%dma_start3A_864 : memref<120xi32, #tpu.memory_space<vmem>>) semaphore(%arg11 : memref<!tpu.dma_semaphore, #tpu.memory_space<semaphore_mem>>)
    %dma_wait3A_868 = arith.constant 4080 : i32
    %dma_wait3A_869 = tpu.memref_slice %arg6[%dma_wait3A_868] : memref<5040xi32, #tpu.memory_space<vmem>> -> memref<120xi32, #tpu.memory_space<vmem>>
    %dma_wait3A_870 = arith.constant 0 : i32
    %dma_wait3A_871 = arith.constant 0 : i32
    %dma_wait3A_872 = tpu.memref_slice %arg3[%dma_wait3A_870, %dma_wait3A_871] : memref<20480x128xf32, #tpu.memory_space<hbm>> -> memref<20480x128xf32, #tpu.memory_space<hbm>>
    tpu.wait_indirect_dma semaphore(%arg10 : memref<!tpu.dma_semaphore, #tpu.memory_space<semaphore_mem>>) src(%dma_wait3A_872 : memref<20480x128xf32, #tpu.memory_space<hbm>>) dst(%arg7 : memref<120x128xf32, #tpu.memory_space<vmem>>)
    "tpu.region"() ({
      %run_scoped3A = tpu.sem_alloc : memref<!tpu.dma_semaphore, #tpu.memory_space<semaphore_mem>>
      %dma_start3A_943 = arith.constant 4080 : i32
      %dma_start3A_944 = tpu.memref_slice %arg5[%dma_start3A_943] : memref<5040xi32, #tpu.memory_space<vmem>> -> memref<120xi32, #tpu.memory_space<vmem>>
      %dma_start3A_945 = arith.constant 0 : i32
      %dma_start3A_946 = arith.constant 0 : i32
      %dma_start3A_947 = tpu.memref_slice %arg9[%dma_start3A_945, %dma_start3A_946] : memref<10240x128xf32, #tpu.memory_space<vmem_shared>> -> memref<10240x128xf32, #tpu.memory_space<vmem_shared>>
      tpu.enqueue_indirect_dma source(%arg7 : memref<120x128xf32, #tpu.memory_space<vmem>>) target(%dma_start3A_947 : memref<10240x128xf32, #tpu.memory_space<vmem_shared>>) offsets(%dma_start3A_944 : memref<120xi32, #tpu.memory_space<vmem>>) semaphore(%run_scoped3A : memref<!tpu.dma_semaphore, #tpu.memory_space<semaphore_mem>>) {add = true}
      %dma_wait3A_948 = arith.constant 4080 : i32
      %dma_wait3A_949 = tpu.memref_slice %arg5[%dma_wait3A_948] : memref<5040xi32, #tpu.memory_space<vmem>> -> memref<120xi32, #tpu.memory_space<vmem>>
      %dma_wait3A_950 = arith.constant 0 : i32
      %dma_wait3A_951 = arith.constant 0 : i32
      %dma_wait3A_952 = tpu.memref_slice %arg9[%dma_wait3A_950, %dma_wait3A_951] : memref<10240x128xf32, #tpu.memory_space<vmem_shared>> -> memref<10240x128xf32, #tpu.memory_space<vmem_shared>>
      tpu.wait_indirect_dma semaphore(%run_scoped3A : memref<!tpu.dma_semaphore, #tpu.memory_space<semaphore_mem>>) src(%arg7 : memref<120x128xf32, #tpu.memory_space<vmem>>) dst(%dma_wait3A_952 : memref<10240x128xf32, #tpu.memory_space<vmem_shared>>)
      tpu.yield
    }) : () -> ()
    %dma_start3A_873 = arith.constant 4320 : i32
    %dma_start3A_874 = tpu.memref_slice %arg6[%dma_start3A_873] : memref<5040xi32, #tpu.memory_space<vmem>> -> memref<120xi32, #tpu.memory_space<vmem>>
    %dma_start3A_875 = arith.constant 0 : i32
    %dma_start3A_876 = arith.constant 0 : i32
    %dma_start3A_877 = tpu.memref_slice %arg3[%dma_start3A_875, %dma_start3A_876] : memref<20480x128xf32, #tpu.memory_space<hbm>> -> memref<20480x128xf32, #tpu.memory_space<hbm>>
    tpu.enqueue_indirect_dma source(%dma_start3A_877 : memref<20480x128xf32, #tpu.memory_space<hbm>>) target(%arg7 : memref<120x128xf32, #tpu.memory_space<vmem>>) offsets(%dma_start3A_874 : memref<120xi32, #tpu.memory_space<vmem>>) semaphore(%arg10 : memref<!tpu.dma_semaphore, #tpu.memory_space<semaphore_mem>>)
    %dma_wait3A_878 = arith.constant 4200 : i32
    %dma_wait3A_879 = tpu.memref_slice %arg6[%dma_wait3A_878] : memref<5040xi32, #tpu.memory_space<vmem>> -> memref<120xi32, #tpu.memory_space<vmem>>
    %dma_wait3A_880 = arith.constant 0 : i32
    %dma_wait3A_881 = arith.constant 0 : i32
    %dma_wait3A_882 = tpu.memref_slice %arg3[%dma_wait3A_880, %dma_wait3A_881] : memref<20480x128xf32, #tpu.memory_space<hbm>> -> memref<20480x128xf32, #tpu.memory_space<hbm>>
    tpu.wait_indirect_dma semaphore(%arg11 : memref<!tpu.dma_semaphore, #tpu.memory_space<semaphore_mem>>) src(%dma_wait3A_882 : memref<20480x128xf32, #tpu.memory_space<hbm>>) dst(%arg8 : memref<120x128xf32, #tpu.memory_space<vmem>>)
    "tpu.region"() ({
      %run_scoped3A = tpu.sem_alloc : memref<!tpu.dma_semaphore, #tpu.memory_space<semaphore_mem>>
      %dma_start3A_943 = arith.constant 4200 : i32
      %dma_start3A_944 = tpu.memref_slice %arg5[%dma_start3A_943] : memref<5040xi32, #tpu.memory_space<vmem>> -> memref<120xi32, #tpu.memory_space<vmem>>
      %dma_start3A_945 = arith.constant 0 : i32
      %dma_start3A_946 = arith.constant 0 : i32
      %dma_start3A_947 = tpu.memref_slice %arg9[%dma_start3A_945, %dma_start3A_946] : memref<10240x128xf32, #tpu.memory_space<vmem_shared>> -> memref<10240x128xf32, #tpu.memory_space<vmem_shared>>
      tpu.enqueue_indirect_dma source(%arg8 : memref<120x128xf32, #tpu.memory_space<vmem>>) target(%dma_start3A_947 : memref<10240x128xf32, #tpu.memory_space<vmem_shared>>) offsets(%dma_start3A_944 : memref<120xi32, #tpu.memory_space<vmem>>) semaphore(%run_scoped3A : memref<!tpu.dma_semaphore, #tpu.memory_space<semaphore_mem>>) {add = true}
      %dma_wait3A_948 = arith.constant 4200 : i32
      %dma_wait3A_949 = tpu.memref_slice %arg5[%dma_wait3A_948] : memref<5040xi32, #tpu.memory_space<vmem>> -> memref<120xi32, #tpu.memory_space<vmem>>
      %dma_wait3A_950 = arith.constant 0 : i32
      %dma_wait3A_951 = arith.constant 0 : i32
      %dma_wait3A_952 = tpu.memref_slice %arg9[%dma_wait3A_950, %dma_wait3A_951] : memref<10240x128xf32, #tpu.memory_space<vmem_shared>> -> memref<10240x128xf32, #tpu.memory_space<vmem_shared>>
      tpu.wait_indirect_dma semaphore(%run_scoped3A : memref<!tpu.dma_semaphore, #tpu.memory_space<semaphore_mem>>) src(%arg8 : memref<120x128xf32, #tpu.memory_space<vmem>>) dst(%dma_wait3A_952 : memref<10240x128xf32, #tpu.memory_space<vmem_shared>>)
      tpu.yield
    }) : () -> ()
    %dma_start3A_883 = arith.constant 4440 : i32
    %dma_start3A_884 = tpu.memref_slice %arg6[%dma_start3A_883] : memref<5040xi32, #tpu.memory_space<vmem>> -> memref<120xi32, #tpu.memory_space<vmem>>
    %dma_start3A_885 = arith.constant 0 : i32
    %dma_start3A_886 = arith.constant 0 : i32
    %dma_start3A_887 = tpu.memref_slice %arg3[%dma_start3A_885, %dma_start3A_886] : memref<20480x128xf32, #tpu.memory_space<hbm>> -> memref<20480x128xf32, #tpu.memory_space<hbm>>
    tpu.enqueue_indirect_dma source(%dma_start3A_887 : memref<20480x128xf32, #tpu.memory_space<hbm>>) target(%arg8 : memref<120x128xf32, #tpu.memory_space<vmem>>) offsets(%dma_start3A_884 : memref<120xi32, #tpu.memory_space<vmem>>) semaphore(%arg11 : memref<!tpu.dma_semaphore, #tpu.memory_space<semaphore_mem>>)
    %dma_wait3A_888 = arith.constant 4320 : i32
    %dma_wait3A_889 = tpu.memref_slice %arg6[%dma_wait3A_888] : memref<5040xi32, #tpu.memory_space<vmem>> -> memref<120xi32, #tpu.memory_space<vmem>>
    %dma_wait3A_890 = arith.constant 0 : i32
    %dma_wait3A_891 = arith.constant 0 : i32
    %dma_wait3A_892 = tpu.memref_slice %arg3[%dma_wait3A_890, %dma_wait3A_891] : memref<20480x128xf32, #tpu.memory_space<hbm>> -> memref<20480x128xf32, #tpu.memory_space<hbm>>
    tpu.wait_indirect_dma semaphore(%arg10 : memref<!tpu.dma_semaphore, #tpu.memory_space<semaphore_mem>>) src(%dma_wait3A_892 : memref<20480x128xf32, #tpu.memory_space<hbm>>) dst(%arg7 : memref<120x128xf32, #tpu.memory_space<vmem>>)
    "tpu.region"() ({
      %run_scoped3A = tpu.sem_alloc : memref<!tpu.dma_semaphore, #tpu.memory_space<semaphore_mem>>
      %dma_start3A_943 = arith.constant 4320 : i32
      %dma_start3A_944 = tpu.memref_slice %arg5[%dma_start3A_943] : memref<5040xi32, #tpu.memory_space<vmem>> -> memref<120xi32, #tpu.memory_space<vmem>>
      %dma_start3A_945 = arith.constant 0 : i32
      %dma_start3A_946 = arith.constant 0 : i32
      %dma_start3A_947 = tpu.memref_slice %arg9[%dma_start3A_945, %dma_start3A_946] : memref<10240x128xf32, #tpu.memory_space<vmem_shared>> -> memref<10240x128xf32, #tpu.memory_space<vmem_shared>>
      tpu.enqueue_indirect_dma source(%arg7 : memref<120x128xf32, #tpu.memory_space<vmem>>) target(%dma_start3A_947 : memref<10240x128xf32, #tpu.memory_space<vmem_shared>>) offsets(%dma_start3A_944 : memref<120xi32, #tpu.memory_space<vmem>>) semaphore(%run_scoped3A : memref<!tpu.dma_semaphore, #tpu.memory_space<semaphore_mem>>) {add = true}
      %dma_wait3A_948 = arith.constant 4320 : i32
      %dma_wait3A_949 = tpu.memref_slice %arg5[%dma_wait3A_948] : memref<5040xi32, #tpu.memory_space<vmem>> -> memref<120xi32, #tpu.memory_space<vmem>>
      %dma_wait3A_950 = arith.constant 0 : i32
      %dma_wait3A_951 = arith.constant 0 : i32
      %dma_wait3A_952 = tpu.memref_slice %arg9[%dma_wait3A_950, %dma_wait3A_951] : memref<10240x128xf32, #tpu.memory_space<vmem_shared>> -> memref<10240x128xf32, #tpu.memory_space<vmem_shared>>
      tpu.wait_indirect_dma semaphore(%run_scoped3A : memref<!tpu.dma_semaphore, #tpu.memory_space<semaphore_mem>>) src(%arg7 : memref<120x128xf32, #tpu.memory_space<vmem>>) dst(%dma_wait3A_952 : memref<10240x128xf32, #tpu.memory_space<vmem_shared>>)
      tpu.yield
    }) : () -> ()
    %dma_start3A_893 = arith.constant 4560 : i32
    %dma_start3A_894 = tpu.memref_slice %arg6[%dma_start3A_893] : memref<5040xi32, #tpu.memory_space<vmem>> -> memref<120xi32, #tpu.memory_space<vmem>>
    %dma_start3A_895 = arith.constant 0 : i32
    %dma_start3A_896 = arith.constant 0 : i32
    %dma_start3A_897 = tpu.memref_slice %arg3[%dma_start3A_895, %dma_start3A_896] : memref<20480x128xf32, #tpu.memory_space<hbm>> -> memref<20480x128xf32, #tpu.memory_space<hbm>>
    tpu.enqueue_indirect_dma source(%dma_start3A_897 : memref<20480x128xf32, #tpu.memory_space<hbm>>) target(%arg7 : memref<120x128xf32, #tpu.memory_space<vmem>>) offsets(%dma_start3A_894 : memref<120xi32, #tpu.memory_space<vmem>>) semaphore(%arg10 : memref<!tpu.dma_semaphore, #tpu.memory_space<semaphore_mem>>)
    %dma_wait3A_898 = arith.constant 4440 : i32
    %dma_wait3A_899 = tpu.memref_slice %arg6[%dma_wait3A_898] : memref<5040xi32, #tpu.memory_space<vmem>> -> memref<120xi32, #tpu.memory_space<vmem>>
    %dma_wait3A_900 = arith.constant 0 : i32
    %dma_wait3A_901 = arith.constant 0 : i32
    %dma_wait3A_902 = tpu.memref_slice %arg3[%dma_wait3A_900, %dma_wait3A_901] : memref<20480x128xf32, #tpu.memory_space<hbm>> -> memref<20480x128xf32, #tpu.memory_space<hbm>>
    tpu.wait_indirect_dma semaphore(%arg11 : memref<!tpu.dma_semaphore, #tpu.memory_space<semaphore_mem>>) src(%dma_wait3A_902 : memref<20480x128xf32, #tpu.memory_space<hbm>>) dst(%arg8 : memref<120x128xf32, #tpu.memory_space<vmem>>)
    "tpu.region"() ({
      %run_scoped3A = tpu.sem_alloc : memref<!tpu.dma_semaphore, #tpu.memory_space<semaphore_mem>>
      %dma_start3A_943 = arith.constant 4440 : i32
      %dma_start3A_944 = tpu.memref_slice %arg5[%dma_start3A_943] : memref<5040xi32, #tpu.memory_space<vmem>> -> memref<120xi32, #tpu.memory_space<vmem>>
      %dma_start3A_945 = arith.constant 0 : i32
      %dma_start3A_946 = arith.constant 0 : i32
      %dma_start3A_947 = tpu.memref_slice %arg9[%dma_start3A_945, %dma_start3A_946] : memref<10240x128xf32, #tpu.memory_space<vmem_shared>> -> memref<10240x128xf32, #tpu.memory_space<vmem_shared>>
      tpu.enqueue_indirect_dma source(%arg8 : memref<120x128xf32, #tpu.memory_space<vmem>>) target(%dma_start3A_947 : memref<10240x128xf32, #tpu.memory_space<vmem_shared>>) offsets(%dma_start3A_944 : memref<120xi32, #tpu.memory_space<vmem>>) semaphore(%run_scoped3A : memref<!tpu.dma_semaphore, #tpu.memory_space<semaphore_mem>>) {add = true}
      %dma_wait3A_948 = arith.constant 4440 : i32
      %dma_wait3A_949 = tpu.memref_slice %arg5[%dma_wait3A_948] : memref<5040xi32, #tpu.memory_space<vmem>> -> memref<120xi32, #tpu.memory_space<vmem>>
      %dma_wait3A_950 = arith.constant 0 : i32
      %dma_wait3A_951 = arith.constant 0 : i32
      %dma_wait3A_952 = tpu.memref_slice %arg9[%dma_wait3A_950, %dma_wait3A_951] : memref<10240x128xf32, #tpu.memory_space<vmem_shared>> -> memref<10240x128xf32, #tpu.memory_space<vmem_shared>>
      tpu.wait_indirect_dma semaphore(%run_scoped3A : memref<!tpu.dma_semaphore, #tpu.memory_space<semaphore_mem>>) src(%arg8 : memref<120x128xf32, #tpu.memory_space<vmem>>) dst(%dma_wait3A_952 : memref<10240x128xf32, #tpu.memory_space<vmem_shared>>)
      tpu.yield
    }) : () -> ()
    %dma_start3A_903 = arith.constant 4680 : i32
    %dma_start3A_904 = tpu.memref_slice %arg6[%dma_start3A_903] : memref<5040xi32, #tpu.memory_space<vmem>> -> memref<120xi32, #tpu.memory_space<vmem>>
    %dma_start3A_905 = arith.constant 0 : i32
    %dma_start3A_906 = arith.constant 0 : i32
    %dma_start3A_907 = tpu.memref_slice %arg3[%dma_start3A_905, %dma_start3A_906] : memref<20480x128xf32, #tpu.memory_space<hbm>> -> memref<20480x128xf32, #tpu.memory_space<hbm>>
    tpu.enqueue_indirect_dma source(%dma_start3A_907 : memref<20480x128xf32, #tpu.memory_space<hbm>>) target(%arg8 : memref<120x128xf32, #tpu.memory_space<vmem>>) offsets(%dma_start3A_904 : memref<120xi32, #tpu.memory_space<vmem>>) semaphore(%arg11 : memref<!tpu.dma_semaphore, #tpu.memory_space<semaphore_mem>>)
    %dma_wait3A_908 = arith.constant 4560 : i32
    %dma_wait3A_909 = tpu.memref_slice %arg6[%dma_wait3A_908] : memref<5040xi32, #tpu.memory_space<vmem>> -> memref<120xi32, #tpu.memory_space<vmem>>
    %dma_wait3A_910 = arith.constant 0 : i32
    %dma_wait3A_911 = arith.constant 0 : i32
    %dma_wait3A_912 = tpu.memref_slice %arg3[%dma_wait3A_910, %dma_wait3A_911] : memref<20480x128xf32, #tpu.memory_space<hbm>> -> memref<20480x128xf32, #tpu.memory_space<hbm>>
    tpu.wait_indirect_dma semaphore(%arg10 : memref<!tpu.dma_semaphore, #tpu.memory_space<semaphore_mem>>) src(%dma_wait3A_912 : memref<20480x128xf32, #tpu.memory_space<hbm>>) dst(%arg7 : memref<120x128xf32, #tpu.memory_space<vmem>>)
    "tpu.region"() ({
      %run_scoped3A = tpu.sem_alloc : memref<!tpu.dma_semaphore, #tpu.memory_space<semaphore_mem>>
      %dma_start3A_943 = arith.constant 4560 : i32
      %dma_start3A_944 = tpu.memref_slice %arg5[%dma_start3A_943] : memref<5040xi32, #tpu.memory_space<vmem>> -> memref<120xi32, #tpu.memory_space<vmem>>
      %dma_start3A_945 = arith.constant 0 : i32
      %dma_start3A_946 = arith.constant 0 : i32
      %dma_start3A_947 = tpu.memref_slice %arg9[%dma_start3A_945, %dma_start3A_946] : memref<10240x128xf32, #tpu.memory_space<vmem_shared>> -> memref<10240x128xf32, #tpu.memory_space<vmem_shared>>
      tpu.enqueue_indirect_dma source(%arg7 : memref<120x128xf32, #tpu.memory_space<vmem>>) target(%dma_start3A_947 : memref<10240x128xf32, #tpu.memory_space<vmem_shared>>) offsets(%dma_start3A_944 : memref<120xi32, #tpu.memory_space<vmem>>) semaphore(%run_scoped3A : memref<!tpu.dma_semaphore, #tpu.memory_space<semaphore_mem>>) {add = true}
      %dma_wait3A_948 = arith.constant 4560 : i32
      %dma_wait3A_949 = tpu.memref_slice %arg5[%dma_wait3A_948] : memref<5040xi32, #tpu.memory_space<vmem>> -> memref<120xi32, #tpu.memory_space<vmem>>
      %dma_wait3A_950 = arith.constant 0 : i32
      %dma_wait3A_951 = arith.constant 0 : i32
      %dma_wait3A_952 = tpu.memref_slice %arg9[%dma_wait3A_950, %dma_wait3A_951] : memref<10240x128xf32, #tpu.memory_space<vmem_shared>> -> memref<10240x128xf32, #tpu.memory_space<vmem_shared>>
      tpu.wait_indirect_dma semaphore(%run_scoped3A : memref<!tpu.dma_semaphore, #tpu.memory_space<semaphore_mem>>) src(%arg7 : memref<120x128xf32, #tpu.memory_space<vmem>>) dst(%dma_wait3A_952 : memref<10240x128xf32, #tpu.memory_space<vmem_shared>>)
      tpu.yield
    }) : () -> ()
    %dma_start3A_913 = arith.constant 4800 : i32
    %dma_start3A_914 = tpu.memref_slice %arg6[%dma_start3A_913] : memref<5040xi32, #tpu.memory_space<vmem>> -> memref<120xi32, #tpu.memory_space<vmem>>
    %dma_start3A_915 = arith.constant 0 : i32
    %dma_start3A_916 = arith.constant 0 : i32
    %dma_start3A_917 = tpu.memref_slice %arg3[%dma_start3A_915, %dma_start3A_916] : memref<20480x128xf32, #tpu.memory_space<hbm>> -> memref<20480x128xf32, #tpu.memory_space<hbm>>
    tpu.enqueue_indirect_dma source(%dma_start3A_917 : memref<20480x128xf32, #tpu.memory_space<hbm>>) target(%arg7 : memref<120x128xf32, #tpu.memory_space<vmem>>) offsets(%dma_start3A_914 : memref<120xi32, #tpu.memory_space<vmem>>) semaphore(%arg10 : memref<!tpu.dma_semaphore, #tpu.memory_space<semaphore_mem>>)
    %dma_wait3A_918 = arith.constant 4680 : i32
    %dma_wait3A_919 = tpu.memref_slice %arg6[%dma_wait3A_918] : memref<5040xi32, #tpu.memory_space<vmem>> -> memref<120xi32, #tpu.memory_space<vmem>>
    %dma_wait3A_920 = arith.constant 0 : i32
    %dma_wait3A_921 = arith.constant 0 : i32
    %dma_wait3A_922 = tpu.memref_slice %arg3[%dma_wait3A_920, %dma_wait3A_921] : memref<20480x128xf32, #tpu.memory_space<hbm>> -> memref<20480x128xf32, #tpu.memory_space<hbm>>
    tpu.wait_indirect_dma semaphore(%arg11 : memref<!tpu.dma_semaphore, #tpu.memory_space<semaphore_mem>>) src(%dma_wait3A_922 : memref<20480x128xf32, #tpu.memory_space<hbm>>) dst(%arg8 : memref<120x128xf32, #tpu.memory_space<vmem>>)
    "tpu.region"() ({
      %run_scoped3A = tpu.sem_alloc : memref<!tpu.dma_semaphore, #tpu.memory_space<semaphore_mem>>
      %dma_start3A_943 = arith.constant 4680 : i32
      %dma_start3A_944 = tpu.memref_slice %arg5[%dma_start3A_943] : memref<5040xi32, #tpu.memory_space<vmem>> -> memref<120xi32, #tpu.memory_space<vmem>>
      %dma_start3A_945 = arith.constant 0 : i32
      %dma_start3A_946 = arith.constant 0 : i32
      %dma_start3A_947 = tpu.memref_slice %arg9[%dma_start3A_945, %dma_start3A_946] : memref<10240x128xf32, #tpu.memory_space<vmem_shared>> -> memref<10240x128xf32, #tpu.memory_space<vmem_shared>>
      tpu.enqueue_indirect_dma source(%arg8 : memref<120x128xf32, #tpu.memory_space<vmem>>) target(%dma_start3A_947 : memref<10240x128xf32, #tpu.memory_space<vmem_shared>>) offsets(%dma_start3A_944 : memref<120xi32, #tpu.memory_space<vmem>>) semaphore(%run_scoped3A : memref<!tpu.dma_semaphore, #tpu.memory_space<semaphore_mem>>) {add = true}
      %dma_wait3A_948 = arith.constant 4680 : i32
      %dma_wait3A_949 = tpu.memref_slice %arg5[%dma_wait3A_948] : memref<5040xi32, #tpu.memory_space<vmem>> -> memref<120xi32, #tpu.memory_space<vmem>>
      %dma_wait3A_950 = arith.constant 0 : i32
      %dma_wait3A_951 = arith.constant 0 : i32
      %dma_wait3A_952 = tpu.memref_slice %arg9[%dma_wait3A_950, %dma_wait3A_951] : memref<10240x128xf32, #tpu.memory_space<vmem_shared>> -> memref<10240x128xf32, #tpu.memory_space<vmem_shared>>
      tpu.wait_indirect_dma semaphore(%run_scoped3A : memref<!tpu.dma_semaphore, #tpu.memory_space<semaphore_mem>>) src(%arg8 : memref<120x128xf32, #tpu.memory_space<vmem>>) dst(%dma_wait3A_952 : memref<10240x128xf32, #tpu.memory_space<vmem_shared>>)
      tpu.yield
    }) : () -> ()
    %dma_start3A_923 = arith.constant 4920 : i32
    %dma_start3A_924 = tpu.memref_slice %arg6[%dma_start3A_923] : memref<5040xi32, #tpu.memory_space<vmem>> -> memref<120xi32, #tpu.memory_space<vmem>>
    %dma_start3A_925 = arith.constant 0 : i32
    %dma_start3A_926 = arith.constant 0 : i32
    %dma_start3A_927 = tpu.memref_slice %arg3[%dma_start3A_925, %dma_start3A_926] : memref<20480x128xf32, #tpu.memory_space<hbm>> -> memref<20480x128xf32, #tpu.memory_space<hbm>>
    tpu.enqueue_indirect_dma source(%dma_start3A_927 : memref<20480x128xf32, #tpu.memory_space<hbm>>) target(%arg8 : memref<120x128xf32, #tpu.memory_space<vmem>>) offsets(%dma_start3A_924 : memref<120xi32, #tpu.memory_space<vmem>>) semaphore(%arg11 : memref<!tpu.dma_semaphore, #tpu.memory_space<semaphore_mem>>)
    %dma_wait3A_928 = arith.constant 4800 : i32
    %dma_wait3A_929 = tpu.memref_slice %arg6[%dma_wait3A_928] : memref<5040xi32, #tpu.memory_space<vmem>> -> memref<120xi32, #tpu.memory_space<vmem>>
    %dma_wait3A_930 = arith.constant 0 : i32
    %dma_wait3A_931 = arith.constant 0 : i32
    %dma_wait3A_932 = tpu.memref_slice %arg3[%dma_wait3A_930, %dma_wait3A_931] : memref<20480x128xf32, #tpu.memory_space<hbm>> -> memref<20480x128xf32, #tpu.memory_space<hbm>>
    tpu.wait_indirect_dma semaphore(%arg10 : memref<!tpu.dma_semaphore, #tpu.memory_space<semaphore_mem>>) src(%dma_wait3A_932 : memref<20480x128xf32, #tpu.memory_space<hbm>>) dst(%arg7 : memref<120x128xf32, #tpu.memory_space<vmem>>)
    "tpu.region"() ({
      %run_scoped3A = tpu.sem_alloc : memref<!tpu.dma_semaphore, #tpu.memory_space<semaphore_mem>>
      %dma_start3A_943 = arith.constant 4800 : i32
      %dma_start3A_944 = tpu.memref_slice %arg5[%dma_start3A_943] : memref<5040xi32, #tpu.memory_space<vmem>> -> memref<120xi32, #tpu.memory_space<vmem>>
      %dma_start3A_945 = arith.constant 0 : i32
      %dma_start3A_946 = arith.constant 0 : i32
      %dma_start3A_947 = tpu.memref_slice %arg9[%dma_start3A_945, %dma_start3A_946] : memref<10240x128xf32, #tpu.memory_space<vmem_shared>> -> memref<10240x128xf32, #tpu.memory_space<vmem_shared>>
      tpu.enqueue_indirect_dma source(%arg7 : memref<120x128xf32, #tpu.memory_space<vmem>>) target(%dma_start3A_947 : memref<10240x128xf32, #tpu.memory_space<vmem_shared>>) offsets(%dma_start3A_944 : memref<120xi32, #tpu.memory_space<vmem>>) semaphore(%run_scoped3A : memref<!tpu.dma_semaphore, #tpu.memory_space<semaphore_mem>>) {add = true}
      %dma_wait3A_948 = arith.constant 4800 : i32
      %dma_wait3A_949 = tpu.memref_slice %arg5[%dma_wait3A_948] : memref<5040xi32, #tpu.memory_space<vmem>> -> memref<120xi32, #tpu.memory_space<vmem>>
      %dma_wait3A_950 = arith.constant 0 : i32
      %dma_wait3A_951 = arith.constant 0 : i32
      %dma_wait3A_952 = tpu.memref_slice %arg9[%dma_wait3A_950, %dma_wait3A_951] : memref<10240x128xf32, #tpu.memory_space<vmem_shared>> -> memref<10240x128xf32, #tpu.memory_space<vmem_shared>>
      tpu.wait_indirect_dma semaphore(%run_scoped3A : memref<!tpu.dma_semaphore, #tpu.memory_space<semaphore_mem>>) src(%arg7 : memref<120x128xf32, #tpu.memory_space<vmem>>) dst(%dma_wait3A_952 : memref<10240x128xf32, #tpu.memory_space<vmem_shared>>)
      tpu.yield
    }) : () -> ()
    %dma_wait3A_933 = arith.constant 4920 : i32
    %dma_wait3A_934 = tpu.memref_slice %arg6[%dma_wait3A_933] : memref<5040xi32, #tpu.memory_space<vmem>> -> memref<120xi32, #tpu.memory_space<vmem>>
    %dma_wait3A_935 = arith.constant 0 : i32
    %dma_wait3A_936 = arith.constant 0 : i32
    %dma_wait3A_937 = tpu.memref_slice %arg3[%dma_wait3A_935, %dma_wait3A_936] : memref<20480x128xf32, #tpu.memory_space<hbm>> -> memref<20480x128xf32, #tpu.memory_space<hbm>>
    tpu.wait_indirect_dma semaphore(%arg11 : memref<!tpu.dma_semaphore, #tpu.memory_space<semaphore_mem>>) src(%dma_wait3A_937 : memref<20480x128xf32, #tpu.memory_space<hbm>>) dst(%arg8 : memref<120x128xf32, #tpu.memory_space<vmem>>)
    "tpu.region"() ({
      %run_scoped3A = tpu.sem_alloc : memref<!tpu.dma_semaphore, #tpu.memory_space<semaphore_mem>>
      %dma_start3A_943 = arith.constant 4920 : i32
      %dma_start3A_944 = tpu.memref_slice %arg5[%dma_start3A_943] : memref<5040xi32, #tpu.memory_space<vmem>> -> memref<120xi32, #tpu.memory_space<vmem>>
      %dma_start3A_945 = arith.constant 0 : i32
      %dma_start3A_946 = arith.constant 0 : i32
      %dma_start3A_947 = tpu.memref_slice %arg9[%dma_start3A_945, %dma_start3A_946] : memref<10240x128xf32, #tpu.memory_space<vmem_shared>> -> memref<10240x128xf32, #tpu.memory_space<vmem_shared>>
      tpu.enqueue_indirect_dma source(%arg8 : memref<120x128xf32, #tpu.memory_space<vmem>>) target(%dma_start3A_947 : memref<10240x128xf32, #tpu.memory_space<vmem_shared>>) offsets(%dma_start3A_944 : memref<120xi32, #tpu.memory_space<vmem>>) semaphore(%run_scoped3A : memref<!tpu.dma_semaphore, #tpu.memory_space<semaphore_mem>>) {add = true}
      %dma_wait3A_948 = arith.constant 4920 : i32
      %dma_wait3A_949 = tpu.memref_slice %arg5[%dma_wait3A_948] : memref<5040xi32, #tpu.memory_space<vmem>> -> memref<120xi32, #tpu.memory_space<vmem>>
      %dma_wait3A_950 = arith.constant 0 : i32
      %dma_wait3A_951 = arith.constant 0 : i32
      %dma_wait3A_952 = tpu.memref_slice %arg9[%dma_wait3A_950, %dma_wait3A_951] : memref<10240x128xf32, #tpu.memory_space<vmem_shared>> -> memref<10240x128xf32, #tpu.memory_space<vmem_shared>>
      tpu.wait_indirect_dma semaphore(%run_scoped3A : memref<!tpu.dma_semaphore, #tpu.memory_space<semaphore_mem>>) src(%arg8 : memref<120x128xf32, #tpu.memory_space<vmem>>) dst(%dma_wait3A_952 : memref<10240x128xf32, #tpu.memory_space<vmem_shared>>)
      tpu.yield
    }) : () -> ()
    %barrier3A_938 = arith.constant 0 : index
    tpu.barrier barrier_id(%barrier3A_938)
    %mul3A_939 = arith.constant 640 : i32
    %mul3A_940 = arith.muli %arg1, %mul3A_939 : i32
    %mul3A_941 = arith.constant 640 : i32
    %mul3A_942 = arith.muli %arg1, %mul3A_941 : i32
    "tpu.region"() ({
      %run_scoped3A = tpu.sem_alloc : memref<!tpu.dma_semaphore, #tpu.memory_space<semaphore_mem>>
      %dma_start3A_943 = arith.constant 0 : i32
      %dma_start3A_944 = tpu.memref_slice %arg4[%arg0, %mul3A_942, %dma_start3A_943] : memref<2x10240x128xf32, #tpu.memory_space<hbm>> -> memref<1x640x128xf32, #tpu.memory_space<hbm>>
      %dma_start3A_945 = tpu.memref_squeeze %dma_start3A_944 : memref<1x640x128xf32, #tpu.memory_space<hbm>> -> memref<640x128xf32, #tpu.memory_space<hbm>>
      %dma_start3A_946 = arith.constant 0 : i32
      %dma_start3A_947 = tpu.memref_slice %arg9[%mul3A_940, %dma_start3A_946] : memref<10240x128xf32, #tpu.memory_space<vmem_shared>> -> memref<640x128xf32, #tpu.memory_space<vmem_shared>>
      tpu.enqueue_dma source(%dma_start3A_947 : memref<640x128xf32, #tpu.memory_space<vmem_shared>>) target(%dma_start3A_945 : memref<640x128xf32, #tpu.memory_space<hbm>>) target_semaphore(%run_scoped3A : memref<!tpu.dma_semaphore, #tpu.memory_space<semaphore_mem>>)
      %dma_wait3A_948 = arith.constant 0 : i32
      %dma_wait3A_949 = tpu.memref_slice %arg4[%arg0, %mul3A_942, %dma_wait3A_948] : memref<2x10240x128xf32, #tpu.memory_space<hbm>> -> memref<1x640x128xf32, #tpu.memory_space<hbm>>
      %dma_wait3A_950 = tpu.memref_squeeze %dma_wait3A_949 : memref<1x640x128xf32, #tpu.memory_space<hbm>> -> memref<640x128xf32, #tpu.memory_space<hbm>>
      %dma_wait3A_951 = arith.constant 0 : i32
      %dma_wait3A_952 = tpu.memref_slice %arg9[%mul3A_940, %dma_wait3A_951] : memref<10240x128xf32, #tpu.memory_space<vmem_shared>> -> memref<640x128xf32, #tpu.memory_space<vmem_shared>>
      tpu.wait_dma2 semaphore(%run_scoped3A : memref<!tpu.dma_semaphore, #tpu.memory_space<semaphore_mem>>) src(%dma_wait3A_952 : memref<640x128xf32, #tpu.memory_space<vmem_shared>>) dst(%dma_wait3A_950 : memref<640x128xf32, #tpu.memory_space<hbm>>)
      tpu.yield
    }) : () -> ()
    return
  }
}

#map = affine_map<(d0, d1) -> (0)>
#map1 = affine_map<(d0, d1) -> (0, 0)>
module attributes {stable_mosaic.version = 14 : i64} {
  func.func @_deg_body(%arg0: i32, %arg1: i32, %arg2: memref<320000xi32, #tpu.memory_space<hbm>>, %arg3: memref<2x10240xf32, #tpu.memory_space<hbm>>, %arg4: memref<5000xi32, #tpu.memory_space<vmem>>, %arg5: memref<128xf32, #tpu.memory_space<vmem>>, %arg6: memref<640xf32, #tpu.memory_space<vmem>>, %arg7: memref<10240xf32, #tpu.memory_space<vmem_shared>>, %arg8: memref<!tpu.dma_semaphore, #tpu.memory_space<semaphore_mem>>) attributes {dimension_semantics = [#tpu.dimension_semantics<core_parallel>, #tpu.dimension_semantics<subcore_parallel>], iteration_bounds = array<i64: 2, 16>, scalar_prefetch = 0 : i64, scratch_operands = 5 : i64, tpu.core_type = #tpu.core_type<sc_vector_subcore>, window_params = [{transform_indices = #map}, {transform_indices = #map1}]} {
    %mul3A = arith.constant 2 : i32
    %mul3A_0 = arith.muli %arg1, %mul3A : i32
    %add3A = arith.addi %mul3A_0, %arg0 : i32
    %broadcast_in_dim3A = arith.constant 1.000000e+00 : f32
    %broadcast_in_dim3A_1 = vector.broadcast %broadcast_in_dim3A : f32 to vector<16xf32>
    %swap3A = arith.constant 0 : index
    %swap3A_2 = tpu.vector_load %arg5[%swap3A] {strides = array<i32>} : memref<128xf32, #tpu.memory_space<vmem>>, vector<16xf32>,
    %swap3A_3 = vector.shape_cast %swap3A_2 : vector<16xf32> to vector<16xf32>
    %swap3A_4 = vector.shape_cast %broadcast_in_dim3A_1 : vector<16xf32> to vector<16xf32>
    tpu.vector_store %arg5[%swap3A], %swap3A_4 {strides = array<i32>} : memref<128xf32, #tpu.memory_space<vmem>>, vector<16xf32>,
    %broadcast_in_dim3A_5 = arith.constant 1.000000e+00 : f32
    %broadcast_in_dim3A_6 = vector.broadcast %broadcast_in_dim3A_5 : f32 to vector<16xf32>
    %swap3A_7 = arith.constant 16 : index
    %swap3A_8 = tpu.vector_load %arg5[%swap3A_7] {strides = array<i32>} : memref<128xf32, #tpu.memory_space<vmem>>, vector<16xf32>,
    %swap3A_9 = vector.shape_cast %swap3A_8 : vector<16xf32> to vector<16xf32>
    %swap3A_10 = vector.shape_cast %broadcast_in_dim3A_6 : vector<16xf32> to vector<16xf32>
    tpu.vector_store %arg5[%swap3A_7], %swap3A_10 {strides = array<i32>} : memref<128xf32, #tpu.memory_space<vmem>>, vector<16xf32>,
    %broadcast_in_dim3A_11 = arith.constant 1.000000e+00 : f32
    %broadcast_in_dim3A_12 = vector.broadcast %broadcast_in_dim3A_11 : f32 to vector<16xf32>
    %swap3A_13 = arith.constant 32 : index
    %swap3A_14 = tpu.vector_load %arg5[%swap3A_13] {strides = array<i32>} : memref<128xf32, #tpu.memory_space<vmem>>, vector<16xf32>,
    %swap3A_15 = vector.shape_cast %swap3A_14 : vector<16xf32> to vector<16xf32>
    %swap3A_16 = vector.shape_cast %broadcast_in_dim3A_12 : vector<16xf32> to vector<16xf32>
    tpu.vector_store %arg5[%swap3A_13], %swap3A_16 {strides = array<i32>} : memref<128xf32, #tpu.memory_space<vmem>>, vector<16xf32>,
    %broadcast_in_dim3A_17 = arith.constant 1.000000e+00 : f32
    %broadcast_in_dim3A_18 = vector.broadcast %broadcast_in_dim3A_17 : f32 to vector<16xf32>
    %swap3A_19 = arith.constant 48 : index
    %swap3A_20 = tpu.vector_load %arg5[%swap3A_19] {strides = array<i32>} : memref<128xf32, #tpu.memory_space<vmem>>, vector<16xf32>,
    %swap3A_21 = vector.shape_cast %swap3A_20 : vector<16xf32> to vector<16xf32>
    %swap3A_22 = vector.shape_cast %broadcast_in_dim3A_18 : vector<16xf32> to vector<16xf32>
    tpu.vector_store %arg5[%swap3A_19], %swap3A_22 {strides = array<i32>} : memref<128xf32, #tpu.memory_space<vmem>>, vector<16xf32>,
    %broadcast_in_dim3A_23 = arith.constant 1.000000e+00 : f32
    %broadcast_in_dim3A_24 = vector.broadcast %broadcast_in_dim3A_23 : f32 to vector<16xf32>
    %swap3A_25 = arith.constant 64 : index
    %swap3A_26 = tpu.vector_load %arg5[%swap3A_25] {strides = array<i32>} : memref<128xf32, #tpu.memory_space<vmem>>, vector<16xf32>,
    %swap3A_27 = vector.shape_cast %swap3A_26 : vector<16xf32> to vector<16xf32>
    %swap3A_28 = vector.shape_cast %broadcast_in_dim3A_24 : vector<16xf32> to vector<16xf32>
    tpu.vector_store %arg5[%swap3A_25], %swap3A_28 {strides = array<i32>} : memref<128xf32, #tpu.memory_space<vmem>>, vector<16xf32>,
    %broadcast_in_dim3A_29 = arith.constant 1.000000e+00 : f32
    %broadcast_in_dim3A_30 = vector.broadcast %broadcast_in_dim3A_29 : f32 to vector<16xf32>
    %swap3A_31 = arith.constant 80 : index
    %swap3A_32 = tpu.vector_load %arg5[%swap3A_31] {strides = array<i32>} : memref<128xf32, #tpu.memory_space<vmem>>, vector<16xf32>,
    %swap3A_33 = vector.shape_cast %swap3A_32 : vector<16xf32> to vector<16xf32>
    %swap3A_34 = vector.shape_cast %broadcast_in_dim3A_30 : vector<16xf32> to vector<16xf32>
    tpu.vector_store %arg5[%swap3A_31], %swap3A_34 {strides = array<i32>} : memref<128xf32, #tpu.memory_space<vmem>>, vector<16xf32>,
    %broadcast_in_dim3A_35 = arith.constant 1.000000e+00 : f32
    %broadcast_in_dim3A_36 = vector.broadcast %broadcast_in_dim3A_35 : f32 to vector<16xf32>
    %swap3A_37 = arith.constant 96 : index
    %swap3A_38 = tpu.vector_load %arg5[%swap3A_37] {strides = array<i32>} : memref<128xf32, #tpu.memory_space<vmem>>, vector<16xf32>,
    %swap3A_39 = vector.shape_cast %swap3A_38 : vector<16xf32> to vector<16xf32>
    %swap3A_40 = vector.shape_cast %broadcast_in_dim3A_36 : vector<16xf32> to vector<16xf32>
    tpu.vector_store %arg5[%swap3A_37], %swap3A_40 {strides = array<i32>} : memref<128xf32, #tpu.memory_space<vmem>>, vector<16xf32>,
    %broadcast_in_dim3A_41 = arith.constant 1.000000e+00 : f32
    %broadcast_in_dim3A_42 = vector.broadcast %broadcast_in_dim3A_41 : f32 to vector<16xf32>
    %swap3A_43 = arith.constant 112 : index
    %swap3A_44 = tpu.vector_load %arg5[%swap3A_43] {strides = array<i32>} : memref<128xf32, #tpu.memory_space<vmem>>, vector<16xf32>,
    %swap3A_45 = vector.shape_cast %swap3A_44 : vector<16xf32> to vector<16xf32>
    %swap3A_46 = vector.shape_cast %broadcast_in_dim3A_42 : vector<16xf32> to vector<16xf32>
    tpu.vector_store %arg5[%swap3A_43], %swap3A_46 {strides = array<i32>} : memref<128xf32, #tpu.memory_space<vmem>>, vector<16xf32>,
    %scan3A = arith.constant 0 : i32
    %scan3A_47 = arith.constant 0 : i32
    %scan3A_48 = arith.constant 40 : i32
    %scan3A_49 = arith.addi %scan3A_47, %scan3A_48 : i32
    %scan3A_50 = arith.constant 1 : i32
    %scan3A_51 = scf.for %scan3A_566 = %scan3A_47 to %scan3A_49 step %scan3A_50 iter_args(%scan3A_567 = %scan3A) -> (i32)  : i32 {
      %broadcast_in_dim3A_568 = arith.constant 0.000000e+00 : f32
      %broadcast_in_dim3A_569 = vector.broadcast %broadcast_in_dim3A_568 : f32 to vector<16xf32>
      %mul3A_570 = arith.constant 16 : i32
      %mul3A_571 = arith.muli %scan3A_566, %mul3A_570 : i32
      %swap3A_572 = arith.index_cast %mul3A_571 : i32 to index
      %swap3A_573 = tpu.vector_load %arg6[%swap3A_572] {strides = array<i32>} : memref<640xf32, #tpu.memory_space<vmem>>, vector<16xf32>,
      %swap3A_574 = vector.shape_cast %swap3A_573 : vector<16xf32> to vector<16xf32>
      %swap3A_575 = vector.shape_cast %broadcast_in_dim3A_569 : vector<16xf32> to vector<16xf32>
      tpu.vector_store %arg6[%swap3A_572], %swap3A_575 {strides = array<i32>} : memref<640xf32, #tpu.memory_space<vmem>>, vector<16xf32>,
      %scan3A_576 = arith.constant 0 : i32
      scf.yield %scan3A_576 : i32
    }
    %scan3A_52 = arith.constant 40 : i32
    %mul3A_53 = arith.constant 640 : i32
    %mul3A_54 = arith.muli %arg1, %mul3A_53 : i32
    "tpu.region"() ({
      %run_scoped3A = tpu.sem_alloc : memref<!tpu.dma_semaphore, #tpu.memory_space<semaphore_mem>>
      %dma_start3A_566 = tpu.memref_slice %arg7[%mul3A_54] : memref<10240xf32, #tpu.memory_space<vmem_shared>> -> memref<640xf32, #tpu.memory_space<vmem_shared>>
      %dma_start3A_567 = tpu.memref_slice %arg7[%mul3A_54] : memref<10240xf32, #tpu.memory_space<vmem_shared>> -> memref<640xf32, #tpu.memory_space<vmem_shared>>
      tpu.enqueue_dma source(%arg6 : memref<640xf32, #tpu.memory_space<vmem>>) target(%dma_start3A_567 : memref<640xf32, #tpu.memory_space<vmem_shared>>) target_semaphore(%run_scoped3A : memref<!tpu.dma_semaphore, #tpu.memory_space<semaphore_mem>>)
      %dma_wait3A_568 = tpu.memref_slice %arg7[%mul3A_54] : memref<10240xf32, #tpu.memory_space<vmem_shared>> -> memref<640xf32, #tpu.memory_space<vmem_shared>>
      %dma_wait3A_569 = tpu.memref_slice %arg7[%mul3A_54] : memref<10240xf32, #tpu.memory_space<vmem_shared>> -> memref<640xf32, #tpu.memory_space<vmem_shared>>
      tpu.wait_dma2 semaphore(%run_scoped3A : memref<!tpu.dma_semaphore, #tpu.memory_space<semaphore_mem>>) src(%arg6 : memref<640xf32, #tpu.memory_space<vmem>>) dst(%dma_wait3A_569 : memref<640xf32, #tpu.memory_space<vmem_shared>>)
      tpu.yield
    }) : () -> ()
    %barrier3A = arith.constant 0 : index
    tpu.barrier barrier_id(%barrier3A)
    %mul3A_55 = arith.constant 5000 : i32
    %mul3A_56 = arith.muli %add3A, %mul3A_55 : i32
    %add3A_57 = arith.constant 160000 : i32
    %add3A_58 = arith.addi %add3A_57, %mul3A_56 : i32
    "tpu.region"() ({
      %run_scoped3A = tpu.sem_alloc : memref<!tpu.dma_semaphore, #tpu.memory_space<semaphore_mem>>
      %dma_start3A_566 = tpu.memref_slice %arg2[%add3A_58] : memref<320000xi32, #tpu.memory_space<hbm>> -> memref<5000xi32, #tpu.memory_space<hbm>>
      %dma_start3A_567 = tpu.memref_slice %arg2[%add3A_58] : memref<320000xi32, #tpu.memory_space<hbm>> -> memref<5000xi32, #tpu.memory_space<hbm>>
      tpu.enqueue_dma source(%dma_start3A_567 : memref<5000xi32, #tpu.memory_space<hbm>>) target(%arg4 : memref<5000xi32, #tpu.memory_space<vmem>>) target_semaphore(%run_scoped3A : memref<!tpu.dma_semaphore, #tpu.memory_space<semaphore_mem>>)
      %dma_wait3A_568 = tpu.memref_slice %arg2[%add3A_58] : memref<320000xi32, #tpu.memory_space<hbm>> -> memref<5000xi32, #tpu.memory_space<hbm>>
      %dma_wait3A_569 = tpu.memref_slice %arg2[%add3A_58] : memref<320000xi32, #tpu.memory_space<hbm>> -> memref<5000xi32, #tpu.memory_space<hbm>>
      tpu.wait_dma2 semaphore(%run_scoped3A : memref<!tpu.dma_semaphore, #tpu.memory_space<semaphore_mem>>) src(%dma_wait3A_569 : memref<5000xi32, #tpu.memory_space<hbm>>) dst(%arg4 : memref<5000xi32, #tpu.memory_space<vmem>>)
      tpu.yield
    }) : () -> ()
    %dma_start3A = arith.constant 0 : i32
    %dma_start3A_59 = tpu.memref_slice %arg5[%dma_start3A] : memref<128xf32, #tpu.memory_space<vmem>> -> memref<120xf32, #tpu.memory_space<vmem>>
    %dma_start3A_60 = arith.constant 0 : i32
    %dma_start3A_61 = tpu.memref_slice %arg4[%dma_start3A_60] : memref<5000xi32, #tpu.memory_space<vmem>> -> memref<120xi32, #tpu.memory_space<vmem>>
    %dma_start3A_62 = arith.constant 0 : i32
    %dma_start3A_63 = tpu.memref_slice %arg7[%dma_start3A_62] : memref<10240xf32, #tpu.memory_space<vmem_shared>> -> memref<10240xf32, #tpu.memory_space<vmem_shared>>
    tpu.enqueue_indirect_dma source(%dma_start3A_59 : memref<120xf32, #tpu.memory_space<vmem>>) target(%dma_start3A_63 : memref<10240xf32, #tpu.memory_space<vmem_shared>>) offsets(%dma_start3A_61 : memref<120xi32, #tpu.memory_space<vmem>>) semaphore(%arg8 : memref<!tpu.dma_semaphore, #tpu.memory_space<semaphore_mem>>) {add = true}
    %dma_start3A_64 = arith.constant 0 : i32
    %dma_start3A_65 = tpu.memref_slice %arg5[%dma_start3A_64] : memref<128xf32, #tpu.memory_space<vmem>> -> memref<120xf32, #tpu.memory_space<vmem>>
    %dma_start3A_66 = arith.constant 120 : i32
    %dma_start3A_67 = tpu.memref_slice %arg4[%dma_start3A_66] : memref<5000xi32, #tpu.memory_space<vmem>> -> memref<120xi32, #tpu.memory_space<vmem>>
    %dma_start3A_68 = arith.constant 0 : i32
    %dma_start3A_69 = tpu.memref_slice %arg7[%dma_start3A_68] : memref<10240xf32, #tpu.memory_space<vmem_shared>> -> memref<10240xf32, #tpu.memory_space<vmem_shared>>
    tpu.enqueue_indirect_dma source(%dma_start3A_65 : memref<120xf32, #tpu.memory_space<vmem>>) target(%dma_start3A_69 : memref<10240xf32, #tpu.memory_space<vmem_shared>>) offsets(%dma_start3A_67 : memref<120xi32, #tpu.memory_space<vmem>>) semaphore(%arg8 : memref<!tpu.dma_semaphore, #tpu.memory_space<semaphore_mem>>) {add = true}
    %dma_start3A_70 = arith.constant 0 : i32
    %dma_start3A_71 = tpu.memref_slice %arg5[%dma_start3A_70] : memref<128xf32, #tpu.memory_space<vmem>> -> memref<120xf32, #tpu.memory_space<vmem>>
    %dma_start3A_72 = arith.constant 240 : i32
    %dma_start3A_73 = tpu.memref_slice %arg4[%dma_start3A_72] : memref<5000xi32, #tpu.memory_space<vmem>> -> memref<120xi32, #tpu.memory_space<vmem>>
    %dma_start3A_74 = arith.constant 0 : i32
    %dma_start3A_75 = tpu.memref_slice %arg7[%dma_start3A_74] : memref<10240xf32, #tpu.memory_space<vmem_shared>> -> memref<10240xf32, #tpu.memory_space<vmem_shared>>
    tpu.enqueue_indirect_dma source(%dma_start3A_71 : memref<120xf32, #tpu.memory_space<vmem>>) target(%dma_start3A_75 : memref<10240xf32, #tpu.memory_space<vmem_shared>>) offsets(%dma_start3A_73 : memref<120xi32, #tpu.memory_space<vmem>>) semaphore(%arg8 : memref<!tpu.dma_semaphore, #tpu.memory_space<semaphore_mem>>) {add = true}
    %dma_start3A_76 = arith.constant 0 : i32
    %dma_start3A_77 = tpu.memref_slice %arg5[%dma_start3A_76] : memref<128xf32, #tpu.memory_space<vmem>> -> memref<120xf32, #tpu.memory_space<vmem>>
    %dma_start3A_78 = arith.constant 360 : i32
    %dma_start3A_79 = tpu.memref_slice %arg4[%dma_start3A_78] : memref<5000xi32, #tpu.memory_space<vmem>> -> memref<120xi32, #tpu.memory_space<vmem>>
    %dma_start3A_80 = arith.constant 0 : i32
    %dma_start3A_81 = tpu.memref_slice %arg7[%dma_start3A_80] : memref<10240xf32, #tpu.memory_space<vmem_shared>> -> memref<10240xf32, #tpu.memory_space<vmem_shared>>
    tpu.enqueue_indirect_dma source(%dma_start3A_77 : memref<120xf32, #tpu.memory_space<vmem>>) target(%dma_start3A_81 : memref<10240xf32, #tpu.memory_space<vmem_shared>>) offsets(%dma_start3A_79 : memref<120xi32, #tpu.memory_space<vmem>>) semaphore(%arg8 : memref<!tpu.dma_semaphore, #tpu.memory_space<semaphore_mem>>) {add = true}
    %dma_start3A_82 = arith.constant 0 : i32
    %dma_start3A_83 = tpu.memref_slice %arg5[%dma_start3A_82] : memref<128xf32, #tpu.memory_space<vmem>> -> memref<120xf32, #tpu.memory_space<vmem>>
    %dma_start3A_84 = arith.constant 480 : i32
    %dma_start3A_85 = tpu.memref_slice %arg4[%dma_start3A_84] : memref<5000xi32, #tpu.memory_space<vmem>> -> memref<120xi32, #tpu.memory_space<vmem>>
    %dma_start3A_86 = arith.constant 0 : i32
    %dma_start3A_87 = tpu.memref_slice %arg7[%dma_start3A_86] : memref<10240xf32, #tpu.memory_space<vmem_shared>> -> memref<10240xf32, #tpu.memory_space<vmem_shared>>
    tpu.enqueue_indirect_dma source(%dma_start3A_83 : memref<120xf32, #tpu.memory_space<vmem>>) target(%dma_start3A_87 : memref<10240xf32, #tpu.memory_space<vmem_shared>>) offsets(%dma_start3A_85 : memref<120xi32, #tpu.memory_space<vmem>>) semaphore(%arg8 : memref<!tpu.dma_semaphore, #tpu.memory_space<semaphore_mem>>) {add = true}
    %dma_start3A_88 = arith.constant 0 : i32
    %dma_start3A_89 = tpu.memref_slice %arg5[%dma_start3A_88] : memref<128xf32, #tpu.memory_space<vmem>> -> memref<120xf32, #tpu.memory_space<vmem>>
    %dma_start3A_90 = arith.constant 600 : i32
    %dma_start3A_91 = tpu.memref_slice %arg4[%dma_start3A_90] : memref<5000xi32, #tpu.memory_space<vmem>> -> memref<120xi32, #tpu.memory_space<vmem>>
    %dma_start3A_92 = arith.constant 0 : i32
    %dma_start3A_93 = tpu.memref_slice %arg7[%dma_start3A_92] : memref<10240xf32, #tpu.memory_space<vmem_shared>> -> memref<10240xf32, #tpu.memory_space<vmem_shared>>
    tpu.enqueue_indirect_dma source(%dma_start3A_89 : memref<120xf32, #tpu.memory_space<vmem>>) target(%dma_start3A_93 : memref<10240xf32, #tpu.memory_space<vmem_shared>>) offsets(%dma_start3A_91 : memref<120xi32, #tpu.memory_space<vmem>>) semaphore(%arg8 : memref<!tpu.dma_semaphore, #tpu.memory_space<semaphore_mem>>) {add = true}
    %dma_start3A_94 = arith.constant 0 : i32
    %dma_start3A_95 = tpu.memref_slice %arg5[%dma_start3A_94] : memref<128xf32, #tpu.memory_space<vmem>> -> memref<120xf32, #tpu.memory_space<vmem>>
    %dma_start3A_96 = arith.constant 720 : i32
    %dma_start3A_97 = tpu.memref_slice %arg4[%dma_start3A_96] : memref<5000xi32, #tpu.memory_space<vmem>> -> memref<120xi32, #tpu.memory_space<vmem>>
    %dma_start3A_98 = arith.constant 0 : i32
    %dma_start3A_99 = tpu.memref_slice %arg7[%dma_start3A_98] : memref<10240xf32, #tpu.memory_space<vmem_shared>> -> memref<10240xf32, #tpu.memory_space<vmem_shared>>
    tpu.enqueue_indirect_dma source(%dma_start3A_95 : memref<120xf32, #tpu.memory_space<vmem>>) target(%dma_start3A_99 : memref<10240xf32, #tpu.memory_space<vmem_shared>>) offsets(%dma_start3A_97 : memref<120xi32, #tpu.memory_space<vmem>>) semaphore(%arg8 : memref<!tpu.dma_semaphore, #tpu.memory_space<semaphore_mem>>) {add = true}
    %dma_start3A_100 = arith.constant 0 : i32
    %dma_start3A_101 = tpu.memref_slice %arg5[%dma_start3A_100] : memref<128xf32, #tpu.memory_space<vmem>> -> memref<120xf32, #tpu.memory_space<vmem>>
    %dma_start3A_102 = arith.constant 840 : i32
    %dma_start3A_103 = tpu.memref_slice %arg4[%dma_start3A_102] : memref<5000xi32, #tpu.memory_space<vmem>> -> memref<120xi32, #tpu.memory_space<vmem>>
    %dma_start3A_104 = arith.constant 0 : i32
    %dma_start3A_105 = tpu.memref_slice %arg7[%dma_start3A_104] : memref<10240xf32, #tpu.memory_space<vmem_shared>> -> memref<10240xf32, #tpu.memory_space<vmem_shared>>
    tpu.enqueue_indirect_dma source(%dma_start3A_101 : memref<120xf32, #tpu.memory_space<vmem>>) target(%dma_start3A_105 : memref<10240xf32, #tpu.memory_space<vmem_shared>>) offsets(%dma_start3A_103 : memref<120xi32, #tpu.memory_space<vmem>>) semaphore(%arg8 : memref<!tpu.dma_semaphore, #tpu.memory_space<semaphore_mem>>) {add = true}
    %dma_start3A_106 = arith.constant 0 : i32
    %dma_start3A_107 = tpu.memref_slice %arg5[%dma_start3A_106] : memref<128xf32, #tpu.memory_space<vmem>> -> memref<120xf32, #tpu.memory_space<vmem>>
    %dma_start3A_108 = arith.constant 960 : i32
    %dma_start3A_109 = tpu.memref_slice %arg4[%dma_start3A_108] : memref<5000xi32, #tpu.memory_space<vmem>> -> memref<120xi32, #tpu.memory_space<vmem>>
    %dma_start3A_110 = arith.constant 0 : i32
    %dma_start3A_111 = tpu.memref_slice %arg7[%dma_start3A_110] : memref<10240xf32, #tpu.memory_space<vmem_shared>> -> memref<10240xf32, #tpu.memory_space<vmem_shared>>
    tpu.enqueue_indirect_dma source(%dma_start3A_107 : memref<120xf32, #tpu.memory_space<vmem>>) target(%dma_start3A_111 : memref<10240xf32, #tpu.memory_space<vmem_shared>>) offsets(%dma_start3A_109 : memref<120xi32, #tpu.memory_space<vmem>>) semaphore(%arg8 : memref<!tpu.dma_semaphore, #tpu.memory_space<semaphore_mem>>) {add = true}
    %dma_start3A_112 = arith.constant 0 : i32
    %dma_start3A_113 = tpu.memref_slice %arg5[%dma_start3A_112] : memref<128xf32, #tpu.memory_space<vmem>> -> memref<120xf32, #tpu.memory_space<vmem>>
    %dma_start3A_114 = arith.constant 1080 : i32
    %dma_start3A_115 = tpu.memref_slice %arg4[%dma_start3A_114] : memref<5000xi32, #tpu.memory_space<vmem>> -> memref<120xi32, #tpu.memory_space<vmem>>
    %dma_start3A_116 = arith.constant 0 : i32
    %dma_start3A_117 = tpu.memref_slice %arg7[%dma_start3A_116] : memref<10240xf32, #tpu.memory_space<vmem_shared>> -> memref<10240xf32, #tpu.memory_space<vmem_shared>>
    tpu.enqueue_indirect_dma source(%dma_start3A_113 : memref<120xf32, #tpu.memory_space<vmem>>) target(%dma_start3A_117 : memref<10240xf32, #tpu.memory_space<vmem_shared>>) offsets(%dma_start3A_115 : memref<120xi32, #tpu.memory_space<vmem>>) semaphore(%arg8 : memref<!tpu.dma_semaphore, #tpu.memory_space<semaphore_mem>>) {add = true}
    %dma_start3A_118 = arith.constant 0 : i32
    %dma_start3A_119 = tpu.memref_slice %arg5[%dma_start3A_118] : memref<128xf32, #tpu.memory_space<vmem>> -> memref<120xf32, #tpu.memory_space<vmem>>
    %dma_start3A_120 = arith.constant 1200 : i32
    %dma_start3A_121 = tpu.memref_slice %arg4[%dma_start3A_120] : memref<5000xi32, #tpu.memory_space<vmem>> -> memref<120xi32, #tpu.memory_space<vmem>>
    %dma_start3A_122 = arith.constant 0 : i32
    %dma_start3A_123 = tpu.memref_slice %arg7[%dma_start3A_122] : memref<10240xf32, #tpu.memory_space<vmem_shared>> -> memref<10240xf32, #tpu.memory_space<vmem_shared>>
    tpu.enqueue_indirect_dma source(%dma_start3A_119 : memref<120xf32, #tpu.memory_space<vmem>>) target(%dma_start3A_123 : memref<10240xf32, #tpu.memory_space<vmem_shared>>) offsets(%dma_start3A_121 : memref<120xi32, #tpu.memory_space<vmem>>) semaphore(%arg8 : memref<!tpu.dma_semaphore, #tpu.memory_space<semaphore_mem>>) {add = true}
    %dma_start3A_124 = arith.constant 0 : i32
    %dma_start3A_125 = tpu.memref_slice %arg5[%dma_start3A_124] : memref<128xf32, #tpu.memory_space<vmem>> -> memref<120xf32, #tpu.memory_space<vmem>>
    %dma_start3A_126 = arith.constant 1320 : i32
    %dma_start3A_127 = tpu.memref_slice %arg4[%dma_start3A_126] : memref<5000xi32, #tpu.memory_space<vmem>> -> memref<120xi32, #tpu.memory_space<vmem>>
    %dma_start3A_128 = arith.constant 0 : i32
    %dma_start3A_129 = tpu.memref_slice %arg7[%dma_start3A_128] : memref<10240xf32, #tpu.memory_space<vmem_shared>> -> memref<10240xf32, #tpu.memory_space<vmem_shared>>
    tpu.enqueue_indirect_dma source(%dma_start3A_125 : memref<120xf32, #tpu.memory_space<vmem>>) target(%dma_start3A_129 : memref<10240xf32, #tpu.memory_space<vmem_shared>>) offsets(%dma_start3A_127 : memref<120xi32, #tpu.memory_space<vmem>>) semaphore(%arg8 : memref<!tpu.dma_semaphore, #tpu.memory_space<semaphore_mem>>) {add = true}
    %dma_start3A_130 = arith.constant 0 : i32
    %dma_start3A_131 = tpu.memref_slice %arg5[%dma_start3A_130] : memref<128xf32, #tpu.memory_space<vmem>> -> memref<120xf32, #tpu.memory_space<vmem>>
    %dma_start3A_132 = arith.constant 1440 : i32
    %dma_start3A_133 = tpu.memref_slice %arg4[%dma_start3A_132] : memref<5000xi32, #tpu.memory_space<vmem>> -> memref<120xi32, #tpu.memory_space<vmem>>
    %dma_start3A_134 = arith.constant 0 : i32
    %dma_start3A_135 = tpu.memref_slice %arg7[%dma_start3A_134] : memref<10240xf32, #tpu.memory_space<vmem_shared>> -> memref<10240xf32, #tpu.memory_space<vmem_shared>>
    tpu.enqueue_indirect_dma source(%dma_start3A_131 : memref<120xf32, #tpu.memory_space<vmem>>) target(%dma_start3A_135 : memref<10240xf32, #tpu.memory_space<vmem_shared>>) offsets(%dma_start3A_133 : memref<120xi32, #tpu.memory_space<vmem>>) semaphore(%arg8 : memref<!tpu.dma_semaphore, #tpu.memory_space<semaphore_mem>>) {add = true}
    %dma_start3A_136 = arith.constant 0 : i32
    %dma_start3A_137 = tpu.memref_slice %arg5[%dma_start3A_136] : memref<128xf32, #tpu.memory_space<vmem>> -> memref<120xf32, #tpu.memory_space<vmem>>
    %dma_start3A_138 = arith.constant 1560 : i32
    %dma_start3A_139 = tpu.memref_slice %arg4[%dma_start3A_138] : memref<5000xi32, #tpu.memory_space<vmem>> -> memref<120xi32, #tpu.memory_space<vmem>>
    %dma_start3A_140 = arith.constant 0 : i32
    %dma_start3A_141 = tpu.memref_slice %arg7[%dma_start3A_140] : memref<10240xf32, #tpu.memory_space<vmem_shared>> -> memref<10240xf32, #tpu.memory_space<vmem_shared>>
    tpu.enqueue_indirect_dma source(%dma_start3A_137 : memref<120xf32, #tpu.memory_space<vmem>>) target(%dma_start3A_141 : memref<10240xf32, #tpu.memory_space<vmem_shared>>) offsets(%dma_start3A_139 : memref<120xi32, #tpu.memory_space<vmem>>) semaphore(%arg8 : memref<!tpu.dma_semaphore, #tpu.memory_space<semaphore_mem>>) {add = true}
    %dma_start3A_142 = arith.constant 0 : i32
    %dma_start3A_143 = tpu.memref_slice %arg5[%dma_start3A_142] : memref<128xf32, #tpu.memory_space<vmem>> -> memref<120xf32, #tpu.memory_space<vmem>>
    %dma_start3A_144 = arith.constant 1680 : i32
    %dma_start3A_145 = tpu.memref_slice %arg4[%dma_start3A_144] : memref<5000xi32, #tpu.memory_space<vmem>> -> memref<120xi32, #tpu.memory_space<vmem>>
    %dma_start3A_146 = arith.constant 0 : i32
    %dma_start3A_147 = tpu.memref_slice %arg7[%dma_start3A_146] : memref<10240xf32, #tpu.memory_space<vmem_shared>> -> memref<10240xf32, #tpu.memory_space<vmem_shared>>
    tpu.enqueue_indirect_dma source(%dma_start3A_143 : memref<120xf32, #tpu.memory_space<vmem>>) target(%dma_start3A_147 : memref<10240xf32, #tpu.memory_space<vmem_shared>>) offsets(%dma_start3A_145 : memref<120xi32, #tpu.memory_space<vmem>>) semaphore(%arg8 : memref<!tpu.dma_semaphore, #tpu.memory_space<semaphore_mem>>) {add = true}
    %dma_start3A_148 = arith.constant 0 : i32
    %dma_start3A_149 = tpu.memref_slice %arg5[%dma_start3A_148] : memref<128xf32, #tpu.memory_space<vmem>> -> memref<120xf32, #tpu.memory_space<vmem>>
    %dma_start3A_150 = arith.constant 1800 : i32
    %dma_start3A_151 = tpu.memref_slice %arg4[%dma_start3A_150] : memref<5000xi32, #tpu.memory_space<vmem>> -> memref<120xi32, #tpu.memory_space<vmem>>
    %dma_start3A_152 = arith.constant 0 : i32
    %dma_start3A_153 = tpu.memref_slice %arg7[%dma_start3A_152] : memref<10240xf32, #tpu.memory_space<vmem_shared>> -> memref<10240xf32, #tpu.memory_space<vmem_shared>>
    tpu.enqueue_indirect_dma source(%dma_start3A_149 : memref<120xf32, #tpu.memory_space<vmem>>) target(%dma_start3A_153 : memref<10240xf32, #tpu.memory_space<vmem_shared>>) offsets(%dma_start3A_151 : memref<120xi32, #tpu.memory_space<vmem>>) semaphore(%arg8 : memref<!tpu.dma_semaphore, #tpu.memory_space<semaphore_mem>>) {add = true}
    %dma_start3A_154 = arith.constant 0 : i32
    %dma_start3A_155 = tpu.memref_slice %arg5[%dma_start3A_154] : memref<128xf32, #tpu.memory_space<vmem>> -> memref<120xf32, #tpu.memory_space<vmem>>
    %dma_start3A_156 = arith.constant 1920 : i32
    %dma_start3A_157 = tpu.memref_slice %arg4[%dma_start3A_156] : memref<5000xi32, #tpu.memory_space<vmem>> -> memref<120xi32, #tpu.memory_space<vmem>>
    %dma_start3A_158 = arith.constant 0 : i32
    %dma_start3A_159 = tpu.memref_slice %arg7[%dma_start3A_158] : memref<10240xf32, #tpu.memory_space<vmem_shared>> -> memref<10240xf32, #tpu.memory_space<vmem_shared>>
    tpu.enqueue_indirect_dma source(%dma_start3A_155 : memref<120xf32, #tpu.memory_space<vmem>>) target(%dma_start3A_159 : memref<10240xf32, #tpu.memory_space<vmem_shared>>) offsets(%dma_start3A_157 : memref<120xi32, #tpu.memory_space<vmem>>) semaphore(%arg8 : memref<!tpu.dma_semaphore, #tpu.memory_space<semaphore_mem>>) {add = true}
    %dma_start3A_160 = arith.constant 0 : i32
    %dma_start3A_161 = tpu.memref_slice %arg5[%dma_start3A_160] : memref<128xf32, #tpu.memory_space<vmem>> -> memref<120xf32, #tpu.memory_space<vmem>>
    %dma_start3A_162 = arith.constant 2040 : i32
    %dma_start3A_163 = tpu.memref_slice %arg4[%dma_start3A_162] : memref<5000xi32, #tpu.memory_space<vmem>> -> memref<120xi32, #tpu.memory_space<vmem>>
    %dma_start3A_164 = arith.constant 0 : i32
    %dma_start3A_165 = tpu.memref_slice %arg7[%dma_start3A_164] : memref<10240xf32, #tpu.memory_space<vmem_shared>> -> memref<10240xf32, #tpu.memory_space<vmem_shared>>
    tpu.enqueue_indirect_dma source(%dma_start3A_161 : memref<120xf32, #tpu.memory_space<vmem>>) target(%dma_start3A_165 : memref<10240xf32, #tpu.memory_space<vmem_shared>>) offsets(%dma_start3A_163 : memref<120xi32, #tpu.memory_space<vmem>>) semaphore(%arg8 : memref<!tpu.dma_semaphore, #tpu.memory_space<semaphore_mem>>) {add = true}
    %dma_start3A_166 = arith.constant 0 : i32
    %dma_start3A_167 = tpu.memref_slice %arg5[%dma_start3A_166] : memref<128xf32, #tpu.memory_space<vmem>> -> memref<120xf32, #tpu.memory_space<vmem>>
    %dma_start3A_168 = arith.constant 2160 : i32
    %dma_start3A_169 = tpu.memref_slice %arg4[%dma_start3A_168] : memref<5000xi32, #tpu.memory_space<vmem>> -> memref<120xi32, #tpu.memory_space<vmem>>
    %dma_start3A_170 = arith.constant 0 : i32
    %dma_start3A_171 = tpu.memref_slice %arg7[%dma_start3A_170] : memref<10240xf32, #tpu.memory_space<vmem_shared>> -> memref<10240xf32, #tpu.memory_space<vmem_shared>>
    tpu.enqueue_indirect_dma source(%dma_start3A_167 : memref<120xf32, #tpu.memory_space<vmem>>) target(%dma_start3A_171 : memref<10240xf32, #tpu.memory_space<vmem_shared>>) offsets(%dma_start3A_169 : memref<120xi32, #tpu.memory_space<vmem>>) semaphore(%arg8 : memref<!tpu.dma_semaphore, #tpu.memory_space<semaphore_mem>>) {add = true}
    %dma_start3A_172 = arith.constant 0 : i32
    %dma_start3A_173 = tpu.memref_slice %arg5[%dma_start3A_172] : memref<128xf32, #tpu.memory_space<vmem>> -> memref<120xf32, #tpu.memory_space<vmem>>
    %dma_start3A_174 = arith.constant 2280 : i32
    %dma_start3A_175 = tpu.memref_slice %arg4[%dma_start3A_174] : memref<5000xi32, #tpu.memory_space<vmem>> -> memref<120xi32, #tpu.memory_space<vmem>>
    %dma_start3A_176 = arith.constant 0 : i32
    %dma_start3A_177 = tpu.memref_slice %arg7[%dma_start3A_176] : memref<10240xf32, #tpu.memory_space<vmem_shared>> -> memref<10240xf32, #tpu.memory_space<vmem_shared>>
    tpu.enqueue_indirect_dma source(%dma_start3A_173 : memref<120xf32, #tpu.memory_space<vmem>>) target(%dma_start3A_177 : memref<10240xf32, #tpu.memory_space<vmem_shared>>) offsets(%dma_start3A_175 : memref<120xi32, #tpu.memory_space<vmem>>) semaphore(%arg8 : memref<!tpu.dma_semaphore, #tpu.memory_space<semaphore_mem>>) {add = true}
    %dma_start3A_178 = arith.constant 0 : i32
    %dma_start3A_179 = tpu.memref_slice %arg5[%dma_start3A_178] : memref<128xf32, #tpu.memory_space<vmem>> -> memref<120xf32, #tpu.memory_space<vmem>>
    %dma_start3A_180 = arith.constant 2400 : i32
    %dma_start3A_181 = tpu.memref_slice %arg4[%dma_start3A_180] : memref<5000xi32, #tpu.memory_space<vmem>> -> memref<120xi32, #tpu.memory_space<vmem>>
    %dma_start3A_182 = arith.constant 0 : i32
    %dma_start3A_183 = tpu.memref_slice %arg7[%dma_start3A_182] : memref<10240xf32, #tpu.memory_space<vmem_shared>> -> memref<10240xf32, #tpu.memory_space<vmem_shared>>
    tpu.enqueue_indirect_dma source(%dma_start3A_179 : memref<120xf32, #tpu.memory_space<vmem>>) target(%dma_start3A_183 : memref<10240xf32, #tpu.memory_space<vmem_shared>>) offsets(%dma_start3A_181 : memref<120xi32, #tpu.memory_space<vmem>>) semaphore(%arg8 : memref<!tpu.dma_semaphore, #tpu.memory_space<semaphore_mem>>) {add = true}
    %dma_start3A_184 = arith.constant 0 : i32
    %dma_start3A_185 = tpu.memref_slice %arg5[%dma_start3A_184] : memref<128xf32, #tpu.memory_space<vmem>> -> memref<120xf32, #tpu.memory_space<vmem>>
    %dma_start3A_186 = arith.constant 2520 : i32
    %dma_start3A_187 = tpu.memref_slice %arg4[%dma_start3A_186] : memref<5000xi32, #tpu.memory_space<vmem>> -> memref<120xi32, #tpu.memory_space<vmem>>
    %dma_start3A_188 = arith.constant 0 : i32
    %dma_start3A_189 = tpu.memref_slice %arg7[%dma_start3A_188] : memref<10240xf32, #tpu.memory_space<vmem_shared>> -> memref<10240xf32, #tpu.memory_space<vmem_shared>>
    tpu.enqueue_indirect_dma source(%dma_start3A_185 : memref<120xf32, #tpu.memory_space<vmem>>) target(%dma_start3A_189 : memref<10240xf32, #tpu.memory_space<vmem_shared>>) offsets(%dma_start3A_187 : memref<120xi32, #tpu.memory_space<vmem>>) semaphore(%arg8 : memref<!tpu.dma_semaphore, #tpu.memory_space<semaphore_mem>>) {add = true}
    %dma_start3A_190 = arith.constant 0 : i32
    %dma_start3A_191 = tpu.memref_slice %arg5[%dma_start3A_190] : memref<128xf32, #tpu.memory_space<vmem>> -> memref<120xf32, #tpu.memory_space<vmem>>
    %dma_start3A_192 = arith.constant 2640 : i32
    %dma_start3A_193 = tpu.memref_slice %arg4[%dma_start3A_192] : memref<5000xi32, #tpu.memory_space<vmem>> -> memref<120xi32, #tpu.memory_space<vmem>>
    %dma_start3A_194 = arith.constant 0 : i32
    %dma_start3A_195 = tpu.memref_slice %arg7[%dma_start3A_194] : memref<10240xf32, #tpu.memory_space<vmem_shared>> -> memref<10240xf32, #tpu.memory_space<vmem_shared>>
    tpu.enqueue_indirect_dma source(%dma_start3A_191 : memref<120xf32, #tpu.memory_space<vmem>>) target(%dma_start3A_195 : memref<10240xf32, #tpu.memory_space<vmem_shared>>) offsets(%dma_start3A_193 : memref<120xi32, #tpu.memory_space<vmem>>) semaphore(%arg8 : memref<!tpu.dma_semaphore, #tpu.memory_space<semaphore_mem>>) {add = true}
    %dma_start3A_196 = arith.constant 0 : i32
    %dma_start3A_197 = tpu.memref_slice %arg5[%dma_start3A_196] : memref<128xf32, #tpu.memory_space<vmem>> -> memref<120xf32, #tpu.memory_space<vmem>>
    %dma_start3A_198 = arith.constant 2760 : i32
    %dma_start3A_199 = tpu.memref_slice %arg4[%dma_start3A_198] : memref<5000xi32, #tpu.memory_space<vmem>> -> memref<120xi32, #tpu.memory_space<vmem>>
    %dma_start3A_200 = arith.constant 0 : i32
    %dma_start3A_201 = tpu.memref_slice %arg7[%dma_start3A_200] : memref<10240xf32, #tpu.memory_space<vmem_shared>> -> memref<10240xf32, #tpu.memory_space<vmem_shared>>
    tpu.enqueue_indirect_dma source(%dma_start3A_197 : memref<120xf32, #tpu.memory_space<vmem>>) target(%dma_start3A_201 : memref<10240xf32, #tpu.memory_space<vmem_shared>>) offsets(%dma_start3A_199 : memref<120xi32, #tpu.memory_space<vmem>>) semaphore(%arg8 : memref<!tpu.dma_semaphore, #tpu.memory_space<semaphore_mem>>) {add = true}
    %dma_start3A_202 = arith.constant 0 : i32
    %dma_start3A_203 = tpu.memref_slice %arg5[%dma_start3A_202] : memref<128xf32, #tpu.memory_space<vmem>> -> memref<120xf32, #tpu.memory_space<vmem>>
    %dma_start3A_204 = arith.constant 2880 : i32
    %dma_start3A_205 = tpu.memref_slice %arg4[%dma_start3A_204] : memref<5000xi32, #tpu.memory_space<vmem>> -> memref<120xi32, #tpu.memory_space<vmem>>
    %dma_start3A_206 = arith.constant 0 : i32
    %dma_start3A_207 = tpu.memref_slice %arg7[%dma_start3A_206] : memref<10240xf32, #tpu.memory_space<vmem_shared>> -> memref<10240xf32, #tpu.memory_space<vmem_shared>>
    tpu.enqueue_indirect_dma source(%dma_start3A_203 : memref<120xf32, #tpu.memory_space<vmem>>) target(%dma_start3A_207 : memref<10240xf32, #tpu.memory_space<vmem_shared>>) offsets(%dma_start3A_205 : memref<120xi32, #tpu.memory_space<vmem>>) semaphore(%arg8 : memref<!tpu.dma_semaphore, #tpu.memory_space<semaphore_mem>>) {add = true}
    %dma_start3A_208 = arith.constant 0 : i32
    %dma_start3A_209 = tpu.memref_slice %arg5[%dma_start3A_208] : memref<128xf32, #tpu.memory_space<vmem>> -> memref<120xf32, #tpu.memory_space<vmem>>
    %dma_start3A_210 = arith.constant 3000 : i32
    %dma_start3A_211 = tpu.memref_slice %arg4[%dma_start3A_210] : memref<5000xi32, #tpu.memory_space<vmem>> -> memref<120xi32, #tpu.memory_space<vmem>>
    %dma_start3A_212 = arith.constant 0 : i32
    %dma_start3A_213 = tpu.memref_slice %arg7[%dma_start3A_212] : memref<10240xf32, #tpu.memory_space<vmem_shared>> -> memref<10240xf32, #tpu.memory_space<vmem_shared>>
    tpu.enqueue_indirect_dma source(%dma_start3A_209 : memref<120xf32, #tpu.memory_space<vmem>>) target(%dma_start3A_213 : memref<10240xf32, #tpu.memory_space<vmem_shared>>) offsets(%dma_start3A_211 : memref<120xi32, #tpu.memory_space<vmem>>) semaphore(%arg8 : memref<!tpu.dma_semaphore, #tpu.memory_space<semaphore_mem>>) {add = true}
    %dma_start3A_214 = arith.constant 0 : i32
    %dma_start3A_215 = tpu.memref_slice %arg5[%dma_start3A_214] : memref<128xf32, #tpu.memory_space<vmem>> -> memref<120xf32, #tpu.memory_space<vmem>>
    %dma_start3A_216 = arith.constant 3120 : i32
    %dma_start3A_217 = tpu.memref_slice %arg4[%dma_start3A_216] : memref<5000xi32, #tpu.memory_space<vmem>> -> memref<120xi32, #tpu.memory_space<vmem>>
    %dma_start3A_218 = arith.constant 0 : i32
    %dma_start3A_219 = tpu.memref_slice %arg7[%dma_start3A_218] : memref<10240xf32, #tpu.memory_space<vmem_shared>> -> memref<10240xf32, #tpu.memory_space<vmem_shared>>
    tpu.enqueue_indirect_dma source(%dma_start3A_215 : memref<120xf32, #tpu.memory_space<vmem>>) target(%dma_start3A_219 : memref<10240xf32, #tpu.memory_space<vmem_shared>>) offsets(%dma_start3A_217 : memref<120xi32, #tpu.memory_space<vmem>>) semaphore(%arg8 : memref<!tpu.dma_semaphore, #tpu.memory_space<semaphore_mem>>) {add = true}
    %dma_start3A_220 = arith.constant 0 : i32
    %dma_start3A_221 = tpu.memref_slice %arg5[%dma_start3A_220] : memref<128xf32, #tpu.memory_space<vmem>> -> memref<120xf32, #tpu.memory_space<vmem>>
    %dma_start3A_222 = arith.constant 3240 : i32
    %dma_start3A_223 = tpu.memref_slice %arg4[%dma_start3A_222] : memref<5000xi32, #tpu.memory_space<vmem>> -> memref<120xi32, #tpu.memory_space<vmem>>
    %dma_start3A_224 = arith.constant 0 : i32
    %dma_start3A_225 = tpu.memref_slice %arg7[%dma_start3A_224] : memref<10240xf32, #tpu.memory_space<vmem_shared>> -> memref<10240xf32, #tpu.memory_space<vmem_shared>>
    tpu.enqueue_indirect_dma source(%dma_start3A_221 : memref<120xf32, #tpu.memory_space<vmem>>) target(%dma_start3A_225 : memref<10240xf32, #tpu.memory_space<vmem_shared>>) offsets(%dma_start3A_223 : memref<120xi32, #tpu.memory_space<vmem>>) semaphore(%arg8 : memref<!tpu.dma_semaphore, #tpu.memory_space<semaphore_mem>>) {add = true}
    %dma_start3A_226 = arith.constant 0 : i32
    %dma_start3A_227 = tpu.memref_slice %arg5[%dma_start3A_226] : memref<128xf32, #tpu.memory_space<vmem>> -> memref<120xf32, #tpu.memory_space<vmem>>
    %dma_start3A_228 = arith.constant 3360 : i32
    %dma_start3A_229 = tpu.memref_slice %arg4[%dma_start3A_228] : memref<5000xi32, #tpu.memory_space<vmem>> -> memref<120xi32, #tpu.memory_space<vmem>>
    %dma_start3A_230 = arith.constant 0 : i32
    %dma_start3A_231 = tpu.memref_slice %arg7[%dma_start3A_230] : memref<10240xf32, #tpu.memory_space<vmem_shared>> -> memref<10240xf32, #tpu.memory_space<vmem_shared>>
    tpu.enqueue_indirect_dma source(%dma_start3A_227 : memref<120xf32, #tpu.memory_space<vmem>>) target(%dma_start3A_231 : memref<10240xf32, #tpu.memory_space<vmem_shared>>) offsets(%dma_start3A_229 : memref<120xi32, #tpu.memory_space<vmem>>) semaphore(%arg8 : memref<!tpu.dma_semaphore, #tpu.memory_space<semaphore_mem>>) {add = true}
    %dma_start3A_232 = arith.constant 0 : i32
    %dma_start3A_233 = tpu.memref_slice %arg5[%dma_start3A_232] : memref<128xf32, #tpu.memory_space<vmem>> -> memref<120xf32, #tpu.memory_space<vmem>>
    %dma_start3A_234 = arith.constant 3480 : i32
    %dma_start3A_235 = tpu.memref_slice %arg4[%dma_start3A_234] : memref<5000xi32, #tpu.memory_space<vmem>> -> memref<120xi32, #tpu.memory_space<vmem>>
    %dma_start3A_236 = arith.constant 0 : i32
    %dma_start3A_237 = tpu.memref_slice %arg7[%dma_start3A_236] : memref<10240xf32, #tpu.memory_space<vmem_shared>> -> memref<10240xf32, #tpu.memory_space<vmem_shared>>
    tpu.enqueue_indirect_dma source(%dma_start3A_233 : memref<120xf32, #tpu.memory_space<vmem>>) target(%dma_start3A_237 : memref<10240xf32, #tpu.memory_space<vmem_shared>>) offsets(%dma_start3A_235 : memref<120xi32, #tpu.memory_space<vmem>>) semaphore(%arg8 : memref<!tpu.dma_semaphore, #tpu.memory_space<semaphore_mem>>) {add = true}
    %dma_start3A_238 = arith.constant 0 : i32
    %dma_start3A_239 = tpu.memref_slice %arg5[%dma_start3A_238] : memref<128xf32, #tpu.memory_space<vmem>> -> memref<120xf32, #tpu.memory_space<vmem>>
    %dma_start3A_240 = arith.constant 3600 : i32
    %dma_start3A_241 = tpu.memref_slice %arg4[%dma_start3A_240] : memref<5000xi32, #tpu.memory_space<vmem>> -> memref<120xi32, #tpu.memory_space<vmem>>
    %dma_start3A_242 = arith.constant 0 : i32
    %dma_start3A_243 = tpu.memref_slice %arg7[%dma_start3A_242] : memref<10240xf32, #tpu.memory_space<vmem_shared>> -> memref<10240xf32, #tpu.memory_space<vmem_shared>>
    tpu.enqueue_indirect_dma source(%dma_start3A_239 : memref<120xf32, #tpu.memory_space<vmem>>) target(%dma_start3A_243 : memref<10240xf32, #tpu.memory_space<vmem_shared>>) offsets(%dma_start3A_241 : memref<120xi32, #tpu.memory_space<vmem>>) semaphore(%arg8 : memref<!tpu.dma_semaphore, #tpu.memory_space<semaphore_mem>>) {add = true}
    %dma_start3A_244 = arith.constant 0 : i32
    %dma_start3A_245 = tpu.memref_slice %arg5[%dma_start3A_244] : memref<128xf32, #tpu.memory_space<vmem>> -> memref<120xf32, #tpu.memory_space<vmem>>
    %dma_start3A_246 = arith.constant 3720 : i32
    %dma_start3A_247 = tpu.memref_slice %arg4[%dma_start3A_246] : memref<5000xi32, #tpu.memory_space<vmem>> -> memref<120xi32, #tpu.memory_space<vmem>>
    %dma_start3A_248 = arith.constant 0 : i32
    %dma_start3A_249 = tpu.memref_slice %arg7[%dma_start3A_248] : memref<10240xf32, #tpu.memory_space<vmem_shared>> -> memref<10240xf32, #tpu.memory_space<vmem_shared>>
    tpu.enqueue_indirect_dma source(%dma_start3A_245 : memref<120xf32, #tpu.memory_space<vmem>>) target(%dma_start3A_249 : memref<10240xf32, #tpu.memory_space<vmem_shared>>) offsets(%dma_start3A_247 : memref<120xi32, #tpu.memory_space<vmem>>) semaphore(%arg8 : memref<!tpu.dma_semaphore, #tpu.memory_space<semaphore_mem>>) {add = true}
    %dma_start3A_250 = arith.constant 0 : i32
    %dma_start3A_251 = tpu.memref_slice %arg5[%dma_start3A_250] : memref<128xf32, #tpu.memory_space<vmem>> -> memref<120xf32, #tpu.memory_space<vmem>>
    %dma_start3A_252 = arith.constant 3840 : i32
    %dma_start3A_253 = tpu.memref_slice %arg4[%dma_start3A_252] : memref<5000xi32, #tpu.memory_space<vmem>> -> memref<120xi32, #tpu.memory_space<vmem>>
    %dma_start3A_254 = arith.constant 0 : i32
    %dma_start3A_255 = tpu.memref_slice %arg7[%dma_start3A_254] : memref<10240xf32, #tpu.memory_space<vmem_shared>> -> memref<10240xf32, #tpu.memory_space<vmem_shared>>
    tpu.enqueue_indirect_dma source(%dma_start3A_251 : memref<120xf32, #tpu.memory_space<vmem>>) target(%dma_start3A_255 : memref<10240xf32, #tpu.memory_space<vmem_shared>>) offsets(%dma_start3A_253 : memref<120xi32, #tpu.memory_space<vmem>>) semaphore(%arg8 : memref<!tpu.dma_semaphore, #tpu.memory_space<semaphore_mem>>) {add = true}
    %dma_start3A_256 = arith.constant 0 : i32
    %dma_start3A_257 = tpu.memref_slice %arg5[%dma_start3A_256] : memref<128xf32, #tpu.memory_space<vmem>> -> memref<120xf32, #tpu.memory_space<vmem>>
    %dma_start3A_258 = arith.constant 3960 : i32
    %dma_start3A_259 = tpu.memref_slice %arg4[%dma_start3A_258] : memref<5000xi32, #tpu.memory_space<vmem>> -> memref<120xi32, #tpu.memory_space<vmem>>
    %dma_start3A_260 = arith.constant 0 : i32
    %dma_start3A_261 = tpu.memref_slice %arg7[%dma_start3A_260] : memref<10240xf32, #tpu.memory_space<vmem_shared>> -> memref<10240xf32, #tpu.memory_space<vmem_shared>>
    tpu.enqueue_indirect_dma source(%dma_start3A_257 : memref<120xf32, #tpu.memory_space<vmem>>) target(%dma_start3A_261 : memref<10240xf32, #tpu.memory_space<vmem_shared>>) offsets(%dma_start3A_259 : memref<120xi32, #tpu.memory_space<vmem>>) semaphore(%arg8 : memref<!tpu.dma_semaphore, #tpu.memory_space<semaphore_mem>>) {add = true}
    %dma_start3A_262 = arith.constant 0 : i32
    %dma_start3A_263 = tpu.memref_slice %arg5[%dma_start3A_262] : memref<128xf32, #tpu.memory_space<vmem>> -> memref<120xf32, #tpu.memory_space<vmem>>
    %dma_start3A_264 = arith.constant 4080 : i32
    %dma_start3A_265 = tpu.memref_slice %arg4[%dma_start3A_264] : memref<5000xi32, #tpu.memory_space<vmem>> -> memref<120xi32, #tpu.memory_space<vmem>>
    %dma_start3A_266 = arith.constant 0 : i32
    %dma_start3A_267 = tpu.memref_slice %arg7[%dma_start3A_266] : memref<10240xf32, #tpu.memory_space<vmem_shared>> -> memref<10240xf32, #tpu.memory_space<vmem_shared>>
    tpu.enqueue_indirect_dma source(%dma_start3A_263 : memref<120xf32, #tpu.memory_space<vmem>>) target(%dma_start3A_267 : memref<10240xf32, #tpu.memory_space<vmem_shared>>) offsets(%dma_start3A_265 : memref<120xi32, #tpu.memory_space<vmem>>) semaphore(%arg8 : memref<!tpu.dma_semaphore, #tpu.memory_space<semaphore_mem>>) {add = true}
    %dma_start3A_268 = arith.constant 0 : i32
    %dma_start3A_269 = tpu.memref_slice %arg5[%dma_start3A_268] : memref<128xf32, #tpu.memory_space<vmem>> -> memref<120xf32, #tpu.memory_space<vmem>>
    %dma_start3A_270 = arith.constant 4200 : i32
    %dma_start3A_271 = tpu.memref_slice %arg4[%dma_start3A_270] : memref<5000xi32, #tpu.memory_space<vmem>> -> memref<120xi32, #tpu.memory_space<vmem>>
    %dma_start3A_272 = arith.constant 0 : i32
    %dma_start3A_273 = tpu.memref_slice %arg7[%dma_start3A_272] : memref<10240xf32, #tpu.memory_space<vmem_shared>> -> memref<10240xf32, #tpu.memory_space<vmem_shared>>
    tpu.enqueue_indirect_dma source(%dma_start3A_269 : memref<120xf32, #tpu.memory_space<vmem>>) target(%dma_start3A_273 : memref<10240xf32, #tpu.memory_space<vmem_shared>>) offsets(%dma_start3A_271 : memref<120xi32, #tpu.memory_space<vmem>>) semaphore(%arg8 : memref<!tpu.dma_semaphore, #tpu.memory_space<semaphore_mem>>) {add = true}
    %dma_start3A_274 = arith.constant 0 : i32
    %dma_start3A_275 = tpu.memref_slice %arg5[%dma_start3A_274] : memref<128xf32, #tpu.memory_space<vmem>> -> memref<120xf32, #tpu.memory_space<vmem>>
    %dma_start3A_276 = arith.constant 4320 : i32
    %dma_start3A_277 = tpu.memref_slice %arg4[%dma_start3A_276] : memref<5000xi32, #tpu.memory_space<vmem>> -> memref<120xi32, #tpu.memory_space<vmem>>
    %dma_start3A_278 = arith.constant 0 : i32
    %dma_start3A_279 = tpu.memref_slice %arg7[%dma_start3A_278] : memref<10240xf32, #tpu.memory_space<vmem_shared>> -> memref<10240xf32, #tpu.memory_space<vmem_shared>>
    tpu.enqueue_indirect_dma source(%dma_start3A_275 : memref<120xf32, #tpu.memory_space<vmem>>) target(%dma_start3A_279 : memref<10240xf32, #tpu.memory_space<vmem_shared>>) offsets(%dma_start3A_277 : memref<120xi32, #tpu.memory_space<vmem>>) semaphore(%arg8 : memref<!tpu.dma_semaphore, #tpu.memory_space<semaphore_mem>>) {add = true}
    %dma_start3A_280 = arith.constant 0 : i32
    %dma_start3A_281 = tpu.memref_slice %arg5[%dma_start3A_280] : memref<128xf32, #tpu.memory_space<vmem>> -> memref<120xf32, #tpu.memory_space<vmem>>
    %dma_start3A_282 = arith.constant 4440 : i32
    %dma_start3A_283 = tpu.memref_slice %arg4[%dma_start3A_282] : memref<5000xi32, #tpu.memory_space<vmem>> -> memref<120xi32, #tpu.memory_space<vmem>>
    %dma_start3A_284 = arith.constant 0 : i32
    %dma_start3A_285 = tpu.memref_slice %arg7[%dma_start3A_284] : memref<10240xf32, #tpu.memory_space<vmem_shared>> -> memref<10240xf32, #tpu.memory_space<vmem_shared>>
    tpu.enqueue_indirect_dma source(%dma_start3A_281 : memref<120xf32, #tpu.memory_space<vmem>>) target(%dma_start3A_285 : memref<10240xf32, #tpu.memory_space<vmem_shared>>) offsets(%dma_start3A_283 : memref<120xi32, #tpu.memory_space<vmem>>) semaphore(%arg8 : memref<!tpu.dma_semaphore, #tpu.memory_space<semaphore_mem>>) {add = true}
    %dma_start3A_286 = arith.constant 0 : i32
    %dma_start3A_287 = tpu.memref_slice %arg5[%dma_start3A_286] : memref<128xf32, #tpu.memory_space<vmem>> -> memref<120xf32, #tpu.memory_space<vmem>>
    %dma_start3A_288 = arith.constant 4560 : i32
    %dma_start3A_289 = tpu.memref_slice %arg4[%dma_start3A_288] : memref<5000xi32, #tpu.memory_space<vmem>> -> memref<120xi32, #tpu.memory_space<vmem>>
    %dma_start3A_290 = arith.constant 0 : i32
    %dma_start3A_291 = tpu.memref_slice %arg7[%dma_start3A_290] : memref<10240xf32, #tpu.memory_space<vmem_shared>> -> memref<10240xf32, #tpu.memory_space<vmem_shared>>
    tpu.enqueue_indirect_dma source(%dma_start3A_287 : memref<120xf32, #tpu.memory_space<vmem>>) target(%dma_start3A_291 : memref<10240xf32, #tpu.memory_space<vmem_shared>>) offsets(%dma_start3A_289 : memref<120xi32, #tpu.memory_space<vmem>>) semaphore(%arg8 : memref<!tpu.dma_semaphore, #tpu.memory_space<semaphore_mem>>) {add = true}
    %dma_start3A_292 = arith.constant 0 : i32
    %dma_start3A_293 = tpu.memref_slice %arg5[%dma_start3A_292] : memref<128xf32, #tpu.memory_space<vmem>> -> memref<120xf32, #tpu.memory_space<vmem>>
    %dma_start3A_294 = arith.constant 4680 : i32
    %dma_start3A_295 = tpu.memref_slice %arg4[%dma_start3A_294] : memref<5000xi32, #tpu.memory_space<vmem>> -> memref<120xi32, #tpu.memory_space<vmem>>
    %dma_start3A_296 = arith.constant 0 : i32
    %dma_start3A_297 = tpu.memref_slice %arg7[%dma_start3A_296] : memref<10240xf32, #tpu.memory_space<vmem_shared>> -> memref<10240xf32, #tpu.memory_space<vmem_shared>>
    tpu.enqueue_indirect_dma source(%dma_start3A_293 : memref<120xf32, #tpu.memory_space<vmem>>) target(%dma_start3A_297 : memref<10240xf32, #tpu.memory_space<vmem_shared>>) offsets(%dma_start3A_295 : memref<120xi32, #tpu.memory_space<vmem>>) semaphore(%arg8 : memref<!tpu.dma_semaphore, #tpu.memory_space<semaphore_mem>>) {add = true}
    %dma_start3A_298 = arith.constant 0 : i32
    %dma_start3A_299 = tpu.memref_slice %arg5[%dma_start3A_298] : memref<128xf32, #tpu.memory_space<vmem>> -> memref<120xf32, #tpu.memory_space<vmem>>
    %dma_start3A_300 = arith.constant 4800 : i32
    %dma_start3A_301 = tpu.memref_slice %arg4[%dma_start3A_300] : memref<5000xi32, #tpu.memory_space<vmem>> -> memref<120xi32, #tpu.memory_space<vmem>>
    %dma_start3A_302 = arith.constant 0 : i32
    %dma_start3A_303 = tpu.memref_slice %arg7[%dma_start3A_302] : memref<10240xf32, #tpu.memory_space<vmem_shared>> -> memref<10240xf32, #tpu.memory_space<vmem_shared>>
    tpu.enqueue_indirect_dma source(%dma_start3A_299 : memref<120xf32, #tpu.memory_space<vmem>>) target(%dma_start3A_303 : memref<10240xf32, #tpu.memory_space<vmem_shared>>) offsets(%dma_start3A_301 : memref<120xi32, #tpu.memory_space<vmem>>) semaphore(%arg8 : memref<!tpu.dma_semaphore, #tpu.memory_space<semaphore_mem>>) {add = true}
    %dma_start3A_304 = arith.constant 0 : i32
    %dma_start3A_305 = tpu.memref_slice %arg5[%dma_start3A_304] : memref<128xf32, #tpu.memory_space<vmem>> -> memref<80xf32, #tpu.memory_space<vmem>>
    %dma_start3A_306 = arith.constant 4920 : i32
    %dma_start3A_307 = tpu.memref_slice %arg4[%dma_start3A_306] : memref<5000xi32, #tpu.memory_space<vmem>> -> memref<80xi32, #tpu.memory_space<vmem>>
    %dma_start3A_308 = arith.constant 0 : i32
    %dma_start3A_309 = tpu.memref_slice %arg7[%dma_start3A_308] : memref<10240xf32, #tpu.memory_space<vmem_shared>> -> memref<10240xf32, #tpu.memory_space<vmem_shared>>
    tpu.enqueue_indirect_dma source(%dma_start3A_305 : memref<80xf32, #tpu.memory_space<vmem>>) target(%dma_start3A_309 : memref<10240xf32, #tpu.memory_space<vmem_shared>>) offsets(%dma_start3A_307 : memref<80xi32, #tpu.memory_space<vmem>>) semaphore(%arg8 : memref<!tpu.dma_semaphore, #tpu.memory_space<semaphore_mem>>) {add = true}
    %dma_wait3A = arith.constant 0 : i32
    %dma_wait3A_310 = tpu.memref_slice %arg5[%dma_wait3A] : memref<128xf32, #tpu.memory_space<vmem>> -> memref<120xf32, #tpu.memory_space<vmem>>
    %dma_wait3A_311 = arith.constant 0 : i32
    %dma_wait3A_312 = tpu.memref_slice %arg4[%dma_wait3A_311] : memref<5000xi32, #tpu.memory_space<vmem>> -> memref<120xi32, #tpu.memory_space<vmem>>
    %dma_wait3A_313 = arith.constant 0 : i32
    %dma_wait3A_314 = tpu.memref_slice %arg7[%dma_wait3A_313] : memref<10240xf32, #tpu.memory_space<vmem_shared>> -> memref<10240xf32, #tpu.memory_space<vmem_shared>>
    tpu.wait_indirect_dma semaphore(%arg8 : memref<!tpu.dma_semaphore, #tpu.memory_space<semaphore_mem>>) src(%dma_wait3A_310 : memref<120xf32, #tpu.memory_space<vmem>>) dst(%dma_wait3A_314 : memref<10240xf32, #tpu.memory_space<vmem_shared>>)
    %dma_wait3A_315 = arith.constant 0 : i32
    %dma_wait3A_316 = tpu.memref_slice %arg5[%dma_wait3A_315] : memref<128xf32, #tpu.memory_space<vmem>> -> memref<120xf32, #tpu.memory_space<vmem>>
    %dma_wait3A_317 = arith.constant 120 : i32
    %dma_wait3A_318 = tpu.memref_slice %arg4[%dma_wait3A_317] : memref<5000xi32, #tpu.memory_space<vmem>> -> memref<120xi32, #tpu.memory_space<vmem>>
    %dma_wait3A_319 = arith.constant 0 : i32
    %dma_wait3A_320 = tpu.memref_slice %arg7[%dma_wait3A_319] : memref<10240xf32, #tpu.memory_space<vmem_shared>> -> memref<10240xf32, #tpu.memory_space<vmem_shared>>
    tpu.wait_indirect_dma semaphore(%arg8 : memref<!tpu.dma_semaphore, #tpu.memory_space<semaphore_mem>>) src(%dma_wait3A_316 : memref<120xf32, #tpu.memory_space<vmem>>) dst(%dma_wait3A_320 : memref<10240xf32, #tpu.memory_space<vmem_shared>>)
    %dma_wait3A_321 = arith.constant 0 : i32
    %dma_wait3A_322 = tpu.memref_slice %arg5[%dma_wait3A_321] : memref<128xf32, #tpu.memory_space<vmem>> -> memref<120xf32, #tpu.memory_space<vmem>>
    %dma_wait3A_323 = arith.constant 240 : i32
    %dma_wait3A_324 = tpu.memref_slice %arg4[%dma_wait3A_323] : memref<5000xi32, #tpu.memory_space<vmem>> -> memref<120xi32, #tpu.memory_space<vmem>>
    %dma_wait3A_325 = arith.constant 0 : i32
    %dma_wait3A_326 = tpu.memref_slice %arg7[%dma_wait3A_325] : memref<10240xf32, #tpu.memory_space<vmem_shared>> -> memref<10240xf32, #tpu.memory_space<vmem_shared>>
    tpu.wait_indirect_dma semaphore(%arg8 : memref<!tpu.dma_semaphore, #tpu.memory_space<semaphore_mem>>) src(%dma_wait3A_322 : memref<120xf32, #tpu.memory_space<vmem>>) dst(%dma_wait3A_326 : memref<10240xf32, #tpu.memory_space<vmem_shared>>)
    %dma_wait3A_327 = arith.constant 0 : i32
    %dma_wait3A_328 = tpu.memref_slice %arg5[%dma_wait3A_327] : memref<128xf32, #tpu.memory_space<vmem>> -> memref<120xf32, #tpu.memory_space<vmem>>
    %dma_wait3A_329 = arith.constant 360 : i32
    %dma_wait3A_330 = tpu.memref_slice %arg4[%dma_wait3A_329] : memref<5000xi32, #tpu.memory_space<vmem>> -> memref<120xi32, #tpu.memory_space<vmem>>
    %dma_wait3A_331 = arith.constant 0 : i32
    %dma_wait3A_332 = tpu.memref_slice %arg7[%dma_wait3A_331] : memref<10240xf32, #tpu.memory_space<vmem_shared>> -> memref<10240xf32, #tpu.memory_space<vmem_shared>>
    tpu.wait_indirect_dma semaphore(%arg8 : memref<!tpu.dma_semaphore, #tpu.memory_space<semaphore_mem>>) src(%dma_wait3A_328 : memref<120xf32, #tpu.memory_space<vmem>>) dst(%dma_wait3A_332 : memref<10240xf32, #tpu.memory_space<vmem_shared>>)
    %dma_wait3A_333 = arith.constant 0 : i32
    %dma_wait3A_334 = tpu.memref_slice %arg5[%dma_wait3A_333] : memref<128xf32, #tpu.memory_space<vmem>> -> memref<120xf32, #tpu.memory_space<vmem>>
    %dma_wait3A_335 = arith.constant 480 : i32
    %dma_wait3A_336 = tpu.memref_slice %arg4[%dma_wait3A_335] : memref<5000xi32, #tpu.memory_space<vmem>> -> memref<120xi32, #tpu.memory_space<vmem>>
    %dma_wait3A_337 = arith.constant 0 : i32
    %dma_wait3A_338 = tpu.memref_slice %arg7[%dma_wait3A_337] : memref<10240xf32, #tpu.memory_space<vmem_shared>> -> memref<10240xf32, #tpu.memory_space<vmem_shared>>
    tpu.wait_indirect_dma semaphore(%arg8 : memref<!tpu.dma_semaphore, #tpu.memory_space<semaphore_mem>>) src(%dma_wait3A_334 : memref<120xf32, #tpu.memory_space<vmem>>) dst(%dma_wait3A_338 : memref<10240xf32, #tpu.memory_space<vmem_shared>>)
    %dma_wait3A_339 = arith.constant 0 : i32
    %dma_wait3A_340 = tpu.memref_slice %arg5[%dma_wait3A_339] : memref<128xf32, #tpu.memory_space<vmem>> -> memref<120xf32, #tpu.memory_space<vmem>>
    %dma_wait3A_341 = arith.constant 600 : i32
    %dma_wait3A_342 = tpu.memref_slice %arg4[%dma_wait3A_341] : memref<5000xi32, #tpu.memory_space<vmem>> -> memref<120xi32, #tpu.memory_space<vmem>>
    %dma_wait3A_343 = arith.constant 0 : i32
    %dma_wait3A_344 = tpu.memref_slice %arg7[%dma_wait3A_343] : memref<10240xf32, #tpu.memory_space<vmem_shared>> -> memref<10240xf32, #tpu.memory_space<vmem_shared>>
    tpu.wait_indirect_dma semaphore(%arg8 : memref<!tpu.dma_semaphore, #tpu.memory_space<semaphore_mem>>) src(%dma_wait3A_340 : memref<120xf32, #tpu.memory_space<vmem>>) dst(%dma_wait3A_344 : memref<10240xf32, #tpu.memory_space<vmem_shared>>)
    %dma_wait3A_345 = arith.constant 0 : i32
    %dma_wait3A_346 = tpu.memref_slice %arg5[%dma_wait3A_345] : memref<128xf32, #tpu.memory_space<vmem>> -> memref<120xf32, #tpu.memory_space<vmem>>
    %dma_wait3A_347 = arith.constant 720 : i32
    %dma_wait3A_348 = tpu.memref_slice %arg4[%dma_wait3A_347] : memref<5000xi32, #tpu.memory_space<vmem>> -> memref<120xi32, #tpu.memory_space<vmem>>
    %dma_wait3A_349 = arith.constant 0 : i32
    %dma_wait3A_350 = tpu.memref_slice %arg7[%dma_wait3A_349] : memref<10240xf32, #tpu.memory_space<vmem_shared>> -> memref<10240xf32, #tpu.memory_space<vmem_shared>>
    tpu.wait_indirect_dma semaphore(%arg8 : memref<!tpu.dma_semaphore, #tpu.memory_space<semaphore_mem>>) src(%dma_wait3A_346 : memref<120xf32, #tpu.memory_space<vmem>>) dst(%dma_wait3A_350 : memref<10240xf32, #tpu.memory_space<vmem_shared>>)
    %dma_wait3A_351 = arith.constant 0 : i32
    %dma_wait3A_352 = tpu.memref_slice %arg5[%dma_wait3A_351] : memref<128xf32, #tpu.memory_space<vmem>> -> memref<120xf32, #tpu.memory_space<vmem>>
    %dma_wait3A_353 = arith.constant 840 : i32
    %dma_wait3A_354 = tpu.memref_slice %arg4[%dma_wait3A_353] : memref<5000xi32, #tpu.memory_space<vmem>> -> memref<120xi32, #tpu.memory_space<vmem>>
    %dma_wait3A_355 = arith.constant 0 : i32
    %dma_wait3A_356 = tpu.memref_slice %arg7[%dma_wait3A_355] : memref<10240xf32, #tpu.memory_space<vmem_shared>> -> memref<10240xf32, #tpu.memory_space<vmem_shared>>
    tpu.wait_indirect_dma semaphore(%arg8 : memref<!tpu.dma_semaphore, #tpu.memory_space<semaphore_mem>>) src(%dma_wait3A_352 : memref<120xf32, #tpu.memory_space<vmem>>) dst(%dma_wait3A_356 : memref<10240xf32, #tpu.memory_space<vmem_shared>>)
    %dma_wait3A_357 = arith.constant 0 : i32
    %dma_wait3A_358 = tpu.memref_slice %arg5[%dma_wait3A_357] : memref<128xf32, #tpu.memory_space<vmem>> -> memref<120xf32, #tpu.memory_space<vmem>>
    %dma_wait3A_359 = arith.constant 960 : i32
    %dma_wait3A_360 = tpu.memref_slice %arg4[%dma_wait3A_359] : memref<5000xi32, #tpu.memory_space<vmem>> -> memref<120xi32, #tpu.memory_space<vmem>>
    %dma_wait3A_361 = arith.constant 0 : i32
    %dma_wait3A_362 = tpu.memref_slice %arg7[%dma_wait3A_361] : memref<10240xf32, #tpu.memory_space<vmem_shared>> -> memref<10240xf32, #tpu.memory_space<vmem_shared>>
    tpu.wait_indirect_dma semaphore(%arg8 : memref<!tpu.dma_semaphore, #tpu.memory_space<semaphore_mem>>) src(%dma_wait3A_358 : memref<120xf32, #tpu.memory_space<vmem>>) dst(%dma_wait3A_362 : memref<10240xf32, #tpu.memory_space<vmem_shared>>)
    %dma_wait3A_363 = arith.constant 0 : i32
    %dma_wait3A_364 = tpu.memref_slice %arg5[%dma_wait3A_363] : memref<128xf32, #tpu.memory_space<vmem>> -> memref<120xf32, #tpu.memory_space<vmem>>
    %dma_wait3A_365 = arith.constant 1080 : i32
    %dma_wait3A_366 = tpu.memref_slice %arg4[%dma_wait3A_365] : memref<5000xi32, #tpu.memory_space<vmem>> -> memref<120xi32, #tpu.memory_space<vmem>>
    %dma_wait3A_367 = arith.constant 0 : i32
    %dma_wait3A_368 = tpu.memref_slice %arg7[%dma_wait3A_367] : memref<10240xf32, #tpu.memory_space<vmem_shared>> -> memref<10240xf32, #tpu.memory_space<vmem_shared>>
    tpu.wait_indirect_dma semaphore(%arg8 : memref<!tpu.dma_semaphore, #tpu.memory_space<semaphore_mem>>) src(%dma_wait3A_364 : memref<120xf32, #tpu.memory_space<vmem>>) dst(%dma_wait3A_368 : memref<10240xf32, #tpu.memory_space<vmem_shared>>)
    %dma_wait3A_369 = arith.constant 0 : i32
    %dma_wait3A_370 = tpu.memref_slice %arg5[%dma_wait3A_369] : memref<128xf32, #tpu.memory_space<vmem>> -> memref<120xf32, #tpu.memory_space<vmem>>
    %dma_wait3A_371 = arith.constant 1200 : i32
    %dma_wait3A_372 = tpu.memref_slice %arg4[%dma_wait3A_371] : memref<5000xi32, #tpu.memory_space<vmem>> -> memref<120xi32, #tpu.memory_space<vmem>>
    %dma_wait3A_373 = arith.constant 0 : i32
    %dma_wait3A_374 = tpu.memref_slice %arg7[%dma_wait3A_373] : memref<10240xf32, #tpu.memory_space<vmem_shared>> -> memref<10240xf32, #tpu.memory_space<vmem_shared>>
    tpu.wait_indirect_dma semaphore(%arg8 : memref<!tpu.dma_semaphore, #tpu.memory_space<semaphore_mem>>) src(%dma_wait3A_370 : memref<120xf32, #tpu.memory_space<vmem>>) dst(%dma_wait3A_374 : memref<10240xf32, #tpu.memory_space<vmem_shared>>)
    %dma_wait3A_375 = arith.constant 0 : i32
    %dma_wait3A_376 = tpu.memref_slice %arg5[%dma_wait3A_375] : memref<128xf32, #tpu.memory_space<vmem>> -> memref<120xf32, #tpu.memory_space<vmem>>
    %dma_wait3A_377 = arith.constant 1320 : i32
    %dma_wait3A_378 = tpu.memref_slice %arg4[%dma_wait3A_377] : memref<5000xi32, #tpu.memory_space<vmem>> -> memref<120xi32, #tpu.memory_space<vmem>>
    %dma_wait3A_379 = arith.constant 0 : i32
    %dma_wait3A_380 = tpu.memref_slice %arg7[%dma_wait3A_379] : memref<10240xf32, #tpu.memory_space<vmem_shared>> -> memref<10240xf32, #tpu.memory_space<vmem_shared>>
    tpu.wait_indirect_dma semaphore(%arg8 : memref<!tpu.dma_semaphore, #tpu.memory_space<semaphore_mem>>) src(%dma_wait3A_376 : memref<120xf32, #tpu.memory_space<vmem>>) dst(%dma_wait3A_380 : memref<10240xf32, #tpu.memory_space<vmem_shared>>)
    %dma_wait3A_381 = arith.constant 0 : i32
    %dma_wait3A_382 = tpu.memref_slice %arg5[%dma_wait3A_381] : memref<128xf32, #tpu.memory_space<vmem>> -> memref<120xf32, #tpu.memory_space<vmem>>
    %dma_wait3A_383 = arith.constant 1440 : i32
    %dma_wait3A_384 = tpu.memref_slice %arg4[%dma_wait3A_383] : memref<5000xi32, #tpu.memory_space<vmem>> -> memref<120xi32, #tpu.memory_space<vmem>>
    %dma_wait3A_385 = arith.constant 0 : i32
    %dma_wait3A_386 = tpu.memref_slice %arg7[%dma_wait3A_385] : memref<10240xf32, #tpu.memory_space<vmem_shared>> -> memref<10240xf32, #tpu.memory_space<vmem_shared>>
    tpu.wait_indirect_dma semaphore(%arg8 : memref<!tpu.dma_semaphore, #tpu.memory_space<semaphore_mem>>) src(%dma_wait3A_382 : memref<120xf32, #tpu.memory_space<vmem>>) dst(%dma_wait3A_386 : memref<10240xf32, #tpu.memory_space<vmem_shared>>)
    %dma_wait3A_387 = arith.constant 0 : i32
    %dma_wait3A_388 = tpu.memref_slice %arg5[%dma_wait3A_387] : memref<128xf32, #tpu.memory_space<vmem>> -> memref<120xf32, #tpu.memory_space<vmem>>
    %dma_wait3A_389 = arith.constant 1560 : i32
    %dma_wait3A_390 = tpu.memref_slice %arg4[%dma_wait3A_389] : memref<5000xi32, #tpu.memory_space<vmem>> -> memref<120xi32, #tpu.memory_space<vmem>>
    %dma_wait3A_391 = arith.constant 0 : i32
    %dma_wait3A_392 = tpu.memref_slice %arg7[%dma_wait3A_391] : memref<10240xf32, #tpu.memory_space<vmem_shared>> -> memref<10240xf32, #tpu.memory_space<vmem_shared>>
    tpu.wait_indirect_dma semaphore(%arg8 : memref<!tpu.dma_semaphore, #tpu.memory_space<semaphore_mem>>) src(%dma_wait3A_388 : memref<120xf32, #tpu.memory_space<vmem>>) dst(%dma_wait3A_392 : memref<10240xf32, #tpu.memory_space<vmem_shared>>)
    %dma_wait3A_393 = arith.constant 0 : i32
    %dma_wait3A_394 = tpu.memref_slice %arg5[%dma_wait3A_393] : memref<128xf32, #tpu.memory_space<vmem>> -> memref<120xf32, #tpu.memory_space<vmem>>
    %dma_wait3A_395 = arith.constant 1680 : i32
    %dma_wait3A_396 = tpu.memref_slice %arg4[%dma_wait3A_395] : memref<5000xi32, #tpu.memory_space<vmem>> -> memref<120xi32, #tpu.memory_space<vmem>>
    %dma_wait3A_397 = arith.constant 0 : i32
    %dma_wait3A_398 = tpu.memref_slice %arg7[%dma_wait3A_397] : memref<10240xf32, #tpu.memory_space<vmem_shared>> -> memref<10240xf32, #tpu.memory_space<vmem_shared>>
    tpu.wait_indirect_dma semaphore(%arg8 : memref<!tpu.dma_semaphore, #tpu.memory_space<semaphore_mem>>) src(%dma_wait3A_394 : memref<120xf32, #tpu.memory_space<vmem>>) dst(%dma_wait3A_398 : memref<10240xf32, #tpu.memory_space<vmem_shared>>)
    %dma_wait3A_399 = arith.constant 0 : i32
    %dma_wait3A_400 = tpu.memref_slice %arg5[%dma_wait3A_399] : memref<128xf32, #tpu.memory_space<vmem>> -> memref<120xf32, #tpu.memory_space<vmem>>
    %dma_wait3A_401 = arith.constant 1800 : i32
    %dma_wait3A_402 = tpu.memref_slice %arg4[%dma_wait3A_401] : memref<5000xi32, #tpu.memory_space<vmem>> -> memref<120xi32, #tpu.memory_space<vmem>>
    %dma_wait3A_403 = arith.constant 0 : i32
    %dma_wait3A_404 = tpu.memref_slice %arg7[%dma_wait3A_403] : memref<10240xf32, #tpu.memory_space<vmem_shared>> -> memref<10240xf32, #tpu.memory_space<vmem_shared>>
    tpu.wait_indirect_dma semaphore(%arg8 : memref<!tpu.dma_semaphore, #tpu.memory_space<semaphore_mem>>) src(%dma_wait3A_400 : memref<120xf32, #tpu.memory_space<vmem>>) dst(%dma_wait3A_404 : memref<10240xf32, #tpu.memory_space<vmem_shared>>)
    %dma_wait3A_405 = arith.constant 0 : i32
    %dma_wait3A_406 = tpu.memref_slice %arg5[%dma_wait3A_405] : memref<128xf32, #tpu.memory_space<vmem>> -> memref<120xf32, #tpu.memory_space<vmem>>
    %dma_wait3A_407 = arith.constant 1920 : i32
    %dma_wait3A_408 = tpu.memref_slice %arg4[%dma_wait3A_407] : memref<5000xi32, #tpu.memory_space<vmem>> -> memref<120xi32, #tpu.memory_space<vmem>>
    %dma_wait3A_409 = arith.constant 0 : i32
    %dma_wait3A_410 = tpu.memref_slice %arg7[%dma_wait3A_409] : memref<10240xf32, #tpu.memory_space<vmem_shared>> -> memref<10240xf32, #tpu.memory_space<vmem_shared>>
    tpu.wait_indirect_dma semaphore(%arg8 : memref<!tpu.dma_semaphore, #tpu.memory_space<semaphore_mem>>) src(%dma_wait3A_406 : memref<120xf32, #tpu.memory_space<vmem>>) dst(%dma_wait3A_410 : memref<10240xf32, #tpu.memory_space<vmem_shared>>)
    %dma_wait3A_411 = arith.constant 0 : i32
    %dma_wait3A_412 = tpu.memref_slice %arg5[%dma_wait3A_411] : memref<128xf32, #tpu.memory_space<vmem>> -> memref<120xf32, #tpu.memory_space<vmem>>
    %dma_wait3A_413 = arith.constant 2040 : i32
    %dma_wait3A_414 = tpu.memref_slice %arg4[%dma_wait3A_413] : memref<5000xi32, #tpu.memory_space<vmem>> -> memref<120xi32, #tpu.memory_space<vmem>>
    %dma_wait3A_415 = arith.constant 0 : i32
    %dma_wait3A_416 = tpu.memref_slice %arg7[%dma_wait3A_415] : memref<10240xf32, #tpu.memory_space<vmem_shared>> -> memref<10240xf32, #tpu.memory_space<vmem_shared>>
    tpu.wait_indirect_dma semaphore(%arg8 : memref<!tpu.dma_semaphore, #tpu.memory_space<semaphore_mem>>) src(%dma_wait3A_412 : memref<120xf32, #tpu.memory_space<vmem>>) dst(%dma_wait3A_416 : memref<10240xf32, #tpu.memory_space<vmem_shared>>)
    %dma_wait3A_417 = arith.constant 0 : i32
    %dma_wait3A_418 = tpu.memref_slice %arg5[%dma_wait3A_417] : memref<128xf32, #tpu.memory_space<vmem>> -> memref<120xf32, #tpu.memory_space<vmem>>
    %dma_wait3A_419 = arith.constant 2160 : i32
    %dma_wait3A_420 = tpu.memref_slice %arg4[%dma_wait3A_419] : memref<5000xi32, #tpu.memory_space<vmem>> -> memref<120xi32, #tpu.memory_space<vmem>>
    %dma_wait3A_421 = arith.constant 0 : i32
    %dma_wait3A_422 = tpu.memref_slice %arg7[%dma_wait3A_421] : memref<10240xf32, #tpu.memory_space<vmem_shared>> -> memref<10240xf32, #tpu.memory_space<vmem_shared>>
    tpu.wait_indirect_dma semaphore(%arg8 : memref<!tpu.dma_semaphore, #tpu.memory_space<semaphore_mem>>) src(%dma_wait3A_418 : memref<120xf32, #tpu.memory_space<vmem>>) dst(%dma_wait3A_422 : memref<10240xf32, #tpu.memory_space<vmem_shared>>)
    %dma_wait3A_423 = arith.constant 0 : i32
    %dma_wait3A_424 = tpu.memref_slice %arg5[%dma_wait3A_423] : memref<128xf32, #tpu.memory_space<vmem>> -> memref<120xf32, #tpu.memory_space<vmem>>
    %dma_wait3A_425 = arith.constant 2280 : i32
    %dma_wait3A_426 = tpu.memref_slice %arg4[%dma_wait3A_425] : memref<5000xi32, #tpu.memory_space<vmem>> -> memref<120xi32, #tpu.memory_space<vmem>>
    %dma_wait3A_427 = arith.constant 0 : i32
    %dma_wait3A_428 = tpu.memref_slice %arg7[%dma_wait3A_427] : memref<10240xf32, #tpu.memory_space<vmem_shared>> -> memref<10240xf32, #tpu.memory_space<vmem_shared>>
    tpu.wait_indirect_dma semaphore(%arg8 : memref<!tpu.dma_semaphore, #tpu.memory_space<semaphore_mem>>) src(%dma_wait3A_424 : memref<120xf32, #tpu.memory_space<vmem>>) dst(%dma_wait3A_428 : memref<10240xf32, #tpu.memory_space<vmem_shared>>)
    %dma_wait3A_429 = arith.constant 0 : i32
    %dma_wait3A_430 = tpu.memref_slice %arg5[%dma_wait3A_429] : memref<128xf32, #tpu.memory_space<vmem>> -> memref<120xf32, #tpu.memory_space<vmem>>
    %dma_wait3A_431 = arith.constant 2400 : i32
    %dma_wait3A_432 = tpu.memref_slice %arg4[%dma_wait3A_431] : memref<5000xi32, #tpu.memory_space<vmem>> -> memref<120xi32, #tpu.memory_space<vmem>>
    %dma_wait3A_433 = arith.constant 0 : i32
    %dma_wait3A_434 = tpu.memref_slice %arg7[%dma_wait3A_433] : memref<10240xf32, #tpu.memory_space<vmem_shared>> -> memref<10240xf32, #tpu.memory_space<vmem_shared>>
    tpu.wait_indirect_dma semaphore(%arg8 : memref<!tpu.dma_semaphore, #tpu.memory_space<semaphore_mem>>) src(%dma_wait3A_430 : memref<120xf32, #tpu.memory_space<vmem>>) dst(%dma_wait3A_434 : memref<10240xf32, #tpu.memory_space<vmem_shared>>)
    %dma_wait3A_435 = arith.constant 0 : i32
    %dma_wait3A_436 = tpu.memref_slice %arg5[%dma_wait3A_435] : memref<128xf32, #tpu.memory_space<vmem>> -> memref<120xf32, #tpu.memory_space<vmem>>
    %dma_wait3A_437 = arith.constant 2520 : i32
    %dma_wait3A_438 = tpu.memref_slice %arg4[%dma_wait3A_437] : memref<5000xi32, #tpu.memory_space<vmem>> -> memref<120xi32, #tpu.memory_space<vmem>>
    %dma_wait3A_439 = arith.constant 0 : i32
    %dma_wait3A_440 = tpu.memref_slice %arg7[%dma_wait3A_439] : memref<10240xf32, #tpu.memory_space<vmem_shared>> -> memref<10240xf32, #tpu.memory_space<vmem_shared>>
    tpu.wait_indirect_dma semaphore(%arg8 : memref<!tpu.dma_semaphore, #tpu.memory_space<semaphore_mem>>) src(%dma_wait3A_436 : memref<120xf32, #tpu.memory_space<vmem>>) dst(%dma_wait3A_440 : memref<10240xf32, #tpu.memory_space<vmem_shared>>)
    %dma_wait3A_441 = arith.constant 0 : i32
    %dma_wait3A_442 = tpu.memref_slice %arg5[%dma_wait3A_441] : memref<128xf32, #tpu.memory_space<vmem>> -> memref<120xf32, #tpu.memory_space<vmem>>
    %dma_wait3A_443 = arith.constant 2640 : i32
    %dma_wait3A_444 = tpu.memref_slice %arg4[%dma_wait3A_443] : memref<5000xi32, #tpu.memory_space<vmem>> -> memref<120xi32, #tpu.memory_space<vmem>>
    %dma_wait3A_445 = arith.constant 0 : i32
    %dma_wait3A_446 = tpu.memref_slice %arg7[%dma_wait3A_445] : memref<10240xf32, #tpu.memory_space<vmem_shared>> -> memref<10240xf32, #tpu.memory_space<vmem_shared>>
    tpu.wait_indirect_dma semaphore(%arg8 : memref<!tpu.dma_semaphore, #tpu.memory_space<semaphore_mem>>) src(%dma_wait3A_442 : memref<120xf32, #tpu.memory_space<vmem>>) dst(%dma_wait3A_446 : memref<10240xf32, #tpu.memory_space<vmem_shared>>)
    %dma_wait3A_447 = arith.constant 0 : i32
    %dma_wait3A_448 = tpu.memref_slice %arg5[%dma_wait3A_447] : memref<128xf32, #tpu.memory_space<vmem>> -> memref<120xf32, #tpu.memory_space<vmem>>
    %dma_wait3A_449 = arith.constant 2760 : i32
    %dma_wait3A_450 = tpu.memref_slice %arg4[%dma_wait3A_449] : memref<5000xi32, #tpu.memory_space<vmem>> -> memref<120xi32, #tpu.memory_space<vmem>>
    %dma_wait3A_451 = arith.constant 0 : i32
    %dma_wait3A_452 = tpu.memref_slice %arg7[%dma_wait3A_451] : memref<10240xf32, #tpu.memory_space<vmem_shared>> -> memref<10240xf32, #tpu.memory_space<vmem_shared>>
    tpu.wait_indirect_dma semaphore(%arg8 : memref<!tpu.dma_semaphore, #tpu.memory_space<semaphore_mem>>) src(%dma_wait3A_448 : memref<120xf32, #tpu.memory_space<vmem>>) dst(%dma_wait3A_452 : memref<10240xf32, #tpu.memory_space<vmem_shared>>)
    %dma_wait3A_453 = arith.constant 0 : i32
    %dma_wait3A_454 = tpu.memref_slice %arg5[%dma_wait3A_453] : memref<128xf32, #tpu.memory_space<vmem>> -> memref<120xf32, #tpu.memory_space<vmem>>
    %dma_wait3A_455 = arith.constant 2880 : i32
    %dma_wait3A_456 = tpu.memref_slice %arg4[%dma_wait3A_455] : memref<5000xi32, #tpu.memory_space<vmem>> -> memref<120xi32, #tpu.memory_space<vmem>>
    %dma_wait3A_457 = arith.constant 0 : i32
    %dma_wait3A_458 = tpu.memref_slice %arg7[%dma_wait3A_457] : memref<10240xf32, #tpu.memory_space<vmem_shared>> -> memref<10240xf32, #tpu.memory_space<vmem_shared>>
    tpu.wait_indirect_dma semaphore(%arg8 : memref<!tpu.dma_semaphore, #tpu.memory_space<semaphore_mem>>) src(%dma_wait3A_454 : memref<120xf32, #tpu.memory_space<vmem>>) dst(%dma_wait3A_458 : memref<10240xf32, #tpu.memory_space<vmem_shared>>)
    %dma_wait3A_459 = arith.constant 0 : i32
    %dma_wait3A_460 = tpu.memref_slice %arg5[%dma_wait3A_459] : memref<128xf32, #tpu.memory_space<vmem>> -> memref<120xf32, #tpu.memory_space<vmem>>
    %dma_wait3A_461 = arith.constant 3000 : i32
    %dma_wait3A_462 = tpu.memref_slice %arg4[%dma_wait3A_461] : memref<5000xi32, #tpu.memory_space<vmem>> -> memref<120xi32, #tpu.memory_space<vmem>>
    %dma_wait3A_463 = arith.constant 0 : i32
    %dma_wait3A_464 = tpu.memref_slice %arg7[%dma_wait3A_463] : memref<10240xf32, #tpu.memory_space<vmem_shared>> -> memref<10240xf32, #tpu.memory_space<vmem_shared>>
    tpu.wait_indirect_dma semaphore(%arg8 : memref<!tpu.dma_semaphore, #tpu.memory_space<semaphore_mem>>) src(%dma_wait3A_460 : memref<120xf32, #tpu.memory_space<vmem>>) dst(%dma_wait3A_464 : memref<10240xf32, #tpu.memory_space<vmem_shared>>)
    %dma_wait3A_465 = arith.constant 0 : i32
    %dma_wait3A_466 = tpu.memref_slice %arg5[%dma_wait3A_465] : memref<128xf32, #tpu.memory_space<vmem>> -> memref<120xf32, #tpu.memory_space<vmem>>
    %dma_wait3A_467 = arith.constant 3120 : i32
    %dma_wait3A_468 = tpu.memref_slice %arg4[%dma_wait3A_467] : memref<5000xi32, #tpu.memory_space<vmem>> -> memref<120xi32, #tpu.memory_space<vmem>>
    %dma_wait3A_469 = arith.constant 0 : i32
    %dma_wait3A_470 = tpu.memref_slice %arg7[%dma_wait3A_469] : memref<10240xf32, #tpu.memory_space<vmem_shared>> -> memref<10240xf32, #tpu.memory_space<vmem_shared>>
    tpu.wait_indirect_dma semaphore(%arg8 : memref<!tpu.dma_semaphore, #tpu.memory_space<semaphore_mem>>) src(%dma_wait3A_466 : memref<120xf32, #tpu.memory_space<vmem>>) dst(%dma_wait3A_470 : memref<10240xf32, #tpu.memory_space<vmem_shared>>)
    %dma_wait3A_471 = arith.constant 0 : i32
    %dma_wait3A_472 = tpu.memref_slice %arg5[%dma_wait3A_471] : memref<128xf32, #tpu.memory_space<vmem>> -> memref<120xf32, #tpu.memory_space<vmem>>
    %dma_wait3A_473 = arith.constant 3240 : i32
    %dma_wait3A_474 = tpu.memref_slice %arg4[%dma_wait3A_473] : memref<5000xi32, #tpu.memory_space<vmem>> -> memref<120xi32, #tpu.memory_space<vmem>>
    %dma_wait3A_475 = arith.constant 0 : i32
    %dma_wait3A_476 = tpu.memref_slice %arg7[%dma_wait3A_475] : memref<10240xf32, #tpu.memory_space<vmem_shared>> -> memref<10240xf32, #tpu.memory_space<vmem_shared>>
    tpu.wait_indirect_dma semaphore(%arg8 : memref<!tpu.dma_semaphore, #tpu.memory_space<semaphore_mem>>) src(%dma_wait3A_472 : memref<120xf32, #tpu.memory_space<vmem>>) dst(%dma_wait3A_476 : memref<10240xf32, #tpu.memory_space<vmem_shared>>)
    %dma_wait3A_477 = arith.constant 0 : i32
    %dma_wait3A_478 = tpu.memref_slice %arg5[%dma_wait3A_477] : memref<128xf32, #tpu.memory_space<vmem>> -> memref<120xf32, #tpu.memory_space<vmem>>
    %dma_wait3A_479 = arith.constant 3360 : i32
    %dma_wait3A_480 = tpu.memref_slice %arg4[%dma_wait3A_479] : memref<5000xi32, #tpu.memory_space<vmem>> -> memref<120xi32, #tpu.memory_space<vmem>>
    %dma_wait3A_481 = arith.constant 0 : i32
    %dma_wait3A_482 = tpu.memref_slice %arg7[%dma_wait3A_481] : memref<10240xf32, #tpu.memory_space<vmem_shared>> -> memref<10240xf32, #tpu.memory_space<vmem_shared>>
    tpu.wait_indirect_dma semaphore(%arg8 : memref<!tpu.dma_semaphore, #tpu.memory_space<semaphore_mem>>) src(%dma_wait3A_478 : memref<120xf32, #tpu.memory_space<vmem>>) dst(%dma_wait3A_482 : memref<10240xf32, #tpu.memory_space<vmem_shared>>)
    %dma_wait3A_483 = arith.constant 0 : i32
    %dma_wait3A_484 = tpu.memref_slice %arg5[%dma_wait3A_483] : memref<128xf32, #tpu.memory_space<vmem>> -> memref<120xf32, #tpu.memory_space<vmem>>
    %dma_wait3A_485 = arith.constant 3480 : i32
    %dma_wait3A_486 = tpu.memref_slice %arg4[%dma_wait3A_485] : memref<5000xi32, #tpu.memory_space<vmem>> -> memref<120xi32, #tpu.memory_space<vmem>>
    %dma_wait3A_487 = arith.constant 0 : i32
    %dma_wait3A_488 = tpu.memref_slice %arg7[%dma_wait3A_487] : memref<10240xf32, #tpu.memory_space<vmem_shared>> -> memref<10240xf32, #tpu.memory_space<vmem_shared>>
    tpu.wait_indirect_dma semaphore(%arg8 : memref<!tpu.dma_semaphore, #tpu.memory_space<semaphore_mem>>) src(%dma_wait3A_484 : memref<120xf32, #tpu.memory_space<vmem>>) dst(%dma_wait3A_488 : memref<10240xf32, #tpu.memory_space<vmem_shared>>)
    %dma_wait3A_489 = arith.constant 0 : i32
    %dma_wait3A_490 = tpu.memref_slice %arg5[%dma_wait3A_489] : memref<128xf32, #tpu.memory_space<vmem>> -> memref<120xf32, #tpu.memory_space<vmem>>
    %dma_wait3A_491 = arith.constant 3600 : i32
    %dma_wait3A_492 = tpu.memref_slice %arg4[%dma_wait3A_491] : memref<5000xi32, #tpu.memory_space<vmem>> -> memref<120xi32, #tpu.memory_space<vmem>>
    %dma_wait3A_493 = arith.constant 0 : i32
    %dma_wait3A_494 = tpu.memref_slice %arg7[%dma_wait3A_493] : memref<10240xf32, #tpu.memory_space<vmem_shared>> -> memref<10240xf32, #tpu.memory_space<vmem_shared>>
    tpu.wait_indirect_dma semaphore(%arg8 : memref<!tpu.dma_semaphore, #tpu.memory_space<semaphore_mem>>) src(%dma_wait3A_490 : memref<120xf32, #tpu.memory_space<vmem>>) dst(%dma_wait3A_494 : memref<10240xf32, #tpu.memory_space<vmem_shared>>)
    %dma_wait3A_495 = arith.constant 0 : i32
    %dma_wait3A_496 = tpu.memref_slice %arg5[%dma_wait3A_495] : memref<128xf32, #tpu.memory_space<vmem>> -> memref<120xf32, #tpu.memory_space<vmem>>
    %dma_wait3A_497 = arith.constant 3720 : i32
    %dma_wait3A_498 = tpu.memref_slice %arg4[%dma_wait3A_497] : memref<5000xi32, #tpu.memory_space<vmem>> -> memref<120xi32, #tpu.memory_space<vmem>>
    %dma_wait3A_499 = arith.constant 0 : i32
    %dma_wait3A_500 = tpu.memref_slice %arg7[%dma_wait3A_499] : memref<10240xf32, #tpu.memory_space<vmem_shared>> -> memref<10240xf32, #tpu.memory_space<vmem_shared>>
    tpu.wait_indirect_dma semaphore(%arg8 : memref<!tpu.dma_semaphore, #tpu.memory_space<semaphore_mem>>) src(%dma_wait3A_496 : memref<120xf32, #tpu.memory_space<vmem>>) dst(%dma_wait3A_500 : memref<10240xf32, #tpu.memory_space<vmem_shared>>)
    %dma_wait3A_501 = arith.constant 0 : i32
    %dma_wait3A_502 = tpu.memref_slice %arg5[%dma_wait3A_501] : memref<128xf32, #tpu.memory_space<vmem>> -> memref<120xf32, #tpu.memory_space<vmem>>
    %dma_wait3A_503 = arith.constant 3840 : i32
    %dma_wait3A_504 = tpu.memref_slice %arg4[%dma_wait3A_503] : memref<5000xi32, #tpu.memory_space<vmem>> -> memref<120xi32, #tpu.memory_space<vmem>>
    %dma_wait3A_505 = arith.constant 0 : i32
    %dma_wait3A_506 = tpu.memref_slice %arg7[%dma_wait3A_505] : memref<10240xf32, #tpu.memory_space<vmem_shared>> -> memref<10240xf32, #tpu.memory_space<vmem_shared>>
    tpu.wait_indirect_dma semaphore(%arg8 : memref<!tpu.dma_semaphore, #tpu.memory_space<semaphore_mem>>) src(%dma_wait3A_502 : memref<120xf32, #tpu.memory_space<vmem>>) dst(%dma_wait3A_506 : memref<10240xf32, #tpu.memory_space<vmem_shared>>)
    %dma_wait3A_507 = arith.constant 0 : i32
    %dma_wait3A_508 = tpu.memref_slice %arg5[%dma_wait3A_507] : memref<128xf32, #tpu.memory_space<vmem>> -> memref<120xf32, #tpu.memory_space<vmem>>
    %dma_wait3A_509 = arith.constant 3960 : i32
    %dma_wait3A_510 = tpu.memref_slice %arg4[%dma_wait3A_509] : memref<5000xi32, #tpu.memory_space<vmem>> -> memref<120xi32, #tpu.memory_space<vmem>>
    %dma_wait3A_511 = arith.constant 0 : i32
    %dma_wait3A_512 = tpu.memref_slice %arg7[%dma_wait3A_511] : memref<10240xf32, #tpu.memory_space<vmem_shared>> -> memref<10240xf32, #tpu.memory_space<vmem_shared>>
    tpu.wait_indirect_dma semaphore(%arg8 : memref<!tpu.dma_semaphore, #tpu.memory_space<semaphore_mem>>) src(%dma_wait3A_508 : memref<120xf32, #tpu.memory_space<vmem>>) dst(%dma_wait3A_512 : memref<10240xf32, #tpu.memory_space<vmem_shared>>)
    %dma_wait3A_513 = arith.constant 0 : i32
    %dma_wait3A_514 = tpu.memref_slice %arg5[%dma_wait3A_513] : memref<128xf32, #tpu.memory_space<vmem>> -> memref<120xf32, #tpu.memory_space<vmem>>
    %dma_wait3A_515 = arith.constant 4080 : i32
    %dma_wait3A_516 = tpu.memref_slice %arg4[%dma_wait3A_515] : memref<5000xi32, #tpu.memory_space<vmem>> -> memref<120xi32, #tpu.memory_space<vmem>>
    %dma_wait3A_517 = arith.constant 0 : i32
    %dma_wait3A_518 = tpu.memref_slice %arg7[%dma_wait3A_517] : memref<10240xf32, #tpu.memory_space<vmem_shared>> -> memref<10240xf32, #tpu.memory_space<vmem_shared>>
    tpu.wait_indirect_dma semaphore(%arg8 : memref<!tpu.dma_semaphore, #tpu.memory_space<semaphore_mem>>) src(%dma_wait3A_514 : memref<120xf32, #tpu.memory_space<vmem>>) dst(%dma_wait3A_518 : memref<10240xf32, #tpu.memory_space<vmem_shared>>)
    %dma_wait3A_519 = arith.constant 0 : i32
    %dma_wait3A_520 = tpu.memref_slice %arg5[%dma_wait3A_519] : memref<128xf32, #tpu.memory_space<vmem>> -> memref<120xf32, #tpu.memory_space<vmem>>
    %dma_wait3A_521 = arith.constant 4200 : i32
    %dma_wait3A_522 = tpu.memref_slice %arg4[%dma_wait3A_521] : memref<5000xi32, #tpu.memory_space<vmem>> -> memref<120xi32, #tpu.memory_space<vmem>>
    %dma_wait3A_523 = arith.constant 0 : i32
    %dma_wait3A_524 = tpu.memref_slice %arg7[%dma_wait3A_523] : memref<10240xf32, #tpu.memory_space<vmem_shared>> -> memref<10240xf32, #tpu.memory_space<vmem_shared>>
    tpu.wait_indirect_dma semaphore(%arg8 : memref<!tpu.dma_semaphore, #tpu.memory_space<semaphore_mem>>) src(%dma_wait3A_520 : memref<120xf32, #tpu.memory_space<vmem>>) dst(%dma_wait3A_524 : memref<10240xf32, #tpu.memory_space<vmem_shared>>)
    %dma_wait3A_525 = arith.constant 0 : i32
    %dma_wait3A_526 = tpu.memref_slice %arg5[%dma_wait3A_525] : memref<128xf32, #tpu.memory_space<vmem>> -> memref<120xf32, #tpu.memory_space<vmem>>
    %dma_wait3A_527 = arith.constant 4320 : i32
    %dma_wait3A_528 = tpu.memref_slice %arg4[%dma_wait3A_527] : memref<5000xi32, #tpu.memory_space<vmem>> -> memref<120xi32, #tpu.memory_space<vmem>>
    %dma_wait3A_529 = arith.constant 0 : i32
    %dma_wait3A_530 = tpu.memref_slice %arg7[%dma_wait3A_529] : memref<10240xf32, #tpu.memory_space<vmem_shared>> -> memref<10240xf32, #tpu.memory_space<vmem_shared>>
    tpu.wait_indirect_dma semaphore(%arg8 : memref<!tpu.dma_semaphore, #tpu.memory_space<semaphore_mem>>) src(%dma_wait3A_526 : memref<120xf32, #tpu.memory_space<vmem>>) dst(%dma_wait3A_530 : memref<10240xf32, #tpu.memory_space<vmem_shared>>)
    %dma_wait3A_531 = arith.constant 0 : i32
    %dma_wait3A_532 = tpu.memref_slice %arg5[%dma_wait3A_531] : memref<128xf32, #tpu.memory_space<vmem>> -> memref<120xf32, #tpu.memory_space<vmem>>
    %dma_wait3A_533 = arith.constant 4440 : i32
    %dma_wait3A_534 = tpu.memref_slice %arg4[%dma_wait3A_533] : memref<5000xi32, #tpu.memory_space<vmem>> -> memref<120xi32, #tpu.memory_space<vmem>>
    %dma_wait3A_535 = arith.constant 0 : i32
    %dma_wait3A_536 = tpu.memref_slice %arg7[%dma_wait3A_535] : memref<10240xf32, #tpu.memory_space<vmem_shared>> -> memref<10240xf32, #tpu.memory_space<vmem_shared>>
    tpu.wait_indirect_dma semaphore(%arg8 : memref<!tpu.dma_semaphore, #tpu.memory_space<semaphore_mem>>) src(%dma_wait3A_532 : memref<120xf32, #tpu.memory_space<vmem>>) dst(%dma_wait3A_536 : memref<10240xf32, #tpu.memory_space<vmem_shared>>)
    %dma_wait3A_537 = arith.constant 0 : i32
    %dma_wait3A_538 = tpu.memref_slice %arg5[%dma_wait3A_537] : memref<128xf32, #tpu.memory_space<vmem>> -> memref<120xf32, #tpu.memory_space<vmem>>
    %dma_wait3A_539 = arith.constant 4560 : i32
    %dma_wait3A_540 = tpu.memref_slice %arg4[%dma_wait3A_539] : memref<5000xi32, #tpu.memory_space<vmem>> -> memref<120xi32, #tpu.memory_space<vmem>>
    %dma_wait3A_541 = arith.constant 0 : i32
    %dma_wait3A_542 = tpu.memref_slice %arg7[%dma_wait3A_541] : memref<10240xf32, #tpu.memory_space<vmem_shared>> -> memref<10240xf32, #tpu.memory_space<vmem_shared>>
    tpu.wait_indirect_dma semaphore(%arg8 : memref<!tpu.dma_semaphore, #tpu.memory_space<semaphore_mem>>) src(%dma_wait3A_538 : memref<120xf32, #tpu.memory_space<vmem>>) dst(%dma_wait3A_542 : memref<10240xf32, #tpu.memory_space<vmem_shared>>)
    %dma_wait3A_543 = arith.constant 0 : i32
    %dma_wait3A_544 = tpu.memref_slice %arg5[%dma_wait3A_543] : memref<128xf32, #tpu.memory_space<vmem>> -> memref<120xf32, #tpu.memory_space<vmem>>
    %dma_wait3A_545 = arith.constant 4680 : i32
    %dma_wait3A_546 = tpu.memref_slice %arg4[%dma_wait3A_545] : memref<5000xi32, #tpu.memory_space<vmem>> -> memref<120xi32, #tpu.memory_space<vmem>>
    %dma_wait3A_547 = arith.constant 0 : i32
    %dma_wait3A_548 = tpu.memref_slice %arg7[%dma_wait3A_547] : memref<10240xf32, #tpu.memory_space<vmem_shared>> -> memref<10240xf32, #tpu.memory_space<vmem_shared>>
    tpu.wait_indirect_dma semaphore(%arg8 : memref<!tpu.dma_semaphore, #tpu.memory_space<semaphore_mem>>) src(%dma_wait3A_544 : memref<120xf32, #tpu.memory_space<vmem>>) dst(%dma_wait3A_548 : memref<10240xf32, #tpu.memory_space<vmem_shared>>)
    %dma_wait3A_549 = arith.constant 0 : i32
    %dma_wait3A_550 = tpu.memref_slice %arg5[%dma_wait3A_549] : memref<128xf32, #tpu.memory_space<vmem>> -> memref<120xf32, #tpu.memory_space<vmem>>
    %dma_wait3A_551 = arith.constant 4800 : i32
    %dma_wait3A_552 = tpu.memref_slice %arg4[%dma_wait3A_551] : memref<5000xi32, #tpu.memory_space<vmem>> -> memref<120xi32, #tpu.memory_space<vmem>>
    %dma_wait3A_553 = arith.constant 0 : i32
    %dma_wait3A_554 = tpu.memref_slice %arg7[%dma_wait3A_553] : memref<10240xf32, #tpu.memory_space<vmem_shared>> -> memref<10240xf32, #tpu.memory_space<vmem_shared>>
    tpu.wait_indirect_dma semaphore(%arg8 : memref<!tpu.dma_semaphore, #tpu.memory_space<semaphore_mem>>) src(%dma_wait3A_550 : memref<120xf32, #tpu.memory_space<vmem>>) dst(%dma_wait3A_554 : memref<10240xf32, #tpu.memory_space<vmem_shared>>)
    %dma_wait3A_555 = arith.constant 0 : i32
    %dma_wait3A_556 = tpu.memref_slice %arg5[%dma_wait3A_555] : memref<128xf32, #tpu.memory_space<vmem>> -> memref<80xf32, #tpu.memory_space<vmem>>
    %dma_wait3A_557 = arith.constant 4920 : i32
    %dma_wait3A_558 = tpu.memref_slice %arg4[%dma_wait3A_557] : memref<5000xi32, #tpu.memory_space<vmem>> -> memref<80xi32, #tpu.memory_space<vmem>>
    %dma_wait3A_559 = arith.constant 0 : i32
    %dma_wait3A_560 = tpu.memref_slice %arg7[%dma_wait3A_559] : memref<10240xf32, #tpu.memory_space<vmem_shared>> -> memref<10240xf32, #tpu.memory_space<vmem_shared>>
    tpu.wait_indirect_dma semaphore(%arg8 : memref<!tpu.dma_semaphore, #tpu.memory_space<semaphore_mem>>) src(%dma_wait3A_556 : memref<80xf32, #tpu.memory_space<vmem>>) dst(%dma_wait3A_560 : memref<10240xf32, #tpu.memory_space<vmem_shared>>)
    %barrier3A_561 = arith.constant 0 : index
    tpu.barrier barrier_id(%barrier3A_561)
    %mul3A_562 = arith.constant 640 : i32
    %mul3A_563 = arith.muli %arg1, %mul3A_562 : i32
    %mul3A_564 = arith.constant 640 : i32
    %mul3A_565 = arith.muli %arg1, %mul3A_564 : i32
    "tpu.region"() ({
      %run_scoped3A = tpu.sem_alloc : memref<!tpu.dma_semaphore, #tpu.memory_space<semaphore_mem>>
      %dma_start3A_566 = tpu.memref_slice %arg3[%arg0, %mul3A_565] : memref<2x10240xf32, #tpu.memory_space<hbm>> -> memref<1x640xf32, #tpu.memory_space<hbm>>
      %dma_start3A_567 = tpu.memref_squeeze %dma_start3A_566 : memref<1x640xf32, #tpu.memory_space<hbm>> -> memref<640xf32, #tpu.memory_space<hbm>>
      %dma_start3A_568 = tpu.memref_slice %arg7[%mul3A_563] : memref<10240xf32, #tpu.memory_space<vmem_shared>> -> memref<640xf32, #tpu.memory_space<vmem_shared>>
      tpu.enqueue_dma source(%dma_start3A_568 : memref<640xf32, #tpu.memory_space<vmem_shared>>) target(%dma_start3A_567 : memref<640xf32, #tpu.memory_space<hbm>>) target_semaphore(%run_scoped3A : memref<!tpu.dma_semaphore, #tpu.memory_space<semaphore_mem>>)
      %dma_wait3A_569 = tpu.memref_slice %arg3[%arg0, %mul3A_565] : memref<2x10240xf32, #tpu.memory_space<hbm>> -> memref<1x640xf32, #tpu.memory_space<hbm>>
      %dma_wait3A_570 = tpu.memref_squeeze %dma_wait3A_569 : memref<1x640xf32, #tpu.memory_space<hbm>> -> memref<640xf32, #tpu.memory_space<hbm>>
      %dma_wait3A_571 = tpu.memref_slice %arg7[%mul3A_563] : memref<10240xf32, #tpu.memory_space<vmem_shared>> -> memref<640xf32, #tpu.memory_space<vmem_shared>>
      tpu.wait_dma2 semaphore(%run_scoped3A : memref<!tpu.dma_semaphore, #tpu.memory_space<semaphore_mem>>) src(%dma_wait3A_571 : memref<640xf32, #tpu.memory_space<vmem_shared>>) dst(%dma_wait3A_570 : memref<640xf32, #tpu.memory_space<hbm>>)
      tpu.yield
    }) : () -> ()
    return
  }
}

module attributes {stable_mosaic.version = 14 : i64} {
  func.func @_out_body(%arg0: i32, %arg1: memref<2x1280x128xf32, #tpu.memory_space<vmem>>, %arg2: memref<2x1280xf32, #tpu.memory_space<vmem>>, %arg3: memref<1280x256xf32, #tpu.memory_space<vmem>>) attributes {dimension_semantics = [#tpu.dimension_semantics<arbitrary>], iteration_bounds = array<i64: 8>, scalar_prefetch = 0 : i64, scratch_operands = 0 : i64, tpu.core_type = #tpu.core_type<tc>, window_params = [{transform_indices = @transform_0, window_bounds = array<i64: 2, 1280, 128>}, {transform_indices = @transform_1, window_bounds = array<i64: 2, 1280>}, {transform_indices = @transform_2, window_bounds = array<i64: 1280, 256>}]} {
    %get3A = arith.constant 0 : index
    %get3A_0 = arith.constant 0 : index
    %get3A_1 = vector.load %arg2[%get3A, %get3A_0] : memref<2x1280xf32, #tpu.memory_space<vmem>>, vector<1x1280xf32>
    %get3A_2 = vector.shape_cast %get3A_1 : vector<1x1280xf32> to vector<1280xf32>
    %get3A_3 = arith.constant 1 : index
    %get3A_4 = arith.constant 0 : index
    %get3A_5 = vector.load %arg2[%get3A_3, %get3A_4] : memref<2x1280xf32, #tpu.memory_space<vmem>>, vector<1x1280xf32>
    %get3A_6 = vector.shape_cast %get3A_5 : vector<1x1280xf32> to vector<1280xf32>
    %add3A = arith.addf %get3A_2, %get3A_6 : vector<1280xf32>
    %add3A_7 = arith.constant 1.000000e+00 : f32
    %add3A_8 = vector.broadcast %add3A_7 : f32 to vector<1280xf32>
    %add3A_9 = arith.addf %add3A, %add3A_8 : vector<1280xf32>
    %rsqrt3A = math.rsqrt %add3A_9 : vector<1280xf32>
    %broadcast_in_dim3A = vector.shape_cast %rsqrt3A : vector<1280xf32> to vector<1280x1xf32>
    %get3A_10 = arith.constant 0 : index
    %get3A_11 = arith.constant 0 : index
    %get3A_12 = arith.constant 0 : index
    %get3A_13 = vector.load %arg1[%get3A_10, %get3A_11, %get3A_12] : memref<2x1280x128xf32, #tpu.memory_space<vmem>>, vector<1x1280x128xf32>
    %get3A_14 = vector.shape_cast %get3A_13 : vector<1x1280x128xf32> to vector<1280x128xf32>
    %mul3A = vector.broadcast %broadcast_in_dim3A : vector<1280x1xf32> to vector<1280x128xf32>
    %mul3A_15 = arith.mulf %get3A_14, %mul3A : vector<1280x128xf32>
    %get3A_16 = arith.constant 1 : index
    %get3A_17 = arith.constant 0 : index
    %get3A_18 = arith.constant 0 : index
    %get3A_19 = vector.load %arg1[%get3A_16, %get3A_17, %get3A_18] : memref<2x1280x128xf32, #tpu.memory_space<vmem>>, vector<1x1280x128xf32>
    %get3A_20 = vector.shape_cast %get3A_19 : vector<1x1280x128xf32> to vector<1280x128xf32>
    %mul3A_21 = vector.broadcast %broadcast_in_dim3A : vector<1280x1xf32> to vector<1280x128xf32>
    %mul3A_22 = arith.mulf %get3A_20, %mul3A_21 : vector<1280x128xf32>
    %concatenate3A = tpu.concatenate %mul3A_15, %mul3A_22 in 1 : vector<1280x128xf32>, vector<1280x128xf32> -> vector<1280x256xf32>
    %swap3A = arith.constant 0 : index
    %swap3A_23 = arith.constant 0 : index
    %swap3A_24 = vector.load %arg3[%swap3A, %swap3A_23] : memref<1280x256xf32, #tpu.memory_space<vmem>>, vector<1280x256xf32>
    tpu.vector_store %arg3[%swap3A, %swap3A_23], %concatenate3A {strides = array<i32>} : memref<1280x256xf32, #tpu.memory_space<vmem>>, vector<1280x256xf32>,
    return
  }
  func.func @transform_0(%arg0: i32) -> (i32, i32, i32) {
    %c0_i32 = arith.constant 0 : i32
    %c0_i32_0 = arith.constant 0 : i32
    %c0_i32_1 = arith.constant 0 : i32
    return %c0_i32, %arg0, %c0_i32_0 : i32, i32, i32
  }
  func.func @transform_1(%arg0: i32) -> (i32, i32) {
    %c0_i32 = arith.constant 0 : i32
    %c0_i32_0 = arith.constant 0 : i32
    return %c0_i32, %arg0 : i32, i32
  }
  func.func @transform_2(%arg0: i32) -> (i32, i32) {
    %c0_i32 = arith.constant 0 : i32
    %c0_i32_0 = arith.constant 0 : i32
    return %arg0, %c0_i32 : i32, i32
  }
}

module attributes {stable_mosaic.version = 14 : i64} {
  func.func @_lin_body(%arg0: i32, %arg1: memref<1280x256xf32, #tpu.memory_space<vmem>>, %arg2: memref<256x256xf32, #tpu.memory_space<vmem>>, %arg3: memref<1x256xf32, #tpu.memory_space<vmem>>, %arg4: memref<2x1280xf32, #tpu.memory_space<vmem>>, %arg5: memref<2x1280x128xf32, #tpu.memory_space<vmem>>) attributes {dimension_semantics = [#tpu.dimension_semantics<arbitrary>], iteration_bounds = array<i64: 8>, scalar_prefetch = 0 : i64, scratch_operands = 0 : i64, tpu.core_type = #tpu.core_type<tc>, window_params = [{transform_indices = @transform_0, window_bounds = array<i64: 1280, 256>}, {pipeline_mode = #tpu.pipeline_mode<synchronous>, transform_indices = @transform_1, window_bounds = array<i64: 256, 256>}, {pipeline_mode = #tpu.pipeline_mode<synchronous>, transform_indices = @transform_2, window_bounds = array<i64: 1, 256>}, {transform_indices = @transform_3, window_bounds = array<i64: 2, 1280>}, {transform_indices = @transform_4, window_bounds = array<i64: 2, 1280, 128>}]} {
    %get3A = arith.constant 0 : index
    %get3A_0 = arith.constant 0 : index
    %get3A_1 = vector.load %arg1[%get3A, %get3A_0] : memref<1280x256xf32, #tpu.memory_space<vmem>>, vector<1280x256xf32>
    %get3A_2 = arith.constant 0 : index
    %get3A_3 = arith.constant 0 : index
    %get3A_4 = vector.load %arg2[%get3A_2, %get3A_3] : memref<256x256xf32, #tpu.memory_space<vmem>>, vector<256x256xf32>
    %dot_general3A = arith.constant dense<0.000000e+00> : vector<1280x256xf32>
    %dot_general3A_5 = tpu.matmul %get3A_1, %get3A_4, %dot_general3A {dimension_numbers = #tpu.dot_dimension_numbers<[1], [1], [0], [0], [0, 0, 1, 0], [], []>, transpose_lhs_hint = false} : vector<1280x256xf32>, vector<256x256xf32>, vector<1280x256xf32> -> vector<1280x256xf32>
    %get3A_6 = arith.constant 0 : index
    %get3A_7 = arith.constant 0 : index
    %get3A_8 = vector.load %arg3[%get3A_6, %get3A_7] : memref<1x256xf32, #tpu.memory_space<vmem>>, vector<1x256xf32>
    %add3A = vector.broadcast %get3A_8 : vector<1x256xf32> to vector<1280x256xf32>
    %add3A_9 = arith.addf %dot_general3A_5, %add3A : vector<1280x256xf32>
    %get3A_10 = arith.constant 0 : index
    %get3A_11 = arith.constant 0 : index
    %get3A_12 = vector.load %arg4[%get3A_10, %get3A_11] : memref<2x1280xf32, #tpu.memory_space<vmem>>, vector<1x1280xf32>
    %get3A_13 = vector.shape_cast %get3A_12 : vector<1x1280xf32> to vector<1280xf32>
    %get3A_14 = arith.constant 1 : index
    %get3A_15 = arith.constant 0 : index
    %get3A_16 = vector.load %arg4[%get3A_14, %get3A_15] : memref<2x1280xf32, #tpu.memory_space<vmem>>, vector<1x1280xf32>
    %get3A_17 = vector.shape_cast %get3A_16 : vector<1x1280xf32> to vector<1280xf32>
    %add3A_18 = arith.addf %get3A_13, %get3A_17 : vector<1280xf32>
    %add3A_19 = arith.constant 1.000000e+00 : f32
    %add3A_20 = vector.broadcast %add3A_19 : f32 to vector<1280xf32>
    %add3A_21 = arith.addf %add3A_18, %add3A_20 : vector<1280xf32>
    %rsqrt3A = math.rsqrt %add3A_21 : vector<1280xf32>
    %broadcast_in_dim3A = vector.shape_cast %rsqrt3A : vector<1280xf32> to vector<1280x1xf32>
    %mul3A = vector.broadcast %broadcast_in_dim3A : vector<1280x1xf32> to vector<1280x256xf32>
    %mul3A_22 = arith.mulf %add3A_9, %mul3A : vector<1280x256xf32>
    %slice3A = vector.extract_strided_slice %mul3A_22 {offsets = [0, 0], sizes = [1280, 128], strides = [1, 1]} : vector<1280x256xf32> to vector<1280x128xf32>
    %swap3A = arith.constant 0 : index
    %swap3A_23 = arith.constant 0 : index
    %swap3A_24 = arith.constant 0 : index
    %swap3A_25 = vector.load %arg5[%swap3A, %swap3A_23, %swap3A_24] : memref<2x1280x128xf32, #tpu.memory_space<vmem>>, vector<1x1280x128xf32>
    %swap3A_26 = vector.shape_cast %swap3A_25 : vector<1x1280x128xf32> to vector<1280x128xf32>
    %swap3A_27 = vector.shape_cast %slice3A : vector<1280x128xf32> to vector<1x1280x128xf32>
    tpu.vector_store %arg5[%swap3A, %swap3A_23, %swap3A_24], %swap3A_27 {strides = array<i32>} : memref<2x1280x128xf32, #tpu.memory_space<vmem>>, vector<1x1280x128xf32>,
    %slice3A_28 = vector.extract_strided_slice %mul3A_22 {offsets = [0, 128], sizes = [1280, 128], strides = [1, 1]} : vector<1280x256xf32> to vector<1280x128xf32>
    %swap3A_29 = arith.constant 1 : index
    %swap3A_30 = arith.constant 0 : index
    %swap3A_31 = arith.constant 0 : index
    %swap3A_32 = vector.load %arg5[%swap3A_29, %swap3A_30, %swap3A_31] : memref<2x1280x128xf32, #tpu.memory_space<vmem>>, vector<1x1280x128xf32>
    %swap3A_33 = vector.shape_cast %swap3A_32 : vector<1x1280x128xf32> to vector<1280x128xf32>
    %swap3A_34 = vector.shape_cast %slice3A_28 : vector<1280x128xf32> to vector<1x1280x128xf32>
    tpu.vector_store %arg5[%swap3A_29, %swap3A_30, %swap3A_31], %swap3A_34 {strides = array<i32>} : memref<2x1280x128xf32, #tpu.memory_space<vmem>>, vector<1x1280x128xf32>,
    return
  }
  func.func @transform_0(%arg0: i32) -> (i32, i32) {
    %c0_i32 = arith.constant 0 : i32
    %c0_i32_0 = arith.constant 0 : i32
    return %arg0, %c0_i32 : i32, i32
  }
  func.func @transform_1(%arg0: i32) -> (i32, i32) {
    %c0_i32 = arith.constant 0 : i32
    %c0_i32_0 = arith.constant 0 : i32
    %c0_i32_1 = arith.constant 0 : i32
    return %c0_i32, %c0_i32_0 : i32, i32
  }
  func.func @transform_2(%arg0: i32) -> (i32, i32) {
    %c0_i32 = arith.constant 0 : i32
    %c0_i32_0 = arith.constant 0 : i32
    %c0_i32_1 = arith.constant 0 : i32
    return %c0_i32, %c0_i32_0 : i32, i32
  }
  func.func @transform_3(%arg0: i32) -> (i32, i32) {
    %c0_i32 = arith.constant 0 : i32
    %c0_i32_0 = arith.constant 0 : i32
    return %c0_i32, %arg0 : i32, i32
  }
  func.func @transform_4(%arg0: i32) -> (i32, i32, i32) {
    %c0_i32 = arith.constant 0 : i32
    %c0_i32_0 = arith.constant 0 : i32
    %c0_i32_1 = arith.constant 0 : i32
    return %c0_i32, %arg0, %c0_i32_0 : i32, i32, i32
  }
}

</mosaic_0001>

<sc_bundles>
// kernel: kernel.6.cloned.1.call-start
scs
__scs_entry_jumppad:
0x0: {  	(pc) =	sbr.rel $0x88, $3  }
0x1: {  	(tag) =	ssettag $0x0;
	lr =	simm.s32 $0x1  }
0x2: {  	[smem:$0x3F9D] =	sst lr;
	_ =	strace $0xD0000000  }
0x3: {  	_ = 	snop  }
0x4: {  	_ = 	snop  }
0x5: {  	_ = 	snop  }
0x6: {  	_ = 	snop  }
0x7: {  	_ = 	snop  }
__scs_overlays_trampoline_lowered:
0x8: {  	[smem:$0x3FAC] =	sst s0  }
0x9: {  	[smem:$0x3FAD] =	sst s1  }
0xa: {  	[smem:$0x3FAE] =	sst s2  }
0xb: {  	[smem:$0x3FAF] =	sst s3  }
0xc: {  	[smem:$0x3FB0] =	sst s4  }
0xd: {  	[smem:$0x3FB1] =	sst s5  }
0xe: {  	[smem:$0x3FB2] =	sst s6  }
0xf: {  	[smem:$0x3FB3] =	sst s7  }
0x10: {  	[smem:$0x3FB4] =	sst s8  }
0x11: {  	[smem:$0x3FB5] =	sst s9;
	s0 =	simm.s32 @!p0 $0x0  }
0x12: {  	s1 =	sld [smem:$0x3F9B];
	s0 =	simm.s32 @p0 $0x1  }
0x13: {  	[smem:$0x3FB6] =	sst s0;
	s0 =	simm.s32 @!p1 $0x0  }
0x14: {  	s2 =	sld [smem:$0x3F9A];
	s0 =	simm.s32 @p1 $0x1  }
0x15: {  	[smem:$0x3FB7] =	sst s0;
	s0 =	simm.s32 @!p2 $0x0  }
0x16: {  	s3 =	sld [smem:$0x3FDB];
	s0 =	simm.s32 @p2 $0x1  }
0x17: {  	s4 =	simm.s32 $0x1BF5;
	[smem:$0x3FB9] =	sst s0  }
0x18: {  	s0 =	sld [smem:$0x3F9C];
	_ =	swait.ge [sflag:s4], $0x0  }
0x19: {  	s7 =	sld [smem:$0x3F9D]  }
0x1a: {  	s8 =	sadd.s32 $0xFFFFE003, lr  }
0x1b: {  	s9 =	sadd.s32 $0xFFFFFEF7, lr;
	s5 =	simm.s32 $0xFFFFFFFF;
	p2 =	slt.u32 s8, $0xFFFFF086  }
0x1c: {  	p1 =	slt.u32 s9, $0xF7A;
	s5 =	simm.s32 @!p2 $0x0  }
0x1d: {  	s5 =	simm.s32 @p1 $0x1;
	p0 =	seq.s32 s7, s2  }
0x1e: {  	s7 =	smul.u32 @!p0 $0xF7A, s2;
	p2 =	seq.s32 @!p0 s5, $0x0  }
0x1f: {  	s9 =	smul.u32 $0xF7A, s1;
	s8 =	simm.s32 @!p0 $0x1BF5;
	p2 =	por !p2, p0  }
0x20: {  	[sflag:s8] =	ssyncset.s32 @!p0 $0xFFFFF086;
	s6 =	sadd.s32 @!p0 s3, s7;
	s7 =	simm.s32 @!p0 $0x108  }
0x21: {  	s3 =	sadd.s32 s3, s9;
	s6 =	sadd.s32 @!p0 $0x88, s6;
	s7 =	simm.s32 @p2 $0x1082  }
0x22: {  	[simem:s7], [sflag:s8] =	dma.local @!p0 [hbm:s6], $0xF7A  }
0x23: {  	s9 =	sor.u32 $0xD0000000, s2;
	s6 =	simm.s32 $0x108;
	_ =	swait.ge @!p0 [sflag:s8], $0x0  }
0x24: {  	s3 =	sadd.s32 $0x88, s3;
	s6 =	simm.s32 @!p1 $0x1082;
	[sflag:s4] =	ssyncset.s32 $0xFFFFF086  }
0x25: {  	[simem:s6], [sflag:s4] =	dma.local [hbm:s3], $0xF7A  }
0x26: {  	[smem:$0x3F9D] =	sst s1;
	(tag) =	ssettag s2;
	_ =	strace s9  }
0x27: {  	s1 =	sld [smem:$0x3FAD]  }
0x28: {  	s2 =	sld [smem:$0x3FAE]  }
0x29: {  	s4 =	sld [smem:$0x3FB0]  }
0x2a: {  	p0 =	seq.s32 s5, $0x0;
	s5 =	sld [smem:$0x3FB1]  }
0x2b: {  	s6 =	sld [smem:$0x3FB2]  }
0x2c: {  	s7 =	sld [smem:$0x3FB3]  }
0x2d: {  	s3 =	simm.s32 $0x108;
	s8 =	sld [smem:$0x3FB4]  }
0x2e: {  	s3 =	simm.s32 @!p0 $0x1082;
	s9 =	sld [smem:$0x3FB5]  }
0x2f: {  	lr =	sadd.s32 s0, s3;
	s0 =	sld [smem:$0x3FAC]  }
0x30: {  	s3 =	sld [smem:$0x3FAF]  }
0x31: {  	[smem:$0x3FB8] =	sst s10  }
0x32: {  	s10 =	sld [smem:$0x3FB6];
	_ =	sdelay $0x3  }
0x33: {  	p0 =	seq.s32 s10, $0x1;
	s10 =	sld [smem:$0x3FB8];
	_ =	sdelay $0x3  }
0x34: {  	[smem:$0x3FB8] =	sst s10  }
0x35: {  	s10 =	sld [smem:$0x3FB7];
	_ =	sdelay $0x3  }
0x36: {  	p1 =	seq.s32 s10, $0x1;
	s10 =	sld [smem:$0x3FB8];
	_ =	sdelay $0x3  }
0x37: {  	[smem:$0x3FB8] =	sst s10  }
0x38: {  	s10 =	sld [smem:$0x3FB9]  }
0x39: {  	_ = 	snop;
	(pc) =	sbr.ind lr, $3  }
0x3a: {  	_ = 	snop  }
0x3b: {  	_ = 	snop  }
0x3c: {  	p2 =	seq.s32 s10, $0x1;
	s10 =	sld [smem:$0x3FB8]  }
0x3d: {  	_ =	shalt  }
0x3e: {  	_ =	shalt  }
0x3f: {  	_ =	shalt  }
0x40: {  	_ =	shalt  }
0x41: {  	_ =	shalt  }
0x42: {  	_ =	shalt  }
0x43: {  	_ =	shalt  }
0x44: {  	_ =	shalt  }
0x45: {  	_ =	shalt  }
0x46: {  	_ =	shalt  }
0x47: {  	_ =	shalt  }
0x48: {  	_ =	shalt  }
0x49: {  	_ =	shalt  }
0x4a: {  	_ =	shalt  }
0x4b: {  	_ =	shalt  }
0x4c: {  	_ =	shalt  }
0x4d: {  	_ =	shalt  }
0x4e: {  	_ =	shalt  }
0x4f: {  	_ =	shalt  }
0x50: {  	_ =	shalt  }
0x51: {  	_ =	shalt  }
0x52: {  	_ =	shalt  }
0x53: {  	_ =	shalt  }
0x54: {  	_ =	shalt  }
0x55: {  	_ =	shalt  }
0x56: {  	_ =	shalt  }
0x57: {  	_ =	shalt  }
0x58: {  	_ =	shalt  }
0x59: {  	_ =	shalt  }
0x5a: {  	_ =	shalt  }
0x5b: {  	_ =	shalt  }
0x5c: {  	_ =	shalt  }
0x5d: {  	_ =	shalt  }
0x5e: {  	_ =	shalt  }
0x5f: {  	_ =	shalt  }
0x60: {  	_ =	shalt  }
0x61: {  	_ =	shalt  }
0x62: {  	_ =	shalt  }
0x63: {  	_ =	shalt  }
0x64: {  	_ =	shalt  }
0x65: {  	_ =	shalt  }
0x66: {  	_ =	shalt  }
0x67: {  	_ =	shalt  }
0x68: {  	_ =	shalt  }
0x69: {  	_ =	shalt  }
0x6a: {  	_ =	shalt  }
0x6b: {  	_ =	shalt  }
0x6c: {  	_ =	shalt  }
0x6d: {  	_ =	shalt  }
0x6e: {  	_ =	shalt  }
0x6f: {  	_ =	shalt  }
0x70: {  	_ =	shalt  }
0x71: {  	_ =	shalt  }
0x72: {  	_ =	shalt  }
0x73: {  	_ =	shalt  }
0x74: {  	_ =	shalt  }
0x75: {  	_ =	shalt  }
0x76: {  	_ =	shalt  }
0x77: {  	_ =	shalt  }
0x78: {  	_ =	shalt  }
0x79: {  	_ =	shalt  }
0x7a: {  	_ =	shalt  }
0x7b: {  	_ =	shalt  }
0x7c: {  	_ =	shalt  }
0x7d: {  	_ =	shalt  }
0x7e: {  	_ =	shalt  }
0x7f: {  	_ =	shalt  }
0x80: {  	_ =	shalt  }
0x81: {  	_ =	shalt  }
0x82: {  	_ =	shalt  }
0x83: {  	_ =	shalt  }
0x84: {  	_ =	shalt  }
0x85: {  	_ =	shalt  }
0x86: {  	_ =	shalt  }
0x87: {  	_ =	shalt  }
.Lfunc_end0:
.L_simem_size_0:
called_computation_lowered:
.L_overlay_start_0:
0x88: {  	s2 =	sld [smem:$0x3FD9]  }
0x89: {  	s3 =	sld [smem:$0x3FFE];
	_ =	sdelay $0x1  }
0x8a: {  	s1 =	srdreg.scid  }
0x8b: {  	s0 =	sand.u32 $0x1, s1  }
0x8c: {  	s17 =	sshll.u32 s0, $0xA;
	s2 =	sadd.s32 s3, s2  }
0x8d: {  	s2 =	sadd.s32 s2, s17  }
0x8e: {  	[smem:$0x3FC4] =	sst s2  }
0x8f: {  	_ = 	snop  }
0x90: {  	s2 =	sld [smem:$0x3FD0];
	(tm) =	ssettm $0x1  }
0x91: {  	s18 =	sld [smem:$0x3FFB];
	_ =	sdelay $0x3  }
0x92: {  	_ =	strace s18  }
0x93: {  	s3 =	sld [smem:$0x3FFC];
	_ =	sdelay $0x3  }
0x94: {  	_ =	strace s3  }
0x95: {  	s3 =	sld [smem:$0x3FFD];
	_ =	sdelay $0x3  }
0x96: {  	_ =	strace s3  }
0x97: {  	_ =	strace $0x8FFFFFFF  }
0x98: {  	s19 =	sld [smem:$0x3FDB];
	_ =	sdelay $0x1  }
0x99: {  	s4 =	simm.s32 $_scs_section_size  }
0x9a: {  	s5 =	simm.s32 $_size__tile_overlayer_lowered;
	s6 =	simm.s32 $_tile_overlayer_lowered  }
0x9b: {  	s22 =	simm.s32 $0x1BFF;
	s21 =	sshll.u32 s6, $0x1;
	s3 =	sadd.s32 s4, s19  }
0x9c: {  	s7 =	simm.s32 $0x0;
	s20 =	sshll.u32 s5, $0x1;
	s5 =	sadd.s32 s21, s3  }
0x9d: {  	[timem:s7], [sflag:s22] =	dma.local [hbm:s5], s20  }
0x9e: {  	_ =	swait.ge [sflag:s22], s20  }
0x9f: {  	s4 =	ssub.s32 $0x0, s20;
	[sflag:s22] =	ssyncset.done $0x0  }
0xa0: {  	[sflag:s22] =	ssyncadd.s32 s4;
	_ =	sdelay $0x1  }
0xa1: {  	s23 =	simm.s32 $0x1B8B  }
0xa2: {  	_ =	swait.ge [sflag:s23], $0x1  }
0xa3: {  	[sflag:s23] =	ssyncset.done $0x0  }
0xa4: {  	s25 =	simm.s32 $0x1B8E;
	s24 =	sld [smem:$0x3FFE];
	[sflag:s23] =	ssyncadd.s32 $0xFFFFFFFF  }
0xa5: {  	s26 =	simm.s32 $execute0_lowered;
	[smem:$0x3FD2] =	sst s25  }
0xa6: {  	s5 =	sshll.u32 s26, $0x1;
	_ =	strace $0x80000046;
	[dreg:$0x1] =	wrdreg $0xFFFFFFFF  }
0xa7: {  	s28 =	simm.s32 $_size_execute0_lowered;
	s3 =	sadd.s32 s3, s5;
	[dreg:$0x0] =	wrdreg $0x0  }
0xa8: {  	s5 =	sshll.u32 s28, $0x1;
	[dreg:$0x2] =	wrdreg s3  }
0xa9: {  	[dreg:$0x3] =	wrdreg s5  }
0xaa: {  	[dreg:$0x4] =	wrdreg $0xC0  }
0xab: {  	_ =	task [dreg:s7], $0x5FFFF  }
0xac: {  	[dreg:$0x1] =	wrdreg $0xFFFFFFFF  }
0xad: {  	[dreg:$0x0] =	wrdreg $0x60  }
0xae: {  	[dreg:$0x2] =	wrdreg s2  }
0xaf: {  	[dreg:$0x3] =	wrdreg s24  }
0xb0: {  	[dreg:$0x4] =	wrdreg $0x17000  }
0xb1: {  	[dreg:$0x5] =	wrdreg $0x9  }
0xb2: {  	_ =	task.clear_ibuf [dreg:s7], $0x6FFFF;
	_ =	strace $0x90000046  }
0xb3: {  	s29 =	simm.s32 $0x9;
	_ =	strace $0x80000048  }
0xb4: {  	_ =	swait.ge [sflag:s29], $0x1  }
0xb5: {  	[sflag:s29] =	ssyncadd.s32 $0xFFFFFFFF  }
0xb6: {  	_ =	strace $0x90000048  }
0xb7: {  	_ =	sfence  }
0xb8: {  	s30 =	sld [smem:$0x0];
	_ =	sdelay $0x2  }
0xb9: {  	s31 =	sshll.u32 s1, $0xD;
	s1 =	sshrl.u32 s1, $0x2  }
0xba: {  	s3 =	sand.u32 $0x4000, s31;
	s1 =	sadd.s32 s1, s30  }
0xbb: {  	s0 =	sor.u32 s3, s0;
	s1 =	sshll.u32 s1, $0x11  }
0xbc: {  	s0 =	sor.u32 s1, s0  }
0xbd: {  	s0 =	sadd.s32 $0x8F2B, s0  }
0xbe: {  	[sflag:s0] =	ssyncadd.remote.s32 $0x1  }
0xbf: {  	_ =	sfence.sel $0xFFFF  }
0xc0: {  	[dreg:$0x0] =	wrdreg $0xFFFFFFFF;
	(pc) =	sbr.abs _section_cstart, $3  }
0xc1: {  	[dreg:$0x1] =	wrdreg $0xFFFFFFFF  }
0xc2: {  	_ =	task.clear_ibuf [dreg:s7], $0x2FFFF;
	_ =	strace $0x9FFFFFFF  }
0xc3: {  	(tm) =	ssettm $0x7FFFFFFF  }
tec
execute0_lowered:
.L_overlay_start_1:
0x0: {  	(tag) =	ssettag $0x1  }
0x1: {  	s4 =	rddreg [dreg:$0x0]  }
0x2: {  	s5 =	rddreg [dreg:$0x1];
	s2 =	simm.s32 $0x0  }
0x3: {  	v0 =	vimm.f32 $1.000000000e+00;
	[smem:$0x7FF] =	sst s2  }
0x4: {  	s1 =	rddreg [dreg:$0x2];
	v1 =	vimm.f32 $0.0e+00;
	_ =	strace $0x80000047;
	[tilespmem:$0x1400] =	vst v0  }
0x5: {  	[tilespmem:$0x16F0] =	vst v1  }
0x6: {  	[tilespmem:$0x16E0] =	vst v1  }
0x7: {  	[tilespmem:$0x16D0] =	vst v1  }
0x8: {  	[tilespmem:$0x16C0] =	vst v1  }
0x9: {  	[tilespmem:$0x16B0] =	vst v1  }
0xa: {  	[tilespmem:$0x16A0] =	vst v1  }
0xb: {  	[tilespmem:$0x1690] =	vst v1  }
0xc: {  	[tilespmem:$0x1680] =	vst v1  }
0xd: {  	[tilespmem:$0x1670] =	vst v1  }
0xe: {  	[tilespmem:$0x1660] =	vst v1  }
0xf: {  	[tilespmem:$0x1650] =	vst v1  }
0x10: {  	[tilespmem:$0x1640] =	vst v1  }
0x11: {  	[tilespmem:$0x1630] =	vst v1  }
0x12: {  	[tilespmem:$0x1620] =	vst v1  }
0x13: {  	[tilespmem:$0x1610] =	vst v1  }
0x14: {  	[tilespmem:$0x1600] =	vst v1  }
0x15: {  	[tilespmem:$0x15F0] =	vst v1  }
0x16: {  	s15 =	simm.s32 $0x1480;
	[tilespmem:$0x15E0] =	vst v1  }
0x17: {  	s16 =	simm.s32 $0xF0;
	[tilespmem:$0x15D0] =	vst v1;
	[dreg:$0x6] =	wrdreg s15  }
0x18: {  	s17 =	simm.s32 $0x168;
	[tilespmem:$0x15C0] =	vst v1;
	[dreg:$0x7] =	wrdreg s16  }
0x19: {  	s18 =	simm.s32 $0x1E0;
	[tilespmem:$0x15B0] =	vst v1;
	[dreg:$0x8] =	wrdreg s17  }
0x1a: {  	s19 =	simm.s32 $0x258;
	[tilespmem:$0x15A0] =	vst v1;
	[dreg:$0x9] =	wrdreg s18  }
0x1b: {  	s20 =	simm.s32 $0x2D0;
	[tilespmem:$0x1590] =	vst v1;
	[dreg:$0xa] =	wrdreg s19  }
0x1c: {  	s21 =	simm.s32 $0x348;
	[tilespmem:$0x1580] =	vst v1;
	[dreg:$0xb] =	wrdreg s20  }
0x1d: {  	s22 =	simm.s32 $0x3C0;
	[tilespmem:$0x1570] =	vst v1;
	[dreg:$0xc] =	wrdreg s21  }
0x1e: {  	s23 =	simm.s32 $0x438;
	[tilespmem:$0x1560] =	vst v1;
	[dreg:$0xd] =	wrdreg s22  }
0x1f: {  	s24 =	simm.s32 $0x4B0;
	[tilespmem:$0x1550] =	vst v1;
	[dreg:$0xe] =	wrdreg s23  }
0x20: {  	s26 =	simm.s32 $0x528;
	[tilespmem:$0x1540] =	vst v1;
	[dreg:$0xf] =	wrdreg s24  }
0x21: {  	s31 =	simm.s32 $0x5A0;
	[tilespmem:$0x1530] =	vst v1;
	[dreg:$0x10] =	wrdreg s26  }
0x22: {  	s0 =	simm.s32 $0x618;
	[tilespmem:$0x1520] =	vst v1;
	[dreg:$0x11] =	wrdreg s31  }
0x23: {  	s6 =	srdreg.scid;
	s9 =	simm.s32 $0x870;
	[tilespmem:$0x1510] =	vst v1;
	[dreg:$0x12] =	wrdreg s0  }
0x24: {  	s3 =	stileid.u32;
	s10 =	simm.s32 $0x8E8;
	[tilespmem:$0x1500] =	vst v1;
	[dreg:$0x17] =	wrdreg s9  }
0x25: {  	s11 =	simm.s32 $0x960;
	s12 =	simm.s32 $0x9D8;
	[tilespmem:$0x14F0] =	vst v1;
	[dreg:$0x18] =	wrdreg s10  }
0x26: {  	s25 =	sand.u32 $0x1, s6;
	s13 =	sshll.u32 s3, $0x1;
	[tilespmem:$0x14E0] =	vst v1;
	[dreg:$0x19] =	wrdreg s11  }
0x27: {  	s6 =	sor.u32 s25, s13;
	[tilespmem:$0x14D0] =	vst v1;
	[dreg:$0x1a] =	wrdreg s12;
	s13 =	simm.s32 $0xA50  }
0x28: {  	[tilespmem:$0x14C0] =	vst v1;
	s15 =	simm.s32 $0xB40;
	[dreg:$0x1b] =	wrdreg s13  }
0x29: {  	s7 =	smul.u32 $0x500, s3;
	s8 =	sshll.u32 s25, $0x7;
	[tilespmem:$0x14B0] =	vst v1;
	[dreg:$0x1d] =	wrdreg s15  }
0x2a: {  	[tilespmem:$0x14A0] =	vst v1;
	s17 =	simm.s32 $0xBB8;
	s19 =	simm.s32 $0xC30;
	s18 =	rddreg [dreg:$0x6]  }
0x2b: {  	[tilespmem:$0x1490] =	vst v1;
	s6 =	smul.u32 $0x1388, s6;
	s7 =	sor.u32 s8, s7;
	[dreg:$0x1e] =	wrdreg s17  }
0x2c: {  	[tilespmem:$0x1480] =	vst v1;
	s8 =	simm.s32 $0x7F8;
	[dreg:$0x1f] =	wrdreg s19;
	s7 =	sshrl.u32 s7, $0x3  }
0x2d: {  	[tilespmem:$0x1470] =	vst v0;
	[dreg:$0x16] =	wrdreg s8;
	s5 =	sadd.s32 s7, s5;
	s7 =	simm.s32 $0x780  }
0x2e: {  	[tilespmem:$0x1460] =	vst v0;
	s16 =	smul.u32 $0xA00, s3;
	s14 =	sadd.s32 $0x1400, s5;
	[dreg:$0x15] =	wrdreg s7  }
0x2f: {  	[tilespmem:$0x1450] =	vst v0;
	s6 =	sshrl.u32 s6, $0x3;
	s5 =	simm.s32 $0x690;
	[dreg:$0x5] =	wrdreg s14  }
0x30: {  	[tilespmem:$0x1430] =	vst v0;
	s4 =	sadd.s32 s4, s6;
	s6 =	simm.s32 $0x708;
	[dreg:$0x13] =	wrdreg s5  }
0x31: {  	[tilespmem:$0x1440] =	vst v0;
	s4 =	sadd.s32 $0x4E20, s4;
	[dreg:$0x14] =	wrdreg s6  }
0x32: {  	[tilespmem:$0x1420] =	vst v0;
	s14 =	simm.s32 $0xAC8;
	s5 =	sshrl.u32 s16, $0x2;
	[dreg:$0x4] =	wrdreg s4  }
0x33: {  	[tilespmem:$0x1410] =	vst v0;
	[dreg:$0x1c] =	wrdreg s14;
	s5 =	sadd.s32 s5, s1;
	s4 =	simm.s32 $0x2  }
0x34: {  	[spmem:s5] =	stream.linear.scatter [tilespmem:s18], [sflag:$0x2], $0x280, $0x38;
	[tilespmem:$0x1980] =	vst v63  }
0x35: {  	_ =	swait.ge [sflag:s4], $0x280  }
0x36: {  	[sflag:s4] =	ssyncset.done $0x0  }
0x37: {  	[sflag:s4] =	ssyncadd.s32 $0xFFFFFD80  }
0x38: {  	[bflag:$0x0] =	sbarrier.arrive $0xFFFF  }
0x39: {  	s20 =	rddreg [dreg:$0x4]  }
0x3a: {  	[tilespmem:s2], [sflag:$0x2] =	stream.linear.gather [hbm4b:s20+s2], $0x1388, $0x38;
	[tilespmem:$0x1980] =	vst v63  }
0x3b: {  	_ =	swait.ge [sflag:s4], $0x1388  }
0x3c: {  	[sflag:s4] =	ssyncset.done $0x0  }
0x3d: {  	s7 =	simm.s32 $0x1400;
	s6 =	simm.s32 $0x78;
	[sflag:s4] =	ssyncadd.s32 $0xFFFFEC78  }
0x3e: {  	[spmem:s1] =	stream.indirect.scatter.add.f32 [tilespmem:s7], [sflag:$0x1], $0x1, s2, s6, $0xb8;
	[tilespmem:$0x1980] =	vst v63  }
0x3f: {  	_ = 	snop  }
0x40: {  	[spmem:s1] =	stream.indirect.scatter.add.f32 [tilespmem:s7], [sflag:$0x1], $0x1, s6, s6, $0xb8;
	[tilespmem:$0x1980] =	vst v63  }
0x41: {  	s21 =	rddreg [dreg:$0x7]  }
0x42: {  	[spmem:s1] =	stream.indirect.scatter.add.f32 [tilespmem:s7], [sflag:$0x1], $0x1, s21, s6, $0xb8;
	[tilespmem:$0x1980] =	vst v63  }
0x43: {  	s9 =	rddreg [dreg:$0x8]  }
0x44: {  	[spmem:s1] =	stream.indirect.scatter.add.f32 [tilespmem:s7], [sflag:$0x1], $0x1, s9, s6, $0xb8;
	[tilespmem:$0x1980] =	vst v63  }
0x45: {  	s22 =	rddreg [dreg:$0x9]  }
0x46: {  	[spmem:s1] =	stream.indirect.scatter.add.f32 [tilespmem:s7], [sflag:$0x1], $0x1, s22, s6, $0xb8;
	[tilespmem:$0x1980] =	vst v63  }
0x47: {  	s23 =	rddreg [dreg:$0xa]  }
0x48: {  	[spmem:s1] =	stream.indirect.scatter.add.f32 [tilespmem:s7], [sflag:$0x1], $0x1, s23, s6, $0xb8;
	[tilespmem:$0x1980] =	vst v63  }
0x49: {  	s24 =	rddreg [dreg:$0xb]  }
0x4a: {  	[spmem:s1] =	stream.indirect.scatter.add.f32 [tilespmem:s7], [sflag:$0x1], $0x1, s24, s6, $0xb8;
	[tilespmem:$0x1980] =	vst v63  }
0x4b: {  	s26 =	rddreg [dreg:$0xc]  }
0x4c: {  	[spmem:s1] =	stream.indirect.scatter.add.f32 [tilespmem:s7], [sflag:$0x1], $0x1, s26, s6, $0xb8;
	[tilespmem:$0x1980] =	vst v63  }
0x4d: {  	s31 =	rddreg [dreg:$0xd]  }
0x4e: {  	[spmem:s1] =	stream.indirect.scatter.add.f32 [tilespmem:s7], [sflag:$0x1], $0x1, s31, s6, $0xb8;
	[tilespmem:$0x1980] =	vst v63  }
0x4f: {  	s0 =	rddreg [dreg:$0xe]  }
0x50: {  	[spmem:s1] =	stream.indirect.scatter.add.f32 [tilespmem:s7], [sflag:$0x1], $0x1, s0, s6, $0xb8;
	[tilespmem:$0x1980] =	vst v63  }
0x51: {  	s10 =	rddreg [dreg:$0xf]  }
0x52: {  	[spmem:s1] =	stream.indirect.scatter.add.f32 [tilespmem:s7], [sflag:$0x1], $0x1, s10, s6, $0xb8;
	[tilespmem:$0x1980] =	vst v63  }
0x53: {  	s11 =	rddreg [dreg:$0x10]  }
0x54: {  	[spmem:s1] =	stream.indirect.scatter.add.f32 [tilespmem:s7], [sflag:$0x1], $0x1, s11, s6, $0xb8;
	[tilespmem:$0x1980] =	vst v63  }
0x55: {  	s12 =	rddreg [dreg:$0x11]  }
0x56: {  	[spmem:s1] =	stream.indirect.scatter.add.f32 [tilespmem:s7], [sflag:$0x1], $0x1, s12, s6, $0xb8;
	[tilespmem:$0x1980] =	vst v63  }
0x57: {  	s13 =	rddreg [dreg:$0x12]  }
0x58: {  	[spmem:s1] =	stream.indirect.scatter.add.f32 [tilespmem:s7], [sflag:$0x1], $0x1, s13, s6, $0xb8;
	[tilespmem:$0x1980] =	vst v63  }
0x59: {  	s14 =	rddreg [dreg:$0x13]  }
0x5a: {  	[spmem:s1] =	stream.indirect.scatter.add.f32 [tilespmem:s7], [sflag:$0x1], $0x1, s14, s6, $0xb8;
	[tilespmem:$0x1980] =	vst v63  }
0x5b: {  	s15 =	rddreg [dreg:$0x14]  }
0x5c: {  	[spmem:s1] =	stream.indirect.scatter.add.f32 [tilespmem:s7], [sflag:$0x1], $0x1, s15, s6, $0xb8;
	[tilespmem:$0x1980] =	vst v63  }
0x5d: {  	s16 =	rddreg [dreg:$0x15]  }
0x5e: {  	[spmem:s1] =	stream.indirect.scatter.add.f32 [tilespmem:s7], [sflag:$0x1], $0x1, s16, s6, $0xb8;
	[tilespmem:$0x1980] =	vst v63  }
0x5f: {  	s17 =	rddreg [dreg:$0x16]  }
0x60: {  	[spmem:s1] =	stream.indirect.scatter.add.f32 [tilespmem:s7], [sflag:$0x1], $0x1, s17, s6, $0xb8;
	[tilespmem:$0x1980] =	vst v63  }
0x61: {  	s18 =	rddreg [dreg:$0x17]  }
0x62: {  	[spmem:s1] =	stream.indirect.scatter.add.f32 [tilespmem:s7], [sflag:$0x1], $0x1, s18, s6, $0xb8;
	[tilespmem:$0x1980] =	vst v63  }
0x63: {  	s19 =	rddreg [dreg:$0x18]  }
0x64: {  	[spmem:s1] =	stream.indirect.scatter.add.f32 [tilespmem:s7], [sflag:$0x1], $0x1, s19, s6, $0xb8;
	[tilespmem:$0x1980] =	vst v63  }
0x65: {  	s20 =	rddreg [dreg:$0x19]  }
0x66: {  	[spmem:s1] =	stream.indirect.scatter.add.f32 [tilespmem:s7], [sflag:$0x1], $0x1, s20, s6, $0xb8;
	[tilespmem:$0x1980] =	vst v63  }
0x67: {  	s21 =	rddreg [dreg:$0x1a]  }
0x68: {  	[spmem:s1] =	stream.indirect.scatter.add.f32 [tilespmem:s7], [sflag:$0x1], $0x1, s21, s6, $0xb8;
	[tilespmem:$0x1980] =	vst v63  }
0x69: {  	s22 =	rddreg [dreg:$0x1b]  }
0x6a: {  	[spmem:s1] =	stream.indirect.scatter.add.f32 [tilespmem:s7], [sflag:$0x1], $0x1, s22, s6, $0xb8;
	[tilespmem:$0x1980] =	vst v63  }
0x6b: {  	s23 =	rddreg [dreg:$0x1c]  }
0x6c: {  	[spmem:s1] =	stream.indirect.scatter.add.f32 [tilespmem:s7], [sflag:$0x1], $0x1, s23, s6, $0xb8;
	[tilespmem:$0x1980] =	vst v63  }
0x6d: {  	s24 =	rddreg [dreg:$0x1d]  }
0x6e: {  	[spmem:s1] =	stream.indirect.scatter.add.f32 [tilespmem:s7], [sflag:$0x1], $0x1, s24, s6, $0xb8;
	[tilespmem:$0x1980] =	vst v63  }
0x6f: {  	s26 =	rddreg [dreg:$0x1e]  }
0x70: {  	[spmem:s1] =	stream.indirect.scatter.add.f32 [tilespmem:s7], [sflag:$0x1], $0x1, s26, s6, $0xb8;
	[tilespmem:$0x1980] =	vst v63  }
0x71: {  	s31 =	rddreg [dreg:$0x1f]  }
0x72: {  	[spmem:s1] =	stream.indirect.scatter.add.f32 [tilespmem:s7], [sflag:$0x1], $0x1, s31, s6, $0xb8;
	[tilespmem:$0x1980] =	vst v63  }
0x73: {  	s8 =	simm.s32 $0xCA8  }
0x74: {  	[spmem:s1] =	stream.indirect.scatter.add.f32 [tilespmem:s7], [sflag:$0x1], $0x1, s8, s6, $0xb8;
	[tilespmem:$0x1980] =	vst v63  }
0x75: {  	s9 =	simm.s32 $0xD20  }
0x76: {  	[spmem:s1] =	stream.indirect.scatter.add.f32 [tilespmem:s7], [sflag:$0x1], $0x1, s9, s6, $0xb8;
	[tilespmem:$0x1980] =	vst v63  }
0x77: {  	s10 =	simm.s32 $0xD98  }
0x78: {  	[spmem:s1] =	stream.indirect.scatter.add.f32 [tilespmem:s7], [sflag:$0x1], $0x1, s10, s6, $0xb8;
	[tilespmem:$0x1980] =	vst v63  }
0x79: {  	s11 =	simm.s32 $0xE10  }
0x7a: {  	[spmem:s1] =	stream.indirect.scatter.add.f32 [tilespmem:s7], [sflag:$0x1], $0x1, s11, s6, $0xb8;
	[tilespmem:$0x1980] =	vst v63  }
0x7b: {  	s12 =	simm.s32 $0xE88  }
0x7c: {  	[spmem:s1] =	stream.indirect.scatter.add.f32 [tilespmem:s7], [sflag:$0x1], $0x1, s12, s6, $0xb8;
	[tilespmem:$0x1980] =	vst v63  }
0x7d: {  	s13 =	simm.s32 $0xF00  }
0x7e: {  	[spmem:s1] =	stream.indirect.scatter.add.f32 [tilespmem:s7], [sflag:$0x1], $0x1, s13, s6, $0xb8;
	[tilespmem:$0x1980] =	vst v63  }
0x7f: {  	s14 =	simm.s32 $0xF78  }
0x80: {  	[spmem:s1] =	stream.indirect.scatter.add.f32 [tilespmem:s7], [sflag:$0x1], $0x1, s14, s6, $0xb8;
	[tilespmem:$0x1980] =	vst v63  }
0x81: {  	s15 =	simm.s32 $0xFF0  }
0x82: {  	[spmem:s1] =	stream.indirect.scatter.add.f32 [tilespmem:s7], [sflag:$0x1], $0x1, s15, s6, $0xb8;
	[tilespmem:$0x1980] =	vst v63  }
0x83: {  	s16 =	simm.s32 $0x1068  }
0x84: {  	[spmem:s1] =	stream.indirect.scatter.add.f32 [tilespmem:s7], [sflag:$0x1], $0x1, s16, s6, $0xb8;
	[tilespmem:$0x1980] =	vst v63  }
0x85: {  	s17 =	simm.s32 $0x10E0  }
0x86: {  	[spmem:s1] =	stream.indirect.scatter.add.f32 [tilespmem:s7], [sflag:$0x1], $0x1, s17, s6, $0xb8;
	[tilespmem:$0x1980] =	vst v63  }
0x87: {  	s18 =	simm.s32 $0x1158  }
0x88: {  	[spmem:s1] =	stream.indirect.scatter.add.f32 [tilespmem:s7], [sflag:$0x1], $0x1, s18, s6, $0xb8;
	[tilespmem:$0x1980] =	vst v63  }
0x89: {  	s19 =	simm.s32 $0x11D0  }
0x8a: {  	[spmem:s1] =	stream.indirect.scatter.add.f32 [tilespmem:s7], [sflag:$0x1], $0x1, s19, s6, $0xb8;
	[tilespmem:$0x1980] =	vst v63  }
0x8b: {  	s20 =	simm.s32 $0x1248  }
0x8c: {  	[spmem:s1] =	stream.indirect.scatter.add.f32 [tilespmem:s7], [sflag:$0x1], $0x1, s20, s6, $0xb8;
	[tilespmem:$0x1980] =	vst v63  }
0x8d: {  	s21 =	simm.s32 $0x12C0  }
0x8e: {  	[spmem:s1] =	stream.indirect.scatter.add.f32 [tilespmem:s7], [sflag:$0x1], $0x1, s21, s6, $0xb8;
	[tilespmem:$0x1980] =	vst v63  }
0x8f: {  	s22 =	simm.s32 $0x50;
	s23 =	simm.s32 $0x1338;
	s24 =	simm.s32 $0x1  }
0x90: {  	[spmem:s1] =	stream.indirect.scatter.add.f32 [tilespmem:s7], [sflag:$0x1], $0x1, s23, s22, $0xb8;
	[tilespmem:$0x1980] =	vst v63  }
0x91: {  	_ =	swait.ge [sflag:s24], $0x78  }
0x92: {  	[sflag:s24] =	ssyncset.done $0x0  }
0x93: {  	[sflag:s24] =	ssyncadd.s32 $0xFFFFFF88  }
0x94: {  	_ =	swait.ge [sflag:s24], $0x78  }
0x95: {  	[sflag:s24] =	ssyncset.done $0x0  }
0x96: {  	[sflag:s24] =	ssyncadd.s32 $0xFFFFFF88  }
0x97: {  	_ =	swait.ge [sflag:s24], $0x78  }
0x98: {  	[sflag:s24] =	ssyncset.done $0x0  }
0x99: {  	[sflag:s24] =	ssyncadd.s32 $0xFFFFFF88  }
0x9a: {  	_ =	swait.ge [sflag:s24], $0x78  }
0x9b: {  	[sflag:s24] =	ssyncset.done $0x0  }
0x9c: {  	[sflag:s24] =	ssyncadd.s32 $0xFFFFFF88  }
0x9d: {  	_ =	swait.ge [sflag:s24], $0x78  }
0x9e: {  	[sflag:s24] =	ssyncset.done $0x0  }
0x9f: {  	[sflag:s24] =	ssyncadd.s32 $0xFFFFFF88  }
0xa0: {  	_ =	swait.ge [sflag:s24], $0x78  }
0xa1: {  	[sflag:s24] =	ssyncset.done $0x0  }
0xa2: {  	[sflag:s24] =	ssyncadd.s32 $0xFFFFFF88  }
0xa3: {  	_ =	swait.ge [sflag:s24], $0x78  }
0xa4: {  	[sflag:s24] =	ssyncset.done $0x0  }
0xa5: {  	[sflag:s24] =	ssyncadd.s32 $0xFFFFFF88  }
0xa6: {  	_ =	swait.ge [sflag:s24], $0x78  }
0xa7: {  	[sflag:s24] =	ssyncset.done $0x0  }
0xa8: {  	[sflag:s24] =	ssyncadd.s32 $0xFFFFFF88  }
0xa9: {  	_ =	swait.ge [sflag:s24], $0x78  }
0xaa: {  	[sflag:s24] =	ssyncset.done $0x0  }
0xab: {  	[sflag:s24] =	ssyncadd.s32 $0xFFFFFF88  }
0xac: {  	_ =	swait.ge [sflag:s24], $0x78  }
0xad: {  	[sflag:s24] =	ssyncset.done $0x0  }
0xae: {  	[sflag:s24] =	ssyncadd.s32 $0xFFFFFF88  }
0xaf: {  	_ =	swait.ge [sflag:s24], $0x78  }
0xb0: {  	[sflag:s24] =	ssyncset.done $0x0  }
0xb1: {  	[sflag:s24] =	ssyncadd.s32 $0xFFFFFF88  }
0xb2: {  	_ =	swait.ge [sflag:s24], $0x78  }
0xb3: {  	[sflag:s24] =	ssyncset.done $0x0  }
0xb4: {  	[sflag:s24] =	ssyncadd.s32 $0xFFFFFF88  }
0xb5: {  	_ =	swait.ge [sflag:s24], $0x78  }
0xb6: {  	[sflag:s24] =	ssyncset.done $0x0  }
0xb7: {  	[sflag:s24] =	ssyncadd.s32 $0xFFFFFF88  }
0xb8: {  	_ =	swait.ge [sflag:s24], $0x78  }
0xb9: {  	[sflag:s24] =	ssyncset.done $0x0  }
0xba: {  	[sflag:s24] =	ssyncadd.s32 $0xFFFFFF88  }
0xbb: {  	_ =	swait.ge [sflag:s24], $0x78  }
0xbc: {  	[sflag:s24] =	ssyncset.done $0x0  }
0xbd: {  	[sflag:s24] =	ssyncadd.s32 $0xFFFFFF88  }
0xbe: {  	_ =	swait.ge [sflag:s24], $0x78  }
0xbf: {  	[sflag:s24] =	ssyncset.done $0x0  }
0xc0: {  	[sflag:s24] =	ssyncadd.s32 $0xFFFFFF88  }
0xc1: {  	_ =	swait.ge [sflag:s24], $0x78  }
0xc2: {  	[sflag:s24] =	ssyncset.done $0x0  }
0xc3: {  	[sflag:s24] =	ssyncadd.s32 $0xFFFFFF88  }
0xc4: {  	_ =	swait.ge [sflag:s24], $0x78  }
0xc5: {  	[sflag:s24] =	ssyncset.done $0x0  }
0xc6: {  	[sflag:s24] =	ssyncadd.s32 $0xFFFFFF88  }
0xc7: {  	_ =	swait.ge [sflag:s24], $0x78  }
0xc8: {  	[sflag:s24] =	ssyncset.done $0x0  }
0xc9: {  	[sflag:s24] =	ssyncadd.s32 $0xFFFFFF88  }
0xca: {  	_ =	swait.ge [sflag:s24], $0x78  }
0xcb: {  	[sflag:s24] =	ssyncset.done $0x0  }
0xcc: {  	[sflag:s24] =	ssyncadd.s32 $0xFFFFFF88  }
0xcd: {  	_ =	swait.ge [sflag:s24], $0x78  }
0xce: {  	[sflag:s24] =	ssyncset.done $0x0  }
0xcf: {  	[sflag:s24] =	ssyncadd.s32 $0xFFFFFF88  }
0xd0: {  	_ =	swait.ge [sflag:s24], $0x78  }
0xd1: {  	[sflag:s24] =	ssyncset.done $0x0  }
0xd2: {  	[sflag:s24] =	ssyncadd.s32 $0xFFFFFF88  }
0xd3: {  	_ =	swait.ge [sflag:s24], $0x78  }
0xd4: {  	[sflag:s24] =	ssyncset.done $0x0  }
0xd5: {  	[sflag:s24] =	ssyncadd.s32 $0xFFFFFF88  }
0xd6: {  	_ =	swait.ge [sflag:s24], $0x78  }
0xd7: {  	[sflag:s24] =	ssyncset.done $0x0  }
0xd8: {  	[sflag:s24] =	ssyncadd.s32 $0xFFFFFF88  }
0xd9: {  	_ =	swait.ge [sflag:s24], $0x78  }
0xda: {  	[sflag:s24] =	ssyncset.done $0x0  }
0xdb: {  	[sflag:s24] =	ssyncadd.s32 $0xFFFFFF88  }
0xdc: {  	_ =	swait.ge [sflag:s24], $0x78  }
0xdd: {  	[sflag:s24] =	ssyncset.done $0x0  }
0xde: {  	[sflag:s24] =	ssyncadd.s32 $0xFFFFFF88  }
0xdf: {  	_ =	swait.ge [sflag:s24], $0x78  }
0xe0: {  	[sflag:s24] =	ssyncset.done $0x0  }
0xe1: {  	[sflag:s24] =	ssyncadd.s32 $0xFFFFFF88  }
0xe2: {  	_ =	swait.ge [sflag:s24], $0x78  }
0xe3: {  	[sflag:s24] =	ssyncset.done $0x0  }
0xe4: {  	[sflag:s24] =	ssyncadd.s32 $0xFFFFFF88  }
0xe5: {  	_ =	swait.ge [sflag:s24], $0x78  }
0xe6: {  	[sflag:s24] =	ssyncset.done $0x0  }
0xe7: {  	[sflag:s24] =	ssyncadd.s32 $0xFFFFFF88  }
0xe8: {  	_ =	swait.ge [sflag:s24], $0x78  }
0xe9: {  	[sflag:s24] =	ssyncset.done $0x0  }
0xea: {  	[sflag:s24] =	ssyncadd.s32 $0xFFFFFF88  }
0xeb: {  	_ =	swait.ge [sflag:s24], $0x78  }
0xec: {  	[sflag:s24] =	ssyncset.done $0x0  }
0xed: {  	[sflag:s24] =	ssyncadd.s32 $0xFFFFFF88  }
0xee: {  	_ =	swait.ge [sflag:s24], $0x78  }
0xef: {  	[sflag:s24] =	ssyncset.done $0x0  }
0xf0: {  	[sflag:s24] =	ssyncadd.s32 $0xFFFFFF88  }
0xf1: {  	_ =	swait.ge [sflag:s24], $0x78  }
0xf2: {  	[sflag:s24] =	ssyncset.done $0x0  }
0xf3: {  	[sflag:s24] =	ssyncadd.s32 $0xFFFFFF88  }
0xf4: {  	_ =	swait.ge [sflag:s24], $0x78  }
0xf5: {  	[sflag:s24] =	ssyncset.done $0x0  }
0xf6: {  	[sflag:s24] =	ssyncadd.s32 $0xFFFFFF88  }
0xf7: {  	_ =	swait.ge [sflag:s24], $0x78  }
0xf8: {  	[sflag:s24] =	ssyncset.done $0x0  }
0xf9: {  	[sflag:s24] =	ssyncadd.s32 $0xFFFFFF88  }
0xfa: {  	_ =	swait.ge [sflag:s24], $0x78  }
0xfb: {  	[sflag:s24] =	ssyncset.done $0x0  }
0xfc: {  	[sflag:s24] =	ssyncadd.s32 $0xFFFFFF88  }
0xfd: {  	_ =	swait.ge [sflag:s24], $0x78  }
0xfe: {  	[sflag:s24] =	ssyncset.done $0x0  }
0xff: {  	[sflag:s24] =	ssyncadd.s32 $0xFFFFFF88  }
0x100: {  	_ =	swait.ge [sflag:s24], $0x78  }
0x101: {  	[sflag:s24] =	ssyncset.done $0x0  }
0x102: {  	[sflag:s24] =	ssyncadd.s32 $0xFFFFFF88  }
0x103: {  	_ =	swait.ge [sflag:s24], $0x78  }
0x104: {  	[sflag:s24] =	ssyncset.done $0x0  }
0x105: {  	[sflag:s24] =	ssyncadd.s32 $0xFFFFFF88  }
0x106: {  	_ =	swait.ge [sflag:s24], $0x78  }
0x107: {  	[sflag:s24] =	ssyncset.done $0x0  }
0x108: {  	[sflag:s24] =	ssyncadd.s32 $0xFFFFFF88  }
0x109: {  	_ =	swait.ge [sflag:s24], $0x78  }
0x10a: {  	[sflag:s24] =	ssyncset.done $0x0  }
0x10b: {  	[sflag:s24] =	ssyncadd.s32 $0xFFFFFF88  }
0x10c: {  	_ =	swait.ge [sflag:s24], $0x50  }
0x10d: {  	s28 =	sshll.u32 s3, $0x6;
	s25 =	ssub.s32 $0x2, s25;
	[sflag:s24] =	ssyncset.done $0x0  }
0x10e: {  	s29 =	sshrl.u32 s5, $0x3;
	s26 =	sshrl.u32 s25, $0x1;
	[sflag:s24] =	ssyncadd.s32 $0xFFFFFFB0  }
0x10f: {  	s31 =	ssub.s32 s25, s26;
	s25 =	sor.u32 $0x1C02, s28;
	[bflag:$0x0] =	sbarrier.arrive $0xFFFF  }
0x110: {  	s26 =	simm.s32 $0x20;
	s28 =	simm.s32 $0x10;
	s30 =	rddreg [dreg:$0x5]  }
0x111: {  	[hbm:s30@s26], [sflag:s25] =	dma.strided [spmem:s29@s28], $0x50, s24, $0x10   }
0x112: {  	s30 =	smax.u32 s31, $0x1  }
0x113: {  	p0 =	sne.s32 s30, $0x1  }
.Ltmp0:
0x114: {  	_ = 	snop;
	(pc) =	sbr.rel @!p0 .LBB2_2-.Ltmp0, $3  }
0x115: {  	_ =	sdelay $0x1  }
0x116: {  	_ =	swait.ge [sflag:s4], $0x50  }
0x117: {  	s30 =	sadd.s32 $0xFFFFFFFF, s30;
	[sflag:s4] =	ssyncset.done $0x0  }
.LBB2_1:
0x118: {  	[sflag:s4] =	ssyncadd.s32 $0xFFFFFFB0  }
0x119: {  	[tilespmem:$0x1400] =	vst v0  }
0x11a: {  	[tilespmem:$0x16F0] =	vst v1  }
0x11b: {  	[tilespmem:$0x16E0] =	vst v1  }
0x11c: {  	[tilespmem:$0x16D0] =	vst v1  }
0x11d: {  	[tilespmem:$0x16C0] =	vst v1  }
0x11e: {  	[tilespmem:$0x16B0] =	vst v1  }
0x11f: {  	[tilespmem:$0x16A0] =	vst v1  }
0x120: {  	[tilespmem:$0x1690] =	vst v1  }
0x121: {  	[tilespmem:$0x1680] =	vst v1  }
0x122: {  	[tilespmem:$0x1670] =	vst v1  }
0x123: {  	[tilespmem:$0x1660] =	vst v1  }
0x124: {  	[tilespmem:$0x1650] =	vst v1  }
0x125: {  	[tilespmem:$0x1640] =	vst v1  }
0x126: {  	[tilespmem:$0x1630] =	vst v1  }
0x127: {  	[tilespmem:$0x1620] =	vst v1  }
0x128: {  	[tilespmem:$0x1610] =	vst v1  }
0x129: {  	[tilespmem:$0x1600] =	vst v1  }
0x12a: {  	[tilespmem:$0x15F0] =	vst v1  }
0x12b: {  	[tilespmem:$0x15E0] =	vst v1  }
0x12c: {  	[tilespmem:$0x15D0] =	vst v1  }
0x12d: {  	[tilespmem:$0x15C0] =	vst v1  }
0x12e: {  	[tilespmem:$0x15B0] =	vst v1  }
0x12f: {  	[tilespmem:$0x15A0] =	vst v1  }
0x130: {  	[tilespmem:$0x1590] =	vst v1  }
0x131: {  	[tilespmem:$0x1580] =	vst v1  }
0x132: {  	[tilespmem:$0x1570] =	vst v1  }
0x133: {  	[tilespmem:$0x1560] =	vst v1  }
0x134: {  	[tilespmem:$0x1550] =	vst v1  }
0x135: {  	[tilespmem:$0x1540] =	vst v1  }
0x136: {  	[tilespmem:$0x1530] =	vst v1  }
0x137: {  	[tilespmem:$0x1520] =	vst v1  }
0x138: {  	[tilespmem:$0x1510] =	vst v1  }
0x139: {  	[tilespmem:$0x1500] =	vst v1  }
0x13a: {  	[tilespmem:$0x14F0] =	vst v1  }
0x13b: {  	[tilespmem:$0x14E0] =	vst v1  }
0x13c: {  	[tilespmem:$0x14D0] =	vst v1  }
0x13d: {  	[tilespmem:$0x14C0] =	vst v1  }
0x13e: {  	[tilespmem:$0x14B0] =	vst v1  }
0x13f: {  	[tilespmem:$0x14A0] =	vst v1  }
0x140: {  	[tilespmem:$0x1490] =	vst v1  }
0x141: {  	[tilespmem:$0x1480] =	vst v1  }
0x142: {  	[tilespmem:$0x1470] =	vst v0  }
0x143: {  	[tilespmem:$0x1460] =	vst v0  }
0x144: {  	[tilespmem:$0x1450] =	vst v0  }
0x145: {  	[tilespmem:$0x1430] =	vst v0  }
0x146: {  	[tilespmem:$0x1440] =	vst v0  }
0x147: {  	[tilespmem:$0x1420] =	vst v0  }
0x148: {  	s31 =	rddreg [dreg:$0x6];
	[tilespmem:$0x1410] =	vst v0  }
0x149: {  	[spmem:s5] =	stream.linear.scatter [tilespmem:s31], [sflag:$0x2], $0x280, $0x38;
	[tilespmem:$0x1980] =	vst v63  }
0x14a: {  	_ =	swait.ge [sflag:s4], $0x280  }
0x14b: {  	[sflag:s4] =	ssyncset.done $0x0  }
0x14c: {  	[sflag:s4] =	ssyncadd.s32 $0xFFFFFD80  }
0x14d: {  	[bflag:$0x0] =	sbarrier.arrive $0xFFFF  }
0x14e: {  	s0 =	rddreg [dreg:$0x4]  }
0x14f: {  	[tilespmem:s2], [sflag:$0x2] =	stream.linear.gather [hbm4b:s0+s2], $0x1388, $0x38;
	[tilespmem:$0x1980] =	vst v63  }
0x150: {  	_ =	swait.ge [sflag:s4], $0x1388  }
0x151: {  	[sflag:s4] =	ssyncset.done $0x0  }
0x152: {  	[sflag:s4] =	ssyncadd.s32 $0xFFFFEC78  }
0x153: {  	[spmem:s1] =	stream.indirect.scatter.add.f32 [tilespmem:s7], [sflag:$0x1], $0x1, s2, s6, $0xb8;
	[tilespmem:$0x1980] =	vst v63  }
0x154: {  	_ = 	snop  }
0x155: {  	[spmem:s1] =	stream.indirect.scatter.add.f32 [tilespmem:s7], [sflag:$0x1], $0x1, s6, s6, $0xb8;
	[tilespmem:$0x1980] =	vst v63  }
0x156: {  	s31 =	rddreg [dreg:$0x7]  }
0x157: {  	[spmem:s1] =	stream.indirect.scatter.add.f32 [tilespmem:s7], [sflag:$0x1], $0x1, s31, s6, $0xb8;
	[tilespmem:$0x1980] =	vst v63  }
0x158: {  	s0 =	rddreg [dreg:$0x8]  }
0x159: {  	[spmem:s1] =	stream.indirect.scatter.add.f32 [tilespmem:s7], [sflag:$0x1], $0x1, s0, s6, $0xb8;
	[tilespmem:$0x1980] =	vst v63  }
0x15a: {  	s31 =	rddreg [dreg:$0x9]  }
0x15b: {  	[spmem:s1] =	stream.indirect.scatter.add.f32 [tilespmem:s7], [sflag:$0x1], $0x1, s31, s6, $0xb8;
	[tilespmem:$0x1980] =	vst v63  }
0x15c: {  	s0 =	rddreg [dreg:$0xa]  }
0x15d: {  	[spmem:s1] =	stream.indirect.scatter.add.f32 [tilespmem:s7], [sflag:$0x1], $0x1, s0, s6, $0xb8;
	[tilespmem:$0x1980] =	vst v63  }
0x15e: {  	s31 =	rddreg [dreg:$0xb]  }
0x15f: {  	[spmem:s1] =	stream.indirect.scatter.add.f32 [tilespmem:s7], [sflag:$0x1], $0x1, s31, s6, $0xb8;
	[tilespmem:$0x1980] =	vst v63  }
0x160: {  	s0 =	rddreg [dreg:$0xc]  }
0x161: {  	[spmem:s1] =	stream.indirect.scatter.add.f32 [tilespmem:s7], [sflag:$0x1], $0x1, s0, s6, $0xb8;
	[tilespmem:$0x1980] =	vst v63  }
0x162: {  	s31 =	rddreg [dreg:$0xd]  }
0x163: {  	[spmem:s1] =	stream.indirect.scatter.add.f32 [tilespmem:s7], [sflag:$0x1], $0x1, s31, s6, $0xb8;
	[tilespmem:$0x1980] =	vst v63  }
0x164: {  	s0 =	rddreg [dreg:$0xe]  }
0x165: {  	[spmem:s1] =	stream.indirect.scatter.add.f32 [tilespmem:s7], [sflag:$0x1], $0x1, s0, s6, $0xb8;
	[tilespmem:$0x1980] =	vst v63  }
0x166: {  	s31 =	rddreg [dreg:$0xf]  }
0x167: {  	[spmem:s1] =	stream.indirect.scatter.add.f32 [tilespmem:s7], [sflag:$0x1], $0x1, s31, s6, $0xb8;
	[tilespmem:$0x1980] =	vst v63  }
0x168: {  	s0 =	rddreg [dreg:$0x10]  }
0x169: {  	[spmem:s1] =	stream.indirect.scatter.add.f32 [tilespmem:s7], [sflag:$0x1], $0x1, s0, s6, $0xb8;
	[tilespmem:$0x1980] =	vst v63  }
0x16a: {  	s31 =	rddreg [dreg:$0x11]  }
0x16b: {  	[spmem:s1] =	stream.indirect.scatter.add.f32 [tilespmem:s7], [sflag:$0x1], $0x1, s31, s6, $0xb8;
	[tilespmem:$0x1980] =	vst v63  }
0x16c: {  	s0 =	rddreg [dreg:$0x12]  }
0x16d: {  	[spmem:s1] =	stream.indirect.scatter.add.f32 [tilespmem:s7], [sflag:$0x1], $0x1, s0, s6, $0xb8;
	[tilespmem:$0x1980] =	vst v63  }
0x16e: {  	s31 =	rddreg [dreg:$0x13]  }
0x16f: {  	[spmem:s1] =	stream.indirect.scatter.add.f32 [tilespmem:s7], [sflag:$0x1], $0x1, s31, s6, $0xb8;
	[tilespmem:$0x1980] =	vst v63  }
0x170: {  	s0 =	rddreg [dreg:$0x14]  }
0x171: {  	[spmem:s1] =	stream.indirect.scatter.add.f32 [tilespmem:s7], [sflag:$0x1], $0x1, s0, s6, $0xb8;
	[tilespmem:$0x1980] =	vst v63  }
0x172: {  	s31 =	rddreg [dreg:$0x15]  }
0x173: {  	[spmem:s1] =	stream.indirect.scatter.add.f32 [tilespmem:s7], [sflag:$0x1], $0x1, s31, s6, $0xb8;
	[tilespmem:$0x1980] =	vst v63  }
0x174: {  	s0 =	rddreg [dreg:$0x16]  }
0x175: {  	[spmem:s1] =	stream.indirect.scatter.add.f32 [tilespmem:s7], [sflag:$0x1], $0x1, s0, s6, $0xb8;
	[tilespmem:$0x1980] =	vst v63  }
0x176: {  	s31 =	rddreg [dreg:$0x17]  }
0x177: {  	[spmem:s1] =	stream.indirect.scatter.add.f32 [tilespmem:s7], [sflag:$0x1], $0x1, s31, s6, $0xb8;
	[tilespmem:$0x1980] =	vst v63  }
0x178: {  	s0 =	rddreg [dreg:$0x18]  }
0x179: {  	[spmem:s1] =	stream.indirect.scatter.add.f32 [tilespmem:s7], [sflag:$0x1], $0x1, s0, s6, $0xb8;
	[tilespmem:$0x1980] =	vst v63  }
0x17a: {  	s31 =	rddreg [dreg:$0x19]  }
0x17b: {  	[spmem:s1] =	stream.indirect.scatter.add.f32 [tilespmem:s7], [sflag:$0x1], $0x1, s31, s6, $0xb8;
	[tilespmem:$0x1980] =	vst v63  }
0x17c: {  	s0 =	rddreg [dreg:$0x1a]  }
0x17d: {  	[spmem:s1] =	stream.indirect.scatter.add.f32 [tilespmem:s7], [sflag:$0x1], $0x1, s0, s6, $0xb8;
	[tilespmem:$0x1980] =	vst v63  }
0x17e: {  	s31 =	rddreg [dreg:$0x1b]  }
0x17f: {  	[spmem:s1] =	stream.indirect.scatter.add.f32 [tilespmem:s7], [sflag:$0x1], $0x1, s31, s6, $0xb8;
	[tilespmem:$0x1980] =	vst v63  }
0x180: {  	s0 =	rddreg [dreg:$0x1c]  }
0x181: {  	[spmem:s1] =	stream.indirect.scatter.add.f32 [tilespmem:s7], [sflag:$0x1], $0x1, s0, s6, $0xb8;
	[tilespmem:$0x1980] =	vst v63  }
0x182: {  	s31 =	rddreg [dreg:$0x1d]  }
0x183: {  	[spmem:s1] =	stream.indirect.scatter.add.f32 [tilespmem:s7], [sflag:$0x1], $0x1, s31, s6, $0xb8;
	[tilespmem:$0x1980] =	vst v63  }
0x184: {  	s0 =	rddreg [dreg:$0x1e]  }
0x185: {  	[spmem:s1] =	stream.indirect.scatter.add.f32 [tilespmem:s7], [sflag:$0x1], $0x1, s0, s6, $0xb8;
	[tilespmem:$0x1980] =	vst v63  }
0x186: {  	s31 =	rddreg [dreg:$0x1f]  }
0x187: {  	[spmem:s1] =	stream.indirect.scatter.add.f32 [tilespmem:s7], [sflag:$0x1], $0x1, s31, s6, $0xb8;
	[tilespmem:$0x1980] =	vst v63  }
0x188: {  	_ = 	snop  }
0x189: {  	[spmem:s1] =	stream.indirect.scatter.add.f32 [tilespmem:s7], [sflag:$0x1], $0x1, s8, s6, $0xb8;
	[tilespmem:$0x1980] =	vst v63  }
0x18a: {  	_ = 	snop  }
0x18b: {  	[spmem:s1] =	stream.indirect.scatter.add.f32 [tilespmem:s7], [sflag:$0x1], $0x1, s9, s6, $0xb8;
	[tilespmem:$0x1980] =	vst v63  }
0x18c: {  	_ = 	snop  }
0x18d: {  	[spmem:s1] =	stream.indirect.scatter.add.f32 [tilespmem:s7], [sflag:$0x1], $0x1, s10, s6, $0xb8;
	[tilespmem:$0x1980] =	vst v63  }
0x18e: {  	_ = 	snop  }
0x18f: {  	[spmem:s1] =	stream.indirect.scatter.add.f32 [tilespmem:s7], [sflag:$0x1], $0x1, s11, s6, $0xb8;
	[tilespmem:$0x1980] =	vst v63  }
0x190: {  	_ = 	snop  }
0x191: {  	[spmem:s1] =	stream.indirect.scatter.add.f32 [tilespmem:s7], [sflag:$0x1], $0x1, s12, s6, $0xb8;
	[tilespmem:$0x1980] =	vst v63  }
0x192: {  	_ = 	snop  }
0x193: {  	[spmem:s1] =	stream.indirect.scatter.add.f32 [tilespmem:s7], [sflag:$0x1], $0x1, s13, s6, $0xb8;
	[tilespmem:$0x1980] =	vst v63  }
0x194: {  	_ = 	snop  }
0x195: {  	[spmem:s1] =	stream.indirect.scatter.add.f32 [tilespmem:s7], [sflag:$0x1], $0x1, s14, s6, $0xb8;
	[tilespmem:$0x1980] =	vst v63  }
0x196: {  	_ = 	snop  }
0x197: {  	[spmem:s1] =	stream.indirect.scatter.add.f32 [tilespmem:s7], [sflag:$0x1], $0x1, s15, s6, $0xb8;
	[tilespmem:$0x1980] =	vst v63  }
0x198: {  	_ = 	snop  }
0x199: {  	[spmem:s1] =	stream.indirect.scatter.add.f32 [tilespmem:s7], [sflag:$0x1], $0x1, s16, s6, $0xb8;
	[tilespmem:$0x1980] =	vst v63  }
0x19a: {  	_ = 	snop  }
0x19b: {  	[spmem:s1] =	stream.indirect.scatter.add.f32 [tilespmem:s7], [sflag:$0x1], $0x1, s17, s6, $0xb8;
	[tilespmem:$0x1980] =	vst v63  }
0x19c: {  	_ = 	snop  }
0x19d: {  	[spmem:s1] =	stream.indirect.scatter.add.f32 [tilespmem:s7], [sflag:$0x1], $0x1, s18, s6, $0xb8;
	[tilespmem:$0x1980] =	vst v63  }
0x19e: {  	_ = 	snop  }
0x19f: {  	[spmem:s1] =	stream.indirect.scatter.add.f32 [tilespmem:s7], [sflag:$0x1], $0x1, s19, s6, $0xb8;
	[tilespmem:$0x1980] =	vst v63  }
0x1a0: {  	_ = 	snop  }
0x1a1: {  	[spmem:s1] =	stream.indirect.scatter.add.f32 [tilespmem:s7], [sflag:$0x1], $0x1, s20, s6, $0xb8;
	[tilespmem:$0x1980] =	vst v63  }
0x1a2: {  	_ = 	snop  }
0x1a3: {  	[spmem:s1] =	stream.indirect.scatter.add.f32 [tilespmem:s7], [sflag:$0x1], $0x1, s21, s6, $0xb8;
	[tilespmem:$0x1980] =	vst v63  }
0x1a4: {  	_ = 	snop  }
0x1a5: {  	[spmem:s1] =	stream.indirect.scatter.add.f32 [tilespmem:s7], [sflag:$0x1], $0x1, s23, s22, $0xb8;
	[tilespmem:$0x1980] =	vst v63  }
0x1a6: {  	_ =	swait.ge [sflag:s24], $0x78  }
0x1a7: {  	[sflag:s24] =	ssyncset.done $0x0  }
0x1a8: {  	[sflag:s24] =	ssyncadd.s32 $0xFFFFFF88  }
0x1a9: {  	_ =	swait.ge [sflag:s24], $0x78  }
0x1aa: {  	[sflag:s24] =	ssyncset.done $0x0  }
0x1ab: {  	[sflag:s24] =	ssyncadd.s32 $0xFFFFFF88  }
0x1ac: {  	_ =	swait.ge [sflag:s24], $0x78  }
0x1ad: {  	[sflag:s24] =	ssyncset.done $0x0  }
0x1ae: {  	[sflag:s24] =	ssyncadd.s32 $0xFFFFFF88  }
0x1af: {  	_ =	swait.ge [sflag:s24], $0x78  }
0x1b0: {  	[sflag:s24] =	ssyncset.done $0x0  }
0x1b1: {  	[sflag:s24] =	ssyncadd.s32 $0xFFFFFF88  }
0x1b2: {  	_ =	swait.ge [sflag:s24], $0x78  }
0x1b3: {  	[sflag:s24] =	ssyncset.done $0x0  }
0x1b4: {  	[sflag:s24] =	ssyncadd.s32 $0xFFFFFF88  }
0x1b5: {  	_ =	swait.ge [sflag:s24], $0x78  }
0x1b6: {  	[sflag:s24] =	ssyncset.done $0x0  }
0x1b7: {  	[sflag:s24] =	ssyncadd.s32 $0xFFFFFF88  }
0x1b8: {  	_ =	swait.ge [sflag:s24], $0x78  }
0x1b9: {  	[sflag:s24] =	ssyncset.done $0x0  }
0x1ba: {  	[sflag:s24] =	ssyncadd.s32 $0xFFFFFF88  }
0x1bb: {  	_ =	swait.ge [sflag:s24], $0x78  }
0x1bc: {  	[sflag:s24] =	ssyncset.done $0x0  }
0x1bd: {  	[sflag:s24] =	ssyncadd.s32 $0xFFFFFF88  }
0x1be: {  	_ =	swait.ge [sflag:s24], $0x78  }
0x1bf: {  	[sflag:s24] =	ssyncset.done $0x0  }
0x1c0: {  	[sflag:s24] =	ssyncadd.s32 $0xFFFFFF88  }
0x1c1: {  	_ =	swait.ge [sflag:s24], $0x78  }
0x1c2: {  	[sflag:s24] =	ssyncset.done $0x0  }
0x1c3: {  	[sflag:s24] =	ssyncadd.s32 $0xFFFFFF88  }
0x1c4: {  	_ =	swait.ge [sflag:s24], $0x78  }
0x1c5: {  	[sflag:s24] =	ssyncset.done $0x0  }
0x1c6: {  	[sflag:s24] =	ssyncadd.s32 $0xFFFFFF88  }
0x1c7: {  	_ =	swait.ge [sflag:s24], $0x78  }
0x1c8: {  	[sflag:s24] =	ssyncset.done $0x0  }
0x1c9: {  	[sflag:s24] =	ssyncadd.s32 $0xFFFFFF88  }
0x1ca: {  	_ =	swait.ge [sflag:s24], $0x78  }
0x1cb: {  	[sflag:s24] =	ssyncset.done $0x0  }
0x1cc: {  	[sflag:s24] =	ssyncadd.s32 $0xFFFFFF88  }
0x1cd: {  	_ =	swait.ge [sflag:s24], $0x78  }
0x1ce: {  	[sflag:s24] =	ssyncset.done $0x0  }
0x1cf: {  	[sflag:s24] =	ssyncadd.s32 $0xFFFFFF88  }
0x1d0: {  	_ =	swait.ge [sflag:s24], $0x78  }
0x1d1: {  	[sflag:s24] =	ssyncset.done $0x0  }
0x1d2: {  	[sflag:s24] =	ssyncadd.s32 $0xFFFFFF88  }
0x1d3: {  	_ =	swait.ge [sflag:s24], $0x78  }
0x1d4: {  	[sflag:s24] =	ssyncset.done $0x0  }
0x1d5: {  	[sflag:s24] =	ssyncadd.s32 $0xFFFFFF88  }
0x1d6: {  	_ =	swait.ge [sflag:s24], $0x78  }
0x1d7: {  	[sflag:s24] =	ssyncset.done $0x0  }
0x1d8: {  	[sflag:s24] =	ssyncadd.s32 $0xFFFFFF88  }
0x1d9: {  	_ =	swait.ge [sflag:s24], $0x78  }
0x1da: {  	[sflag:s24] =	ssyncset.done $0x0  }
0x1db: {  	[sflag:s24] =	ssyncadd.s32 $0xFFFFFF88  }
0x1dc: {  	_ =	swait.ge [sflag:s24], $0x78  }
0x1dd: {  	[sflag:s24] =	ssyncset.done $0x0  }
0x1de: {  	[sflag:s24] =	ssyncadd.s32 $0xFFFFFF88  }
0x1df: {  	_ =	swait.ge [sflag:s24], $0x78  }
0x1e0: {  	[sflag:s24] =	ssyncset.done $0x0  }
0x1e1: {  	[sflag:s24] =	ssyncadd.s32 $0xFFFFFF88  }
0x1e2: {  	_ =	swait.ge [sflag:s24], $0x78  }
0x1e3: {  	[sflag:s24] =	ssyncset.done $0x0  }
0x1e4: {  	[sflag:s24] =	ssyncadd.s32 $0xFFFFFF88  }
0x1e5: {  	_ =	swait.ge [sflag:s24], $0x78  }
0x1e6: {  	[sflag:s24] =	ssyncset.done $0x0  }
0x1e7: {  	[sflag:s24] =	ssyncadd.s32 $0xFFFFFF88  }
0x1e8: {  	_ =	swait.ge [sflag:s24], $0x78  }
0x1e9: {  	[sflag:s24] =	ssyncset.done $0x0  }
0x1ea: {  	[sflag:s24] =	ssyncadd.s32 $0xFFFFFF88  }
0x1eb: {  	_ =	swait.ge [sflag:s24], $0x78  }
0x1ec: {  	[sflag:s24] =	ssyncset.done $0x0  }
0x1ed: {  	[sflag:s24] =	ssyncadd.s32 $0xFFFFFF88  }
0x1ee: {  	_ =	swait.ge [sflag:s24], $0x78  }
0x1ef: {  	[sflag:s24] =	ssyncset.done $0x0  }
0x1f0: {  	[sflag:s24] =	ssyncadd.s32 $0xFFFFFF88  }
0x1f1: {  	_ =	swait.ge [sflag:s24], $0x78  }
0x1f2: {  	[sflag:s24] =	ssyncset.done $0x0  }
0x1f3: {  	[sflag:s24] =	ssyncadd.s32 $0xFFFFFF88  }
0x1f4: {  	_ =	swait.ge [sflag:s24], $0x78  }
0x1f5: {  	[sflag:s24] =	ssyncset.done $0x0  }
0x1f6: {  	[sflag:s24] =	ssyncadd.s32 $0xFFFFFF88  }
0x1f7: {  	_ =	swait.ge [sflag:s24], $0x78  }
0x1f8: {  	[sflag:s24] =	ssyncset.done $0x0  }
0x1f9: {  	[sflag:s24] =	ssyncadd.s32 $0xFFFFFF88  }
0x1fa: {  	_ =	swait.ge [sflag:s24], $0x78  }
0x1fb: {  	[sflag:s24] =	ssyncset.done $0x0  }
0x1fc: {  	[sflag:s24] =	ssyncadd.s32 $0xFFFFFF88  }
0x1fd: {  	_ =	swait.ge [sflag:s24], $0x78  }
0x1fe: {  	[sflag:s24] =	ssyncset.done $0x0  }
0x1ff: {  	[sflag:s24] =	ssyncadd.s32 $0xFFFFFF88  }
0x200: {  	_ =	swait.ge [sflag:s24], $0x78  }
0x201: {  	[sflag:s24] =	ssyncset.done $0x0  }
0x202: {  	[sflag:s24] =	ssyncadd.s32 $0xFFFFFF88  }
0x203: {  	_ =	swait.ge [sflag:s24], $0x78  }
0x204: {  	[sflag:s24] =	ssyncset.done $0x0  }
0x205: {  	[sflag:s24] =	ssyncadd.s32 $0xFFFFFF88  }
0x206: {  	_ =	swait.ge [sflag:s24], $0x78  }
0x207: {  	[sflag:s24] =	ssyncset.done $0x0  }
0x208: {  	[sflag:s24] =	ssyncadd.s32 $0xFFFFFF88  }
0x209: {  	_ =	swait.ge [sflag:s24], $0x78  }
0x20a: {  	[sflag:s24] =	ssyncset.done $0x0  }
0x20b: {  	[sflag:s24] =	ssyncadd.s32 $0xFFFFFF88  }
0x20c: {  	_ =	swait.ge [sflag:s24], $0x78  }
0x20d: {  	[sflag:s24] =	ssyncset.done $0x0  }
0x20e: {  	[sflag:s24] =	ssyncadd.s32 $0xFFFFFF88  }
0x20f: {  	_ =	swait.ge [sflag:s24], $0x78  }
0x210: {  	[sflag:s24] =	ssyncset.done $0x0  }
0x211: {  	[sflag:s24] =	ssyncadd.s32 $0xFFFFFF88  }
0x212: {  	_ =	swait.ge [sflag:s24], $0x78  }
0x213: {  	[sflag:s24] =	ssyncset.done $0x0  }
0x214: {  	[sflag:s24] =	ssyncadd.s32 $0xFFFFFF88  }
0x215: {  	_ =	swait.ge [sflag:s24], $0x78  }
0x216: {  	[sflag:s24] =	ssyncset.done $0x0  }
0x217: {  	[sflag:s24] =	ssyncadd.s32 $0xFFFFFF88  }
0x218: {  	_ =	swait.ge [sflag:s24], $0x78  }
0x219: {  	[sflag:s24] =	ssyncset.done $0x0  }
0x21a: {  	[sflag:s24] =	ssyncadd.s32 $0xFFFFFF88  }
0x21b: {  	_ =	swait.ge [sflag:s24], $0x78  }
0x21c: {  	[sflag:s24] =	ssyncset.done $0x0  }
0x21d: {  	[sflag:s24] =	ssyncadd.s32 $0xFFFFFF88  }
0x21e: {  	_ =	swait.ge [sflag:s24], $0x78  }
0x21f: {  	[sflag:s24] =	ssyncset.done $0x0  }
0x220: {  	[sflag:s24] =	ssyncadd.s32 $0xFFFFFF88  }
0x221: {  	_ =	swait.ge [sflag:s24], $0x50  }
0x222: {  	[sflag:s24] =	ssyncset.done $0x0  }
0x223: {  	p0 =	sne.s32 s30, $0x1;
	[sflag:s24] =	ssyncadd.s32 $0xFFFFFFB0  }
.Ltmp1:
0x224: {  	[bflag:$0x0] =	sbarrier.arrive $0xFFFF;
	(pc) =	sbr.rel @p0 .LBB2_1-.Ltmp1, $4  }
0x225: {  	s31 =	rddreg [dreg:$0x5]  }
0x226: {  	[hbm:s31@s26], [sflag:s25] =	dma.strided [spmem:s29@s28], $0x50, s24, $0x10   }
0x227: {  	_ =	swait.ge [sflag:s4], $0x50  }
0x228: {  	s30 =	sadd.s32 $0xFFFFFFFF, s30;
	[sflag:s4] =	ssyncset.done $0x0  }
.LBB2_2:
0x229: {  	[sflag:s4] =	ssyncadd.s32 $0xFFFFFFB0  }
0x22a: {  	_ =	sfence.sel $0x180000  }
0x22b: {  	[bflag:$0x0] =	sbarrier.arrive $0xFFFF  }
0x22c: {  	_ =	strace $0x90000047  }
0x22d: {  	[bflag:$0x2] =	sbarrier.arrive $0xFFFF  }
0x22e: {  	p0 =	sne.s32 s3, $0x0;
	s0 =	rddreg [dreg:$0x3]  }
0x22f: {  	s0 =	sadd.s32 @!p0 $0x100000, s0  }
0x230: {  	[sflag:s0] =	ssyncadd.tile.s32 @!p0 $0x1;
	_ =	shalt  }
.Lfunc_end2:
_tile_overlayer_lowered:
.L_overlay_start_2:
0x231: {  	(tag) =	ssettag $0x2  }
0x232: {  	s0 =	rddreg [dreg:$0x0];
	s2 =	stileid.u32  }
0x233: {  	s1 =	rddreg [dreg:$0x1];
	p0 =	sne.s32 s2, $0x0  }
0x234: {  	s3 =	rddreg [dreg:$0x2];
	[bflag:$0x3] =	sbarrier.arrive $0xFFFF;
	s2 =	simm.s32 @!p0 $0x1C02  }
0x235: {  	[timem:s3], [sflag:s2] =	dma.local @!p0 [hbm:s0], s1  }
0x236: {  	s0 =	simm.s32 @!p0 $0x2  }
0x237: {  	_ =	swait.ge @!p0 [sflag:s0], s1  }
0x238: {  	s1 =	ssub.s32 @!p0 $0x0, s1;
	[sflag:s0] =	ssyncset.done @!p0 $0x0  }
0x239: {  	[sflag:s0] =	ssyncadd.s32 @!p0 s1  }
0x23a: {  	[bflag:$0x3] =	sbarrier.arrive $0xFFFF  }
0x23b: {  	_ =	shalt  }

// kernel: kernel.9.cloned.1.call-start
scs
__scs_entry_jumppad:
0x0: {  	(pc) =	sbr.rel $0x88, $3  }
0x1: {  	(tag) =	ssettag $0x0;
	lr =	simm.s32 $0x1  }
0x2: {  	[smem:$0x3F9D] =	sst lr;
	_ =	strace $0xD0000000  }
0x3: {  	_ = 	snop  }
0x4: {  	_ = 	snop  }
0x5: {  	_ = 	snop  }
0x6: {  	_ = 	snop  }
0x7: {  	_ = 	snop  }
__scs_overlays_trampoline_lowered:
0x8: {  	[smem:$0x3FAC] =	sst s0  }
0x9: {  	[smem:$0x3FAD] =	sst s1  }
0xa: {  	[smem:$0x3FAE] =	sst s2  }
0xb: {  	[smem:$0x3FAF] =	sst s3  }
0xc: {  	[smem:$0x3FB0] =	sst s4  }
0xd: {  	[smem:$0x3FB1] =	sst s5  }
0xe: {  	[smem:$0x3FB2] =	sst s6  }
0xf: {  	[smem:$0x3FB3] =	sst s7  }
0x10: {  	[smem:$0x3FB4] =	sst s8  }
0x11: {  	[smem:$0x3FB5] =	sst s9;
	s0 =	simm.s32 @!p0 $0x0  }
0x12: {  	s1 =	sld [smem:$0x3F9B];
	s0 =	simm.s32 @p0 $0x1  }
0x13: {  	[smem:$0x3FB6] =	sst s0;
	s0 =	simm.s32 @!p1 $0x0  }
0x14: {  	s2 =	sld [smem:$0x3F9A];
	s0 =	simm.s32 @p1 $0x1  }
0x15: {  	[smem:$0x3FB7] =	sst s0;
	s0 =	simm.s32 @!p2 $0x0  }
0x16: {  	s3 =	sld [smem:$0x3FDB];
	s0 =	simm.s32 @p2 $0x1  }
0x17: {  	s4 =	simm.s32 $0x1BF5;
	[smem:$0x3FB9] =	sst s0  }
0x18: {  	s0 =	sld [smem:$0x3F9C];
	_ =	swait.ge [sflag:s4], $0x0  }
0x19: {  	s7 =	sld [smem:$0x3F9D]  }
0x1a: {  	s8 =	sadd.s32 $0xFFFFE003, lr  }
0x1b: {  	s9 =	sadd.s32 $0xFFFFFEF7, lr;
	s5 =	simm.s32 $0xFFFFFFFF;
	p2 =	slt.u32 s8, $0xFFFFF086  }
0x1c: {  	p1 =	slt.u32 s9, $0xF7A;
	s5 =	simm.s32 @!p2 $0x0  }
0x1d: {  	s5 =	simm.s32 @p1 $0x1;
	p0 =	seq.s32 s7, s2  }
0x1e: {  	s7 =	smul.u32 @!p0 $0xF7A, s2;
	p2 =	seq.s32 @!p0 s5, $0x0  }
0x1f: {  	s9 =	smul.u32 $0xF7A, s1;
	s8 =	simm.s32 @!p0 $0x1BF5;
	p2 =	por !p2, p0  }
0x20: {  	[sflag:s8] =	ssyncset.s32 @!p0 $0xFFFFF086;
	s6 =	sadd.s32 @!p0 s3, s7;
	s7 =	simm.s32 @!p0 $0x108  }
0x21: {  	s3 =	sadd.s32 s3, s9;
	s6 =	sadd.s32 @!p0 $0x88, s6;
	s7 =	simm.s32 @p2 $0x1082  }
0x22: {  	[simem:s7], [sflag:s8] =	dma.local @!p0 [hbm:s6], $0xF7A  }
0x23: {  	s9 =	sor.u32 $0xD0000000, s2;
	s6 =	simm.s32 $0x108;
	_ =	swait.ge @!p0 [sflag:s8], $0x0  }
0x24: {  	s3 =	sadd.s32 $0x88, s3;
	s6 =	simm.s32 @!p1 $0x1082;
	[sflag:s4] =	ssyncset.s32 $0xFFFFF086  }
0x25: {  	[simem:s6], [sflag:s4] =	dma.local [hbm:s3], $0xF7A  }
0x26: {  	[smem:$0x3F9D] =	sst s1;
	(tag) =	ssettag s2;
	_ =	strace s9  }
0x27: {  	s1 =	sld [smem:$0x3FAD]  }
0x28: {  	s2 =	sld [smem:$0x3FAE]  }
0x29: {  	s4 =	sld [smem:$0x3FB0]  }
0x2a: {  	p0 =	seq.s32 s5, $0x0;
	s5 =	sld [smem:$0x3FB1]  }
0x2b: {  	s6 =	sld [smem:$0x3FB2]  }
0x2c: {  	s7 =	sld [smem:$0x3FB3]  }
0x2d: {  	s3 =	simm.s32 $0x108;
	s8 =	sld [smem:$0x3FB4]  }
0x2e: {  	s3 =	simm.s32 @!p0 $0x1082;
	s9 =	sld [smem:$0x3FB5]  }
0x2f: {  	lr =	sadd.s32 s0, s3;
	s0 =	sld [smem:$0x3FAC]  }
0x30: {  	s3 =	sld [smem:$0x3FAF]  }
0x31: {  	[smem:$0x3FB8] =	sst s10  }
0x32: {  	s10 =	sld [smem:$0x3FB6];
	_ =	sdelay $0x3  }
0x33: {  	p0 =	seq.s32 s10, $0x1;
	s10 =	sld [smem:$0x3FB8];
	_ =	sdelay $0x3  }
0x34: {  	[smem:$0x3FB8] =	sst s10  }
0x35: {  	s10 =	sld [smem:$0x3FB7];
	_ =	sdelay $0x3  }
0x36: {  	p1 =	seq.s32 s10, $0x1;
	s10 =	sld [smem:$0x3FB8];
	_ =	sdelay $0x3  }
0x37: {  	[smem:$0x3FB8] =	sst s10  }
0x38: {  	s10 =	sld [smem:$0x3FB9]  }
0x39: {  	_ = 	snop;
	(pc) =	sbr.ind lr, $3  }
0x3a: {  	_ = 	snop  }
0x3b: {  	_ = 	snop  }
0x3c: {  	p2 =	seq.s32 s10, $0x1;
	s10 =	sld [smem:$0x3FB8]  }
0x3d: {  	_ =	shalt  }
0x3e: {  	_ =	shalt  }
0x3f: {  	_ =	shalt  }
0x40: {  	_ =	shalt  }
0x41: {  	_ =	shalt  }
0x42: {  	_ =	shalt  }
0x43: {  	_ =	shalt  }
0x44: {  	_ =	shalt  }
0x45: {  	_ =	shalt  }
0x46: {  	_ =	shalt  }
0x47: {  	_ =	shalt  }
0x48: {  	_ =	shalt  }
0x49: {  	_ =	shalt  }
0x4a: {  	_ =	shalt  }
0x4b: {  	_ =	shalt  }
0x4c: {  	_ =	shalt  }
0x4d: {  	_ =	shalt  }
0x4e: {  	_ =	shalt  }
0x4f: {  	_ =	shalt  }
0x50: {  	_ =	shalt  }
0x51: {  	_ =	shalt  }
0x52: {  	_ =	shalt  }
0x53: {  	_ =	shalt  }
0x54: {  	_ =	shalt  }
0x55: {  	_ =	shalt  }
0x56: {  	_ =	shalt  }
0x57: {  	_ =	shalt  }
0x58: {  	_ =	shalt  }
0x59: {  	_ =	shalt  }
0x5a: {  	_ =	shalt  }
0x5b: {  	_ =	shalt  }
0x5c: {  	_ =	shalt  }
0x5d: {  	_ =	shalt  }
0x5e: {  	_ =	shalt  }
0x5f: {  	_ =	shalt  }
0x60: {  	_ =	shalt  }
0x61: {  	_ =	shalt  }
0x62: {  	_ =	shalt  }
0x63: {  	_ =	shalt  }
0x64: {  	_ =	shalt  }
0x65: {  	_ =	shalt  }
0x66: {  	_ =	shalt  }
0x67: {  	_ =	shalt  }
0x68: {  	_ =	shalt  }
0x69: {  	_ =	shalt  }
0x6a: {  	_ =	shalt  }
0x6b: {  	_ =	shalt  }
0x6c: {  	_ =	shalt  }
0x6d: {  	_ =	shalt  }
0x6e: {  	_ =	shalt  }
0x6f: {  	_ =	shalt  }
0x70: {  	_ =	shalt  }
0x71: {  	_ =	shalt  }
0x72: {  	_ =	shalt  }
0x73: {  	_ =	shalt  }
0x74: {  	_ =	shalt  }
0x75: {  	_ =	shalt  }
0x76: {  	_ =	shalt  }
0x77: {  	_ =	shalt  }
0x78: {  	_ =	shalt  }
0x79: {  	_ =	shalt  }
0x7a: {  	_ =	shalt  }
0x7b: {  	_ =	shalt  }
0x7c: {  	_ =	shalt  }
0x7d: {  	_ =	shalt  }
0x7e: {  	_ =	shalt  }
0x7f: {  	_ =	shalt  }
0x80: {  	_ =	shalt  }
0x81: {  	_ =	shalt  }
0x82: {  	_ =	shalt  }
0x83: {  	_ =	shalt  }
0x84: {  	_ =	shalt  }
0x85: {  	_ =	shalt  }
0x86: {  	_ =	shalt  }
0x87: {  	_ =	shalt  }
.Lfunc_end0:
.L_simem_size_0:
called_computation.1_lowered:
.L_overlay_start_0:
0x88: {  	s2 =	sld [smem:$0x3FD9]  }
0x89: {  	s3 =	sld [smem:$0x3FFE];
	_ =	sdelay $0x1  }
0x8a: {  	s1 =	srdreg.scid  }
0x8b: {  	s0 =	sand.u32 $0x1, s1  }
0x8c: {  	s17 =	sshll.u32 s0, $0xA;
	s2 =	sadd.s32 s3, s2  }
0x8d: {  	s2 =	sadd.s32 s2, s17  }
0x8e: {  	[smem:$0x3FC4] =	sst s2  }
0x8f: {  	_ = 	snop  }
0x90: {  	s2 =	sld [smem:$0x3FD0];
	(tm) =	ssettm $0x1  }
0x91: {  	s18 =	sld [smem:$0x3FFB];
	_ =	sdelay $0x3  }
0x92: {  	_ =	strace s18  }
0x93: {  	s3 =	sld [smem:$0x3FFC];
	_ =	sdelay $0x3  }
0x94: {  	_ =	strace s3  }
0x95: {  	s3 =	sld [smem:$0x3FFD];
	_ =	sdelay $0x3  }
0x96: {  	_ =	strace s3  }
0x97: {  	_ =	strace $0x8FFFFFFF  }
0x98: {  	s19 =	sld [smem:$0x3FDB];
	_ =	sdelay $0x1  }
0x99: {  	s4 =	simm.s32 $_scs_section_size  }
0x9a: {  	s5 =	simm.s32 $_size__tile_overlayer_lowered;
	s6 =	simm.s32 $_tile_overlayer_lowered  }
0x9b: {  	s22 =	simm.s32 $0x1BFF;
	s21 =	sshll.u32 s6, $0x1;
	s3 =	sadd.s32 s4, s19  }
0x9c: {  	s7 =	simm.s32 $0x0;
	s20 =	sshll.u32 s5, $0x1;
	s5 =	sadd.s32 s21, s3  }
0x9d: {  	[timem:s7], [sflag:s22] =	dma.local [hbm:s5], s20  }
0x9e: {  	_ =	swait.ge [sflag:s22], s20  }
0x9f: {  	s4 =	ssub.s32 $0x0, s20;
	[sflag:s22] =	ssyncset.done $0x0  }
0xa0: {  	[sflag:s22] =	ssyncadd.s32 s4;
	_ =	sdelay $0x1  }
0xa1: {  	s23 =	simm.s32 $0x1B8B  }
0xa2: {  	_ =	swait.ge [sflag:s23], $0x1  }
0xa3: {  	[sflag:s23] =	ssyncset.done $0x0  }
0xa4: {  	s25 =	simm.s32 $0x1B8E;
	s24 =	sld [smem:$0x3FFE];
	[sflag:s23] =	ssyncadd.s32 $0xFFFFFFFF  }
0xa5: {  	s26 =	simm.s32 $execute0_lowered;
	[smem:$0x3FD2] =	sst s25  }
0xa6: {  	s5 =	sshll.u32 s26, $0x1;
	_ =	strace $0x80000049;
	[dreg:$0x1] =	wrdreg $0xFFFFFFFF  }
0xa7: {  	s28 =	simm.s32 $_size_execute0_lowered;
	s3 =	sadd.s32 s3, s5;
	[dreg:$0x0] =	wrdreg $0x0  }
0xa8: {  	s5 =	sshll.u32 s28, $0x1;
	[dreg:$0x2] =	wrdreg s3  }
0xa9: {  	[dreg:$0x3] =	wrdreg s5  }
0xaa: {  	[dreg:$0x4] =	wrdreg $0xC0  }
0xab: {  	_ =	task [dreg:s7], $0x5FFFF  }
0xac: {  	[dreg:$0x1] =	wrdreg $0xFFFFFFFF  }
0xad: {  	[dreg:$0x0] =	wrdreg $0x60  }
0xae: {  	[dreg:$0x2] =	wrdreg s2  }
0xaf: {  	[dreg:$0x3] =	wrdreg s24  }
0xb0: {  	[dreg:$0x4] =	wrdreg $0xA0000  }
0xb1: {  	[dreg:$0x5] =	wrdreg $0x9  }
0xb2: {  	_ =	task.clear_ibuf [dreg:s7], $0x6FFFF;
	_ =	strace $0x90000049  }
0xb3: {  	s29 =	simm.s32 $0x9;
	_ =	strace $0x8000004B  }
0xb4: {  	_ =	swait.ge [sflag:s29], $0x1  }
0xb5: {  	[sflag:s29] =	ssyncadd.s32 $0xFFFFFFFF  }
0xb6: {  	_ =	strace $0x9000004B  }
0xb7: {  	_ =	sfence  }
0xb8: {  	s30 =	sld [smem:$0x0];
	_ =	sdelay $0x2  }
0xb9: {  	s31 =	sshll.u32 s1, $0xD;
	s1 =	sshrl.u32 s1, $0x2  }
0xba: {  	s3 =	sand.u32 $0x4000, s31;
	s1 =	sadd.s32 s1, s30  }
0xbb: {  	s0 =	sor.u32 s3, s0;
	s1 =	sshll.u32 s1, $0x11  }
0xbc: {  	s0 =	sor.u32 s1, s0  }
0xbd: {  	s0 =	sadd.s32 $0x8F2B, s0  }
0xbe: {  	[sflag:s0] =	ssyncadd.remote.s32 $0x1  }
0xbf: {  	_ =	sfence.sel $0xFFFF  }
0xc0: {  	[dreg:$0x0] =	wrdreg $0xFFFFFFFF;
	(pc) =	sbr.abs _section_cstart, $3  }
0xc1: {  	[dreg:$0x1] =	wrdreg $0xFFFFFFFF  }
0xc2: {  	_ =	task.clear_ibuf [dreg:s7], $0x2FFFF;
	_ =	strace $0x9FFFFFFF  }
0xc3: {  	(tm) =	ssettm $0x7FFFFFFF  }
tec
execute0_lowered:
.L_overlay_start_1:
0x0: {  	(tag) =	ssettag $0x1  }
0x1: {  	s0 =	rddreg [dreg:$0x0]  }
0x2: {  	s1 =	rddreg [dreg:$0x1];
	s3 =	srdreg.scid  }
0x3: {  	s2 =	rddreg [dreg:$0x2];
	s16 =	stileid.u32;
	s12 =	simm.s32 $0x3  }
0x4: {  	s13 =	simm.s32 $0x1400;
	s14 =	simm.s32 $0x78;
	s6 =	smul.u32 $0x14000, s16  }
0x5: {  	s15 =	simm.s32 $0x2800;
	s19 =	simm.s32 $0x6400;
	s7 =	smul.u32 $0x2710, s16  }
0x6: {  	s20 =	simm.s32 $0x1;
	s31 =	simm.s32 $0xF78;
	s21 =	smul.u32 $0x50000, s16  }
0x7: {  	s18 =	simm.s32 $0x2558;
	s5 =	sand.u32 $0x1, s3;
	s11 =	smul.u32 $0x280, s16  }
0x8: {  	s28 =	simm.s32 $0x0;
	s3 =	simm.s32 $0x0;
	s4 =	smul.u32 $0x140000, s5  }
0x9: {  	s30 =	sshll.u32 s16, $0x6;
	[smem:$0x7FF] =	sst s3;
	s9 =	smul.u32 $0x2800, s5  }
0xa: {  	s5 =	ssub.s32 $0x2, s5;
	s16 =	sor.u32 $0x1C03, s30;
	_ =	strace $0x8000004A  }
0xb: {  	s8 =	sshrl.u32 s5, $0x1;
	s10 =	sshrl.u32 s7, $0x3;
	s24 =	sadd.s32 $0x1388, s7  }
0xc: {  	s7 =	sadd.s32 $0x28488, s7;
	s6 =	sadd.s32 s6, s4;
	s4 =	sadd.s32 $0x1400, s1  }
0xd: {  	s5 =	ssub.s32 s5, s8;
	s22 =	sadd.s32 s0, s10;
	s23 =	sadd.s32 s11, s9  }
0xe: {  	s25 =	sshrl.u32 s24, $0x3;
	s7 =	sshrl.u32 s7, $0x3;
	v0 =	vmov s9;
	s9 =	simm.s32 $0x2648  }
0xf: {  	s10 =	simm.s32 $0x11D0;
	s11 =	simm.s32 $0x1248;
	s24 =	simm.s32 $0x2738  }
0x10: {  	s6 =	sshrl.u32 s6, $0x3;
	[dreg:$0x4] =	wrdreg s22;
	s8 =	sadd.s32 $0x4E20, s22  }
0x11: {  	s29 =	smax.u32 s5, $0x1;
	s22 =	simm.s32 $0x2;
	s5 =	simm.s32 $0x10E0  }
0x12: {  	s1 =	sadd.s32 s6, s1;
	s6 =	sshrl.u32 s21, $0x2;
	[dreg:$0x5] =	wrdreg s8  }
0x13: {  	s8 =	sshll.u32 s23, $0x4;
	[dreg:$0xa] =	wrdreg s29;
	s21 =	simm.s32 $0x1158  }
0x14: {  	s23 =	simm.s32 $0x26C0;
	s6 =	sadd.s32 s6, s2;
	s8 =	sadd.s32 s4, s8  }
0x15: {  	s26 =	sadd.s32 $0x51400, s1;
	s1 =	simm.s32 $0xFF0;
	[dreg:$0x6] =	wrdreg s8  }
0x16: {  	s8 =	sadd.s32 s0, s25;
	s0 =	sadd.s32 s0, s7;
	[dreg:$0x9] =	wrdreg s26  }
0x17: {  	v6 =	vlaneseq.u32;
	s17 =	sshrl.u32 s6, $0x3;
	s6 =	simm.s32 $0x24E0;
	s7 =	simm.s32 $0x1068  }
0x18: {  	v1 =	vor.u32 $0x10, v6;
	v2 =	vor.u32 $0x2720, v6;
	v3 =	vor.u32 $0x20, v6;
	s25 =	simm.s32 $0x12C0;
	s26 =	simm.s32 $0x1338;
	[dreg:$0x7] =	wrdreg s8  }
0x19: {  	v4 =	vor.u32 $0x2730, v6;
	v5 =	vor.u32 $0x30, v6;
	v6 =	vor.u32 $0x2740, v6;
	[dreg:$0x8] =	wrdreg s0;
	s0 =	simm.s32 $0x2468;
	s8 =	simm.s32 $0x25D0  }
.LBB2_1:
0x1a: {  	[tilespmem:$0x2780] =	vst v1  }
0x1b: {  	[tilespmem:$0x1380] =	vst v2  }
0x1c: {  	[tilespmem:$0x2790] =	vst v3  }
0x1d: {  	[tilespmem:$0x1390] =	vst v4  }
0x1e: {  	[tilespmem:$0x27A0] =	vst v5  }
0x1f: {  	[tilespmem:$0x13A0] =	vst v6;
	s29 =	rddreg [dreg:$0x4]  }
0x20: {  	[tilespmem:s3], [sflag:$0x3] =	stream.linear.gather [hbm4b:s29+s3], $0x1388, $0x38;
	[tilespmem:$0x1E000] =	vst v63  }
0x21: {  	_ =	swait.ge [sflag:s12], $0x1388  }
0x22: {  	[sflag:s12] =	ssyncset.done $0x0  }
0x23: {  	s29 =	rddreg [dreg:$0x5];
	[sflag:s12] =	ssyncadd.s32 $0xFFFFEC78  }
0x24: {  	[tilespmem:s13], [sflag:$0x3] =	stream.linear.gather [hbm4b:s29+s3], $0x1388, $0x38;
	[tilespmem:$0x1E000] =	vst v63  }
0x25: {  	_ =	swait.ge [sflag:s12], $0x1388  }
0x26: {  	[sflag:s12] =	ssyncset.done $0x0  }
0x27: {  	s30 =	simm.s32 $0x40;
	s29 =	simm.s32 $0x0;
	[sflag:s12] =	ssyncadd.s32 $0xFFFFEC78  }
.LBB2_2:
0x28: {  	p0 =	sne.s32 s30, $0x4E80;
	v7 =	vld [tilespmem:s29+$0x1400];
	_ =	sdelay $0x1  }
.Ltmp0:
0x29: {  	(pc) =	sbr.rel @p0 .LBB2_2-.Ltmp0, $3  }
0x2a: {  	_ =	sdelay $0x1  }
0x2b: {  	v7 =	vadd.s32 v0, v7  }
0x2c: {  	[tilespmem:s29+$0x1400] =	vst v7;
	s29 =	sshra.s32 s30, $0x2;
	s30 =	sadd.s32 $0x40, s30  }
0x2d: {  	v7 =	vld [tilespmem:s29+$0x1400];
	_ =	sdelay $0x4  }
0x2e: {  	v7 =	vadd.s32 v0, v7  }
0x2f: {  	[tilespmem:s29+$0x1400] =	vst v7;
	s29 =	rddreg [dreg:$0x6]  }
0x30: {  	[tilespmem:s15], [sflag:$0x1] =	stream.indirect.gather [hbm4b:s4+s14], $0x80, s13, s14, $0xb8;
	[tilespmem:$0x1E000] =	vst v63  }
0x31: {  	[spmem:s17], [sflag:s16] =	dma.local [hbm:s29], $0x2800  }
0x32: {  	_ =	swait.ge [sflag:s12], $0x2800  }
0x33: {  	[sflag:s12] =	ssyncset.done $0x0  }
0x34: {  	[sflag:s12] =	ssyncadd.s32 $0xFFFFD800  }
0x35: {  	s29 =	simm.s32 $0x1478;
	[bflag:$0x0] =	sbarrier.arrive $0xFFFF  }
0x36: {  	[tilespmem:s19], [sflag:$0x2] =	stream.indirect.gather [hbm4b:s4+s14], $0x80, s29, s14, $0xb8;
	[tilespmem:$0x1E000] =	vst v63  }
0x37: {  	_ =	swait.ge [sflag:s20], $0x3C00  }
0x38: {  	[sflag:s20] =	ssyncset.done $0x0  }
0x39: {  	s29 =	simm.s32 $0x0;
	[sflag:s20] =	ssyncadd.s32 $0xFFFFC400  }
0x3a: {  	[spmem:s2] =	stream.indirect.scatter.add.f32 [tilespmem:s15], [sflag:$0x3], $0x80, s29, s14, $0xb8;
	[tilespmem:$0x1E000] =	vst v63  }
0x3b: {  	_ =	swait.ge [sflag:s12], $0x3C00  }
0x3c: {  	[sflag:s12] =	ssyncset.done $0x0  }
0x3d: {  	s30 =	simm.s32 $0x14F0;
	[sflag:s12] =	ssyncadd.s32 $0xFFFFC400  }
0x3e: {  	[tilespmem:s15], [sflag:$0x1] =	stream.indirect.gather [hbm4b:s4+s14], $0x80, s30, s14, $0xb8;
	[tilespmem:$0x1E000] =	vst v63  }
0x3f: {  	_ =	swait.ge [sflag:s22], $0x3C00  }
0x40: {  	[sflag:s22] =	ssyncset.done $0x0  }
0x41: {  	[sflag:s22] =	ssyncadd.s32 $0xFFFFC400  }
0x42: {  	[spmem:s2] =	stream.indirect.scatter.add.f32 [tilespmem:s19], [sflag:$0x3], $0x80, s14, s14, $0xb8;
	[tilespmem:$0x1E000] =	vst v63  }
0x43: {  	_ =	swait.ge [sflag:s12], $0x3C00  }
0x44: {  	[sflag:s12] =	ssyncset.done $0x0  }
0x45: {  	s30 =	simm.s32 $0x1568;
	[sflag:s12] =	ssyncadd.s32 $0xFFFFC400  }
0x46: {  	[tilespmem:s19], [sflag:$0x2] =	stream.indirect.gather [hbm4b:s4+s14], $0x80, s30, s14, $0xb8;
	[tilespmem:$0x1E000] =	vst v63  }
0x47: {  	_ =	swait.ge [sflag:s20], $0x3C00  }
0x48: {  	[sflag:s20] =	ssyncset.done $0x0  }
0x49: {  	s30 =	simm.s32 $0xF0;
	[sflag:s20] =	ssyncadd.s32 $0xFFFFC400  }
0x4a: {  	[spmem:s2] =	stream.indirect.scatter.add.f32 [tilespmem:s15], [sflag:$0x3], $0x80, s30, s14, $0xb8;
	[tilespmem:$0x1E000] =	vst v63  }
0x4b: {  	_ =	swait.ge [sflag:s12], $0x3C00  }
0x4c: {  	[sflag:s12] =	ssyncset.done $0x0  }
0x4d: {  	s30 =	simm.s32 $0x15E0;
	[sflag:s12] =	ssyncadd.s32 $0xFFFFC400  }
0x4e: {  	[tilespmem:s15], [sflag:$0x1] =	stream.indirect.gather [hbm4b:s4+s14], $0x80, s30, s14, $0xb8;
	[tilespmem:$0x1E000] =	vst v63  }
0x4f: {  	_ =	swait.ge [sflag:s22], $0x3C00  }
0x50: {  	[sflag:s22] =	ssyncset.done $0x0  }
0x51: {  	s30 =	simm.s32 $0x168;
	[sflag:s22] =	ssyncadd.s32 $0xFFFFC400  }
0x52: {  	[spmem:s2] =	stream.indirect.scatter.add.f32 [tilespmem:s19], [sflag:$0x3], $0x80, s30, s14, $0xb8;
	[tilespmem:$0x1E000] =	vst v63  }
0x53: {  	_ =	swait.ge [sflag:s12], $0x3C00  }
0x54: {  	[sflag:s12] =	ssyncset.done $0x0  }
0x55: {  	s30 =	simm.s32 $0x1658;
	[sflag:s12] =	ssyncadd.s32 $0xFFFFC400  }
0x56: {  	[tilespmem:s19], [sflag:$0x2] =	stream.indirect.gather [hbm4b:s4+s14], $0x80, s30, s14, $0xb8;
	[tilespmem:$0x1E000] =	vst v63  }
0x57: {  	_ =	swait.ge [sflag:s20], $0x3C00  }
0x58: {  	[sflag:s20] =	ssyncset.done $0x0  }
0x59: {  	s30 =	simm.s32 $0x1E0;
	[sflag:s20] =	ssyncadd.s32 $0xFFFFC400  }
0x5a: {  	[spmem:s2] =	stream.indirect.scatter.add.f32 [tilespmem:s15], [sflag:$0x3], $0x80, s30, s14, $0xb8;
	[tilespmem:$0x1E000] =	vst v63  }
0x5b: {  	_ =	swait.ge [sflag:s12], $0x3C00  }
0x5c: {  	[sflag:s12] =	ssyncset.done $0x0  }
0x5d: {  	s30 =	simm.s32 $0x16D0;
	[sflag:s12] =	ssyncadd.s32 $0xFFFFC400  }
0x5e: {  	[tilespmem:s15], [sflag:$0x1] =	stream.indirect.gather [hbm4b:s4+s14], $0x80, s30, s14, $0xb8;
	[tilespmem:$0x1E000] =	vst v63  }
0x5f: {  	_ =	swait.ge [sflag:s22], $0x3C00  }
0x60: {  	[sflag:s22] =	ssyncset.done $0x0  }
0x61: {  	s30 =	simm.s32 $0x258;
	[sflag:s22] =	ssyncadd.s32 $0xFFFFC400  }
0x62: {  	[spmem:s2] =	stream.indirect.scatter.add.f32 [tilespmem:s19], [sflag:$0x3], $0x80, s30, s14, $0xb8;
	[tilespmem:$0x1E000] =	vst v63  }
0x63: {  	_ =	swait.ge [sflag:s12], $0x3C00  }
0x64: {  	[sflag:s12] =	ssyncset.done $0x0  }
0x65: {  	s30 =	simm.s32 $0x1748;
	[sflag:s12] =	ssyncadd.s32 $0xFFFFC400  }
0x66: {  	[tilespmem:s19], [sflag:$0x2] =	stream.indirect.gather [hbm4b:s4+s14], $0x80, s30, s14, $0xb8;
	[tilespmem:$0x1E000] =	vst v63  }
0x67: {  	_ =	swait.ge [sflag:s20], $0x3C00  }
0x68: {  	[sflag:s20] =	ssyncset.done $0x0  }
0x69: {  	s30 =	simm.s32 $0x2D0;
	[sflag:s20] =	ssyncadd.s32 $0xFFFFC400  }
0x6a: {  	[spmem:s2] =	stream.indirect.scatter.add.f32 [tilespmem:s15], [sflag:$0x3], $0x80, s30, s14, $0xb8;
	[tilespmem:$0x1E000] =	vst v63  }
0x6b: {  	_ =	swait.ge [sflag:s12], $0x3C00  }
0x6c: {  	[sflag:s12] =	ssyncset.done $0x0  }
0x6d: {  	s30 =	simm.s32 $0x17C0;
	[sflag:s12] =	ssyncadd.s32 $0xFFFFC400  }
0x6e: {  	[tilespmem:s15], [sflag:$0x1] =	stream.indirect.gather [hbm4b:s4+s14], $0x80, s30, s14, $0xb8;
	[tilespmem:$0x1E000] =	vst v63  }
0x6f: {  	_ =	swait.ge [sflag:s22], $0x3C00  }
0x70: {  	[sflag:s22] =	ssyncset.done $0x0  }
0x71: {  	s30 =	simm.s32 $0x348;
	[sflag:s22] =	ssyncadd.s32 $0xFFFFC400  }
0x72: {  	[spmem:s2] =	stream.indirect.scatter.add.f32 [tilespmem:s19], [sflag:$0x3], $0x80, s30, s14, $0xb8;
	[tilespmem:$0x1E000] =	vst v63  }
0x73: {  	_ =	swait.ge [sflag:s12], $0x3C00  }
0x74: {  	[sflag:s12] =	ssyncset.done $0x0  }
0x75: {  	s30 =	simm.s32 $0x1838;
	[sflag:s12] =	ssyncadd.s32 $0xFFFFC400  }
0x76: {  	[tilespmem:s19], [sflag:$0x2] =	stream.indirect.gather [hbm4b:s4+s14], $0x80, s30, s14, $0xb8;
	[tilespmem:$0x1E000] =	vst v63  }
0x77: {  	_ =	swait.ge [sflag:s20], $0x3C00  }
0x78: {  	[sflag:s20] =	ssyncset.done $0x0  }
0x79: {  	s30 =	simm.s32 $0x3C0;
	[sflag:s20] =	ssyncadd.s32 $0xFFFFC400  }
0x7a: {  	[spmem:s2] =	stream.indirect.scatter.add.f32 [tilespmem:s15], [sflag:$0x3], $0x80, s30, s14, $0xb8;
	[tilespmem:$0x1E000] =	vst v63  }
0x7b: {  	_ =	swait.ge [sflag:s12], $0x3C00  }
0x7c: {  	[sflag:s12] =	ssyncset.done $0x0  }
0x7d: {  	s30 =	simm.s32 $0x18B0;
	[sflag:s12] =	ssyncadd.s32 $0xFFFFC400  }
0x7e: {  	[tilespmem:s15], [sflag:$0x1] =	stream.indirect.gather [hbm4b:s4+s14], $0x80, s30, s14, $0xb8;
	[tilespmem:$0x1E000] =	vst v63  }
0x7f: {  	_ =	swait.ge [sflag:s22], $0x3C00  }
0x80: {  	[sflag:s22] =	ssyncset.done $0x0  }
0x81: {  	s30 =	simm.s32 $0x438;
	[sflag:s22] =	ssyncadd.s32 $0xFFFFC400  }
0x82: {  	[spmem:s2] =	stream.indirect.scatter.add.f32 [tilespmem:s19], [sflag:$0x3], $0x80, s30, s14, $0xb8;
	[tilespmem:$0x1E000] =	vst v63  }
0x83: {  	_ =	swait.ge [sflag:s12], $0x3C00  }
0x84: {  	[sflag:s12] =	ssyncset.done $0x0  }
0x85: {  	s30 =	simm.s32 $0x1928;
	[sflag:s12] =	ssyncadd.s32 $0xFFFFC400  }
0x86: {  	[tilespmem:s19], [sflag:$0x2] =	stream.indirect.gather [hbm4b:s4+s14], $0x80, s30, s14, $0xb8;
	[tilespmem:$0x1E000] =	vst v63  }
0x87: {  	_ =	swait.ge [sflag:s20], $0x3C00  }
0x88: {  	[sflag:s20] =	ssyncset.done $0x0  }
0x89: {  	s30 =	simm.s32 $0x4B0;
	[sflag:s20] =	ssyncadd.s32 $0xFFFFC400  }
0x8a: {  	[spmem:s2] =	stream.indirect.scatter.add.f32 [tilespmem:s15], [sflag:$0x3], $0x80, s30, s14, $0xb8;
	[tilespmem:$0x1E000] =	vst v63  }
0x8b: {  	_ =	swait.ge [sflag:s12], $0x3C00  }
0x8c: {  	[sflag:s12] =	ssyncset.done $0x0  }
0x8d: {  	s30 =	simm.s32 $0x19A0;
	[sflag:s12] =	ssyncadd.s32 $0xFFFFC400  }
0x8e: {  	[tilespmem:s15], [sflag:$0x1] =	stream.indirect.gather [hbm4b:s4+s14], $0x80, s30, s14, $0xb8;
	[tilespmem:$0x1E000] =	vst v63  }
0x8f: {  	_ =	swait.ge [sflag:s22], $0x3C00  }
0x90: {  	[sflag:s22] =	ssyncset.done $0x0  }
0x91: {  	s30 =	simm.s32 $0x528;
	[sflag:s22] =	ssyncadd.s32 $0xFFFFC400  }
0x92: {  	[spmem:s2] =	stream.indirect.scatter.add.f32 [tilespmem:s19], [sflag:$0x3], $0x80, s30, s14, $0xb8;
	[tilespmem:$0x1E000] =	vst v63  }
0x93: {  	_ =	swait.ge [sflag:s12], $0x3C00  }
0x94: {  	[sflag:s12] =	ssyncset.done $0x0  }
0x95: {  	s30 =	simm.s32 $0x1A18;
	[sflag:s12] =	ssyncadd.s32 $0xFFFFC400  }
0x96: {  	[tilespmem:s19], [sflag:$0x2] =	stream.indirect.gather [hbm4b:s4+s14], $0x80, s30, s14, $0xb8;
	[tilespmem:$0x1E000] =	vst v63  }
0x97: {  	_ =	swait.ge [sflag:s20], $0x3C00  }
0x98: {  	[sflag:s20] =	ssyncset.done $0x0  }
0x99: {  	s30 =	simm.s32 $0x5A0;
	[sflag:s20] =	ssyncadd.s32 $0xFFFFC400  }
0x9a: {  	[spmem:s2] =	stream.indirect.scatter.add.f32 [tilespmem:s15], [sflag:$0x3], $0x80, s30, s14, $0xb8;
	[tilespmem:$0x1E000] =	vst v63  }
0x9b: {  	_ =	swait.ge [sflag:s12], $0x3C00  }
0x9c: {  	[sflag:s12] =	ssyncset.done $0x0  }
0x9d: {  	s30 =	simm.s32 $0x1A90;
	[sflag:s12] =	ssyncadd.s32 $0xFFFFC400  }
0x9e: {  	[tilespmem:s15], [sflag:$0x1] =	stream.indirect.gather [hbm4b:s4+s14], $0x80, s30, s14, $0xb8;
	[tilespmem:$0x1E000] =	vst v63  }
0x9f: {  	_ =	swait.ge [sflag:s22], $0x3C00  }
0xa0: {  	[sflag:s22] =	ssyncset.done $0x0  }
0xa1: {  	s30 =	simm.s32 $0x618;
	[sflag:s22] =	ssyncadd.s32 $0xFFFFC400  }
0xa2: {  	[spmem:s2] =	stream.indirect.scatter.add.f32 [tilespmem:s19], [sflag:$0x3], $0x80, s30, s14, $0xb8;
	[tilespmem:$0x1E000] =	vst v63  }
0xa3: {  	_ =	swait.ge [sflag:s12], $0x3C00  }
0xa4: {  	[sflag:s12] =	ssyncset.done $0x0  }
0xa5: {  	s30 =	simm.s32 $0x1B08;
	[sflag:s12] =	ssyncadd.s32 $0xFFFFC400  }
0xa6: {  	[tilespmem:s19], [sflag:$0x2] =	stream.indirect.gather [hbm4b:s4+s14], $0x80, s30, s14, $0xb8;
	[tilespmem:$0x1E000] =	vst v63  }
0xa7: {  	_ =	swait.ge [sflag:s20], $0x3C00  }
0xa8: {  	[sflag:s20] =	ssyncset.done $0x0  }
0xa9: {  	s30 =	simm.s32 $0x690;
	[sflag:s20] =	ssyncadd.s32 $0xFFFFC400  }
0xaa: {  	[spmem:s2] =	stream.indirect.scatter.add.f32 [tilespmem:s15], [sflag:$0x3], $0x80, s30, s14, $0xb8;
	[tilespmem:$0x1E000] =	vst v63  }
0xab: {  	_ =	swait.ge [sflag:s12], $0x3C00  }
0xac: {  	[sflag:s12] =	ssyncset.done $0x0  }
0xad: {  	s30 =	simm.s32 $0x1B80;
	[sflag:s12] =	ssyncadd.s32 $0xFFFFC400  }
0xae: {  	[tilespmem:s15], [sflag:$0x1] =	stream.indirect.gather [hbm4b:s4+s14], $0x80, s30, s14, $0xb8;
	[tilespmem:$0x1E000] =	vst v63  }
0xaf: {  	_ =	swait.ge [sflag:s22], $0x3C00  }
0xb0: {  	[sflag:s22] =	ssyncset.done $0x0  }
0xb1: {  	s30 =	simm.s32 $0x708;
	[sflag:s22] =	ssyncadd.s32 $0xFFFFC400  }
0xb2: {  	[spmem:s2] =	stream.indirect.scatter.add.f32 [tilespmem:s19], [sflag:$0x3], $0x80, s30, s14, $0xb8;
	[tilespmem:$0x1E000] =	vst v63  }
0xb3: {  	_ =	swait.ge [sflag:s12], $0x3C00  }
0xb4: {  	[sflag:s12] =	ssyncset.done $0x0  }
0xb5: {  	s30 =	simm.s32 $0x1BF8;
	[sflag:s12] =	ssyncadd.s32 $0xFFFFC400  }
0xb6: {  	[tilespmem:s19], [sflag:$0x2] =	stream.indirect.gather [hbm4b:s4+s14], $0x80, s30, s14, $0xb8;
	[tilespmem:$0x1E000] =	vst v63  }
0xb7: {  	_ =	swait.ge [sflag:s20], $0x3C00  }
0xb8: {  	[sflag:s20] =	ssyncset.done $0x0  }
0xb9: {  	s30 =	simm.s32 $0x780;
	[sflag:s20] =	ssyncadd.s32 $0xFFFFC400  }
0xba: {  	[spmem:s2] =	stream.indirect.scatter.add.f32 [tilespmem:s15], [sflag:$0x3], $0x80, s30, s14, $0xb8;
	[tilespmem:$0x1E000] =	vst v63  }
0xbb: {  	_ =	swait.ge [sflag:s12], $0x3C00  }
0xbc: {  	[sflag:s12] =	ssyncset.done $0x0  }
0xbd: {  	s30 =	simm.s32 $0x1C70;
	[sflag:s12] =	ssyncadd.s32 $0xFFFFC400  }
0xbe: {  	[tilespmem:s15], [sflag:$0x1] =	stream.indirect.gather [hbm4b:s4+s14], $0x80, s30, s14, $0xb8;
	[tilespmem:$0x1E000] =	vst v63  }
0xbf: {  	_ =	swait.ge [sflag:s22], $0x3C00  }
0xc0: {  	[sflag:s22] =	ssyncset.done $0x0  }
0xc1: {  	s30 =	simm.s32 $0x7F8;
	[sflag:s22] =	ssyncadd.s32 $0xFFFFC400  }
0xc2: {  	[spmem:s2] =	stream.indirect.scatter.add.f32 [tilespmem:s19], [sflag:$0x3], $0x80, s30, s14, $0xb8;
	[tilespmem:$0x1E000] =	vst v63  }
0xc3: {  	_ =	swait.ge [sflag:s12], $0x3C00  }
0xc4: {  	[sflag:s12] =	ssyncset.done $0x0  }
0xc5: {  	s30 =	simm.s32 $0x1CE8;
	[sflag:s12] =	ssyncadd.s32 $0xFFFFC400  }
0xc6: {  	[tilespmem:s19], [sflag:$0x2] =	stream.indirect.gather [hbm4b:s4+s14], $0x80, s30, s14, $0xb8;
	[tilespmem:$0x1E000] =	vst v63  }
0xc7: {  	_ =	swait.ge [sflag:s20], $0x3C00  }
0xc8: {  	[sflag:s20] =	ssyncset.done $0x0  }
0xc9: {  	s30 =	simm.s32 $0x870;
	[sflag:s20] =	ssyncadd.s32 $0xFFFFC400  }
0xca: {  	[spmem:s2] =	stream.indirect.scatter.add.f32 [tilespmem:s15], [sflag:$0x3], $0x80, s30, s14, $0xb8;
	[tilespmem:$0x1E000] =	vst v63  }
0xcb: {  	_ =	swait.ge [sflag:s12], $0x3C00  }
0xcc: {  	[sflag:s12] =	ssyncset.done $0x0  }
0xcd: {  	s30 =	simm.s32 $0x1D60;
	[sflag:s12] =	ssyncadd.s32 $0xFFFFC400  }
0xce: {  	[tilespmem:s15], [sflag:$0x1] =	stream.indirect.gather [hbm4b:s4+s14], $0x80, s30, s14, $0xb8;
	[tilespmem:$0x1E000] =	vst v63  }
0xcf: {  	_ =	swait.ge [sflag:s22], $0x3C00  }
0xd0: {  	[sflag:s22] =	ssyncset.done $0x0  }
0xd1: {  	s30 =	simm.s32 $0x8E8;
	[sflag:s22] =	ssyncadd.s32 $0xFFFFC400  }
0xd2: {  	[spmem:s2] =	stream.indirect.scatter.add.f32 [tilespmem:s19], [sflag:$0x3], $0x80, s30, s14, $0xb8;
	[tilespmem:$0x1E000] =	vst v63  }
0xd3: {  	_ =	swait.ge [sflag:s12], $0x3C00  }
0xd4: {  	[sflag:s12] =	ssyncset.done $0x0  }
0xd5: {  	s30 =	simm.s32 $0x1DD8;
	[sflag:s12] =	ssyncadd.s32 $0xFFFFC400  }
0xd6: {  	[tilespmem:s19], [sflag:$0x2] =	stream.indirect.gather [hbm4b:s4+s14], $0x80, s30, s14, $0xb8;
	[tilespmem:$0x1E000] =	vst v63  }
0xd7: {  	_ =	swait.ge [sflag:s20], $0x3C00  }
0xd8: {  	[sflag:s20] =	ssyncset.done $0x0  }
0xd9: {  	s30 =	simm.s32 $0x960;
	[sflag:s20] =	ssyncadd.s32 $0xFFFFC400  }
0xda: {  	[spmem:s2] =	stream.indirect.scatter.add.f32 [tilespmem:s15], [sflag:$0x3], $0x80, s30, s14, $0xb8;
	[tilespmem:$0x1E000] =	vst v63  }
0xdb: {  	_ =	swait.ge [sflag:s12], $0x3C00  }
0xdc: {  	[sflag:s12] =	ssyncset.done $0x0  }
0xdd: {  	s30 =	simm.s32 $0x1E50;
	[sflag:s12] =	ssyncadd.s32 $0xFFFFC400  }
0xde: {  	[tilespmem:s15], [sflag:$0x1] =	stream.indirect.gather [hbm4b:s4+s14], $0x80, s30, s14, $0xb8;
	[tilespmem:$0x1E000] =	vst v63  }
0xdf: {  	_ =	swait.ge [sflag:s22], $0x3C00  }
0xe0: {  	[sflag:s22] =	ssyncset.done $0x0  }
0xe1: {  	s30 =	simm.s32 $0x9D8;
	[sflag:s22] =	ssyncadd.s32 $0xFFFFC400  }
0xe2: {  	[spmem:s2] =	stream.indirect.scatter.add.f32 [tilespmem:s19], [sflag:$0x3], $0x80, s30, s14, $0xb8;
	[tilespmem:$0x1E000] =	vst v63  }
0xe3: {  	_ =	swait.ge [sflag:s12], $0x3C00  }
0xe4: {  	[sflag:s12] =	ssyncset.done $0x0  }
0xe5: {  	s30 =	simm.s32 $0x1EC8;
	[sflag:s12] =	ssyncadd.s32 $0xFFFFC400  }
0xe6: {  	[tilespmem:s19], [sflag:$0x2] =	stream.indirect.gather [hbm4b:s4+s14], $0x80, s30, s14, $0xb8;
	[tilespmem:$0x1E000] =	vst v63  }
0xe7: {  	_ =	swait.ge [sflag:s20], $0x3C00  }
0xe8: {  	[sflag:s20] =	ssyncset.done $0x0  }
0xe9: {  	s30 =	simm.s32 $0xA50;
	[sflag:s20] =	ssyncadd.s32 $0xFFFFC400  }
0xea: {  	[spmem:s2] =	stream.indirect.scatter.add.f32 [tilespmem:s15], [sflag:$0x3], $0x80, s30, s14, $0xb8;
	[tilespmem:$0x1E000] =	vst v63  }
0xeb: {  	_ =	swait.ge [sflag:s12], $0x3C00  }
0xec: {  	[sflag:s12] =	ssyncset.done $0x0  }
0xed: {  	s30 =	simm.s32 $0x1F40;
	[sflag:s12] =	ssyncadd.s32 $0xFFFFC400  }
0xee: {  	[tilespmem:s15], [sflag:$0x1] =	stream.indirect.gather [hbm4b:s4+s14], $0x80, s30, s14, $0xb8;
	[tilespmem:$0x1E000] =	vst v63  }
0xef: {  	_ =	swait.ge [sflag:s22], $0x3C00  }
0xf0: {  	[sflag:s22] =	ssyncset.done $0x0  }
0xf1: {  	s30 =	simm.s32 $0xAC8;
	[sflag:s22] =	ssyncadd.s32 $0xFFFFC400  }
0xf2: {  	[spmem:s2] =	stream.indirect.scatter.add.f32 [tilespmem:s19], [sflag:$0x3], $0x80, s30, s14, $0xb8;
	[tilespmem:$0x1E000] =	vst v63  }
0xf3: {  	_ =	swait.ge [sflag:s12], $0x3C00  }
0xf4: {  	[sflag:s12] =	ssyncset.done $0x0  }
0xf5: {  	s30 =	simm.s32 $0x1FB8;
	[sflag:s12] =	ssyncadd.s32 $0xFFFFC400  }
0xf6: {  	[tilespmem:s19], [sflag:$0x2] =	stream.indirect.gather [hbm4b:s4+s14], $0x80, s30, s14, $0xb8;
	[tilespmem:$0x1E000] =	vst v63  }
0xf7: {  	_ =	swait.ge [sflag:s20], $0x3C00  }
0xf8: {  	[sflag:s20] =	ssyncset.done $0x0  }
0xf9: {  	s30 =	simm.s32 $0xB40;
	[sflag:s20] =	ssyncadd.s32 $0xFFFFC400  }
0xfa: {  	[spmem:s2] =	stream.indirect.scatter.add.f32 [tilespmem:s15], [sflag:$0x3], $0x80, s30, s14, $0xb8;
	[tilespmem:$0x1E000] =	vst v63  }
0xfb: {  	_ =	swait.ge [sflag:s12], $0x3C00  }
0xfc: {  	[sflag:s12] =	ssyncset.done $0x0  }
0xfd: {  	s30 =	simm.s32 $0x2030;
	[sflag:s12] =	ssyncadd.s32 $0xFFFFC400  }
0xfe: {  	[tilespmem:s15], [sflag:$0x1] =	stream.indirect.gather [hbm4b:s4+s14], $0x80, s30, s14, $0xb8;
	[tilespmem:$0x1E000] =	vst v63  }
0xff: {  	_ =	swait.ge [sflag:s22], $0x3C00  }
0x100: {  	[sflag:s22] =	ssyncset.done $0x0  }
0x101: {  	s30 =	simm.s32 $0xBB8;
	[sflag:s22] =	ssyncadd.s32 $0xFFFFC400  }
0x102: {  	[spmem:s2] =	stream.indirect.scatter.add.f32 [tilespmem:s19], [sflag:$0x3], $0x80, s30, s14, $0xb8;
	[tilespmem:$0x1E000] =	vst v63  }
0x103: {  	_ =	swait.ge [sflag:s12], $0x3C00  }
0x104: {  	[sflag:s12] =	ssyncset.done $0x0  }
0x105: {  	s30 =	simm.s32 $0x20A8;
	[sflag:s12] =	ssyncadd.s32 $0xFFFFC400  }
0x106: {  	[tilespmem:s19], [sflag:$0x2] =	stream.indirect.gather [hbm4b:s4+s14], $0x80, s30, s14, $0xb8;
	[tilespmem:$0x1E000] =	vst v63  }
0x107: {  	_ =	swait.ge [sflag:s20], $0x3C00  }
0x108: {  	[sflag:s20] =	ssyncset.done $0x0  }
0x109: {  	s30 =	simm.s32 $0xC30;
	[sflag:s20] =	ssyncadd.s32 $0xFFFFC400  }
0x10a: {  	[spmem:s2] =	stream.indirect.scatter.add.f32 [tilespmem:s15], [sflag:$0x3], $0x80, s30, s14, $0xb8;
	[tilespmem:$0x1E000] =	vst v63  }
0x10b: {  	_ =	swait.ge [sflag:s12], $0x3C00  }
0x10c: {  	[sflag:s12] =	ssyncset.done $0x0  }
0x10d: {  	s30 =	simm.s32 $0x2120;
	[sflag:s12] =	ssyncadd.s32 $0xFFFFC400  }
0x10e: {  	[tilespmem:s15], [sflag:$0x1] =	stream.indirect.gather [hbm4b:s4+s14], $0x80, s30, s14, $0xb8;
	[tilespmem:$0x1E000] =	vst v63  }
0x10f: {  	_ =	swait.ge [sflag:s22], $0x3C00  }
0x110: {  	[sflag:s22] =	ssyncset.done $0x0  }
0x111: {  	s30 =	simm.s32 $0xCA8;
	[sflag:s22] =	ssyncadd.s32 $0xFFFFC400  }
0x112: {  	[spmem:s2] =	stream.indirect.scatter.add.f32 [tilespmem:s19], [sflag:$0x3], $0x80, s30, s14, $0xb8;
	[tilespmem:$0x1E000] =	vst v63  }
0x113: {  	_ =	swait.ge [sflag:s12], $0x3C00  }
0x114: {  	[sflag:s12] =	ssyncset.done $0x0  }
0x115: {  	s30 =	simm.s32 $0x2198;
	[sflag:s12] =	ssyncadd.s32 $0xFFFFC400  }
0x116: {  	[tilespmem:s19], [sflag:$0x2] =	stream.indirect.gather [hbm4b:s4+s14], $0x80, s30, s14, $0xb8;
	[tilespmem:$0x1E000] =	vst v63  }
0x117: {  	_ =	swait.ge [sflag:s20], $0x3C00  }
0x118: {  	[sflag:s20] =	ssyncset.done $0x0  }
0x119: {  	s30 =	simm.s32 $0xD20;
	[sflag:s20] =	ssyncadd.s32 $0xFFFFC400  }
0x11a: {  	[spmem:s2] =	stream.indirect.scatter.add.f32 [tilespmem:s15], [sflag:$0x3], $0x80, s30, s14, $0xb8;
	[tilespmem:$0x1E000] =	vst v63  }
0x11b: {  	_ =	swait.ge [sflag:s12], $0x3C00  }
0x11c: {  	[sflag:s12] =	ssyncset.done $0x0  }
0x11d: {  	s30 =	simm.s32 $0x2210;
	[sflag:s12] =	ssyncadd.s32 $0xFFFFC400  }
0x11e: {  	[tilespmem:s15], [sflag:$0x1] =	stream.indirect.gather [hbm4b:s4+s14], $0x80, s30, s14, $0xb8;
	[tilespmem:$0x1E000] =	vst v63  }
0x11f: {  	_ =	swait.ge [sflag:s22], $0x3C00  }
0x120: {  	[sflag:s22] =	ssyncset.done $0x0  }
0x121: {  	s30 =	simm.s32 $0xD98;
	[sflag:s22] =	ssyncadd.s32 $0xFFFFC400  }
0x122: {  	[spmem:s2] =	stream.indirect.scatter.add.f32 [tilespmem:s19], [sflag:$0x3], $0x80, s30, s14, $0xb8;
	[tilespmem:$0x1E000] =	vst v63  }
0x123: {  	_ =	swait.ge [sflag:s12], $0x3C00  }
0x124: {  	[sflag:s12] =	ssyncset.done $0x0  }
0x125: {  	s30 =	simm.s32 $0x2288;
	[sflag:s12] =	ssyncadd.s32 $0xFFFFC400  }
0x126: {  	[tilespmem:s19], [sflag:$0x2] =	stream.indirect.gather [hbm4b:s4+s14], $0x80, s30, s14, $0xb8;
	[tilespmem:$0x1E000] =	vst v63  }
0x127: {  	_ =	swait.ge [sflag:s20], $0x3C00  }
0x128: {  	[sflag:s20] =	ssyncset.done $0x0  }
0x129: {  	s30 =	simm.s32 $0xE10;
	[sflag:s20] =	ssyncadd.s32 $0xFFFFC400  }
0x12a: {  	[spmem:s2] =	stream.indirect.scatter.add.f32 [tilespmem:s15], [sflag:$0x3], $0x80, s30, s14, $0xb8;
	[tilespmem:$0x1E000] =	vst v63  }
0x12b: {  	_ =	swait.ge [sflag:s12], $0x3C00  }
0x12c: {  	[sflag:s12] =	ssyncset.done $0x0  }
0x12d: {  	s30 =	simm.s32 $0x2300;
	[sflag:s12] =	ssyncadd.s32 $0xFFFFC400  }
0x12e: {  	[tilespmem:s15], [sflag:$0x1] =	stream.indirect.gather [hbm4b:s4+s14], $0x80, s30, s14, $0xb8;
	[tilespmem:$0x1E000] =	vst v63  }
0x12f: {  	_ =	swait.ge [sflag:s22], $0x3C00  }
0x130: {  	[sflag:s22] =	ssyncset.done $0x0  }
0x131: {  	s30 =	simm.s32 $0xE88;
	[sflag:s22] =	ssyncadd.s32 $0xFFFFC400  }
0x132: {  	[spmem:s2] =	stream.indirect.scatter.add.f32 [tilespmem:s19], [sflag:$0x3], $0x80, s30, s14, $0xb8;
	[tilespmem:$0x1E000] =	vst v63  }
0x133: {  	_ =	swait.ge [sflag:s12], $0x3C00  }
0x134: {  	[sflag:s12] =	ssyncset.done $0x0  }
0x135: {  	s30 =	simm.s32 $0x2378;
	[sflag:s12] =	ssyncadd.s32 $0xFFFFC400  }
0x136: {  	[tilespmem:s19], [sflag:$0x2] =	stream.indirect.gather [hbm4b:s4+s14], $0x80, s30, s14, $0xb8;
	[tilespmem:$0x1E000] =	vst v63  }
0x137: {  	_ =	swait.ge [sflag:s20], $0x3C00  }
0x138: {  	[sflag:s20] =	ssyncset.done $0x0  }
0x139: {  	s30 =	simm.s32 $0xF00;
	[sflag:s20] =	ssyncadd.s32 $0xFFFFC400  }
0x13a: {  	[spmem:s2] =	stream.indirect.scatter.add.f32 [tilespmem:s15], [sflag:$0x3], $0x80, s30, s14, $0xb8;
	[tilespmem:$0x1E000] =	vst v63  }
0x13b: {  	_ =	swait.ge [sflag:s12], $0x3C00  }
0x13c: {  	[sflag:s12] =	ssyncset.done $0x0  }
0x13d: {  	s30 =	simm.s32 $0x23F0;
	[sflag:s12] =	ssyncadd.s32 $0xFFFFC400  }
0x13e: {  	[tilespmem:s15], [sflag:$0x1] =	stream.indirect.gather [hbm4b:s4+s14], $0x80, s30, s14, $0xb8;
	[tilespmem:$0x1E000] =	vst v63  }
0x13f: {  	_ =	swait.ge [sflag:s22], $0x3C00  }
0x140: {  	[sflag:s22] =	ssyncset.done $0x0  }
0x141: {  	[sflag:s22] =	ssyncadd.s32 $0xFFFFC400  }
0x142: {  	[spmem:s2] =	stream.indirect.scatter.add.f32 [tilespmem:s19], [sflag:$0x3], $0x80, s31, s14, $0xb8;
	[tilespmem:$0x1E000] =	vst v63  }
0x143: {  	_ =	swait.ge [sflag:s12], $0x3C00  }
0x144: {  	[sflag:s12] =	ssyncset.done $0x0  }
0x145: {  	[sflag:s12] =	ssyncadd.s32 $0xFFFFC400  }
0x146: {  	[tilespmem:s19], [sflag:$0x2] =	stream.indirect.gather [hbm4b:s4+s14], $0x80, s0, s14, $0xb8;
	[tilespmem:$0x1E000] =	vst v63  }
0x147: {  	_ =	swait.ge [sflag:s20], $0x3C00  }
0x148: {  	[sflag:s20] =	ssyncset.done $0x0  }
0x149: {  	[sflag:s20] =	ssyncadd.s32 $0xFFFFC400  }
0x14a: {  	[spmem:s2] =	stream.indirect.scatter.add.f32 [tilespmem:s15], [sflag:$0x3], $0x80, s1, s14, $0xb8;
	[tilespmem:$0x1E000] =	vst v63  }
0x14b: {  	_ =	swait.ge [sflag:s12], $0x3C00  }
0x14c: {  	[sflag:s12] =	ssyncset.done $0x0  }
0x14d: {  	[sflag:s12] =	ssyncadd.s32 $0xFFFFC400  }
0x14e: {  	[tilespmem:s15], [sflag:$0x1] =	stream.indirect.gather [hbm4b:s4+s14], $0x80, s6, s14, $0xb8;
	[tilespmem:$0x1E000] =	vst v63  }
0x14f: {  	_ =	swait.ge [sflag:s22], $0x3C00  }
0x150: {  	[sflag:s22] =	ssyncset.done $0x0  }
0x151: {  	[sflag:s22] =	ssyncadd.s32 $0xFFFFC400  }
0x152: {  	[spmem:s2] =	stream.indirect.scatter.add.f32 [tilespmem:s19], [sflag:$0x3], $0x80, s7, s14, $0xb8;
	[tilespmem:$0x1E000] =	vst v63  }
0x153: {  	_ =	swait.ge [sflag:s12], $0x3C00  }
0x154: {  	[sflag:s12] =	ssyncset.done $0x0  }
0x155: {  	[sflag:s12] =	ssyncadd.s32 $0xFFFFC400  }
0x156: {  	[tilespmem:s19], [sflag:$0x2] =	stream.indirect.gather [hbm4b:s4+s14], $0x80, s18, s14, $0xb8;
	[tilespmem:$0x1E000] =	vst v63  }
0x157: {  	_ =	swait.ge [sflag:s20], $0x3C00  }
0x158: {  	[sflag:s20] =	ssyncset.done $0x0  }
0x159: {  	[sflag:s20] =	ssyncadd.s32 $0xFFFFC400  }
0x15a: {  	[spmem:s2] =	stream.indirect.scatter.add.f32 [tilespmem:s15], [sflag:$0x3], $0x80, s5, s14, $0xb8;
	[tilespmem:$0x1E000] =	vst v63  }
0x15b: {  	_ =	swait.ge [sflag:s12], $0x3C00  }
0x15c: {  	[sflag:s12] =	ssyncset.done $0x0  }
0x15d: {  	[sflag:s12] =	ssyncadd.s32 $0xFFFFC400  }
0x15e: {  	[tilespmem:s15], [sflag:$0x1] =	stream.indirect.gather [hbm4b:s4+s14], $0x80, s8, s14, $0xb8;
	[tilespmem:$0x1E000] =	vst v63  }
0x15f: {  	_ =	swait.ge [sflag:s22], $0x3C00  }
0x160: {  	[sflag:s22] =	ssyncset.done $0x0  }
0x161: {  	[sflag:s22] =	ssyncadd.s32 $0xFFFFC400  }
0x162: {  	[spmem:s2] =	stream.indirect.scatter.add.f32 [tilespmem:s19], [sflag:$0x3], $0x80, s21, s14, $0xb8;
	[tilespmem:$0x1E000] =	vst v63  }
0x163: {  	_ =	swait.ge [sflag:s12], $0x3C00  }
0x164: {  	[sflag:s12] =	ssyncset.done $0x0  }
0x165: {  	[sflag:s12] =	ssyncadd.s32 $0xFFFFC400  }
0x166: {  	[tilespmem:s19], [sflag:$0x2] =	stream.indirect.gather [hbm4b:s4+s14], $0x80, s9, s14, $0xb8;
	[tilespmem:$0x1E000] =	vst v63  }
0x167: {  	_ =	swait.ge [sflag:s20], $0x3C00  }
0x168: {  	[sflag:s20] =	ssyncset.done $0x0  }
0x169: {  	[sflag:s20] =	ssyncadd.s32 $0xFFFFC400  }
0x16a: {  	[spmem:s2] =	stream.indirect.scatter.add.f32 [tilespmem:s15], [sflag:$0x3], $0x80, s10, s14, $0xb8;
	[tilespmem:$0x1E000] =	vst v63  }
0x16b: {  	_ =	swait.ge [sflag:s12], $0x3C00  }
0x16c: {  	[sflag:s12] =	ssyncset.done $0x0  }
0x16d: {  	[sflag:s12] =	ssyncadd.s32 $0xFFFFC400  }
0x16e: {  	[tilespmem:s15], [sflag:$0x1] =	stream.indirect.gather [hbm4b:s4+s14], $0x80, s23, s14, $0xb8;
	[tilespmem:$0x1E000] =	vst v63  }
0x16f: {  	_ =	swait.ge [sflag:s22], $0x3C00  }
0x170: {  	[sflag:s22] =	ssyncset.done $0x0  }
0x171: {  	[sflag:s22] =	ssyncadd.s32 $0xFFFFC400  }
0x172: {  	[spmem:s2] =	stream.indirect.scatter.add.f32 [tilespmem:s19], [sflag:$0x3], $0x80, s11, s14, $0xb8;
	[tilespmem:$0x1E000] =	vst v63  }
0x173: {  	_ =	swait.ge [sflag:s12], $0x3C00  }
0x174: {  	[sflag:s12] =	ssyncset.done $0x0  }
0x175: {  	[sflag:s12] =	ssyncadd.s32 $0xFFFFC400  }
0x176: {  	[tilespmem:s19], [sflag:$0x2] =	stream.indirect.gather [hbm4b:s4+s14], $0x80, s24, s14, $0xb8;
	[tilespmem:$0x1E000] =	vst v63  }
0x177: {  	_ =	swait.ge [sflag:s20], $0x3C00  }
0x178: {  	[sflag:s20] =	ssyncset.done $0x0  }
0x179: {  	[sflag:s20] =	ssyncadd.s32 $0xFFFFC400  }
0x17a: {  	[spmem:s2] =	stream.indirect.scatter.add.f32 [tilespmem:s15], [sflag:$0x3], $0x80, s25, s14, $0xb8;
	[tilespmem:$0x1E000] =	vst v63  }
0x17b: {  	_ =	swait.ge [sflag:s12], $0x3C00  }
0x17c: {  	[sflag:s12] =	ssyncset.done $0x0  }
0x17d: {  	[sflag:s12] =	ssyncadd.s32 $0xFFFFC400  }
0x17e: {  	_ =	swait.ge [sflag:s22], $0x3C00  }
0x17f: {  	[sflag:s22] =	ssyncset.done $0x0  }
0x180: {  	[sflag:s22] =	ssyncadd.s32 $0xFFFFC400  }
0x181: {  	[spmem:s2] =	stream.indirect.scatter.add.f32 [tilespmem:s19], [sflag:$0x3], $0x80, s26, s14, $0xb8;
	[tilespmem:$0x1E000] =	vst v63  }
0x182: {  	_ =	swait.ge [sflag:s12], $0x3C00  }
0x183: {  	[sflag:s12] =	ssyncset.done $0x0  }
0x184: {  	s30 =	rddreg [dreg:$0x7];
	[sflag:s12] =	ssyncadd.s32 $0xFFFFC400  }
0x185: {  	[tilespmem:s29], [sflag:$0x3] =	stream.linear.gather [hbm4b:s30+s29], $0x1388, $0x38;
	[tilespmem:$0x1E000] =	vst v63  }
0x186: {  	_ =	swait.ge [sflag:s12], $0x1388  }
0x187: {  	[sflag:s12] =	ssyncset.done $0x0  }
0x188: {  	s30 =	rddreg [dreg:$0x8];
	[sflag:s12] =	ssyncadd.s32 $0xFFFFEC78  }
0x189: {  	[tilespmem:s13], [sflag:$0x3] =	stream.linear.gather [hbm4b:s30+s29], $0x1388, $0x38;
	[tilespmem:$0x1E000] =	vst v63  }
0x18a: {  	_ =	swait.ge [sflag:s12], $0x1388  }
0x18b: {  	[sflag:s12] =	ssyncset.done $0x0  }
0x18c: {  	s29 =	simm.s32 $0x0;
	s30 =	simm.s32 $0x40;
	[sflag:s12] =	ssyncadd.s32 $0xFFFFEC78  }
.LBB2_4:
0x18d: {  	p0 =	sne.s32 s30, $0x4E80;
	v7 =	vld [tilespmem:s29+$0x1400];
	_ =	sdelay $0x1  }
.Ltmp1:
0x18e: {  	(pc) =	sbr.rel @p0 .LBB2_4-.Ltmp1, $3  }
0x18f: {  	_ =	sdelay $0x1  }
0x190: {  	v7 =	vadd.s32 v0, v7  }
0x191: {  	[tilespmem:s29+$0x1400] =	vst v7;
	s29 =	sshra.s32 s30, $0x2;
	s30 =	sadd.s32 $0x40, s30  }
0x192: {  	v7 =	vld [tilespmem:s29+$0x1400];
	_ =	sdelay $0x4  }
0x193: {  	v7 =	vadd.s32 v0, v7  }
0x194: {  	[tilespmem:s29+$0x1400] =	vst v7  }
0x195: {  	[tilespmem:s15], [sflag:$0x1] =	stream.indirect.gather [hbm4b:s4+s14], $0x80, s13, s14, $0xb8;
	[tilespmem:$0x1E000] =	vst v63  }
0x196: {  	s30 =	simm.s32 $0x1478  }
0x197: {  	[tilespmem:s19], [sflag:$0x2] =	stream.indirect.gather [hbm4b:s4+s14], $0x80, s30, s14, $0xb8;
	[tilespmem:$0x1E000] =	vst v63  }
0x198: {  	_ =	swait.ge [sflag:s20], $0x3C00  }
0x199: {  	[sflag:s20] =	ssyncset.done $0x0  }
0x19a: {  	[sflag:s20] =	ssyncadd.s32 $0xFFFFC400  }
0x19b: {  	[spmem:s2] =	stream.indirect.scatter.add.f32 [tilespmem:s15], [sflag:$0x3], $0x80, s3, s14, $0xb8;
	[tilespmem:$0x1E000] =	vst v63  }
0x19c: {  	_ =	swait.ge [sflag:s12], $0x3C00  }
0x19d: {  	[sflag:s12] =	ssyncset.done $0x0  }
0x19e: {  	s30 =	simm.s32 $0x14F0;
	[sflag:s12] =	ssyncadd.s32 $0xFFFFC400  }
0x19f: {  	[tilespmem:s15], [sflag:$0x1] =	stream.indirect.gather [hbm4b:s4+s14], $0x80, s30, s14, $0xb8;
	[tilespmem:$0x1E000] =	vst v63  }
0x1a0: {  	_ =	swait.ge [sflag:s22], $0x3C00  }
0x1a1: {  	[sflag:s22] =	ssyncset.done $0x0  }
0x1a2: {  	[sflag:s22] =	ssyncadd.s32 $0xFFFFC400  }
0x1a3: {  	[spmem:s2] =	stream.indirect.scatter.add.f32 [tilespmem:s19], [sflag:$0x3], $0x80, s14, s14, $0xb8;
	[tilespmem:$0x1E000] =	vst v63  }
0x1a4: {  	_ =	swait.ge [sflag:s12], $0x3C00  }
0x1a5: {  	[sflag:s12] =	ssyncset.done $0x0  }
0x1a6: {  	s30 =	simm.s32 $0x1568;
	[sflag:s12] =	ssyncadd.s32 $0xFFFFC400  }
0x1a7: {  	[tilespmem:s19], [sflag:$0x2] =	stream.indirect.gather [hbm4b:s4+s14], $0x80, s30, s14, $0xb8;
	[tilespmem:$0x1E000] =	vst v63  }
0x1a8: {  	_ =	swait.ge [sflag:s20], $0x3C00  }
0x1a9: {  	[sflag:s20] =	ssyncset.done $0x0  }
0x1aa: {  	s30 =	simm.s32 $0xF0;
	[sflag:s20] =	ssyncadd.s32 $0xFFFFC400  }
0x1ab: {  	[spmem:s2] =	stream.indirect.scatter.add.f32 [tilespmem:s15], [sflag:$0x3], $0x80, s30, s14, $0xb8;
	[tilespmem:$0x1E000] =	vst v63  }
0x1ac: {  	_ =	swait.ge [sflag:s12], $0x3C00  }
0x1ad: {  	[sflag:s12] =	ssyncset.done $0x0  }
0x1ae: {  	s30 =	simm.s32 $0x15E0;
	[sflag:s12] =	ssyncadd.s32 $0xFFFFC400  }
0x1af: {  	[tilespmem:s15], [sflag:$0x1] =	stream.indirect.gather [hbm4b:s4+s14], $0x80, s30, s14, $0xb8;
	[tilespmem:$0x1E000] =	vst v63  }
0x1b0: {  	_ =	swait.ge [sflag:s22], $0x3C00  }
0x1b1: {  	[sflag:s22] =	ssyncset.done $0x0  }
0x1b2: {  	s30 =	simm.s32 $0x168;
	[sflag:s22] =	ssyncadd.s32 $0xFFFFC400  }
0x1b3: {  	[spmem:s2] =	stream.indirect.scatter.add.f32 [tilespmem:s19], [sflag:$0x3], $0x80, s30, s14, $0xb8;
	[tilespmem:$0x1E000] =	vst v63  }
0x1b4: {  	_ =	swait.ge [sflag:s12], $0x3C00  }
0x1b5: {  	[sflag:s12] =	ssyncset.done $0x0  }
0x1b6: {  	s30 =	simm.s32 $0x1658;
	[sflag:s12] =	ssyncadd.s32 $0xFFFFC400  }
0x1b7: {  	[tilespmem:s19], [sflag:$0x2] =	stream.indirect.gather [hbm4b:s4+s14], $0x80, s30, s14, $0xb8;
	[tilespmem:$0x1E000] =	vst v63  }
0x1b8: {  	_ =	swait.ge [sflag:s20], $0x3C00  }
0x1b9: {  	[sflag:s20] =	ssyncset.done $0x0  }
0x1ba: {  	s30 =	simm.s32 $0x1E0;
	[sflag:s20] =	ssyncadd.s32 $0xFFFFC400  }
0x1bb: {  	[spmem:s2] =	stream.indirect.scatter.add.f32 [tilespmem:s15], [sflag:$0x3], $0x80, s30, s14, $0xb8;
	[tilespmem:$0x1E000] =	vst v63  }
0x1bc: {  	_ =	swait.ge [sflag:s12], $0x3C00  }
0x1bd: {  	[sflag:s12] =	ssyncset.done $0x0  }
0x1be: {  	s30 =	simm.s32 $0x16D0;
	[sflag:s12] =	ssyncadd.s32 $0xFFFFC400  }
0x1bf: {  	[tilespmem:s15], [sflag:$0x1] =	stream.indirect.gather [hbm4b:s4+s14], $0x80, s30, s14, $0xb8;
	[tilespmem:$0x1E000] =	vst v63  }
0x1c0: {  	_ =	swait.ge [sflag:s22], $0x3C00  }
0x1c1: {  	[sflag:s22] =	ssyncset.done $0x0  }
0x1c2: {  	s30 =	simm.s32 $0x258;
	[sflag:s22] =	ssyncadd.s32 $0xFFFFC400  }
0x1c3: {  	[spmem:s2] =	stream.indirect.scatter.add.f32 [tilespmem:s19], [sflag:$0x3], $0x80, s30, s14, $0xb8;
	[tilespmem:$0x1E000] =	vst v63  }
0x1c4: {  	_ =	swait.ge [sflag:s12], $0x3C00  }
0x1c5: {  	[sflag:s12] =	ssyncset.done $0x0  }
0x1c6: {  	s30 =	simm.s32 $0x1748;
	[sflag:s12] =	ssyncadd.s32 $0xFFFFC400  }
0x1c7: {  	[tilespmem:s19], [sflag:$0x2] =	stream.indirect.gather [hbm4b:s4+s14], $0x80, s30, s14, $0xb8;
	[tilespmem:$0x1E000] =	vst v63  }
0x1c8: {  	_ =	swait.ge [sflag:s20], $0x3C00  }
0x1c9: {  	[sflag:s20] =	ssyncset.done $0x0  }
0x1ca: {  	s30 =	simm.s32 $0x2D0;
	[sflag:s20] =	ssyncadd.s32 $0xFFFFC400  }
0x1cb: {  	[spmem:s2] =	stream.indirect.scatter.add.f32 [tilespmem:s15], [sflag:$0x3], $0x80, s30, s14, $0xb8;
	[tilespmem:$0x1E000] =	vst v63  }
0x1cc: {  	_ =	swait.ge [sflag:s12], $0x3C00  }
0x1cd: {  	[sflag:s12] =	ssyncset.done $0x0  }
0x1ce: {  	s30 =	simm.s32 $0x17C0;
	[sflag:s12] =	ssyncadd.s32 $0xFFFFC400  }
0x1cf: {  	[tilespmem:s15], [sflag:$0x1] =	stream.indirect.gather [hbm4b:s4+s14], $0x80, s30, s14, $0xb8;
	[tilespmem:$0x1E000] =	vst v63  }
0x1d0: {  	_ =	swait.ge [sflag:s22], $0x3C00  }
0x1d1: {  	[sflag:s22] =	ssyncset.done $0x0  }
0x1d2: {  	s30 =	simm.s32 $0x348;
	[sflag:s22] =	ssyncadd.s32 $0xFFFFC400  }
0x1d3: {  	[spmem:s2] =	stream.indirect.scatter.add.f32 [tilespmem:s19], [sflag:$0x3], $0x80, s30, s14, $0xb8;
	[tilespmem:$0x1E000] =	vst v63  }
0x1d4: {  	_ =	swait.ge [sflag:s12], $0x3C00  }
0x1d5: {  	[sflag:s12] =	ssyncset.done $0x0  }
0x1d6: {  	s30 =	simm.s32 $0x1838;
	[sflag:s12] =	ssyncadd.s32 $0xFFFFC400  }
0x1d7: {  	[tilespmem:s19], [sflag:$0x2] =	stream.indirect.gather [hbm4b:s4+s14], $0x80, s30, s14, $0xb8;
	[tilespmem:$0x1E000] =	vst v63  }
0x1d8: {  	_ =	swait.ge [sflag:s20], $0x3C00  }
0x1d9: {  	[sflag:s20] =	ssyncset.done $0x0  }
0x1da: {  	s30 =	simm.s32 $0x3C0;
	[sflag:s20] =	ssyncadd.s32 $0xFFFFC400  }
0x1db: {  	[spmem:s2] =	stream.indirect.scatter.add.f32 [tilespmem:s15], [sflag:$0x3], $0x80, s30, s14, $0xb8;
	[tilespmem:$0x1E000] =	vst v63  }
0x1dc: {  	_ =	swait.ge [sflag:s12], $0x3C00  }
0x1dd: {  	[sflag:s12] =	ssyncset.done $0x0  }
0x1de: {  	s30 =	simm.s32 $0x18B0;
	[sflag:s12] =	ssyncadd.s32 $0xFFFFC400  }
0x1df: {  	[tilespmem:s15], [sflag:$0x1] =	stream.indirect.gather [hbm4b:s4+s14], $0x80, s30, s14, $0xb8;
	[tilespmem:$0x1E000] =	vst v63  }
0x1e0: {  	_ =	swait.ge [sflag:s22], $0x3C00  }
0x1e1: {  	[sflag:s22] =	ssyncset.done $0x0  }
0x1e2: {  	s30 =	simm.s32 $0x438;
	[sflag:s22] =	ssyncadd.s32 $0xFFFFC400  }
0x1e3: {  	[spmem:s2] =	stream.indirect.scatter.add.f32 [tilespmem:s19], [sflag:$0x3], $0x80, s30, s14, $0xb8;
	[tilespmem:$0x1E000] =	vst v63  }
0x1e4: {  	_ =	swait.ge [sflag:s12], $0x3C00  }
0x1e5: {  	[sflag:s12] =	ssyncset.done $0x0  }
0x1e6: {  	s30 =	simm.s32 $0x1928;
	[sflag:s12] =	ssyncadd.s32 $0xFFFFC400  }
0x1e7: {  	[tilespmem:s19], [sflag:$0x2] =	stream.indirect.gather [hbm4b:s4+s14], $0x80, s30, s14, $0xb8;
	[tilespmem:$0x1E000] =	vst v63  }
0x1e8: {  	_ =	swait.ge [sflag:s20], $0x3C00  }
0x1e9: {  	[sflag:s20] =	ssyncset.done $0x0  }
0x1ea: {  	s30 =	simm.s32 $0x4B0;
	[sflag:s20] =	ssyncadd.s32 $0xFFFFC400  }
0x1eb: {  	[spmem:s2] =	stream.indirect.scatter.add.f32 [tilespmem:s15], [sflag:$0x3], $0x80, s30, s14, $0xb8;
	[tilespmem:$0x1E000] =	vst v63  }
0x1ec: {  	_ =	swait.ge [sflag:s12], $0x3C00  }
0x1ed: {  	[sflag:s12] =	ssyncset.done $0x0  }
0x1ee: {  	s30 =	simm.s32 $0x19A0;
	[sflag:s12] =	ssyncadd.s32 $0xFFFFC400  }
0x1ef: {  	[tilespmem:s15], [sflag:$0x1] =	stream.indirect.gather [hbm4b:s4+s14], $0x80, s30, s14, $0xb8;
	[tilespmem:$0x1E000] =	vst v63  }
0x1f0: {  	_ =	swait.ge [sflag:s22], $0x3C00  }
0x1f1: {  	[sflag:s22] =	ssyncset.done $0x0  }
0x1f2: {  	s30 =	simm.s32 $0x528;
	[sflag:s22] =	ssyncadd.s32 $0xFFFFC400  }
0x1f3: {  	[spmem:s2] =	stream.indirect.scatter.add.f32 [tilespmem:s19], [sflag:$0x3], $0x80, s30, s14, $0xb8;
	[tilespmem:$0x1E000] =	vst v63  }
0x1f4: {  	_ =	swait.ge [sflag:s12], $0x3C00  }
0x1f5: {  	[sflag:s12] =	ssyncset.done $0x0  }
0x1f6: {  	s30 =	simm.s32 $0x1A18;
	[sflag:s12] =	ssyncadd.s32 $0xFFFFC400  }
0x1f7: {  	[tilespmem:s19], [sflag:$0x2] =	stream.indirect.gather [hbm4b:s4+s14], $0x80, s30, s14, $0xb8;
	[tilespmem:$0x1E000] =	vst v63  }
0x1f8: {  	_ =	swait.ge [sflag:s20], $0x3C00  }
0x1f9: {  	[sflag:s20] =	ssyncset.done $0x0  }
0x1fa: {  	s30 =	simm.s32 $0x5A0;
	[sflag:s20] =	ssyncadd.s32 $0xFFFFC400  }
0x1fb: {  	[spmem:s2] =	stream.indirect.scatter.add.f32 [tilespmem:s15], [sflag:$0x3], $0x80, s30, s14, $0xb8;
	[tilespmem:$0x1E000] =	vst v63  }
0x1fc: {  	_ =	swait.ge [sflag:s12], $0x3C00  }
0x1fd: {  	[sflag:s12] =	ssyncset.done $0x0  }
0x1fe: {  	s30 =	simm.s32 $0x1A90;
	[sflag:s12] =	ssyncadd.s32 $0xFFFFC400  }
0x1ff: {  	[tilespmem:s15], [sflag:$0x1] =	stream.indirect.gather [hbm4b:s4+s14], $0x80, s30, s14, $0xb8;
	[tilespmem:$0x1E000] =	vst v63  }
0x200: {  	_ =	swait.ge [sflag:s22], $0x3C00  }
0x201: {  	[sflag:s22] =	ssyncset.done $0x0  }
0x202: {  	s30 =	simm.s32 $0x618;
	[sflag:s22] =	ssyncadd.s32 $0xFFFFC400  }
0x203: {  	[spmem:s2] =	stream.indirect.scatter.add.f32 [tilespmem:s19], [sflag:$0x3], $0x80, s30, s14, $0xb8;
	[tilespmem:$0x1E000] =	vst v63  }
0x204: {  	_ =	swait.ge [sflag:s12], $0x3C00  }
0x205: {  	[sflag:s12] =	ssyncset.done $0x0  }
0x206: {  	s30 =	simm.s32 $0x1B08;
	[sflag:s12] =	ssyncadd.s32 $0xFFFFC400  }
0x207: {  	[tilespmem:s19], [sflag:$0x2] =	stream.indirect.gather [hbm4b:s4+s14], $0x80, s30, s14, $0xb8;
	[tilespmem:$0x1E000] =	vst v63  }
0x208: {  	_ =	swait.ge [sflag:s20], $0x3C00  }
0x209: {  	[sflag:s20] =	ssyncset.done $0x0  }
0x20a: {  	s30 =	simm.s32 $0x690;
	[sflag:s20] =	ssyncadd.s32 $0xFFFFC400  }
0x20b: {  	[spmem:s2] =	stream.indirect.scatter.add.f32 [tilespmem:s15], [sflag:$0x3], $0x80, s30, s14, $0xb8;
	[tilespmem:$0x1E000] =	vst v63  }
0x20c: {  	_ =	swait.ge [sflag:s12], $0x3C00  }
0x20d: {  	[sflag:s12] =	ssyncset.done $0x0  }
0x20e: {  	s30 =	simm.s32 $0x1B80;
	[sflag:s12] =	ssyncadd.s32 $0xFFFFC400  }
0x20f: {  	[tilespmem:s15], [sflag:$0x1] =	stream.indirect.gather [hbm4b:s4+s14], $0x80, s30, s14, $0xb8;
	[tilespmem:$0x1E000] =	vst v63  }
0x210: {  	_ =	swait.ge [sflag:s22], $0x3C00  }
0x211: {  	[sflag:s22] =	ssyncset.done $0x0  }
0x212: {  	s30 =	simm.s32 $0x708;
	[sflag:s22] =	ssyncadd.s32 $0xFFFFC400  }
0x213: {  	[spmem:s2] =	stream.indirect.scatter.add.f32 [tilespmem:s19], [sflag:$0x3], $0x80, s30, s14, $0xb8;
	[tilespmem:$0x1E000] =	vst v63  }
0x214: {  	_ =	swait.ge [sflag:s12], $0x3C00  }
0x215: {  	[sflag:s12] =	ssyncset.done $0x0  }
0x216: {  	s30 =	simm.s32 $0x1BF8;
	[sflag:s12] =	ssyncadd.s32 $0xFFFFC400  }
0x217: {  	[tilespmem:s19], [sflag:$0x2] =	stream.indirect.gather [hbm4b:s4+s14], $0x80, s30, s14, $0xb8;
	[tilespmem:$0x1E000] =	vst v63  }
0x218: {  	_ =	swait.ge [sflag:s20], $0x3C00  }
0x219: {  	[sflag:s20] =	ssyncset.done $0x0  }
0x21a: {  	s30 =	simm.s32 $0x780;
	[sflag:s20] =	ssyncadd.s32 $0xFFFFC400  }
0x21b: {  	[spmem:s2] =	stream.indirect.scatter.add.f32 [tilespmem:s15], [sflag:$0x3], $0x80, s30, s14, $0xb8;
	[tilespmem:$0x1E000] =	vst v63  }
0x21c: {  	_ =	swait.ge [sflag:s12], $0x3C00  }
0x21d: {  	[sflag:s12] =	ssyncset.done $0x0  }
0x21e: {  	s30 =	simm.s32 $0x1C70;
	[sflag:s12] =	ssyncadd.s32 $0xFFFFC400  }
0x21f: {  	[tilespmem:s15], [sflag:$0x1] =	stream.indirect.gather [hbm4b:s4+s14], $0x80, s30, s14, $0xb8;
	[tilespmem:$0x1E000] =	vst v63  }
0x220: {  	_ =	swait.ge [sflag:s22], $0x3C00  }
0x221: {  	[sflag:s22] =	ssyncset.done $0x0  }
0x222: {  	s30 =	simm.s32 $0x7F8;
	[sflag:s22] =	ssyncadd.s32 $0xFFFFC400  }
0x223: {  	[spmem:s2] =	stream.indirect.scatter.add.f32 [tilespmem:s19], [sflag:$0x3], $0x80, s30, s14, $0xb8;
	[tilespmem:$0x1E000] =	vst v63  }
0x224: {  	_ =	swait.ge [sflag:s12], $0x3C00  }
0x225: {  	[sflag:s12] =	ssyncset.done $0x0  }
0x226: {  	s30 =	simm.s32 $0x1CE8;
	[sflag:s12] =	ssyncadd.s32 $0xFFFFC400  }
0x227: {  	[tilespmem:s19], [sflag:$0x2] =	stream.indirect.gather [hbm4b:s4+s14], $0x80, s30, s14, $0xb8;
	[tilespmem:$0x1E000] =	vst v63  }
0x228: {  	_ =	swait.ge [sflag:s20], $0x3C00  }
0x229: {  	[sflag:s20] =	ssyncset.done $0x0  }
0x22a: {  	s30 =	simm.s32 $0x870;
	[sflag:s20] =	ssyncadd.s32 $0xFFFFC400  }
0x22b: {  	[spmem:s2] =	stream.indirect.scatter.add.f32 [tilespmem:s15], [sflag:$0x3], $0x80, s30, s14, $0xb8;
	[tilespmem:$0x1E000] =	vst v63  }
0x22c: {  	_ =	swait.ge [sflag:s12], $0x3C00  }
0x22d: {  	[sflag:s12] =	ssyncset.done $0x0  }
0x22e: {  	s30 =	simm.s32 $0x1D60;
	[sflag:s12] =	ssyncadd.s32 $0xFFFFC400  }
0x22f: {  	[tilespmem:s15], [sflag:$0x1] =	stream.indirect.gather [hbm4b:s4+s14], $0x80, s30, s14, $0xb8;
	[tilespmem:$0x1E000] =	vst v63  }
0x230: {  	_ =	swait.ge [sflag:s22], $0x3C00  }
0x231: {  	[sflag:s22] =	ssyncset.done $0x0  }
0x232: {  	s30 =	simm.s32 $0x8E8;
	[sflag:s22] =	ssyncadd.s32 $0xFFFFC400  }
0x233: {  	[spmem:s2] =	stream.indirect.scatter.add.f32 [tilespmem:s19], [sflag:$0x3], $0x80, s30, s14, $0xb8;
	[tilespmem:$0x1E000] =	vst v63  }
0x234: {  	_ =	swait.ge [sflag:s12], $0x3C00  }
0x235: {  	[sflag:s12] =	ssyncset.done $0x0  }
0x236: {  	s30 =	simm.s32 $0x1DD8;
	[sflag:s12] =	ssyncadd.s32 $0xFFFFC400  }
0x237: {  	[tilespmem:s19], [sflag:$0x2] =	stream.indirect.gather [hbm4b:s4+s14], $0x80, s30, s14, $0xb8;
	[tilespmem:$0x1E000] =	vst v63  }
0x238: {  	_ =	swait.ge [sflag:s20], $0x3C00  }
0x239: {  	[sflag:s20] =	ssyncset.done $0x0  }
0x23a: {  	s30 =	simm.s32 $0x960;
	[sflag:s20] =	ssyncadd.s32 $0xFFFFC400  }
0x23b: {  	[spmem:s2] =	stream.indirect.scatter.add.f32 [tilespmem:s15], [sflag:$0x3], $0x80, s30, s14, $0xb8;
	[tilespmem:$0x1E000] =	vst v63  }
0x23c: {  	_ =	swait.ge [sflag:s12], $0x3C00  }
0x23d: {  	[sflag:s12] =	ssyncset.done $0x0  }
0x23e: {  	s30 =	simm.s32 $0x1E50;
	[sflag:s12] =	ssyncadd.s32 $0xFFFFC400  }
0x23f: {  	[tilespmem:s15], [sflag:$0x1] =	stream.indirect.gather [hbm4b:s4+s14], $0x80, s30, s14, $0xb8;
	[tilespmem:$0x1E000] =	vst v63  }
0x240: {  	_ =	swait.ge [sflag:s22], $0x3C00  }
0x241: {  	[sflag:s22] =	ssyncset.done $0x0  }
0x242: {  	s30 =	simm.s32 $0x9D8;
	[sflag:s22] =	ssyncadd.s32 $0xFFFFC400  }
0x243: {  	[spmem:s2] =	stream.indirect.scatter.add.f32 [tilespmem:s19], [sflag:$0x3], $0x80, s30, s14, $0xb8;
	[tilespmem:$0x1E000] =	vst v63  }
0x244: {  	_ =	swait.ge [sflag:s12], $0x3C00  }
0x245: {  	[sflag:s12] =	ssyncset.done $0x0  }
0x246: {  	s30 =	simm.s32 $0x1EC8;
	[sflag:s12] =	ssyncadd.s32 $0xFFFFC400  }
0x247: {  	[tilespmem:s19], [sflag:$0x2] =	stream.indirect.gather [hbm4b:s4+s14], $0x80, s30, s14, $0xb8;
	[tilespmem:$0x1E000] =	vst v63  }
0x248: {  	_ =	swait.ge [sflag:s20], $0x3C00  }
0x249: {  	[sflag:s20] =	ssyncset.done $0x0  }
0x24a: {  	s30 =	simm.s32 $0xA50;
	[sflag:s20] =	ssyncadd.s32 $0xFFFFC400  }
0x24b: {  	[spmem:s2] =	stream.indirect.scatter.add.f32 [tilespmem:s15], [sflag:$0x3], $0x80, s30, s14, $0xb8;
	[tilespmem:$0x1E000] =	vst v63  }
0x24c: {  	_ =	swait.ge [sflag:s12], $0x3C00  }
0x24d: {  	[sflag:s12] =	ssyncset.done $0x0  }
0x24e: {  	s30 =	simm.s32 $0x1F40;
	[sflag:s12] =	ssyncadd.s32 $0xFFFFC400  }
0x24f: {  	[tilespmem:s15], [sflag:$0x1] =	stream.indirect.gather [hbm4b:s4+s14], $0x80, s30, s14, $0xb8;
	[tilespmem:$0x1E000] =	vst v63  }
0x250: {  	_ =	swait.ge [sflag:s22], $0x3C00  }
0x251: {  	[sflag:s22] =	ssyncset.done $0x0  }
0x252: {  	s30 =	simm.s32 $0xAC8;
	[sflag:s22] =	ssyncadd.s32 $0xFFFFC400  }
0x253: {  	[spmem:s2] =	stream.indirect.scatter.add.f32 [tilespmem:s19], [sflag:$0x3], $0x80, s30, s14, $0xb8;
	[tilespmem:$0x1E000] =	vst v63  }
0x254: {  	_ =	swait.ge [sflag:s12], $0x3C00  }
0x255: {  	[sflag:s12] =	ssyncset.done $0x0  }
0x256: {  	s30 =	simm.s32 $0x1FB8;
	[sflag:s12] =	ssyncadd.s32 $0xFFFFC400  }
0x257: {  	[tilespmem:s19], [sflag:$0x2] =	stream.indirect.gather [hbm4b:s4+s14], $0x80, s30, s14, $0xb8;
	[tilespmem:$0x1E000] =	vst v63  }
0x258: {  	_ =	swait.ge [sflag:s20], $0x3C00  }
0x259: {  	[sflag:s20] =	ssyncset.done $0x0  }
0x25a: {  	s30 =	simm.s32 $0xB40;
	[sflag:s20] =	ssyncadd.s32 $0xFFFFC400  }
0x25b: {  	[spmem:s2] =	stream.indirect.scatter.add.f32 [tilespmem:s15], [sflag:$0x3], $0x80, s30, s14, $0xb8;
	[tilespmem:$0x1E000] =	vst v63  }
0x25c: {  	_ =	swait.ge [sflag:s12], $0x3C00  }
0x25d: {  	[sflag:s12] =	ssyncset.done $0x0  }
0x25e: {  	s30 =	simm.s32 $0x2030;
	[sflag:s12] =	ssyncadd.s32 $0xFFFFC400  }
0x25f: {  	[tilespmem:s15], [sflag:$0x1] =	stream.indirect.gather [hbm4b:s4+s14], $0x80, s30, s14, $0xb8;
	[tilespmem:$0x1E000] =	vst v63  }
0x260: {  	_ =	swait.ge [sflag:s22], $0x3C00  }
0x261: {  	[sflag:s22] =	ssyncset.done $0x0  }
0x262: {  	s30 =	simm.s32 $0xBB8;
	[sflag:s22] =	ssyncadd.s32 $0xFFFFC400  }
0x263: {  	[spmem:s2] =	stream.indirect.scatter.add.f32 [tilespmem:s19], [sflag:$0x3], $0x80, s30, s14, $0xb8;
	[tilespmem:$0x1E000] =	vst v63  }
0x264: {  	_ =	swait.ge [sflag:s12], $0x3C00  }
0x265: {  	[sflag:s12] =	ssyncset.done $0x0  }
0x266: {  	s30 =	simm.s32 $0x20A8;
	[sflag:s12] =	ssyncadd.s32 $0xFFFFC400  }
0x267: {  	[tilespmem:s19], [sflag:$0x2] =	stream.indirect.gather [hbm4b:s4+s14], $0x80, s30, s14, $0xb8;
	[tilespmem:$0x1E000] =	vst v63  }
0x268: {  	_ =	swait.ge [sflag:s20], $0x3C00  }
0x269: {  	[sflag:s20] =	ssyncset.done $0x0  }
0x26a: {  	s30 =	simm.s32 $0xC30;
	[sflag:s20] =	ssyncadd.s32 $0xFFFFC400  }
0x26b: {  	[spmem:s2] =	stream.indirect.scatter.add.f32 [tilespmem:s15], [sflag:$0x3], $0x80, s30, s14, $0xb8;
	[tilespmem:$0x1E000] =	vst v63  }
0x26c: {  	_ =	swait.ge [sflag:s12], $0x3C00  }
0x26d: {  	[sflag:s12] =	ssyncset.done $0x0  }
0x26e: {  	s30 =	simm.s32 $0x2120;
	[sflag:s12] =	ssyncadd.s32 $0xFFFFC400  }
0x26f: {  	[tilespmem:s15], [sflag:$0x1] =	stream.indirect.gather [hbm4b:s4+s14], $0x80, s30, s14, $0xb8;
	[tilespmem:$0x1E000] =	vst v63  }
0x270: {  	_ =	swait.ge [sflag:s22], $0x3C00  }
0x271: {  	[sflag:s22] =	ssyncset.done $0x0  }
0x272: {  	s30 =	simm.s32 $0xCA8;
	[sflag:s22] =	ssyncadd.s32 $0xFFFFC400  }
0x273: {  	[spmem:s2] =	stream.indirect.scatter.add.f32 [tilespmem:s19], [sflag:$0x3], $0x80, s30, s14, $0xb8;
	[tilespmem:$0x1E000] =	vst v63  }
0x274: {  	_ =	swait.ge [sflag:s12], $0x3C00  }
0x275: {  	[sflag:s12] =	ssyncset.done $0x0  }
0x276: {  	s30 =	simm.s32 $0x2198;
	[sflag:s12] =	ssyncadd.s32 $0xFFFFC400  }
0x277: {  	[tilespmem:s19], [sflag:$0x2] =	stream.indirect.gather [hbm4b:s4+s14], $0x80, s30, s14, $0xb8;
	[tilespmem:$0x1E000] =	vst v63  }
0x278: {  	_ =	swait.ge [sflag:s20], $0x3C00  }
0x279: {  	[sflag:s20] =	ssyncset.done $0x0  }
0x27a: {  	s30 =	simm.s32 $0xD20;
	[sflag:s20] =	ssyncadd.s32 $0xFFFFC400  }
0x27b: {  	[spmem:s2] =	stream.indirect.scatter.add.f32 [tilespmem:s15], [sflag:$0x3], $0x80, s30, s14, $0xb8;
	[tilespmem:$0x1E000] =	vst v63  }
0x27c: {  	_ =	swait.ge [sflag:s12], $0x3C00  }
0x27d: {  	[sflag:s12] =	ssyncset.done $0x0  }
0x27e: {  	s30 =	simm.s32 $0x2210;
	[sflag:s12] =	ssyncadd.s32 $0xFFFFC400  }
0x27f: {  	[tilespmem:s15], [sflag:$0x1] =	stream.indirect.gather [hbm4b:s4+s14], $0x80, s30, s14, $0xb8;
	[tilespmem:$0x1E000] =	vst v63  }
0x280: {  	_ =	swait.ge [sflag:s22], $0x3C00  }
0x281: {  	[sflag:s22] =	ssyncset.done $0x0  }
0x282: {  	s30 =	simm.s32 $0xD98;
	[sflag:s22] =	ssyncadd.s32 $0xFFFFC400  }
0x283: {  	[spmem:s2] =	stream.indirect.scatter.add.f32 [tilespmem:s19], [sflag:$0x3], $0x80, s30, s14, $0xb8;
	[tilespmem:$0x1E000] =	vst v63  }
0x284: {  	_ =	swait.ge [sflag:s12], $0x3C00  }
0x285: {  	[sflag:s12] =	ssyncset.done $0x0  }
0x286: {  	s30 =	simm.s32 $0x2288;
	[sflag:s12] =	ssyncadd.s32 $0xFFFFC400  }
0x287: {  	[tilespmem:s19], [sflag:$0x2] =	stream.indirect.gather [hbm4b:s4+s14], $0x80, s30, s14, $0xb8;
	[tilespmem:$0x1E000] =	vst v63  }
0x288: {  	_ =	swait.ge [sflag:s20], $0x3C00  }
0x289: {  	[sflag:s20] =	ssyncset.done $0x0  }
0x28a: {  	s30 =	simm.s32 $0xE10;
	[sflag:s20] =	ssyncadd.s32 $0xFFFFC400  }
0x28b: {  	[spmem:s2] =	stream.indirect.scatter.add.f32 [tilespmem:s15], [sflag:$0x3], $0x80, s30, s14, $0xb8;
	[tilespmem:$0x1E000] =	vst v63  }
0x28c: {  	_ =	swait.ge [sflag:s12], $0x3C00  }
0x28d: {  	[sflag:s12] =	ssyncset.done $0x0  }
0x28e: {  	s30 =	simm.s32 $0x2300;
	[sflag:s12] =	ssyncadd.s32 $0xFFFFC400  }
0x28f: {  	[tilespmem:s15], [sflag:$0x1] =	stream.indirect.gather [hbm4b:s4+s14], $0x80, s30, s14, $0xb8;
	[tilespmem:$0x1E000] =	vst v63  }
0x290: {  	_ =	swait.ge [sflag:s22], $0x3C00  }
0x291: {  	[sflag:s22] =	ssyncset.done $0x0  }
0x292: {  	s30 =	simm.s32 $0xE88;
	[sflag:s22] =	ssyncadd.s32 $0xFFFFC400  }
0x293: {  	[spmem:s2] =	stream.indirect.scatter.add.f32 [tilespmem:s19], [sflag:$0x3], $0x80, s30, s14, $0xb8;
	[tilespmem:$0x1E000] =	vst v63  }
0x294: {  	_ =	swait.ge [sflag:s12], $0x3C00  }
0x295: {  	[sflag:s12] =	ssyncset.done $0x0  }
0x296: {  	s30 =	simm.s32 $0x2378;
	[sflag:s12] =	ssyncadd.s32 $0xFFFFC400  }
0x297: {  	[tilespmem:s19], [sflag:$0x2] =	stream.indirect.gather [hbm4b:s4+s14], $0x80, s30, s14, $0xb8;
	[tilespmem:$0x1E000] =	vst v63  }
0x298: {  	_ =	swait.ge [sflag:s20], $0x3C00  }
0x299: {  	[sflag:s20] =	ssyncset.done $0x0  }
0x29a: {  	s30 =	simm.s32 $0xF00;
	[sflag:s20] =	ssyncadd.s32 $0xFFFFC400  }
0x29b: {  	[spmem:s2] =	stream.indirect.scatter.add.f32 [tilespmem:s15], [sflag:$0x3], $0x80, s30, s14, $0xb8;
	[tilespmem:$0x1E000] =	vst v63  }
0x29c: {  	_ =	swait.ge [sflag:s12], $0x3C00  }
0x29d: {  	[sflag:s12] =	ssyncset.done $0x0  }
0x29e: {  	s30 =	simm.s32 $0x23F0;
	[sflag:s12] =	ssyncadd.s32 $0xFFFFC400  }
0x29f: {  	[tilespmem:s15], [sflag:$0x1] =	stream.indirect.gather [hbm4b:s4+s14], $0x80, s30, s14, $0xb8;
	[tilespmem:$0x1E000] =	vst v63  }
0x2a0: {  	_ =	swait.ge [sflag:s22], $0x3C00  }
0x2a1: {  	[sflag:s22] =	ssyncset.done $0x0  }
0x2a2: {  	[sflag:s22] =	ssyncadd.s32 $0xFFFFC400  }
0x2a3: {  	[spmem:s2] =	stream.indirect.scatter.add.f32 [tilespmem:s19], [sflag:$0x3], $0x80, s31, s14, $0xb8;
	[tilespmem:$0x1E000] =	vst v63  }
0x2a4: {  	_ =	swait.ge [sflag:s12], $0x3C00  }
0x2a5: {  	[sflag:s12] =	ssyncset.done $0x0  }
0x2a6: {  	[sflag:s12] =	ssyncadd.s32 $0xFFFFC400  }
0x2a7: {  	[tilespmem:s19], [sflag:$0x2] =	stream.indirect.gather [hbm4b:s4+s14], $0x80, s0, s14, $0xb8;
	[tilespmem:$0x1E000] =	vst v63  }
0x2a8: {  	_ =	swait.ge [sflag:s20], $0x3C00  }
0x2a9: {  	[sflag:s20] =	ssyncset.done $0x0  }
0x2aa: {  	[sflag:s20] =	ssyncadd.s32 $0xFFFFC400  }
0x2ab: {  	[spmem:s2] =	stream.indirect.scatter.add.f32 [tilespmem:s15], [sflag:$0x3], $0x80, s1, s14, $0xb8;
	[tilespmem:$0x1E000] =	vst v63  }
0x2ac: {  	_ =	swait.ge [sflag:s12], $0x3C00  }
0x2ad: {  	[sflag:s12] =	ssyncset.done $0x0  }
0x2ae: {  	[sflag:s12] =	ssyncadd.s32 $0xFFFFC400  }
0x2af: {  	[tilespmem:s15], [sflag:$0x1] =	stream.indirect.gather [hbm4b:s4+s14], $0x80, s6, s14, $0xb8;
	[tilespmem:$0x1E000] =	vst v63  }
0x2b0: {  	_ =	swait.ge [sflag:s22], $0x3C00  }
0x2b1: {  	[sflag:s22] =	ssyncset.done $0x0  }
0x2b2: {  	[sflag:s22] =	ssyncadd.s32 $0xFFFFC400  }
0x2b3: {  	[spmem:s2] =	stream.indirect.scatter.add.f32 [tilespmem:s19], [sflag:$0x3], $0x80, s7, s14, $0xb8;
	[tilespmem:$0x1E000] =	vst v63  }
0x2b4: {  	_ =	swait.ge [sflag:s12], $0x3C00  }
0x2b5: {  	[sflag:s12] =	ssyncset.done $0x0  }
0x2b6: {  	[sflag:s12] =	ssyncadd.s32 $0xFFFFC400  }
0x2b7: {  	[tilespmem:s19], [sflag:$0x2] =	stream.indirect.gather [hbm4b:s4+s14], $0x80, s18, s14, $0xb8;
	[tilespmem:$0x1E000] =	vst v63  }
0x2b8: {  	_ =	swait.ge [sflag:s20], $0x3C00  }
0x2b9: {  	[sflag:s20] =	ssyncset.done $0x0  }
0x2ba: {  	[sflag:s20] =	ssyncadd.s32 $0xFFFFC400  }
0x2bb: {  	[spmem:s2] =	stream.indirect.scatter.add.f32 [tilespmem:s15], [sflag:$0x3], $0x80, s5, s14, $0xb8;
	[tilespmem:$0x1E000] =	vst v63  }
0x2bc: {  	_ =	swait.ge [sflag:s12], $0x3C00  }
0x2bd: {  	[sflag:s12] =	ssyncset.done $0x0  }
0x2be: {  	[sflag:s12] =	ssyncadd.s32 $0xFFFFC400  }
0x2bf: {  	[tilespmem:s15], [sflag:$0x1] =	stream.indirect.gather [hbm4b:s4+s14], $0x80, s8, s14, $0xb8;
	[tilespmem:$0x1E000] =	vst v63  }
0x2c0: {  	_ =	swait.ge [sflag:s22], $0x3C00  }
0x2c1: {  	[sflag:s22] =	ssyncset.done $0x0  }
0x2c2: {  	[sflag:s22] =	ssyncadd.s32 $0xFFFFC400  }
0x2c3: {  	[spmem:s2] =	stream.indirect.scatter.add.f32 [tilespmem:s19], [sflag:$0x3], $0x80, s21, s14, $0xb8;
	[tilespmem:$0x1E000] =	vst v63  }
0x2c4: {  	_ =	swait.ge [sflag:s12], $0x3C00  }
0x2c5: {  	[sflag:s12] =	ssyncset.done $0x0  }
0x2c6: {  	[sflag:s12] =	ssyncadd.s32 $0xFFFFC400  }
0x2c7: {  	[tilespmem:s19], [sflag:$0x2] =	stream.indirect.gather [hbm4b:s4+s14], $0x80, s9, s14, $0xb8;
	[tilespmem:$0x1E000] =	vst v63  }
0x2c8: {  	_ =	swait.ge [sflag:s20], $0x3C00  }
0x2c9: {  	[sflag:s20] =	ssyncset.done $0x0  }
0x2ca: {  	[sflag:s20] =	ssyncadd.s32 $0xFFFFC400  }
0x2cb: {  	[spmem:s2] =	stream.indirect.scatter.add.f32 [tilespmem:s15], [sflag:$0x3], $0x80, s10, s14, $0xb8;
	[tilespmem:$0x1E000] =	vst v63  }
0x2cc: {  	_ =	swait.ge [sflag:s12], $0x3C00  }
0x2cd: {  	[sflag:s12] =	ssyncset.done $0x0  }
0x2ce: {  	[sflag:s12] =	ssyncadd.s32 $0xFFFFC400  }
0x2cf: {  	[tilespmem:s15], [sflag:$0x1] =	stream.indirect.gather [hbm4b:s4+s14], $0x80, s23, s14, $0xb8;
	[tilespmem:$0x1E000] =	vst v63  }
0x2d0: {  	_ =	swait.ge [sflag:s22], $0x3C00  }
0x2d1: {  	[sflag:s22] =	ssyncset.done $0x0  }
0x2d2: {  	[sflag:s22] =	ssyncadd.s32 $0xFFFFC400  }
0x2d3: {  	[spmem:s2] =	stream.indirect.scatter.add.f32 [tilespmem:s19], [sflag:$0x3], $0x80, s11, s14, $0xb8;
	[tilespmem:$0x1E000] =	vst v63  }
0x2d4: {  	_ =	swait.ge [sflag:s12], $0x3C00  }
0x2d5: {  	[sflag:s12] =	ssyncset.done $0x0  }
0x2d6: {  	[sflag:s12] =	ssyncadd.s32 $0xFFFFC400  }
0x2d7: {  	[tilespmem:s19], [sflag:$0x2] =	stream.indirect.gather [hbm4b:s4+s14], $0x80, s24, s14, $0xb8;
	[tilespmem:$0x1E000] =	vst v63  }
0x2d8: {  	_ =	swait.ge [sflag:s20], $0x3C00  }
0x2d9: {  	[sflag:s20] =	ssyncset.done $0x0  }
0x2da: {  	[sflag:s20] =	ssyncadd.s32 $0xFFFFC400  }
0x2db: {  	[spmem:s2] =	stream.indirect.scatter.add.f32 [tilespmem:s15], [sflag:$0x3], $0x80, s25, s14, $0xb8;
	[tilespmem:$0x1E000] =	vst v63  }
0x2dc: {  	_ =	swait.ge [sflag:s12], $0x3C00  }
0x2dd: {  	[sflag:s12] =	ssyncset.done $0x0  }
0x2de: {  	[sflag:s12] =	ssyncadd.s32 $0xFFFFC400  }
0x2df: {  	_ =	swait.ge [sflag:s22], $0x3C00  }
0x2e0: {  	[sflag:s22] =	ssyncset.done $0x0  }
0x2e1: {  	[sflag:s22] =	ssyncadd.s32 $0xFFFFC400  }
0x2e2: {  	[spmem:s2] =	stream.indirect.scatter.add.f32 [tilespmem:s19], [sflag:$0x3], $0x80, s26, s14, $0xb8;
	[tilespmem:$0x1E000] =	vst v63  }
0x2e3: {  	_ =	swait.ge [sflag:s12], $0x3C00  }
0x2e4: {  	[sflag:s12] =	ssyncset.done $0x0  }
0x2e5: {  	[sflag:s12] =	ssyncadd.s32 $0xFFFFC400  }
0x2e6: {  	[bflag:$0x0] =	sbarrier.arrive $0xFFFF  }
0x2e7: {  	s30 =	rddreg [dreg:$0x9]  }
0x2e8: {  	[hbm:s30], [sflag:s16] =	dma.local [spmem:s17], $0x2800  }
0x2e9: {  	_ =	swait.ge [sflag:s12], $0x2800  }
0x2ea: {  	s28 =	sadd.s32 $0x1, s28;
	s30 =	rddreg [dreg:$0xa]  }
0x2eb: {  	p0 =	sne.s32 s28, s30  }
.Ltmp2:
0x2ec: {  	_ = 	snop;
	(pc) =	sbr.rel @p0 .LBB2_1-.Ltmp2, $3  }
0x2ed: {  	_ =	sdelay $0x1  }
0x2ee: {  	[sflag:s12] =	ssyncset.done $0x0  }
0x2ef: {  	[sflag:s12] =	ssyncadd.s32 $0xFFFFD800  }
0x2f0: {  	_ =	sfence.sel $0x180000  }
0x2f1: {  	[bflag:$0x0] =	sbarrier.arrive $0xFFFF  }
0x2f2: {  	_ =	strace $0x9000004A  }
0x2f3: {  	s0 =	stileid.u32;
	[bflag:$0x2] =	sbarrier.arrive $0xFFFF  }
0x2f4: {  	p0 =	sne.s32 s0, $0x0;
	s0 =	rddreg [dreg:$0x3]  }
0x2f5: {  	s0 =	sadd.s32 @!p0 $0x100000, s0  }
0x2f6: {  	[sflag:s0] =	ssyncadd.tile.s32 @!p0 $0x1;
	_ =	shalt  }
.Lfunc_end2:
_tile_overlayer_lowered:
.L_overlay_start_2:
0x2f7: {  	(tag) =	ssettag $0x2  }
0x2f8: {  	s0 =	rddreg [dreg:$0x0];
	s2 =	stileid.u32  }
0x2f9: {  	s1 =	rddreg [dreg:$0x1];
	p0 =	sne.s32 s2, $0x0  }
0x2fa: {  	s3 =	rddreg [dreg:$0x2];
	[bflag:$0x3] =	sbarrier.arrive $0xFFFF;
	s2 =	simm.s32 @!p0 $0x1C03  }
0x2fb: {  	[timem:s3], [sflag:s2] =	dma.local @!p0 [hbm:s0], s1  }
0x2fc: {  	s0 =	simm.s32 @!p0 $0x3  }
0x2fd: {  	_ =	swait.ge @!p0 [sflag:s0], s1  }
0x2fe: {  	s1 =	ssub.s32 @!p0 $0x0, s1;
	[sflag:s0] =	ssyncset.done @!p0 $0x0  }
0x2ff: {  	[sflag:s0] =	ssyncadd.s32 @!p0 s1  }
0x300: {  	[bflag:$0x3] =	sbarrier.arrive $0xFFFF  }
0x301: {  	_ =	shalt  }

</sc_bundles>
